<compile_context>
chip_gen: v7x
topology: tpu7x:2x2x1
jax: 0.10.2.dev20260603
libtpu: 0.0.44.dev20260713+nightly
codegen_flags: <defaults>
</compile_context>

<pallas_src>
import functools

import jax
import jax.numpy as jnp
from jax import lax
from jax.experimental import pallas as pl
from jax.experimental.pallas import tpu as pltpu
from jax.experimental.pallas import tpu_sc as plsc

DIM = 300
CHUNK = 64
NPAR = 4
NSLOT = NPAR * 3


@functools.lru_cache(maxsize=None)
def _make_gather(B, b_per_w, n_chunks, NC):
    assert n_chunks % NPAR == 0
    mesh = plsc.VectorSubcoreMesh(core_axis_name="c", subcore_axis_name="s")

    @functools.partial(
        pl.kernel,
        mesh=mesh,
        out_type=jax.ShapeDtypeStruct((B, 384), jnp.float32),
        scratch_types=[
            pltpu.VMEM((b_per_w,), jnp.int32),
            *([pltpu.VMEM((CHUNK, 128), jnp.float32)] * NSLOT),
            *([pltpu.SemaphoreType.DMA] * NSLOT),
            *([pltpu.SemaphoreType.DMA] * NSLOT),
        ],
    )
    def k(table_hbm, tail_hbm, idx_hbm, out_hbm, idx_v, *rest):
        bufs = rest[:NSLOT]
        gsems = rest[NSLOT : 2 * NSLOT]
        wsems = rest[2 * NSLOT : 3 * NSLOT]
        wid = lax.axis_index("s") * NC + lax.axis_index("c")
        base = wid * b_per_w
        pltpu.sync_copy(idx_hbm.at[pl.ds(base, b_per_w)], idx_v)

        def gather_desc(slot, c, blk):
            idx_c = idx_v.at[pl.ds(c * CHUNK, CHUNK)]
            if blk == 2:
                src = tail_hbm.at[idx_c]
            else:
                src = table_hbm.at[idx_c, pl.ds(blk * 128, 128)]
            return pltpu.make_async_copy(src, bufs[slot], gsems[slot])

        def write_desc(slot, c, blk):
            dst = out_hbm.at[pl.ds(base + c * CHUNK, CHUNK), pl.ds(blk * 128, 128)]
            return pltpu.make_async_copy(bufs[slot], dst, wsems[slot])

        def fire_gather(slot, c, blk):
            gather_desc(slot, c, blk).start()

        def fire_write(slot, c, blk):
            write_desc(slot, c, blk).start()

        for p in range(NPAR):
            for blk in range(3):
                fire_gather(p * 3 + blk, p, blk)

        def body(t, carry):
            c0 = NPAR * t
            for p in range(NPAR):
                for blk in range(3):
                    slot = p * 3 + blk
                    gather_desc(slot, 0, blk).wait()
                    fire_write(slot, c0 + p, blk)
            for p in range(NPAR):
                for blk in range(3):
                    slot = p * 3 + blk
                    write_desc(slot, 0, blk).wait()

                    @pl.when(c0 + p + NPAR < n_chunks)
                    def _(slot=slot, p=p, blk=blk):
                        fire_gather(slot, c0 + p + NPAR, blk)

            return carry

        lax.fori_loop(0, n_chunks // NPAR, body, 0)

    return k


def kernel(inputs, table):
    bsz, seq = inputs.shape
    B = bsz * seq
    idx = inputs.reshape(B).astype(jnp.int32)
    tail = jnp.pad(table[:, 256:], ((0, 0), (0, 84)))
    info = plsc.get_sparse_core_info()
    NC, NS = info.num_cores, info.num_subcores
    NW = NC * NS
    b_per_w = B // NW
    n_chunks = b_per_w // CHUNK
    out = _make_gather(B, b_per_w, n_chunks, NC)(table, tail, idx)
    return out[:, :DIM].reshape(bsz, seq, DIM)

# --- scband reference (transcript-rebuilt; emitter-appended) ---
"""Pipeline reference for scband-glove-embeddings-59579786330510 (READ-ONLY COPY).

The authoritative reference and input builder live on the scoring server;
editing this copy changes nothing except your own understanding.
"""

import jax, jax.numpy as jnp
import numpy as np

VOCAB = 300001
DIM = 300
BATCH = 1024
SEQ = 200

def setup_inputs(seed: int = 0) -> dict:
    key = jax.random.key(seed)
    k_idx, k_tab = jax.random.split(key)
    inputs = jax.random.randint(k_idx, (BATCH, SEQ), 0, VOCAB, dtype=jnp.int64 if jax.config.jax_enable_x64 else jnp.int32)
    # Learned (frozen) GloVe table; row 0 is the zero padding row (mask_zero=True)
    table = jax.random.normal(k_tab, (VOCAB, DIM), dtype=jnp.float32) * 0.1
    table = table.at[0].set(0.0)
    return {"inputs": inputs, "table": table}

def reference(inputs, table):
    # Faithful to tf.keras.layers.Embedding(vsize, esize, mask_zero=True):
    # forward output is simply the gathered rows; the mask is metadata only.
    return jnp.take(table, inputs, axis=0)

if __name__ == "__main__":
    import jax
    _d = setup_inputs()
    print(jax.jit(kernel)(*tuple(_d.values())))

</pallas_src>

<mosaic_0001>
#map = affine_map<(d0, d1) -> (0, 0)>
#map1 = affine_map<(d0, d1) -> (0)>
module attributes {stable_mosaic.version = 14 : i64} {
  func.func @k(%arg0: i32, %arg1: i32, %arg2: memref<300001x300xf32, #tpu.memory_space<hbm>>, %arg3: memref<300001x128xf32, #tpu.memory_space<hbm>>, %arg4: memref<204800xi32, #tpu.memory_space<hbm>>, %arg5: memref<204800x384xf32, #tpu.memory_space<hbm>>, %arg6: memref<6400xi32, #tpu.memory_space<vmem>>, %arg7: memref<64x128xf32, #tpu.memory_space<vmem>>, %arg8: memref<64x128xf32, #tpu.memory_space<vmem>>, %arg9: memref<64x128xf32, #tpu.memory_space<vmem>>, %arg10: memref<64x128xf32, #tpu.memory_space<vmem>>, %arg11: memref<64x128xf32, #tpu.memory_space<vmem>>, %arg12: memref<64x128xf32, #tpu.memory_space<vmem>>, %arg13: memref<64x128xf32, #tpu.memory_space<vmem>>, %arg14: memref<64x128xf32, #tpu.memory_space<vmem>>, %arg15: memref<64x128xf32, #tpu.memory_space<vmem>>, %arg16: memref<64x128xf32, #tpu.memory_space<vmem>>, %arg17: memref<64x128xf32, #tpu.memory_space<vmem>>, %arg18: memref<64x128xf32, #tpu.memory_space<vmem>>, %arg19: memref<!tpu.dma_semaphore, #tpu.memory_space<semaphore_mem>>, %arg20: memref<!tpu.dma_semaphore, #tpu.memory_space<semaphore_mem>>, %arg21: memref<!tpu.dma_semaphore, #tpu.memory_space<semaphore_mem>>, %arg22: memref<!tpu.dma_semaphore, #tpu.memory_space<semaphore_mem>>, %arg23: memref<!tpu.dma_semaphore, #tpu.memory_space<semaphore_mem>>, %arg24: memref<!tpu.dma_semaphore, #tpu.memory_space<semaphore_mem>>, %arg25: memref<!tpu.dma_semaphore, #tpu.memory_space<semaphore_mem>>, %arg26: memref<!tpu.dma_semaphore, #tpu.memory_space<semaphore_mem>>, %arg27: memref<!tpu.dma_semaphore, #tpu.memory_space<semaphore_mem>>, %arg28: memref<!tpu.dma_semaphore, #tpu.memory_space<semaphore_mem>>, %arg29: memref<!tpu.dma_semaphore, #tpu.memory_space<semaphore_mem>>, %arg30: memref<!tpu.dma_semaphore, #tpu.memory_space<semaphore_mem>>, %arg31: memref<!tpu.dma_semaphore, #tpu.memory_space<semaphore_mem>>, %arg32: memref<!tpu.dma_semaphore, #tpu.memory_space<semaphore_mem>>, %arg33: memref<!tpu.dma_semaphore, #tpu.memory_space<semaphore_mem>>, %arg34: memref<!tpu.dma_semaphore, #tpu.memory_space<semaphore_mem>>, %arg35: memref<!tpu.dma_semaphore, #tpu.memory_space<semaphore_mem>>, %arg36: memref<!tpu.dma_semaphore, #tpu.memory_space<semaphore_mem>>, %arg37: memref<!tpu.dma_semaphore, #tpu.memory_space<semaphore_mem>>, %arg38: memref<!tpu.dma_semaphore, #tpu.memory_space<semaphore_mem>>, %arg39: memref<!tpu.dma_semaphore, #tpu.memory_space<semaphore_mem>>, %arg40: memref<!tpu.dma_semaphore, #tpu.memory_space<semaphore_mem>>, %arg41: memref<!tpu.dma_semaphore, #tpu.memory_space<semaphore_mem>>, %arg42: memref<!tpu.dma_semaphore, #tpu.memory_space<semaphore_mem>>) attributes {dimension_semantics = [#tpu.dimension_semantics<core_parallel>, #tpu.dimension_semantics<subcore_parallel>], iteration_bounds = array<i64: 2, 16>, scalar_prefetch = 0 : i64, scratch_operands = 37 : i64, tpu.core_type = #tpu.core_type<sc_vector_subcore>, window_params = [{transform_indices = #map}, {transform_indices = #map}, {transform_indices = #map1}, {transform_indices = #map}]} {
    %mul3A = arith.constant 2 : i32
    %mul3A_0 = arith.muli %arg1, %mul3A : i32
    %add3A = arith.addi %mul3A_0, %arg0 : i32
    %mul3A_1 = arith.constant 6400 : i32
    %mul3A_2 = arith.muli %add3A, %mul3A_1 : i32
    "tpu.region"() ({
      %run_scoped3A = tpu.sem_alloc : memref<!tpu.dma_semaphore, #tpu.memory_space<semaphore_mem>>
      %dma_start3A_67 = tpu.memref_slice %arg4[%mul3A_2] : memref<204800xi32, #tpu.memory_space<hbm>> -> memref<6400xi32, #tpu.memory_space<hbm>>
      %dma_start3A_68 = tpu.memref_slice %arg4[%mul3A_2] : memref<204800xi32, #tpu.memory_space<hbm>> -> memref<6400xi32, #tpu.memory_space<hbm>>
      tpu.enqueue_dma source(%dma_start3A_68 : memref<6400xi32, #tpu.memory_space<hbm>>) target(%arg6 : memref<6400xi32, #tpu.memory_space<vmem>>) target_semaphore(%run_scoped3A : memref<!tpu.dma_semaphore, #tpu.memory_space<semaphore_mem>>)
      %dma_wait3A = tpu.memref_slice %arg4[%mul3A_2] : memref<204800xi32, #tpu.memory_space<hbm>> -> memref<6400xi32, #tpu.memory_space<hbm>>
      %dma_wait3A_69 = tpu.memref_slice %arg4[%mul3A_2] : memref<204800xi32, #tpu.memory_space<hbm>> -> memref<6400xi32, #tpu.memory_space<hbm>>
      tpu.wait_dma2 semaphore(%run_scoped3A : memref<!tpu.dma_semaphore, #tpu.memory_space<semaphore_mem>>) src(%dma_wait3A_69 : memref<6400xi32, #tpu.memory_space<hbm>>) dst(%arg6 : memref<6400xi32, #tpu.memory_space<vmem>>)
      tpu.yield
    }) : () -> ()
    %dma_start3A = arith.constant 0 : i32
    %dma_start3A_3 = tpu.memref_slice %arg6[%dma_start3A] : memref<6400xi32, #tpu.memory_space<vmem>> -> memref<64xi32, #tpu.memory_space<vmem>>
    %dma_start3A_4 = arith.constant 0 : i32
    %dma_start3A_5 = arith.constant 0 : i32
    %dma_start3A_6 = tpu.memref_slice %arg2[%dma_start3A_4, %dma_start3A_5] : memref<300001x300xf32, #tpu.memory_space<hbm>> -> memref<300001x128xf32, #tpu.memory_space<hbm>>
    tpu.enqueue_indirect_dma source(%dma_start3A_6 : memref<300001x128xf32, #tpu.memory_space<hbm>>) target(%arg7 : memref<64x128xf32, #tpu.memory_space<vmem>>) offsets(%dma_start3A_3 : memref<64xi32, #tpu.memory_space<vmem>>) semaphore(%arg19 : memref<!tpu.dma_semaphore, #tpu.memory_space<semaphore_mem>>)
    %dma_start3A_7 = arith.constant 0 : i32
    %dma_start3A_8 = tpu.memref_slice %arg6[%dma_start3A_7] : memref<6400xi32, #tpu.memory_space<vmem>> -> memref<64xi32, #tpu.memory_space<vmem>>
    %dma_start3A_9 = arith.constant 0 : i32
    %dma_start3A_10 = arith.constant 128 : i32
    %dma_start3A_11 = tpu.memref_slice %arg2[%dma_start3A_9, %dma_start3A_10] : memref<300001x300xf32, #tpu.memory_space<hbm>> -> memref<300001x128xf32, #tpu.memory_space<hbm>>
    tpu.enqueue_indirect_dma source(%dma_start3A_11 : memref<300001x128xf32, #tpu.memory_space<hbm>>) target(%arg8 : memref<64x128xf32, #tpu.memory_space<vmem>>) offsets(%dma_start3A_8 : memref<64xi32, #tpu.memory_space<vmem>>) semaphore(%arg20 : memref<!tpu.dma_semaphore, #tpu.memory_space<semaphore_mem>>)
    %dma_start3A_12 = arith.constant 0 : i32
    %dma_start3A_13 = tpu.memref_slice %arg6[%dma_start3A_12] : memref<6400xi32, #tpu.memory_space<vmem>> -> memref<64xi32, #tpu.memory_space<vmem>>
    %dma_start3A_14 = arith.constant 0 : i32
    %dma_start3A_15 = arith.constant 0 : i32
    %dma_start3A_16 = tpu.memref_slice %arg3[%dma_start3A_14, %dma_start3A_15] : memref<300001x128xf32, #tpu.memory_space<hbm>> -> memref<300001x128xf32, #tpu.memory_space<hbm>>
    tpu.enqueue_indirect_dma source(%dma_start3A_16 : memref<300001x128xf32, #tpu.memory_space<hbm>>) target(%arg9 : memref<64x128xf32, #tpu.memory_space<vmem>>) offsets(%dma_start3A_13 : memref<64xi32, #tpu.memory_space<vmem>>) semaphore(%arg21 : memref<!tpu.dma_semaphore, #tpu.memory_space<semaphore_mem>>)
    %dma_start3A_17 = arith.constant 64 : i32
    %dma_start3A_18 = tpu.memref_slice %arg6[%dma_start3A_17] : memref<6400xi32, #tpu.memory_space<vmem>> -> memref<64xi32, #tpu.memory_space<vmem>>
    %dma_start3A_19 = arith.constant 0 : i32
    %dma_start3A_20 = arith.constant 0 : i32
    %dma_start3A_21 = tpu.memref_slice %arg2[%dma_start3A_19, %dma_start3A_20] : memref<300001x300xf32, #tpu.memory_space<hbm>> -> memref<300001x128xf32, #tpu.memory_space<hbm>>
    tpu.enqueue_indirect_dma source(%dma_start3A_21 : memref<300001x128xf32, #tpu.memory_space<hbm>>) target(%arg10 : memref<64x128xf32, #tpu.memory_space<vmem>>) offsets(%dma_start3A_18 : memref<64xi32, #tpu.memory_space<vmem>>) semaphore(%arg22 : memref<!tpu.dma_semaphore, #tpu.memory_space<semaphore_mem>>)
    %dma_start3A_22 = arith.constant 64 : i32
    %dma_start3A_23 = tpu.memref_slice %arg6[%dma_start3A_22] : memref<6400xi32, #tpu.memory_space<vmem>> -> memref<64xi32, #tpu.memory_space<vmem>>
    %dma_start3A_24 = arith.constant 0 : i32
    %dma_start3A_25 = arith.constant 128 : i32
    %dma_start3A_26 = tpu.memref_slice %arg2[%dma_start3A_24, %dma_start3A_25] : memref<300001x300xf32, #tpu.memory_space<hbm>> -> memref<300001x128xf32, #tpu.memory_space<hbm>>
    tpu.enqueue_indirect_dma source(%dma_start3A_26 : memref<300001x128xf32, #tpu.memory_space<hbm>>) target(%arg11 : memref<64x128xf32, #tpu.memory_space<vmem>>) offsets(%dma_start3A_23 : memref<64xi32, #tpu.memory_space<vmem>>) semaphore(%arg23 : memref<!tpu.dma_semaphore, #tpu.memory_space<semaphore_mem>>)
    %dma_start3A_27 = arith.constant 64 : i32
    %dma_start3A_28 = tpu.memref_slice %arg6[%dma_start3A_27] : memref<6400xi32, #tpu.memory_space<vmem>> -> memref<64xi32, #tpu.memory_space<vmem>>
    %dma_start3A_29 = arith.constant 0 : i32
    %dma_start3A_30 = arith.constant 0 : i32
    %dma_start3A_31 = tpu.memref_slice %arg3[%dma_start3A_29, %dma_start3A_30] : memref<300001x128xf32, #tpu.memory_space<hbm>> -> memref<300001x128xf32, #tpu.memory_space<hbm>>
    tpu.enqueue_indirect_dma source(%dma_start3A_31 : memref<300001x128xf32, #tpu.memory_space<hbm>>) target(%arg12 : memref<64x128xf32, #tpu.memory_space<vmem>>) offsets(%dma_start3A_28 : memref<64xi32, #tpu.memory_space<vmem>>) semaphore(%arg24 : memref<!tpu.dma_semaphore, #tpu.memory_space<semaphore_mem>>)
    %dma_start3A_32 = arith.constant 128 : i32
    %dma_start3A_33 = tpu.memref_slice %arg6[%dma_start3A_32] : memref<6400xi32, #tpu.memory_space<vmem>> -> memref<64xi32, #tpu.memory_space<vmem>>
    %dma_start3A_34 = arith.constant 0 : i32
    %dma_start3A_35 = arith.constant 0 : i32
    %dma_start3A_36 = tpu.memref_slice %arg2[%dma_start3A_34, %dma_start3A_35] : memref<300001x300xf32, #tpu.memory_space<hbm>> -> memref<300001x128xf32, #tpu.memory_space<hbm>>
    tpu.enqueue_indirect_dma source(%dma_start3A_36 : memref<300001x128xf32, #tpu.memory_space<hbm>>) target(%arg13 : memref<64x128xf32, #tpu.memory_space<vmem>>) offsets(%dma_start3A_33 : memref<64xi32, #tpu.memory_space<vmem>>) semaphore(%arg25 : memref<!tpu.dma_semaphore, #tpu.memory_space<semaphore_mem>>)
    %dma_start3A_37 = arith.constant 128 : i32
    %dma_start3A_38 = tpu.memref_slice %arg6[%dma_start3A_37] : memref<6400xi32, #tpu.memory_space<vmem>> -> memref<64xi32, #tpu.memory_space<vmem>>
    %dma_start3A_39 = arith.constant 0 : i32
    %dma_start3A_40 = arith.constant 128 : i32
    %dma_start3A_41 = tpu.memref_slice %arg2[%dma_start3A_39, %dma_start3A_40] : memref<300001x300xf32, #tpu.memory_space<hbm>> -> memref<300001x128xf32, #tpu.memory_space<hbm>>
    tpu.enqueue_indirect_dma source(%dma_start3A_41 : memref<300001x128xf32, #tpu.memory_space<hbm>>) target(%arg14 : memref<64x128xf32, #tpu.memory_space<vmem>>) offsets(%dma_start3A_38 : memref<64xi32, #tpu.memory_space<vmem>>) semaphore(%arg26 : memref<!tpu.dma_semaphore, #tpu.memory_space<semaphore_mem>>)
    %dma_start3A_42 = arith.constant 128 : i32
    %dma_start3A_43 = tpu.memref_slice %arg6[%dma_start3A_42] : memref<6400xi32, #tpu.memory_space<vmem>> -> memref<64xi32, #tpu.memory_space<vmem>>
    %dma_start3A_44 = arith.constant 0 : i32
    %dma_start3A_45 = arith.constant 0 : i32
    %dma_start3A_46 = tpu.memref_slice %arg3[%dma_start3A_44, %dma_start3A_45] : memref<300001x128xf32, #tpu.memory_space<hbm>> -> memref<300001x128xf32, #tpu.memory_space<hbm>>
    tpu.enqueue_indirect_dma source(%dma_start3A_46 : memref<300001x128xf32, #tpu.memory_space<hbm>>) target(%arg15 : memref<64x128xf32, #tpu.memory_space<vmem>>) offsets(%dma_start3A_43 : memref<64xi32, #tpu.memory_space<vmem>>) semaphore(%arg27 : memref<!tpu.dma_semaphore, #tpu.memory_space<semaphore_mem>>)
    %dma_start3A_47 = arith.constant 192 : i32
    %dma_start3A_48 = tpu.memref_slice %arg6[%dma_start3A_47] : memref<6400xi32, #tpu.memory_space<vmem>> -> memref<64xi32, #tpu.memory_space<vmem>>
    %dma_start3A_49 = arith.constant 0 : i32
    %dma_start3A_50 = arith.constant 0 : i32
    %dma_start3A_51 = tpu.memref_slice %arg2[%dma_start3A_49, %dma_start3A_50] : memref<300001x300xf32, #tpu.memory_space<hbm>> -> memref<300001x128xf32, #tpu.memory_space<hbm>>
    tpu.enqueue_indirect_dma source(%dma_start3A_51 : memref<300001x128xf32, #tpu.memory_space<hbm>>) target(%arg16 : memref<64x128xf32, #tpu.memory_space<vmem>>) offsets(%dma_start3A_48 : memref<64xi32, #tpu.memory_space<vmem>>) semaphore(%arg28 : memref<!tpu.dma_semaphore, #tpu.memory_space<semaphore_mem>>)
    %dma_start3A_52 = arith.constant 192 : i32
    %dma_start3A_53 = tpu.memref_slice %arg6[%dma_start3A_52] : memref<6400xi32, #tpu.memory_space<vmem>> -> memref<64xi32, #tpu.memory_space<vmem>>
    %dma_start3A_54 = arith.constant 0 : i32
    %dma_start3A_55 = arith.constant 128 : i32
    %dma_start3A_56 = tpu.memref_slice %arg2[%dma_start3A_54, %dma_start3A_55] : memref<300001x300xf32, #tpu.memory_space<hbm>> -> memref<300001x128xf32, #tpu.memory_space<hbm>>
    tpu.enqueue_indirect_dma source(%dma_start3A_56 : memref<300001x128xf32, #tpu.memory_space<hbm>>) target(%arg17 : memref<64x128xf32, #tpu.memory_space<vmem>>) offsets(%dma_start3A_53 : memref<64xi32, #tpu.memory_space<vmem>>) semaphore(%arg29 : memref<!tpu.dma_semaphore, #tpu.memory_space<semaphore_mem>>)
    %dma_start3A_57 = arith.constant 192 : i32
    %dma_start3A_58 = tpu.memref_slice %arg6[%dma_start3A_57] : memref<6400xi32, #tpu.memory_space<vmem>> -> memref<64xi32, #tpu.memory_space<vmem>>
    %dma_start3A_59 = arith.constant 0 : i32
    %dma_start3A_60 = arith.constant 0 : i32
    %dma_start3A_61 = tpu.memref_slice %arg3[%dma_start3A_59, %dma_start3A_60] : memref<300001x128xf32, #tpu.memory_space<hbm>> -> memref<300001x128xf32, #tpu.memory_space<hbm>>
    tpu.enqueue_indirect_dma source(%dma_start3A_61 : memref<300001x128xf32, #tpu.memory_space<hbm>>) target(%arg18 : memref<64x128xf32, #tpu.memory_space<vmem>>) offsets(%dma_start3A_58 : memref<64xi32, #tpu.memory_space<vmem>>) semaphore(%arg30 : memref<!tpu.dma_semaphore, #tpu.memory_space<semaphore_mem>>)
    %scan3A = arith.constant 0 : i32
    %scan3A_62 = arith.constant 0 : i32
    %scan3A_63 = arith.constant 25 : i32
    %scan3A_64 = arith.addi %scan3A_62, %scan3A_63 : i32
    %scan3A_65 = arith.constant 1 : i32
    scf.for %scan3A_67 = %scan3A_62 to %scan3A_64 step %scan3A_65  : i32 {
      %mul3A_68 = arith.constant 4 : i32
      %mul3A_69 = arith.muli %mul3A_68, %scan3A_67 : i32
      %dma_wait3A = arith.constant 0 : i32
      %dma_wait3A_70 = tpu.memref_slice %arg6[%dma_wait3A] : memref<6400xi32, #tpu.memory_space<vmem>> -> memref<64xi32, #tpu.memory_space<vmem>>
      %dma_wait3A_71 = arith.constant 0 : i32
      %dma_wait3A_72 = arith.constant 0 : i32
      %dma_wait3A_73 = tpu.memref_slice %arg2[%dma_wait3A_71, %dma_wait3A_72] : memref<300001x300xf32, #tpu.memory_space<hbm>> -> memref<300001x128xf32, #tpu.memory_space<hbm>>
      tpu.wait_indirect_dma semaphore(%arg19 : memref<!tpu.dma_semaphore, #tpu.memory_space<semaphore_mem>>) src(%dma_wait3A_73 : memref<300001x128xf32, #tpu.memory_space<hbm>>) dst(%arg7 : memref<64x128xf32, #tpu.memory_space<vmem>>)
      %add3A_74 = arith.constant 0 : i32
      %add3A_75 = arith.addi %mul3A_69, %add3A_74 : i32
      %mul3A_76 = arith.constant 64 : i32
      %mul3A_77 = arith.muli %add3A_75, %mul3A_76 : i32
      %add3A_78 = arith.addi %mul3A_2, %mul3A_77 : i32
      %dma_start3A_79 = arith.constant 0 : i32
      %dma_start3A_80 = tpu.memref_slice %arg5[%add3A_78, %dma_start3A_79] : memref<204800x384xf32, #tpu.memory_space<hbm>> -> memref<64x128xf32, #tpu.memory_space<hbm>>
      %dma_start3A_81 = arith.constant 0 : i32
      %dma_start3A_82 = tpu.memref_slice %arg5[%add3A_78, %dma_start3A_81] : memref<204800x384xf32, #tpu.memory_space<hbm>> -> memref<64x128xf32, #tpu.memory_space<hbm>>
      tpu.enqueue_dma source(%arg7 : memref<64x128xf32, #tpu.memory_space<vmem>>) target(%dma_start3A_82 : memref<64x128xf32, #tpu.memory_space<hbm>>) target_semaphore(%arg31 : memref<!tpu.dma_semaphore, #tpu.memory_space<semaphore_mem>>)
      %dma_wait3A_83 = arith.constant 0 : i32
      %dma_wait3A_84 = tpu.memref_slice %arg6[%dma_wait3A_83] : memref<6400xi32, #tpu.memory_space<vmem>> -> memref<64xi32, #tpu.memory_space<vmem>>
      %dma_wait3A_85 = arith.constant 0 : i32
      %dma_wait3A_86 = arith.constant 128 : i32
      %dma_wait3A_87 = tpu.memref_slice %arg2[%dma_wait3A_85, %dma_wait3A_86] : memref<300001x300xf32, #tpu.memory_space<hbm>> -> memref<300001x128xf32, #tpu.memory_space<hbm>>
      tpu.wait_indirect_dma semaphore(%arg20 : memref<!tpu.dma_semaphore, #tpu.memory_space<semaphore_mem>>) src(%dma_wait3A_87 : memref<300001x128xf32, #tpu.memory_space<hbm>>) dst(%arg8 : memref<64x128xf32, #tpu.memory_space<vmem>>)
      %add3A_88 = arith.constant 0 : i32
      %add3A_89 = arith.addi %mul3A_69, %add3A_88 : i32
      %mul3A_90 = arith.constant 64 : i32
      %mul3A_91 = arith.muli %add3A_89, %mul3A_90 : i32
      %add3A_92 = arith.addi %mul3A_2, %mul3A_91 : i32
      %dma_start3A_93 = arith.constant 128 : i32
      %dma_start3A_94 = tpu.memref_slice %arg5[%add3A_92, %dma_start3A_93] : memref<204800x384xf32, #tpu.memory_space<hbm>> -> memref<64x128xf32, #tpu.memory_space<hbm>>
      %dma_start3A_95 = arith.constant 128 : i32
      %dma_start3A_96 = tpu.memref_slice %arg5[%add3A_92, %dma_start3A_95] : memref<204800x384xf32, #tpu.memory_space<hbm>> -> memref<64x128xf32, #tpu.memory_space<hbm>>
      tpu.enqueue_dma source(%arg8 : memref<64x128xf32, #tpu.memory_space<vmem>>) target(%dma_start3A_96 : memref<64x128xf32, #tpu.memory_space<hbm>>) target_semaphore(%arg32 : memref<!tpu.dma_semaphore, #tpu.memory_space<semaphore_mem>>)
      %dma_wait3A_97 = arith.constant 0 : i32
      %dma_wait3A_98 = tpu.memref_slice %arg6[%dma_wait3A_97] : memref<6400xi32, #tpu.memory_space<vmem>> -> memref<64xi32, #tpu.memory_space<vmem>>
      %dma_wait3A_99 = arith.constant 0 : i32
      %dma_wait3A_100 = arith.constant 0 : i32
      %dma_wait3A_101 = tpu.memref_slice %arg3[%dma_wait3A_99, %dma_wait3A_100] : memref<300001x128xf32, #tpu.memory_space<hbm>> -> memref<300001x128xf32, #tpu.memory_space<hbm>>
      tpu.wait_indirect_dma semaphore(%arg21 : memref<!tpu.dma_semaphore, #tpu.memory_space<semaphore_mem>>) src(%dma_wait3A_101 : memref<300001x128xf32, #tpu.memory_space<hbm>>) dst(%arg9 : memref<64x128xf32, #tpu.memory_space<vmem>>)
      %add3A_102 = arith.constant 0 : i32
      %add3A_103 = arith.addi %mul3A_69, %add3A_102 : i32
      %mul3A_104 = arith.constant 64 : i32
      %mul3A_105 = arith.muli %add3A_103, %mul3A_104 : i32
      %add3A_106 = arith.addi %mul3A_2, %mul3A_105 : i32
      %dma_start3A_107 = arith.constant 256 : i32
      %dma_start3A_108 = tpu.memref_slice %arg5[%add3A_106, %dma_start3A_107] : memref<204800x384xf32, #tpu.memory_space<hbm>> -> memref<64x128xf32, #tpu.memory_space<hbm>>
      %dma_start3A_109 = arith.constant 256 : i32
      %dma_start3A_110 = tpu.memref_slice %arg5[%add3A_106, %dma_start3A_109] : memref<204800x384xf32, #tpu.memory_space<hbm>> -> memref<64x128xf32, #tpu.memory_space<hbm>>
      tpu.enqueue_dma source(%arg9 : memref<64x128xf32, #tpu.memory_space<vmem>>) target(%dma_start3A_110 : memref<64x128xf32, #tpu.memory_space<hbm>>) target_semaphore(%arg33 : memref<!tpu.dma_semaphore, #tpu.memory_space<semaphore_mem>>)
      %dma_wait3A_111 = arith.constant 0 : i32
      %dma_wait3A_112 = tpu.memref_slice %arg6[%dma_wait3A_111] : memref<6400xi32, #tpu.memory_space<vmem>> -> memref<64xi32, #tpu.memory_space<vmem>>
      %dma_wait3A_113 = arith.constant 0 : i32
      %dma_wait3A_114 = arith.constant 0 : i32
      %dma_wait3A_115 = tpu.memref_slice %arg2[%dma_wait3A_113, %dma_wait3A_114] : memref<300001x300xf32, #tpu.memory_space<hbm>> -> memref<300001x128xf32, #tpu.memory_space<hbm>>
      tpu.wait_indirect_dma semaphore(%arg22 : memref<!tpu.dma_semaphore, #tpu.memory_space<semaphore_mem>>) src(%dma_wait3A_115 : memref<300001x128xf32, #tpu.memory_space<hbm>>) dst(%arg10 : memref<64x128xf32, #tpu.memory_space<vmem>>)
      %add3A_116 = arith.constant 1 : i32
      %add3A_117 = arith.addi %mul3A_69, %add3A_116 : i32
      %mul3A_118 = arith.constant 64 : i32
      %mul3A_119 = arith.muli %add3A_117, %mul3A_118 : i32
      %add3A_120 = arith.addi %mul3A_2, %mul3A_119 : i32
      %dma_start3A_121 = arith.constant 0 : i32
      %dma_start3A_122 = tpu.memref_slice %arg5[%add3A_120, %dma_start3A_121] : memref<204800x384xf32, #tpu.memory_space<hbm>> -> memref<64x128xf32, #tpu.memory_space<hbm>>
      %dma_start3A_123 = arith.constant 0 : i32
      %dma_start3A_124 = tpu.memref_slice %arg5[%add3A_120, %dma_start3A_123] : memref<204800x384xf32, #tpu.memory_space<hbm>> -> memref<64x128xf32, #tpu.memory_space<hbm>>
      tpu.enqueue_dma source(%arg10 : memref<64x128xf32, #tpu.memory_space<vmem>>) target(%dma_start3A_124 : memref<64x128xf32, #tpu.memory_space<hbm>>) target_semaphore(%arg34 : memref<!tpu.dma_semaphore, #tpu.memory_space<semaphore_mem>>)
      %dma_wait3A_125 = arith.constant 0 : i32
      %dma_wait3A_126 = tpu.memref_slice %arg6[%dma_wait3A_125] : memref<6400xi32, #tpu.memory_space<vmem>> -> memref<64xi32, #tpu.memory_space<vmem>>
      %dma_wait3A_127 = arith.constant 0 : i32
      %dma_wait3A_128 = arith.constant 128 : i32
      %dma_wait3A_129 = tpu.memref_slice %arg2[%dma_wait3A_127, %dma_wait3A_128] : memref<300001x300xf32, #tpu.memory_space<hbm>> -> memref<300001x128xf32, #tpu.memory_space<hbm>>
      tpu.wait_indirect_dma semaphore(%arg23 : memref<!tpu.dma_semaphore, #tpu.memory_space<semaphore_mem>>) src(%dma_wait3A_129 : memref<300001x128xf32, #tpu.memory_space<hbm>>) dst(%arg11 : memref<64x128xf32, #tpu.memory_space<vmem>>)
      %add3A_130 = arith.constant 1 : i32
      %add3A_131 = arith.addi %mul3A_69, %add3A_130 : i32
      %mul3A_132 = arith.constant 64 : i32
      %mul3A_133 = arith.muli %add3A_131, %mul3A_132 : i32
      %add3A_134 = arith.addi %mul3A_2, %mul3A_133 : i32
      %dma_start3A_135 = arith.constant 128 : i32
      %dma_start3A_136 = tpu.memref_slice %arg5[%add3A_134, %dma_start3A_135] : memref<204800x384xf32, #tpu.memory_space<hbm>> -> memref<64x128xf32, #tpu.memory_space<hbm>>
      %dma_start3A_137 = arith.constant 128 : i32
      %dma_start3A_138 = tpu.memref_slice %arg5[%add3A_134, %dma_start3A_137] : memref<204800x384xf32, #tpu.memory_space<hbm>> -> memref<64x128xf32, #tpu.memory_space<hbm>>
      tpu.enqueue_dma source(%arg11 : memref<64x128xf32, #tpu.memory_space<vmem>>) target(%dma_start3A_138 : memref<64x128xf32, #tpu.memory_space<hbm>>) target_semaphore(%arg35 : memref<!tpu.dma_semaphore, #tpu.memory_space<semaphore_mem>>)
      %dma_wait3A_139 = arith.constant 0 : i32
      %dma_wait3A_140 = tpu.memref_slice %arg6[%dma_wait3A_139] : memref<6400xi32, #tpu.memory_space<vmem>> -> memref<64xi32, #tpu.memory_space<vmem>>
      %dma_wait3A_141 = arith.constant 0 : i32
      %dma_wait3A_142 = arith.constant 0 : i32
      %dma_wait3A_143 = tpu.memref_slice %arg3[%dma_wait3A_141, %dma_wait3A_142] : memref<300001x128xf32, #tpu.memory_space<hbm>> -> memref<300001x128xf32, #tpu.memory_space<hbm>>
      tpu.wait_indirect_dma semaphore(%arg24 : memref<!tpu.dma_semaphore, #tpu.memory_space<semaphore_mem>>) src(%dma_wait3A_143 : memref<300001x128xf32, #tpu.memory_space<hbm>>) dst(%arg12 : memref<64x128xf32, #tpu.memory_space<vmem>>)
      %add3A_144 = arith.constant 1 : i32
      %add3A_145 = arith.addi %mul3A_69, %add3A_144 : i32
      %mul3A_146 = arith.constant 64 : i32
      %mul3A_147 = arith.muli %add3A_145, %mul3A_146 : i32
      %add3A_148 = arith.addi %mul3A_2, %mul3A_147 : i32
      %dma_start3A_149 = arith.constant 256 : i32
      %dma_start3A_150 = tpu.memref_slice %arg5[%add3A_148, %dma_start3A_149] : memref<204800x384xf32, #tpu.memory_space<hbm>> -> memref<64x128xf32, #tpu.memory_space<hbm>>
      %dma_start3A_151 = arith.constant 256 : i32
      %dma_start3A_152 = tpu.memref_slice %arg5[%add3A_148, %dma_start3A_151] : memref<204800x384xf32, #tpu.memory_space<hbm>> -> memref<64x128xf32, #tpu.memory_space<hbm>>
      tpu.enqueue_dma source(%arg12 : memref<64x128xf32, #tpu.memory_space<vmem>>) target(%dma_start3A_152 : memref<64x128xf32, #tpu.memory_space<hbm>>) target_semaphore(%arg36 : memref<!tpu.dma_semaphore, #tpu.memory_space<semaphore_mem>>)
      %dma_wait3A_153 = arith.constant 0 : i32
      %dma_wait3A_154 = tpu.memref_slice %arg6[%dma_wait3A_153] : memref<6400xi32, #tpu.memory_space<vmem>> -> memref<64xi32, #tpu.memory_space<vmem>>
      %dma_wait3A_155 = arith.constant 0 : i32
      %dma_wait3A_156 = arith.constant 0 : i32
      %dma_wait3A_157 = tpu.memref_slice %arg2[%dma_wait3A_155, %dma_wait3A_156] : memref<300001x300xf32, #tpu.memory_space<hbm>> -> memref<300001x128xf32, #tpu.memory_space<hbm>>
      tpu.wait_indirect_dma semaphore(%arg25 : memref<!tpu.dma_semaphore, #tpu.memory_space<semaphore_mem>>) src(%dma_wait3A_157 : memref<300001x128xf32, #tpu.memory_space<hbm>>) dst(%arg13 : memref<64x128xf32, #tpu.memory_space<vmem>>)
      %add3A_158 = arith.constant 2 : i32
      %add3A_159 = arith.addi %mul3A_69, %add3A_158 : i32
      %mul3A_160 = arith.constant 64 : i32
      %mul3A_161 = arith.muli %add3A_159, %mul3A_160 : i32
      %add3A_162 = arith.addi %mul3A_2, %mul3A_161 : i32
      %dma_start3A_163 = arith.constant 0 : i32
      %dma_start3A_164 = tpu.memref_slice %arg5[%add3A_162, %dma_start3A_163] : memref<204800x384xf32, #tpu.memory_space<hbm>> -> memref<64x128xf32, #tpu.memory_space<hbm>>
      %dma_start3A_165 = arith.constant 0 : i32
      %dma_start3A_166 = tpu.memref_slice %arg5[%add3A_162, %dma_start3A_165] : memref<204800x384xf32, #tpu.memory_space<hbm>> -> memref<64x128xf32, #tpu.memory_space<hbm>>
      tpu.enqueue_dma source(%arg13 : memref<64x128xf32, #tpu.memory_space<vmem>>) target(%dma_start3A_166 : memref<64x128xf32, #tpu.memory_space<hbm>>) target_semaphore(%arg37 : memref<!tpu.dma_semaphore, #tpu.memory_space<semaphore_mem>>)
      %dma_wait3A_167 = arith.constant 0 : i32
      %dma_wait3A_168 = tpu.memref_slice %arg6[%dma_wait3A_167] : memref<6400xi32, #tpu.memory_space<vmem>> -> memref<64xi32, #tpu.memory_space<vmem>>
      %dma_wait3A_169 = arith.constant 0 : i32
      %dma_wait3A_170 = arith.constant 128 : i32
      %dma_wait3A_171 = tpu.memref_slice %arg2[%dma_wait3A_169, %dma_wait3A_170] : memref<300001x300xf32, #tpu.memory_space<hbm>> -> memref<300001x128xf32, #tpu.memory_space<hbm>>
      tpu.wait_indirect_dma semaphore(%arg26 : memref<!tpu.dma_semaphore, #tpu.memory_space<semaphore_mem>>) src(%dma_wait3A_171 : memref<300001x128xf32, #tpu.memory_space<hbm>>) dst(%arg14 : memref<64x128xf32, #tpu.memory_space<vmem>>)
      %add3A_172 = arith.constant 2 : i32
      %add3A_173 = arith.addi %mul3A_69, %add3A_172 : i32
      %mul3A_174 = arith.constant 64 : i32
      %mul3A_175 = arith.muli %add3A_173, %mul3A_174 : i32
      %add3A_176 = arith.addi %mul3A_2, %mul3A_175 : i32
      %dma_start3A_177 = arith.constant 128 : i32
      %dma_start3A_178 = tpu.memref_slice %arg5[%add3A_176, %dma_start3A_177] : memref<204800x384xf32, #tpu.memory_space<hbm>> -> memref<64x128xf32, #tpu.memory_space<hbm>>
      %dma_start3A_179 = arith.constant 128 : i32
      %dma_start3A_180 = tpu.memref_slice %arg5[%add3A_176, %dma_start3A_179] : memref<204800x384xf32, #tpu.memory_space<hbm>> -> memref<64x128xf32, #tpu.memory_space<hbm>>
      tpu.enqueue_dma source(%arg14 : memref<64x128xf32, #tpu.memory_space<vmem>>) target(%dma_start3A_180 : memref<64x128xf32, #tpu.memory_space<hbm>>) target_semaphore(%arg38 : memref<!tpu.dma_semaphore, #tpu.memory_space<semaphore_mem>>)
      %dma_wait3A_181 = arith.constant 0 : i32
      %dma_wait3A_182 = tpu.memref_slice %arg6[%dma_wait3A_181] : memref<6400xi32, #tpu.memory_space<vmem>> -> memref<64xi32, #tpu.memory_space<vmem>>
      %dma_wait3A_183 = arith.constant 0 : i32
      %dma_wait3A_184 = arith.constant 0 : i32
      %dma_wait3A_185 = tpu.memref_slice %arg3[%dma_wait3A_183, %dma_wait3A_184] : memref<300001x128xf32, #tpu.memory_space<hbm>> -> memref<300001x128xf32, #tpu.memory_space<hbm>>
      tpu.wait_indirect_dma semaphore(%arg27 : memref<!tpu.dma_semaphore, #tpu.memory_space<semaphore_mem>>) src(%dma_wait3A_185 : memref<300001x128xf32, #tpu.memory_space<hbm>>) dst(%arg15 : memref<64x128xf32, #tpu.memory_space<vmem>>)
      %add3A_186 = arith.constant 2 : i32
      %add3A_187 = arith.addi %mul3A_69, %add3A_186 : i32
      %mul3A_188 = arith.constant 64 : i32
      %mul3A_189 = arith.muli %add3A_187, %mul3A_188 : i32
      %add3A_190 = arith.addi %mul3A_2, %mul3A_189 : i32
      %dma_start3A_191 = arith.constant 256 : i32
      %dma_start3A_192 = tpu.memref_slice %arg5[%add3A_190, %dma_start3A_191] : memref<204800x384xf32, #tpu.memory_space<hbm>> -> memref<64x128xf32, #tpu.memory_space<hbm>>
      %dma_start3A_193 = arith.constant 256 : i32
      %dma_start3A_194 = tpu.memref_slice %arg5[%add3A_190, %dma_start3A_193] : memref<204800x384xf32, #tpu.memory_space<hbm>> -> memref<64x128xf32, #tpu.memory_space<hbm>>
      tpu.enqueue_dma source(%arg15 : memref<64x128xf32, #tpu.memory_space<vmem>>) target(%dma_start3A_194 : memref<64x128xf32, #tpu.memory_space<hbm>>) target_semaphore(%arg39 : memref<!tpu.dma_semaphore, #tpu.memory_space<semaphore_mem>>)
      %dma_wait3A_195 = arith.constant 0 : i32
      %dma_wait3A_196 = tpu.memref_slice %arg6[%dma_wait3A_195] : memref<6400xi32, #tpu.memory_space<vmem>> -> memref<64xi32, #tpu.memory_space<vmem>>
      %dma_wait3A_197 = arith.constant 0 : i32
      %dma_wait3A_198 = arith.constant 0 : i32
      %dma_wait3A_199 = tpu.memref_slice %arg2[%dma_wait3A_197, %dma_wait3A_198] : memref<300001x300xf32, #tpu.memory_space<hbm>> -> memref<300001x128xf32, #tpu.memory_space<hbm>>
      tpu.wait_indirect_dma semaphore(%arg28 : memref<!tpu.dma_semaphore, #tpu.memory_space<semaphore_mem>>) src(%dma_wait3A_199 : memref<300001x128xf32, #tpu.memory_space<hbm>>) dst(%arg16 : memref<64x128xf32, #tpu.memory_space<vmem>>)
      %add3A_200 = arith.constant 3 : i32
      %add3A_201 = arith.addi %mul3A_69, %add3A_200 : i32
      %mul3A_202 = arith.constant 64 : i32
      %mul3A_203 = arith.muli %add3A_201, %mul3A_202 : i32
      %add3A_204 = arith.addi %mul3A_2, %mul3A_203 : i32
      %dma_start3A_205 = arith.constant 0 : i32
      %dma_start3A_206 = tpu.memref_slice %arg5[%add3A_204, %dma_start3A_205] : memref<204800x384xf32, #tpu.memory_space<hbm>> -> memref<64x128xf32, #tpu.memory_space<hbm>>
      %dma_start3A_207 = arith.constant 0 : i32
      %dma_start3A_208 = tpu.memref_slice %arg5[%add3A_204, %dma_start3A_207] : memref<204800x384xf32, #tpu.memory_space<hbm>> -> memref<64x128xf32, #tpu.memory_space<hbm>>
      tpu.enqueue_dma source(%arg16 : memref<64x128xf32, #tpu.memory_space<vmem>>) target(%dma_start3A_208 : memref<64x128xf32, #tpu.memory_space<hbm>>) target_semaphore(%arg40 : memref<!tpu.dma_semaphore, #tpu.memory_space<semaphore_mem>>)
      %dma_wait3A_209 = arith.constant 0 : i32
      %dma_wait3A_210 = tpu.memref_slice %arg6[%dma_wait3A_209] : memref<6400xi32, #tpu.memory_space<vmem>> -> memref<64xi32, #tpu.memory_space<vmem>>
      %dma_wait3A_211 = arith.constant 0 : i32
      %dma_wait3A_212 = arith.constant 128 : i32
      %dma_wait3A_213 = tpu.memref_slice %arg2[%dma_wait3A_211, %dma_wait3A_212] : memref<300001x300xf32, #tpu.memory_space<hbm>> -> memref<300001x128xf32, #tpu.memory_space<hbm>>
      tpu.wait_indirect_dma semaphore(%arg29 : memref<!tpu.dma_semaphore, #tpu.memory_space<semaphore_mem>>) src(%dma_wait3A_213 : memref<300001x128xf32, #tpu.memory_space<hbm>>) dst(%arg17 : memref<64x128xf32, #tpu.memory_space<vmem>>)
      %add3A_214 = arith.constant 3 : i32
      %add3A_215 = arith.addi %mul3A_69, %add3A_214 : i32
      %mul3A_216 = arith.constant 64 : i32
      %mul3A_217 = arith.muli %add3A_215, %mul3A_216 : i32
      %add3A_218 = arith.addi %mul3A_2, %mul3A_217 : i32
      %dma_start3A_219 = arith.constant 128 : i32
      %dma_start3A_220 = tpu.memref_slice %arg5[%add3A_218, %dma_start3A_219] : memref<204800x384xf32, #tpu.memory_space<hbm>> -> memref<64x128xf32, #tpu.memory_space<hbm>>
      %dma_start3A_221 = arith.constant 128 : i32
      %dma_start3A_222 = tpu.memref_slice %arg5[%add3A_218, %dma_start3A_221] : memref<204800x384xf32, #tpu.memory_space<hbm>> -> memref<64x128xf32, #tpu.memory_space<hbm>>
      tpu.enqueue_dma source(%arg17 : memref<64x128xf32, #tpu.memory_space<vmem>>) target(%dma_start3A_222 : memref<64x128xf32, #tpu.memory_space<hbm>>) target_semaphore(%arg41 : memref<!tpu.dma_semaphore, #tpu.memory_space<semaphore_mem>>)
      %dma_wait3A_223 = arith.constant 0 : i32
      %dma_wait3A_224 = tpu.memref_slice %arg6[%dma_wait3A_223] : memref<6400xi32, #tpu.memory_space<vmem>> -> memref<64xi32, #tpu.memory_space<vmem>>
      %dma_wait3A_225 = arith.constant 0 : i32
      %dma_wait3A_226 = arith.constant 0 : i32
      %dma_wait3A_227 = tpu.memref_slice %arg3[%dma_wait3A_225, %dma_wait3A_226] : memref<300001x128xf32, #tpu.memory_space<hbm>> -> memref<300001x128xf32, #tpu.memory_space<hbm>>
      tpu.wait_indirect_dma semaphore(%arg30 : memref<!tpu.dma_semaphore, #tpu.memory_space<semaphore_mem>>) src(%dma_wait3A_227 : memref<300001x128xf32, #tpu.memory_space<hbm>>) dst(%arg18 : memref<64x128xf32, #tpu.memory_space<vmem>>)
      %add3A_228 = arith.constant 3 : i32
      %add3A_229 = arith.addi %mul3A_69, %add3A_228 : i32
      %mul3A_230 = arith.constant 64 : i32
      %mul3A_231 = arith.muli %add3A_229, %mul3A_230 : i32
      %add3A_232 = arith.addi %mul3A_2, %mul3A_231 : i32
      %dma_start3A_233 = arith.constant 256 : i32
      %dma_start3A_234 = tpu.memref_slice %arg5[%add3A_232, %dma_start3A_233] : memref<204800x384xf32, #tpu.memory_space<hbm>> -> memref<64x128xf32, #tpu.memory_space<hbm>>
      %dma_start3A_235 = arith.constant 256 : i32
      %dma_start3A_236 = tpu.memref_slice %arg5[%add3A_232, %dma_start3A_235] : memref<204800x384xf32, #tpu.memory_space<hbm>> -> memref<64x128xf32, #tpu.memory_space<hbm>>
      tpu.enqueue_dma source(%arg18 : memref<64x128xf32, #tpu.memory_space<vmem>>) target(%dma_start3A_236 : memref<64x128xf32, #tpu.memory_space<hbm>>) target_semaphore(%arg42 : memref<!tpu.dma_semaphore, #tpu.memory_space<semaphore_mem>>)
      %add3A_237 = arith.constant 0 : i32
      %add3A_238 = arith.addi %mul3A_2, %add3A_237 : i32
      %dma_wait3A_239 = arith.constant 0 : i32
      %dma_wait3A_240 = tpu.memref_slice %arg5[%add3A_238, %dma_wait3A_239] : memref<204800x384xf32, #tpu.memory_space<hbm>> -> memref<64x128xf32, #tpu.memory_space<hbm>>
      %dma_wait3A_241 = arith.constant 0 : i32
      %dma_wait3A_242 = tpu.memref_slice %arg5[%add3A_238, %dma_wait3A_241] : memref<204800x384xf32, #tpu.memory_space<hbm>> -> memref<64x128xf32, #tpu.memory_space<hbm>>
      tpu.wait_dma2 semaphore(%arg31 : memref<!tpu.dma_semaphore, #tpu.memory_space<semaphore_mem>>) src(%arg7 : memref<64x128xf32, #tpu.memory_space<vmem>>) dst(%dma_wait3A_242 : memref<64x128xf32, #tpu.memory_space<hbm>>)
      %add3A_243 = arith.constant 0 : i32
      %add3A_244 = arith.addi %mul3A_69, %add3A_243 : i32
      %add3A_245 = arith.constant 4 : i32
      %add3A_246 = arith.addi %add3A_244, %add3A_245 : i32
      %lt3A = arith.constant 100 : i32
      %lt3A_247 = arith.cmpi slt, %add3A_246, %lt3A : i32
      %convert_element_type3A = arith.extui %lt3A_247 : i1 to i32
      %cond3A = arith.constant 0 : i32
      %cond3A_248 = arith.cmpi ne, %convert_element_type3A, %cond3A : i32
      scf.if %cond3A_248 {
        %add3A_414 = arith.constant 0 : i32
        %add3A_415 = arith.addi %mul3A_69, %add3A_414 : i32
        %add3A_416 = arith.constant 4 : i32
        %add3A_417 = arith.addi %add3A_415, %add3A_416 : i32
        %mul3A_418 = arith.constant 64 : i32
        %mul3A_419 = arith.muli %add3A_417, %mul3A_418 : i32
        %dma_start3A_420 = tpu.memref_slice %arg6[%mul3A_419] : memref<6400xi32, #tpu.memory_space<vmem>> -> memref<64xi32, #tpu.memory_space<vmem>>
        %dma_start3A_421 = arith.constant 0 : i32
        %dma_start3A_422 = arith.constant 0 : i32
        %dma_start3A_423 = tpu.memref_slice %arg2[%dma_start3A_421, %dma_start3A_422] : memref<300001x300xf32, #tpu.memory_space<hbm>> -> memref<300001x128xf32, #tpu.memory_space<hbm>>
        tpu.enqueue_indirect_dma source(%dma_start3A_423 : memref<300001x128xf32, #tpu.memory_space<hbm>>) target(%arg7 : memref<64x128xf32, #tpu.memory_space<vmem>>) offsets(%dma_start3A_420 : memref<64xi32, #tpu.memory_space<vmem>>) semaphore(%arg19 : memref<!tpu.dma_semaphore, #tpu.memory_space<semaphore_mem>>)
      } else {
      }
      %add3A_249 = arith.constant 0 : i32
      %add3A_250 = arith.addi %mul3A_2, %add3A_249 : i32
      %dma_wait3A_251 = arith.constant 128 : i32
      %dma_wait3A_252 = tpu.memref_slice %arg5[%add3A_250, %dma_wait3A_251] : memref<204800x384xf32, #tpu.memory_space<hbm>> -> memref<64x128xf32, #tpu.memory_space<hbm>>
      %dma_wait3A_253 = arith.constant 128 : i32
      %dma_wait3A_254 = tpu.memref_slice %arg5[%add3A_250, %dma_wait3A_253] : memref<204800x384xf32, #tpu.memory_space<hbm>> -> memref<64x128xf32, #tpu.memory_space<hbm>>
      tpu.wait_dma2 semaphore(%arg32 : memref<!tpu.dma_semaphore, #tpu.memory_space<semaphore_mem>>) src(%arg8 : memref<64x128xf32, #tpu.memory_space<vmem>>) dst(%dma_wait3A_254 : memref<64x128xf32, #tpu.memory_space<hbm>>)
      %add3A_255 = arith.constant 0 : i32
      %add3A_256 = arith.addi %mul3A_69, %add3A_255 : i32
      %add3A_257 = arith.constant 4 : i32
      %add3A_258 = arith.addi %add3A_256, %add3A_257 : i32
      %lt3A_259 = arith.constant 100 : i32
      %lt3A_260 = arith.cmpi slt, %add3A_258, %lt3A_259 : i32
      %convert_element_type3A_261 = arith.extui %lt3A_260 : i1 to i32
      %cond3A_262 = arith.constant 0 : i32
      %cond3A_263 = arith.cmpi ne, %convert_element_type3A_261, %cond3A_262 : i32
      scf.if %cond3A_263 {
        %add3A_414 = arith.constant 0 : i32
        %add3A_415 = arith.addi %mul3A_69, %add3A_414 : i32
        %add3A_416 = arith.constant 4 : i32
        %add3A_417 = arith.addi %add3A_415, %add3A_416 : i32
        %mul3A_418 = arith.constant 64 : i32
        %mul3A_419 = arith.muli %add3A_417, %mul3A_418 : i32
        %dma_start3A_420 = tpu.memref_slice %arg6[%mul3A_419] : memref<6400xi32, #tpu.memory_space<vmem>> -> memref<64xi32, #tpu.memory_space<vmem>>
        %dma_start3A_421 = arith.constant 0 : i32
        %dma_start3A_422 = arith.constant 128 : i32
        %dma_start3A_423 = tpu.memref_slice %arg2[%dma_start3A_421, %dma_start3A_422] : memref<300001x300xf32, #tpu.memory_space<hbm>> -> memref<300001x128xf32, #tpu.memory_space<hbm>>
        tpu.enqueue_indirect_dma source(%dma_start3A_423 : memref<300001x128xf32, #tpu.memory_space<hbm>>) target(%arg8 : memref<64x128xf32, #tpu.memory_space<vmem>>) offsets(%dma_start3A_420 : memref<64xi32, #tpu.memory_space<vmem>>) semaphore(%arg20 : memref<!tpu.dma_semaphore, #tpu.memory_space<semaphore_mem>>)
      } else {
      }
      %add3A_264 = arith.constant 0 : i32
      %add3A_265 = arith.addi %mul3A_2, %add3A_264 : i32
      %dma_wait3A_266 = arith.constant 256 : i32
      %dma_wait3A_267 = tpu.memref_slice %arg5[%add3A_265, %dma_wait3A_266] : memref<204800x384xf32, #tpu.memory_space<hbm>> -> memref<64x128xf32, #tpu.memory_space<hbm>>
      %dma_wait3A_268 = arith.constant 256 : i32
      %dma_wait3A_269 = tpu.memref_slice %arg5[%add3A_265, %dma_wait3A_268] : memref<204800x384xf32, #tpu.memory_space<hbm>> -> memref<64x128xf32, #tpu.memory_space<hbm>>
      tpu.wait_dma2 semaphore(%arg33 : memref<!tpu.dma_semaphore, #tpu.memory_space<semaphore_mem>>) src(%arg9 : memref<64x128xf32, #tpu.memory_space<vmem>>) dst(%dma_wait3A_269 : memref<64x128xf32, #tpu.memory_space<hbm>>)
      %add3A_270 = arith.constant 0 : i32
      %add3A_271 = arith.addi %mul3A_69, %add3A_270 : i32
      %add3A_272 = arith.constant 4 : i32
      %add3A_273 = arith.addi %add3A_271, %add3A_272 : i32
      %lt3A_274 = arith.constant 100 : i32
      %lt3A_275 = arith.cmpi slt, %add3A_273, %lt3A_274 : i32
      %convert_element_type3A_276 = arith.extui %lt3A_275 : i1 to i32
      %cond3A_277 = arith.constant 0 : i32
      %cond3A_278 = arith.cmpi ne, %convert_element_type3A_276, %cond3A_277 : i32
      scf.if %cond3A_278 {
        %add3A_414 = arith.constant 0 : i32
        %add3A_415 = arith.addi %mul3A_69, %add3A_414 : i32
        %add3A_416 = arith.constant 4 : i32
        %add3A_417 = arith.addi %add3A_415, %add3A_416 : i32
        %mul3A_418 = arith.constant 64 : i32
        %mul3A_419 = arith.muli %add3A_417, %mul3A_418 : i32
        %dma_start3A_420 = tpu.memref_slice %arg6[%mul3A_419] : memref<6400xi32, #tpu.memory_space<vmem>> -> memref<64xi32, #tpu.memory_space<vmem>>
        %dma_start3A_421 = arith.constant 0 : i32
        %dma_start3A_422 = arith.constant 0 : i32
        %dma_start3A_423 = tpu.memref_slice %arg3[%dma_start3A_421, %dma_start3A_422] : memref<300001x128xf32, #tpu.memory_space<hbm>> -> memref<300001x128xf32, #tpu.memory_space<hbm>>
        tpu.enqueue_indirect_dma source(%dma_start3A_423 : memref<300001x128xf32, #tpu.memory_space<hbm>>) target(%arg9 : memref<64x128xf32, #tpu.memory_space<vmem>>) offsets(%dma_start3A_420 : memref<64xi32, #tpu.memory_space<vmem>>) semaphore(%arg21 : memref<!tpu.dma_semaphore, #tpu.memory_space<semaphore_mem>>)
      } else {
      }
      %add3A_279 = arith.constant 0 : i32
      %add3A_280 = arith.addi %mul3A_2, %add3A_279 : i32
      %dma_wait3A_281 = arith.constant 0 : i32
      %dma_wait3A_282 = tpu.memref_slice %arg5[%add3A_280, %dma_wait3A_281] : memref<204800x384xf32, #tpu.memory_space<hbm>> -> memref<64x128xf32, #tpu.memory_space<hbm>>
      %dma_wait3A_283 = arith.constant 0 : i32
      %dma_wait3A_284 = tpu.memref_slice %arg5[%add3A_280, %dma_wait3A_283] : memref<204800x384xf32, #tpu.memory_space<hbm>> -> memref<64x128xf32, #tpu.memory_space<hbm>>
      tpu.wait_dma2 semaphore(%arg34 : memref<!tpu.dma_semaphore, #tpu.memory_space<semaphore_mem>>) src(%arg10 : memref<64x128xf32, #tpu.memory_space<vmem>>) dst(%dma_wait3A_284 : memref<64x128xf32, #tpu.memory_space<hbm>>)
      %add3A_285 = arith.constant 1 : i32
      %add3A_286 = arith.addi %mul3A_69, %add3A_285 : i32
      %add3A_287 = arith.constant 4 : i32
      %add3A_288 = arith.addi %add3A_286, %add3A_287 : i32
      %lt3A_289 = arith.constant 100 : i32
      %lt3A_290 = arith.cmpi slt, %add3A_288, %lt3A_289 : i32
      %convert_element_type3A_291 = arith.extui %lt3A_290 : i1 to i32
      %cond3A_292 = arith.constant 0 : i32
      %cond3A_293 = arith.cmpi ne, %convert_element_type3A_291, %cond3A_292 : i32
      scf.if %cond3A_293 {
        %add3A_414 = arith.constant 1 : i32
        %add3A_415 = arith.addi %mul3A_69, %add3A_414 : i32
        %add3A_416 = arith.constant 4 : i32
        %add3A_417 = arith.addi %add3A_415, %add3A_416 : i32
        %mul3A_418 = arith.constant 64 : i32
        %mul3A_419 = arith.muli %add3A_417, %mul3A_418 : i32
        %dma_start3A_420 = tpu.memref_slice %arg6[%mul3A_419] : memref<6400xi32, #tpu.memory_space<vmem>> -> memref<64xi32, #tpu.memory_space<vmem>>
        %dma_start3A_421 = arith.constant 0 : i32
        %dma_start3A_422 = arith.constant 0 : i32
        %dma_start3A_423 = tpu.memref_slice %arg2[%dma_start3A_421, %dma_start3A_422] : memref<300001x300xf32, #tpu.memory_space<hbm>> -> memref<300001x128xf32, #tpu.memory_space<hbm>>
        tpu.enqueue_indirect_dma source(%dma_start3A_423 : memref<300001x128xf32, #tpu.memory_space<hbm>>) target(%arg10 : memref<64x128xf32, #tpu.memory_space<vmem>>) offsets(%dma_start3A_420 : memref<64xi32, #tpu.memory_space<vmem>>) semaphore(%arg22 : memref<!tpu.dma_semaphore, #tpu.memory_space<semaphore_mem>>)
      } else {
      }
      %add3A_294 = arith.constant 0 : i32
      %add3A_295 = arith.addi %mul3A_2, %add3A_294 : i32
      %dma_wait3A_296 = arith.constant 128 : i32
      %dma_wait3A_297 = tpu.memref_slice %arg5[%add3A_295, %dma_wait3A_296] : memref<204800x384xf32, #tpu.memory_space<hbm>> -> memref<64x128xf32, #tpu.memory_space<hbm>>
      %dma_wait3A_298 = arith.constant 128 : i32
      %dma_wait3A_299 = tpu.memref_slice %arg5[%add3A_295, %dma_wait3A_298] : memref<204800x384xf32, #tpu.memory_space<hbm>> -> memref<64x128xf32, #tpu.memory_space<hbm>>
      tpu.wait_dma2 semaphore(%arg35 : memref<!tpu.dma_semaphore, #tpu.memory_space<semaphore_mem>>) src(%arg11 : memref<64x128xf32, #tpu.memory_space<vmem>>) dst(%dma_wait3A_299 : memref<64x128xf32, #tpu.memory_space<hbm>>)
      %add3A_300 = arith.constant 1 : i32
      %add3A_301 = arith.addi %mul3A_69, %add3A_300 : i32
      %add3A_302 = arith.constant 4 : i32
      %add3A_303 = arith.addi %add3A_301, %add3A_302 : i32
      %lt3A_304 = arith.constant 100 : i32
      %lt3A_305 = arith.cmpi slt, %add3A_303, %lt3A_304 : i32
      %convert_element_type3A_306 = arith.extui %lt3A_305 : i1 to i32
      %cond3A_307 = arith.constant 0 : i32
      %cond3A_308 = arith.cmpi ne, %convert_element_type3A_306, %cond3A_307 : i32
      scf.if %cond3A_308 {
        %add3A_414 = arith.constant 1 : i32
        %add3A_415 = arith.addi %mul3A_69, %add3A_414 : i32
        %add3A_416 = arith.constant 4 : i32
        %add3A_417 = arith.addi %add3A_415, %add3A_416 : i32
        %mul3A_418 = arith.constant 64 : i32
        %mul3A_419 = arith.muli %add3A_417, %mul3A_418 : i32
        %dma_start3A_420 = tpu.memref_slice %arg6[%mul3A_419] : memref<6400xi32, #tpu.memory_space<vmem>> -> memref<64xi32, #tpu.memory_space<vmem>>
        %dma_start3A_421 = arith.constant 0 : i32
        %dma_start3A_422 = arith.constant 128 : i32
        %dma_start3A_423 = tpu.memref_slice %arg2[%dma_start3A_421, %dma_start3A_422] : memref<300001x300xf32, #tpu.memory_space<hbm>> -> memref<300001x128xf32, #tpu.memory_space<hbm>>
        tpu.enqueue_indirect_dma source(%dma_start3A_423 : memref<300001x128xf32, #tpu.memory_space<hbm>>) target(%arg11 : memref<64x128xf32, #tpu.memory_space<vmem>>) offsets(%dma_start3A_420 : memref<64xi32, #tpu.memory_space<vmem>>) semaphore(%arg23 : memref<!tpu.dma_semaphore, #tpu.memory_space<semaphore_mem>>)
      } else {
      }
      %add3A_309 = arith.constant 0 : i32
      %add3A_310 = arith.addi %mul3A_2, %add3A_309 : i32
      %dma_wait3A_311 = arith.constant 256 : i32
      %dma_wait3A_312 = tpu.memref_slice %arg5[%add3A_310, %dma_wait3A_311] : memref<204800x384xf32, #tpu.memory_space<hbm>> -> memref<64x128xf32, #tpu.memory_space<hbm>>
      %dma_wait3A_313 = arith.constant 256 : i32
      %dma_wait3A_314 = tpu.memref_slice %arg5[%add3A_310, %dma_wait3A_313] : memref<204800x384xf32, #tpu.memory_space<hbm>> -> memref<64x128xf32, #tpu.memory_space<hbm>>
      tpu.wait_dma2 semaphore(%arg36 : memref<!tpu.dma_semaphore, #tpu.memory_space<semaphore_mem>>) src(%arg12 : memref<64x128xf32, #tpu.memory_space<vmem>>) dst(%dma_wait3A_314 : memref<64x128xf32, #tpu.memory_space<hbm>>)
      %add3A_315 = arith.constant 1 : i32
      %add3A_316 = arith.addi %mul3A_69, %add3A_315 : i32
      %add3A_317 = arith.constant 4 : i32
      %add3A_318 = arith.addi %add3A_316, %add3A_317 : i32
      %lt3A_319 = arith.constant 100 : i32
      %lt3A_320 = arith.cmpi slt, %add3A_318, %lt3A_319 : i32
      %convert_element_type3A_321 = arith.extui %lt3A_320 : i1 to i32
      %cond3A_322 = arith.constant 0 : i32
      %cond3A_323 = arith.cmpi ne, %convert_element_type3A_321, %cond3A_322 : i32
      scf.if %cond3A_323 {
        %add3A_414 = arith.constant 1 : i32
        %add3A_415 = arith.addi %mul3A_69, %add3A_414 : i32
        %add3A_416 = arith.constant 4 : i32
        %add3A_417 = arith.addi %add3A_415, %add3A_416 : i32
        %mul3A_418 = arith.constant 64 : i32
        %mul3A_419 = arith.muli %add3A_417, %mul3A_418 : i32
        %dma_start3A_420 = tpu.memref_slice %arg6[%mul3A_419] : memref<6400xi32, #tpu.memory_space<vmem>> -> memref<64xi32, #tpu.memory_space<vmem>>
        %dma_start3A_421 = arith.constant 0 : i32
        %dma_start3A_422 = arith.constant 0 : i32
        %dma_start3A_423 = tpu.memref_slice %arg3[%dma_start3A_421, %dma_start3A_422] : memref<300001x128xf32, #tpu.memory_space<hbm>> -> memref<300001x128xf32, #tpu.memory_space<hbm>>
        tpu.enqueue_indirect_dma source(%dma_start3A_423 : memref<300001x128xf32, #tpu.memory_space<hbm>>) target(%arg12 : memref<64x128xf32, #tpu.memory_space<vmem>>) offsets(%dma_start3A_420 : memref<64xi32, #tpu.memory_space<vmem>>) semaphore(%arg24 : memref<!tpu.dma_semaphore, #tpu.memory_space<semaphore_mem>>)
      } else {
      }
      %add3A_324 = arith.constant 0 : i32
      %add3A_325 = arith.addi %mul3A_2, %add3A_324 : i32
      %dma_wait3A_326 = arith.constant 0 : i32
      %dma_wait3A_327 = tpu.memref_slice %arg5[%add3A_325, %dma_wait3A_326] : memref<204800x384xf32, #tpu.memory_space<hbm>> -> memref<64x128xf32, #tpu.memory_space<hbm>>
      %dma_wait3A_328 = arith.constant 0 : i32
      %dma_wait3A_329 = tpu.memref_slice %arg5[%add3A_325, %dma_wait3A_328] : memref<204800x384xf32, #tpu.memory_space<hbm>> -> memref<64x128xf32, #tpu.memory_space<hbm>>
      tpu.wait_dma2 semaphore(%arg37 : memref<!tpu.dma_semaphore, #tpu.memory_space<semaphore_mem>>) src(%arg13 : memref<64x128xf32, #tpu.memory_space<vmem>>) dst(%dma_wait3A_329 : memref<64x128xf32, #tpu.memory_space<hbm>>)
      %add3A_330 = arith.constant 2 : i32
      %add3A_331 = arith.addi %mul3A_69, %add3A_330 : i32
      %add3A_332 = arith.constant 4 : i32
      %add3A_333 = arith.addi %add3A_331, %add3A_332 : i32
      %lt3A_334 = arith.constant 100 : i32
      %lt3A_335 = arith.cmpi slt, %add3A_333, %lt3A_334 : i32
      %convert_element_type3A_336 = arith.extui %lt3A_335 : i1 to i32
      %cond3A_337 = arith.constant 0 : i32
      %cond3A_338 = arith.cmpi ne, %convert_element_type3A_336, %cond3A_337 : i32
      scf.if %cond3A_338 {
        %add3A_414 = arith.constant 2 : i32
        %add3A_415 = arith.addi %mul3A_69, %add3A_414 : i32
        %add3A_416 = arith.constant 4 : i32
        %add3A_417 = arith.addi %add3A_415, %add3A_416 : i32
        %mul3A_418 = arith.constant 64 : i32
        %mul3A_419 = arith.muli %add3A_417, %mul3A_418 : i32
        %dma_start3A_420 = tpu.memref_slice %arg6[%mul3A_419] : memref<6400xi32, #tpu.memory_space<vmem>> -> memref<64xi32, #tpu.memory_space<vmem>>
        %dma_start3A_421 = arith.constant 0 : i32
        %dma_start3A_422 = arith.constant 0 : i32
        %dma_start3A_423 = tpu.memref_slice %arg2[%dma_start3A_421, %dma_start3A_422] : memref<300001x300xf32, #tpu.memory_space<hbm>> -> memref<300001x128xf32, #tpu.memory_space<hbm>>
        tpu.enqueue_indirect_dma source(%dma_start3A_423 : memref<300001x128xf32, #tpu.memory_space<hbm>>) target(%arg13 : memref<64x128xf32, #tpu.memory_space<vmem>>) offsets(%dma_start3A_420 : memref<64xi32, #tpu.memory_space<vmem>>) semaphore(%arg25 : memref<!tpu.dma_semaphore, #tpu.memory_space<semaphore_mem>>)
      } else {
      }
      %add3A_339 = arith.constant 0 : i32
      %add3A_340 = arith.addi %mul3A_2, %add3A_339 : i32
      %dma_wait3A_341 = arith.constant 128 : i32
      %dma_wait3A_342 = tpu.memref_slice %arg5[%add3A_340, %dma_wait3A_341] : memref<204800x384xf32, #tpu.memory_space<hbm>> -> memref<64x128xf32, #tpu.memory_space<hbm>>
      %dma_wait3A_343 = arith.constant 128 : i32
      %dma_wait3A_344 = tpu.memref_slice %arg5[%add3A_340, %dma_wait3A_343] : memref<204800x384xf32, #tpu.memory_space<hbm>> -> memref<64x128xf32, #tpu.memory_space<hbm>>
      tpu.wait_dma2 semaphore(%arg38 : memref<!tpu.dma_semaphore, #tpu.memory_space<semaphore_mem>>) src(%arg14 : memref<64x128xf32, #tpu.memory_space<vmem>>) dst(%dma_wait3A_344 : memref<64x128xf32, #tpu.memory_space<hbm>>)
      %add3A_345 = arith.constant 2 : i32
      %add3A_346 = arith.addi %mul3A_69, %add3A_345 : i32
      %add3A_347 = arith.constant 4 : i32
      %add3A_348 = arith.addi %add3A_346, %add3A_347 : i32
      %lt3A_349 = arith.constant 100 : i32
      %lt3A_350 = arith.cmpi slt, %add3A_348, %lt3A_349 : i32
      %convert_element_type3A_351 = arith.extui %lt3A_350 : i1 to i32
      %cond3A_352 = arith.constant 0 : i32
      %cond3A_353 = arith.cmpi ne, %convert_element_type3A_351, %cond3A_352 : i32
      scf.if %cond3A_353 {
        %add3A_414 = arith.constant 2 : i32
        %add3A_415 = arith.addi %mul3A_69, %add3A_414 : i32
        %add3A_416 = arith.constant 4 : i32
        %add3A_417 = arith.addi %add3A_415, %add3A_416 : i32
        %mul3A_418 = arith.constant 64 : i32
        %mul3A_419 = arith.muli %add3A_417, %mul3A_418 : i32
        %dma_start3A_420 = tpu.memref_slice %arg6[%mul3A_419] : memref<6400xi32, #tpu.memory_space<vmem>> -> memref<64xi32, #tpu.memory_space<vmem>>
        %dma_start3A_421 = arith.constant 0 : i32
        %dma_start3A_422 = arith.constant 128 : i32
        %dma_start3A_423 = tpu.memref_slice %arg2[%dma_start3A_421, %dma_start3A_422] : memref<300001x300xf32, #tpu.memory_space<hbm>> -> memref<300001x128xf32, #tpu.memory_space<hbm>>
        tpu.enqueue_indirect_dma source(%dma_start3A_423 : memref<300001x128xf32, #tpu.memory_space<hbm>>) target(%arg14 : memref<64x128xf32, #tpu.memory_space<vmem>>) offsets(%dma_start3A_420 : memref<64xi32, #tpu.memory_space<vmem>>) semaphore(%arg26 : memref<!tpu.dma_semaphore, #tpu.memory_space<semaphore_mem>>)
      } else {
      }
      %add3A_354 = arith.constant 0 : i32
      %add3A_355 = arith.addi %mul3A_2, %add3A_354 : i32
      %dma_wait3A_356 = arith.constant 256 : i32
      %dma_wait3A_357 = tpu.memref_slice %arg5[%add3A_355, %dma_wait3A_356] : memref<204800x384xf32, #tpu.memory_space<hbm>> -> memref<64x128xf32, #tpu.memory_space<hbm>>
      %dma_wait3A_358 = arith.constant 256 : i32
      %dma_wait3A_359 = tpu.memref_slice %arg5[%add3A_355, %dma_wait3A_358] : memref<204800x384xf32, #tpu.memory_space<hbm>> -> memref<64x128xf32, #tpu.memory_space<hbm>>
      tpu.wait_dma2 semaphore(%arg39 : memref<!tpu.dma_semaphore, #tpu.memory_space<semaphore_mem>>) src(%arg15 : memref<64x128xf32, #tpu.memory_space<vmem>>) dst(%dma_wait3A_359 : memref<64x128xf32, #tpu.memory_space<hbm>>)
      %add3A_360 = arith.constant 2 : i32
      %add3A_361 = arith.addi %mul3A_69, %add3A_360 : i32
      %add3A_362 = arith.constant 4 : i32
      %add3A_363 = arith.addi %add3A_361, %add3A_362 : i32
      %lt3A_364 = arith.constant 100 : i32
      %lt3A_365 = arith.cmpi slt, %add3A_363, %lt3A_364 : i32
      %convert_element_type3A_366 = arith.extui %lt3A_365 : i1 to i32
      %cond3A_367 = arith.constant 0 : i32
      %cond3A_368 = arith.cmpi ne, %convert_element_type3A_366, %cond3A_367 : i32
      scf.if %cond3A_368 {
        %add3A_414 = arith.constant 2 : i32
        %add3A_415 = arith.addi %mul3A_69, %add3A_414 : i32
        %add3A_416 = arith.constant 4 : i32
        %add3A_417 = arith.addi %add3A_415, %add3A_416 : i32
        %mul3A_418 = arith.constant 64 : i32
        %mul3A_419 = arith.muli %add3A_417, %mul3A_418 : i32
        %dma_start3A_420 = tpu.memref_slice %arg6[%mul3A_419] : memref<6400xi32, #tpu.memory_space<vmem>> -> memref<64xi32, #tpu.memory_space<vmem>>
        %dma_start3A_421 = arith.constant 0 : i32
        %dma_start3A_422 = arith.constant 0 : i32
        %dma_start3A_423 = tpu.memref_slice %arg3[%dma_start3A_421, %dma_start3A_422] : memref<300001x128xf32, #tpu.memory_space<hbm>> -> memref<300001x128xf32, #tpu.memory_space<hbm>>
        tpu.enqueue_indirect_dma source(%dma_start3A_423 : memref<300001x128xf32, #tpu.memory_space<hbm>>) target(%arg15 : memref<64x128xf32, #tpu.memory_space<vmem>>) offsets(%dma_start3A_420 : memref<64xi32, #tpu.memory_space<vmem>>) semaphore(%arg27 : memref<!tpu.dma_semaphore, #tpu.memory_space<semaphore_mem>>)
      } else {
      }
      %add3A_369 = arith.constant 0 : i32
      %add3A_370 = arith.addi %mul3A_2, %add3A_369 : i32
      %dma_wait3A_371 = arith.constant 0 : i32
      %dma_wait3A_372 = tpu.memref_slice %arg5[%add3A_370, %dma_wait3A_371] : memref<204800x384xf32, #tpu.memory_space<hbm>> -> memref<64x128xf32, #tpu.memory_space<hbm>>
      %dma_wait3A_373 = arith.constant 0 : i32
      %dma_wait3A_374 = tpu.memref_slice %arg5[%add3A_370, %dma_wait3A_373] : memref<204800x384xf32, #tpu.memory_space<hbm>> -> memref<64x128xf32, #tpu.memory_space<hbm>>
      tpu.wait_dma2 semaphore(%arg40 : memref<!tpu.dma_semaphore, #tpu.memory_space<semaphore_mem>>) src(%arg16 : memref<64x128xf32, #tpu.memory_space<vmem>>) dst(%dma_wait3A_374 : memref<64x128xf32, #tpu.memory_space<hbm>>)
      %add3A_375 = arith.constant 3 : i32
      %add3A_376 = arith.addi %mul3A_69, %add3A_375 : i32
      %add3A_377 = arith.constant 4 : i32
      %add3A_378 = arith.addi %add3A_376, %add3A_377 : i32
      %lt3A_379 = arith.constant 100 : i32
      %lt3A_380 = arith.cmpi slt, %add3A_378, %lt3A_379 : i32
      %convert_element_type3A_381 = arith.extui %lt3A_380 : i1 to i32
      %cond3A_382 = arith.constant 0 : i32
      %cond3A_383 = arith.cmpi ne, %convert_element_type3A_381, %cond3A_382 : i32
      scf.if %cond3A_383 {
        %add3A_414 = arith.constant 3 : i32
        %add3A_415 = arith.addi %mul3A_69, %add3A_414 : i32
        %add3A_416 = arith.constant 4 : i32
        %add3A_417 = arith.addi %add3A_415, %add3A_416 : i32
        %mul3A_418 = arith.constant 64 : i32
        %mul3A_419 = arith.muli %add3A_417, %mul3A_418 : i32
        %dma_start3A_420 = tpu.memref_slice %arg6[%mul3A_419] : memref<6400xi32, #tpu.memory_space<vmem>> -> memref<64xi32, #tpu.memory_space<vmem>>
        %dma_start3A_421 = arith.constant 0 : i32
        %dma_start3A_422 = arith.constant 0 : i32
        %dma_start3A_423 = tpu.memref_slice %arg2[%dma_start3A_421, %dma_start3A_422] : memref<300001x300xf32, #tpu.memory_space<hbm>> -> memref<300001x128xf32, #tpu.memory_space<hbm>>
        tpu.enqueue_indirect_dma source(%dma_start3A_423 : memref<300001x128xf32, #tpu.memory_space<hbm>>) target(%arg16 : memref<64x128xf32, #tpu.memory_space<vmem>>) offsets(%dma_start3A_420 : memref<64xi32, #tpu.memory_space<vmem>>) semaphore(%arg28 : memref<!tpu.dma_semaphore, #tpu.memory_space<semaphore_mem>>)
      } else {
      }
      %add3A_384 = arith.constant 0 : i32
      %add3A_385 = arith.addi %mul3A_2, %add3A_384 : i32
      %dma_wait3A_386 = arith.constant 128 : i32
      %dma_wait3A_387 = tpu.memref_slice %arg5[%add3A_385, %dma_wait3A_386] : memref<204800x384xf32, #tpu.memory_space<hbm>> -> memref<64x128xf32, #tpu.memory_space<hbm>>
      %dma_wait3A_388 = arith.constant 128 : i32
      %dma_wait3A_389 = tpu.memref_slice %arg5[%add3A_385, %dma_wait3A_388] : memref<204800x384xf32, #tpu.memory_space<hbm>> -> memref<64x128xf32, #tpu.memory_space<hbm>>
      tpu.wait_dma2 semaphore(%arg41 : memref<!tpu.dma_semaphore, #tpu.memory_space<semaphore_mem>>) src(%arg17 : memref<64x128xf32, #tpu.memory_space<vmem>>) dst(%dma_wait3A_389 : memref<64x128xf32, #tpu.memory_space<hbm>>)
      %add3A_390 = arith.constant 3 : i32
      %add3A_391 = arith.addi %mul3A_69, %add3A_390 : i32
      %add3A_392 = arith.constant 4 : i32
      %add3A_393 = arith.addi %add3A_391, %add3A_392 : i32
      %lt3A_394 = arith.constant 100 : i32
      %lt3A_395 = arith.cmpi slt, %add3A_393, %lt3A_394 : i32
      %convert_element_type3A_396 = arith.extui %lt3A_395 : i1 to i32
      %cond3A_397 = arith.constant 0 : i32
      %cond3A_398 = arith.cmpi ne, %convert_element_type3A_396, %cond3A_397 : i32
      scf.if %cond3A_398 {
        %add3A_414 = arith.constant 3 : i32
        %add3A_415 = arith.addi %mul3A_69, %add3A_414 : i32
        %add3A_416 = arith.constant 4 : i32
        %add3A_417 = arith.addi %add3A_415, %add3A_416 : i32
        %mul3A_418 = arith.constant 64 : i32
        %mul3A_419 = arith.muli %add3A_417, %mul3A_418 : i32
        %dma_start3A_420 = tpu.memref_slice %arg6[%mul3A_419] : memref<6400xi32, #tpu.memory_space<vmem>> -> memref<64xi32, #tpu.memory_space<vmem>>
        %dma_start3A_421 = arith.constant 0 : i32
        %dma_start3A_422 = arith.constant 128 : i32
        %dma_start3A_423 = tpu.memref_slice %arg2[%dma_start3A_421, %dma_start3A_422] : memref<300001x300xf32, #tpu.memory_space<hbm>> -> memref<300001x128xf32, #tpu.memory_space<hbm>>
        tpu.enqueue_indirect_dma source(%dma_start3A_423 : memref<300001x128xf32, #tpu.memory_space<hbm>>) target(%arg17 : memref<64x128xf32, #tpu.memory_space<vmem>>) offsets(%dma_start3A_420 : memref<64xi32, #tpu.memory_space<vmem>>) semaphore(%arg29 : memref<!tpu.dma_semaphore, #tpu.memory_space<semaphore_mem>>)
      } else {
      }
      %add3A_399 = arith.constant 0 : i32
      %add3A_400 = arith.addi %mul3A_2, %add3A_399 : i32
      %dma_wait3A_401 = arith.constant 256 : i32
      %dma_wait3A_402 = tpu.memref_slice %arg5[%add3A_400, %dma_wait3A_401] : memref<204800x384xf32, #tpu.memory_space<hbm>> -> memref<64x128xf32, #tpu.memory_space<hbm>>
      %dma_wait3A_403 = arith.constant 256 : i32
      %dma_wait3A_404 = tpu.memref_slice %arg5[%add3A_400, %dma_wait3A_403] : memref<204800x384xf32, #tpu.memory_space<hbm>> -> memref<64x128xf32, #tpu.memory_space<hbm>>
      tpu.wait_dma2 semaphore(%arg42 : memref<!tpu.dma_semaphore, #tpu.memory_space<semaphore_mem>>) src(%arg18 : memref<64x128xf32, #tpu.memory_space<vmem>>) dst(%dma_wait3A_404 : memref<64x128xf32, #tpu.memory_space<hbm>>)
      %add3A_405 = arith.constant 3 : i32
      %add3A_406 = arith.addi %mul3A_69, %add3A_405 : i32
      %add3A_407 = arith.constant 4 : i32
      %add3A_408 = arith.addi %add3A_406, %add3A_407 : i32
      %lt3A_409 = arith.constant 100 : i32
      %lt3A_410 = arith.cmpi slt, %add3A_408, %lt3A_409 : i32
      %convert_element_type3A_411 = arith.extui %lt3A_410 : i1 to i32
      %cond3A_412 = arith.constant 0 : i32
      %cond3A_413 = arith.cmpi ne, %convert_element_type3A_411, %cond3A_412 : i32
      scf.if %cond3A_413 {
        %add3A_414 = arith.constant 3 : i32
        %add3A_415 = arith.addi %mul3A_69, %add3A_414 : i32
        %add3A_416 = arith.constant 4 : i32
        %add3A_417 = arith.addi %add3A_415, %add3A_416 : i32
        %mul3A_418 = arith.constant 64 : i32
        %mul3A_419 = arith.muli %add3A_417, %mul3A_418 : i32
        %dma_start3A_420 = tpu.memref_slice %arg6[%mul3A_419] : memref<6400xi32, #tpu.memory_space<vmem>> -> memref<64xi32, #tpu.memory_space<vmem>>
        %dma_start3A_421 = arith.constant 0 : i32
        %dma_start3A_422 = arith.constant 0 : i32
        %dma_start3A_423 = tpu.memref_slice %arg3[%dma_start3A_421, %dma_start3A_422] : memref<300001x128xf32, #tpu.memory_space<hbm>> -> memref<300001x128xf32, #tpu.memory_space<hbm>>
        tpu.enqueue_indirect_dma source(%dma_start3A_423 : memref<300001x128xf32, #tpu.memory_space<hbm>>) target(%arg18 : memref<64x128xf32, #tpu.memory_space<vmem>>) offsets(%dma_start3A_420 : memref<64xi32, #tpu.memory_space<vmem>>) semaphore(%arg30 : memref<!tpu.dma_semaphore, #tpu.memory_space<semaphore_mem>>)
      } else {
      }
    }
    %scan3A_66 = arith.constant 25 : i32
    return
  }
}

</mosaic_0001>

<sc_bundles>
// kernel: kernel.3.cloned.1.call-start
scs
__scs_entry_jumppad:
0x0: {  	(pc) =	sbr.rel $0x88, $3  }
0x1: {  	(tag) =	ssettag $0x0;
	lr =	simm.s32 $0x1  }
0x2: {  	[smem:$0x3F9F] =	sst lr;
	_ =	strace $0xD0000000  }
0x3: {  	_ = 	snop  }
0x4: {  	_ = 	snop  }
0x5: {  	_ = 	snop  }
0x6: {  	_ = 	snop  }
0x7: {  	_ = 	snop  }
__scs_overlays_trampoline_lowered:
0x8: {  	[smem:$0x3FAE] =	sst s0  }
0x9: {  	[smem:$0x3FAF] =	sst s1  }
0xa: {  	[smem:$0x3FB0] =	sst s2  }
0xb: {  	[smem:$0x3FB1] =	sst s3  }
0xc: {  	[smem:$0x3FB2] =	sst s4  }
0xd: {  	[smem:$0x3FB3] =	sst s5  }
0xe: {  	[smem:$0x3FB4] =	sst s6  }
0xf: {  	[smem:$0x3FB5] =	sst s7  }
0x10: {  	[smem:$0x3FB6] =	sst s8  }
0x11: {  	[smem:$0x3FB7] =	sst s9;
	s0 =	simm.s32 @!p0 $0x0  }
0x12: {  	s1 =	sld [smem:$0x3F9D];
	s0 =	simm.s32 @p0 $0x1  }
0x13: {  	[smem:$0x3FB8] =	sst s0;
	s0 =	simm.s32 @!p1 $0x0  }
0x14: {  	s2 =	sld [smem:$0x3F9C];
	s0 =	simm.s32 @p1 $0x1  }
0x15: {  	[smem:$0x3FB9] =	sst s0;
	s0 =	simm.s32 @!p2 $0x0  }
0x16: {  	s3 =	sld [smem:$0x3FDB];
	s0 =	simm.s32 @p2 $0x1  }
0x17: {  	s4 =	simm.s32 $0x1BF5;
	[smem:$0x3FBB] =	sst s0  }
0x18: {  	s0 =	sld [smem:$0x3F9E];
	_ =	swait.ge [sflag:s4], $0x0  }
0x19: {  	s7 =	sld [smem:$0x3F9F]  }
0x1a: {  	s8 =	sadd.s32 $0xFFFFE003, lr  }
0x1b: {  	s9 =	sadd.s32 $0xFFFFFEF7, lr;
	s5 =	simm.s32 $0xFFFFFFFF;
	p2 =	slt.u32 s8, $0xFFFFF086  }
0x1c: {  	p1 =	slt.u32 s9, $0xF7A;
	s5 =	simm.s32 @!p2 $0x0  }
0x1d: {  	s5 =	simm.s32 @p1 $0x1;
	p0 =	seq.s32 s7, s2  }
0x1e: {  	s7 =	smul.u32 @!p0 $0xF7A, s2;
	p2 =	seq.s32 @!p0 s5, $0x0  }
0x1f: {  	s9 =	smul.u32 $0xF7A, s1;
	s8 =	simm.s32 @!p0 $0x1BF5;
	p2 =	por !p2, p0  }
0x20: {  	[sflag:s8] =	ssyncset.s32 @!p0 $0xFFFFF086;
	s6 =	sadd.s32 @!p0 s3, s7;
	s7 =	simm.s32 @!p0 $0x108  }
0x21: {  	s3 =	sadd.s32 s3, s9;
	s6 =	sadd.s32 @!p0 $0x88, s6;
	s7 =	simm.s32 @p2 $0x1082  }
0x22: {  	[simem:s7], [sflag:s8] =	dma.local @!p0 [hbm:s6], $0xF7A  }
0x23: {  	s9 =	sor.u32 $0xD0000000, s2;
	s6 =	simm.s32 $0x108;
	_ =	swait.ge @!p0 [sflag:s8], $0x0  }
0x24: {  	s3 =	sadd.s32 $0x88, s3;
	s6 =	simm.s32 @!p1 $0x1082;
	[sflag:s4] =	ssyncset.s32 $0xFFFFF086  }
0x25: {  	[simem:s6], [sflag:s4] =	dma.local [hbm:s3], $0xF7A  }
0x26: {  	[smem:$0x3F9F] =	sst s1;
	(tag) =	ssettag s2;
	_ =	strace s9  }
0x27: {  	s1 =	sld [smem:$0x3FAF]  }
0x28: {  	s2 =	sld [smem:$0x3FB0]  }
0x29: {  	s4 =	sld [smem:$0x3FB2]  }
0x2a: {  	p0 =	seq.s32 s5, $0x0;
	s5 =	sld [smem:$0x3FB3]  }
0x2b: {  	s6 =	sld [smem:$0x3FB4]  }
0x2c: {  	s7 =	sld [smem:$0x3FB5]  }
0x2d: {  	s3 =	simm.s32 $0x108;
	s8 =	sld [smem:$0x3FB6]  }
0x2e: {  	s3 =	simm.s32 @!p0 $0x1082;
	s9 =	sld [smem:$0x3FB7]  }
0x2f: {  	lr =	sadd.s32 s0, s3;
	s0 =	sld [smem:$0x3FAE]  }
0x30: {  	s3 =	sld [smem:$0x3FB1]  }
0x31: {  	[smem:$0x3FBA] =	sst s10  }
0x32: {  	s10 =	sld [smem:$0x3FB8];
	_ =	sdelay $0x3  }
0x33: {  	p0 =	seq.s32 s10, $0x1;
	s10 =	sld [smem:$0x3FBA];
	_ =	sdelay $0x3  }
0x34: {  	[smem:$0x3FBA] =	sst s10  }
0x35: {  	s10 =	sld [smem:$0x3FB9];
	_ =	sdelay $0x3  }
0x36: {  	p1 =	seq.s32 s10, $0x1;
	s10 =	sld [smem:$0x3FBA];
	_ =	sdelay $0x3  }
0x37: {  	[smem:$0x3FBA] =	sst s10  }
0x38: {  	s10 =	sld [smem:$0x3FBB]  }
0x39: {  	_ = 	snop;
	(pc) =	sbr.ind lr, $3  }
0x3a: {  	_ = 	snop  }
0x3b: {  	_ = 	snop  }
0x3c: {  	p2 =	seq.s32 s10, $0x1;
	s10 =	sld [smem:$0x3FBA]  }
0x3d: {  	_ =	shalt  }
0x3e: {  	_ =	shalt  }
0x3f: {  	_ =	shalt  }
0x40: {  	_ =	shalt  }
0x41: {  	_ =	shalt  }
0x42: {  	_ =	shalt  }
0x43: {  	_ =	shalt  }
0x44: {  	_ =	shalt  }
0x45: {  	_ =	shalt  }
0x46: {  	_ =	shalt  }
0x47: {  	_ =	shalt  }
0x48: {  	_ =	shalt  }
0x49: {  	_ =	shalt  }
0x4a: {  	_ =	shalt  }
0x4b: {  	_ =	shalt  }
0x4c: {  	_ =	shalt  }
0x4d: {  	_ =	shalt  }
0x4e: {  	_ =	shalt  }
0x4f: {  	_ =	shalt  }
0x50: {  	_ =	shalt  }
0x51: {  	_ =	shalt  }
0x52: {  	_ =	shalt  }
0x53: {  	_ =	shalt  }
0x54: {  	_ =	shalt  }
0x55: {  	_ =	shalt  }
0x56: {  	_ =	shalt  }
0x57: {  	_ =	shalt  }
0x58: {  	_ =	shalt  }
0x59: {  	_ =	shalt  }
0x5a: {  	_ =	shalt  }
0x5b: {  	_ =	shalt  }
0x5c: {  	_ =	shalt  }
0x5d: {  	_ =	shalt  }
0x5e: {  	_ =	shalt  }
0x5f: {  	_ =	shalt  }
0x60: {  	_ =	shalt  }
0x61: {  	_ =	shalt  }
0x62: {  	_ =	shalt  }
0x63: {  	_ =	shalt  }
0x64: {  	_ =	shalt  }
0x65: {  	_ =	shalt  }
0x66: {  	_ =	shalt  }
0x67: {  	_ =	shalt  }
0x68: {  	_ =	shalt  }
0x69: {  	_ =	shalt  }
0x6a: {  	_ =	shalt  }
0x6b: {  	_ =	shalt  }
0x6c: {  	_ =	shalt  }
0x6d: {  	_ =	shalt  }
0x6e: {  	_ =	shalt  }
0x6f: {  	_ =	shalt  }
0x70: {  	_ =	shalt  }
0x71: {  	_ =	shalt  }
0x72: {  	_ =	shalt  }
0x73: {  	_ =	shalt  }
0x74: {  	_ =	shalt  }
0x75: {  	_ =	shalt  }
0x76: {  	_ =	shalt  }
0x77: {  	_ =	shalt  }
0x78: {  	_ =	shalt  }
0x79: {  	_ =	shalt  }
0x7a: {  	_ =	shalt  }
0x7b: {  	_ =	shalt  }
0x7c: {  	_ =	shalt  }
0x7d: {  	_ =	shalt  }
0x7e: {  	_ =	shalt  }
0x7f: {  	_ =	shalt  }
0x80: {  	_ =	shalt  }
0x81: {  	_ =	shalt  }
0x82: {  	_ =	shalt  }
0x83: {  	_ =	shalt  }
0x84: {  	_ =	shalt  }
0x85: {  	_ =	shalt  }
0x86: {  	_ =	shalt  }
0x87: {  	_ =	shalt  }
.Lfunc_end0:
.L_simem_size_0:
called_computation.1_lowered:
.L_overlay_start_0:
0x88: {  	s2 =	sld [smem:$0x3FD9]  }
0x89: {  	s3 =	sld [smem:$0x3FFE];
	_ =	sdelay $0x1  }
0x8a: {  	s1 =	srdreg.scid  }
0x8b: {  	s0 =	sand.u32 $0x1, s1  }
0x8c: {  	s16 =	sshll.u32 s0, $0xA;
	s2 =	sadd.s32 s3, s2  }
0x8d: {  	s2 =	sadd.s32 s2, s16  }
0x8e: {  	[smem:$0x3FC6] =	sst s2  }
0x8f: {  	_ = 	snop  }
0x90: {  	(tm) =	ssettm $0x1  }
0x91: {  	s17 =	sld [smem:$0x3FFB];
	_ =	sdelay $0x3  }
0x92: {  	_ =	strace s17  }
0x93: {  	s2 =	sld [smem:$0x3FFC];
	_ =	sdelay $0x3  }
0x94: {  	_ =	strace s2  }
0x95: {  	s2 =	sld [smem:$0x3FFD];
	_ =	sdelay $0x3  }
0x96: {  	_ =	strace s2  }
0x97: {  	_ =	strace $0x8FFFFFFF  }
0x98: {  	s18 =	sld [smem:$0x3FDB];
	_ =	sdelay $0x1  }
0x99: {  	s19 =	simm.s32 $_scs_section_size  }
0x9a: {  	s4 =	simm.s32 $_size__tile_overlayer_lowered;
	s5 =	simm.s32 $_tile_overlayer_lowered  }
0x9b: {  	s22 =	simm.s32 $0x1BFF;
	s21 =	sshll.u32 s5, $0x1;
	s2 =	sadd.s32 s19, s18  }
0x9c: {  	s6 =	simm.s32 $0x0;
	s20 =	sshll.u32 s4, $0x1;
	s4 =	sadd.s32 s21, s2  }
0x9d: {  	[timem:s6], [sflag:s22] =	dma.local [hbm:s4], s20  }
0x9e: {  	_ =	swait.ge [sflag:s22], s20  }
0x9f: {  	s3 =	ssub.s32 $0x0, s20;
	[sflag:s22] =	ssyncset.done $0x0  }
0xa0: {  	[sflag:s22] =	ssyncadd.s32 s3;
	_ =	sdelay $0x1  }
0xa1: {  	s23 =	simm.s32 $0x1B8B  }
0xa2: {  	_ =	swait.ge [sflag:s23], $0x1  }
0xa3: {  	[sflag:s23] =	ssyncset.done $0x0  }
0xa4: {  	s25 =	simm.s32 $0x1B8E;
	s24 =	sld [smem:$0x3FFE];
	[sflag:s23] =	ssyncadd.s32 $0xFFFFFFFF  }
0xa5: {  	s26 =	simm.s32 $execute0_lowered;
	[smem:$0x3FD2] =	sst s25  }
0xa6: {  	s4 =	sshll.u32 s26, $0x1;
	_ =	strace $0x80000046;
	[dreg:$0x1] =	wrdreg $0xFFFFFFFF  }
0xa7: {  	s28 =	simm.s32 $_size_execute0_lowered;
	s2 =	sadd.s32 s2, s4;
	[dreg:$0x0] =	wrdreg $0x0  }
0xa8: {  	s4 =	sshll.u32 s28, $0x1;
	[dreg:$0x2] =	wrdreg s2  }
0xa9: {  	[dreg:$0x3] =	wrdreg s4  }
0xaa: {  	[dreg:$0x4] =	wrdreg $0xC0  }
0xab: {  	_ =	task [dreg:s6], $0x5FFFF  }
0xac: {  	[dreg:$0x1] =	wrdreg $0xFFFFFFFF  }
0xad: {  	[dreg:$0x0] =	wrdreg $0x60  }
0xae: {  	[dreg:$0x2] =	wrdreg s24  }
0xaf: {  	[dreg:$0x3] =	wrdreg $0x9  }
0xb0: {  	_ =	task.clear_ibuf [dreg:s6], $0x4FFFF;
	_ =	strace $0x90000046  }
0xb1: {  	s29 =	simm.s32 $0x9;
	_ =	strace $0x80000048  }
0xb2: {  	_ =	swait.ge [sflag:s29], $0x1  }
0xb3: {  	[sflag:s29] =	ssyncadd.s32 $0xFFFFFFFF  }
0xb4: {  	_ =	strace $0x90000048  }
0xb5: {  	_ =	sfence  }
0xb6: {  	s30 =	sld [smem:$0x0];
	_ =	sdelay $0x2  }
0xb7: {  	s31 =	sshll.u32 s1, $0xD;
	s1 =	sshrl.u32 s1, $0x2  }
0xb8: {  	s3 =	sand.u32 $0x4000, s31;
	s1 =	sadd.s32 s1, s30  }
0xb9: {  	s0 =	sor.u32 s3, s0;
	s1 =	sshll.u32 s1, $0x11  }
0xba: {  	s0 =	sor.u32 s1, s0  }
0xbb: {  	s0 =	sadd.s32 $0x8F2B, s0  }
0xbc: {  	[sflag:s0] =	ssyncadd.remote.s32 $0x1  }
0xbd: {  	_ =	sfence.sel $0xFFFF  }
0xbe: {  	[dreg:$0x0] =	wrdreg $0xFFFFFFFF;
	(pc) =	sbr.abs _section_cstart, $3  }
0xbf: {  	[dreg:$0x1] =	wrdreg $0xFFFFFFFF  }
0xc0: {  	_ =	task.clear_ibuf [dreg:s6], $0x2FFFF;
	_ =	strace $0x9FFFFFFF  }
0xc1: {  	(tm) =	ssettm $0x7FFFFFFF  }
tec
execute0_lowered:
.L_overlay_start_1:
0x0: {  	(tag) =	ssettag $0x1  }
0x1: {  	s0 =	srdreg.scid  }
0x2: {  	s3 =	stileid.u32;
	s5 =	rddreg [dreg:$0x0]  }
0x3: {  	s2 =	simm.s32 $0x0;
	s28 =	simm.s32 $0x7900;
	s13 =	simm.s32 $0xF900  }
0x4: {  	s14 =	simm.s32 $0x17900;
	s19 =	simm.s32 $0x400;
	s17 =	simm.s32 $0x7  }
0x5: {  	s18 =	simm.s32 $0x3;
	s15 =	simm.s32 $0x18;
	s12 =	simm.s32 $0x0  }
0x6: {  	s29 =	simm.s32 $0x3900;
	s30 =	simm.s32 $0x5900;
	s31 =	simm.s32 $0x7900  }
0x7: {  	s0 =	sand.u32 $0x1, s0;
	s1 =	sshll.u32 s3, $0x1;
	s6 =	smul.u32 $0x3200, s3  }
0x8: {  	[smem:$0x7FF] =	sst s2;
	s3 =	sadd.s32 $0x6C00, s5;
	s4 =	sadd.s32 $0xDC2800, s5  }
0x9: {  	s1 =	sor.u32 s0, s1;
	s7 =	smul.u32 $0x1900, s0;
	s0 =	ssub.s32 $0x2, s0  }
0xa: {  	s20 =	sadd.s32 $0x1256800, s5;
	s1 =	smul.u32 $0x1900, s1;
	s11 =	sshrl.u32 s0, $0x1  }
0xb: {  	_ =	strace $0x80000047;
	s6 =	sadd.s32 s7, s6;
	s0 =	ssub.s32 s0, s11  }
0xc: {  	s7 =	simm.s32 $0x40;
	s11 =	simm.s32 $0x11900;
	s1 =	sshrl.u32 s1, $0x3  }
0xd: {  	s8 =	sor.u32 $0xC0, s6;
	s9 =	sor.u32 $0x80, s6;
	s10 =	sor.u32 $0x40, s6  }
0xe: {  	s21 =	sshrl.u32 s6, $0x3;
	s6 =	sadd.s32 $0x6C80, s5;
	s0 =	smax.u32 s0, $0x1  }
0xf: {  	s1 =	sadd.s32 s1, s5;
	s8 =	sshrl.u32 s8, $0x3;
	s9 =	sshrl.u32 s9, $0x3  }
0x10: {  	s10 =	sshrl.u32 s10, $0x3;
	s22 =	smul.u32 $0x180, s21;
	[dreg:$0x3] =	wrdreg s0  }
0x11: {  	s5 =	simm.s32 $0x13900;
	s21 =	simm.s32 $0xC00;
	s8 =	smul.u32 $0x180, s8  }
0x12: {  	s0 =	simm.s32 $0x6;
	s9 =	smul.u32 $0x180, s9;
	s1 =	sadd.s32 $0x800, s1  }
0x13: {  	v0 =	vimm.s32 $0x3;
	s10 =	smul.u32 $0x180, s10;
	[dreg:$0x2] =	wrdreg s1;
	s26 =	sadd.s32 s22, s20  }
0x14: {  	v1 =	vimm.s32 $0x7;
	v2 =	vimm.s32 $0x0;
	v3 =	vlaneseq.u32;
	s22 =	simm.s32 $0x4;
	s1 =	simm.s32 $0x5;
	s23 =	sadd.s32 s8, s20  }
.Ltmp0:
0x15: {  	vm0 =	vmmov $0x1;
	v4 =	vimm.s32 $0x1;
	v5 =	vimm.s32 $0x2;
	s24 =	sadd.s32 s9, s20;
	[dreg:$0x7] =	wrdreg s26;
	(pc) =	sbr.rel .LBB2_1-.Ltmp0, $4  }
0x16: {  	v6 =	vimm.s32 $0x4;
	v7 =	vimm.s32 $0x5;
	v8 =	vimm.s32 $0x6;
	s25 =	sadd.s32 s10, s20;
	s26 =	simm.s32 $0x1900;
	[dreg:$0x4] =	wrdreg s23  }
0x17: {  	v9 =	vimm.s32 $0x8;
	v10 =	vimm.s32 $0x9;
	v11 =	vimm.s32 $0xA;
	s8 =	simm.s32 $0x9900;
	s9 =	simm.s32 $0xD900;
	[dreg:$0x5] =	wrdreg s24  }
0x18: {  	v12 =	vimm.s32 $0xB;
	v13 =	vimm.s32 $0xC;
	v14 =	vimm.s32 $0xD;
	s10 =	simm.s32 $0xB900;
	s20 =	simm.s32 $0x17;
	[dreg:$0x6] =	wrdreg s25  }
0x19: {  	v15 =	vimm.s32 $0xE;
	v16 =	vimm.s32 $0xF;
	v3 =	vmul.u32 $0x8, v3;
	s23 =	simm.s32 $0x3900;
	s25 =	simm.s32 $0x5900;
	s24 =	simm.s32 $0x8  }
.LBB2_4:
0x1a: {  	s5 =	simm.s32 $0xE  }
0x1b: {  	_ =	swait.ge [sflag:s5], $0x2000  }
0x1c: {  	[sflag:s5] =	ssyncset.done $0x0  }
0x1d: {  	s11 =	simm.s32 $0xF;
	[sflag:s5] =	ssyncadd.s32 $0xFFFFE000  }
0x1e: {  	_ =	swait.ge [sflag:s11], $0x2000  }
0x1f: {  	[sflag:s11] =	ssyncset.done $0x0  }
0x20: {  	s12 =	simm.s32 $0x10;
	[sflag:s11] =	ssyncadd.s32 $0xFFFFE000  }
0x21: {  	_ =	swait.ge [sflag:s12], $0x2000  }
0x22: {  	[sflag:s12] =	ssyncset.done $0x0  }
0x23: {  	s13 =	simm.s32 $0x11;
	[sflag:s12] =	ssyncadd.s32 $0xFFFFE000  }
0x24: {  	_ =	swait.ge [sflag:s13], $0x2000  }
0x25: {  	[sflag:s13] =	ssyncset.done $0x0  }
0x26: {  	s14 =	simm.s32 $0x12;
	[sflag:s13] =	ssyncadd.s32 $0xFFFFE000  }
0x27: {  	_ =	swait.ge [sflag:s14], $0x2000  }
0x28: {  	[sflag:s14] =	ssyncset.done $0x0  }
0x29: {  	s16 =	simm.s32 $0x13;
	[sflag:s14] =	ssyncadd.s32 $0xFFFFE000  }
0x2a: {  	_ =	swait.ge [sflag:s16], $0x2000  }
0x2b: {  	[sflag:s16] =	ssyncset.done $0x0  }
0x2c: {  	s23 =	simm.s32 $0x14;
	[sflag:s16] =	ssyncadd.s32 $0xFFFFE000  }
0x2d: {  	_ =	swait.ge [sflag:s23], $0x2000  }
0x2e: {  	[sflag:s23] =	ssyncset.done $0x0  }
0x2f: {  	s25 =	simm.s32 $0x15;
	[sflag:s23] =	ssyncadd.s32 $0xFFFFE000  }
0x30: {  	_ =	swait.ge [sflag:s25], $0x2000  }
0x31: {  	[sflag:s25] =	ssyncset.done $0x0  }
0x32: {  	s26 =	simm.s32 $0x16;
	[sflag:s25] =	ssyncadd.s32 $0xFFFFE000  }
0x33: {  	_ =	swait.ge [sflag:s26], $0x2000  }
0x34: {  	[sflag:s26] =	ssyncset.done $0x0  }
0x35: {  	[sflag:s26] =	ssyncadd.s32 $0xFFFFE000  }
0x36: {  	_ =	swait.ge [sflag:s20], $0x2000  }
0x37: {  	[sflag:s20] =	ssyncset.done $0x0  }
0x38: {  	[sflag:s20] =	ssyncadd.s32 $0xFFFFE000  }
0x39: {  	_ =	swait.ge [sflag:s15], $0x2000  }
0x3a: {  	s12 =	rddreg [dreg:$0x8]  }
0x3b: {  	s16 =	rddreg [dreg:$0x3];
	s12 =	sadd.s32 $0x1, s12  }
0x3c: {  	p0 =	sne.s32 s12, s16  }
.Ltmp1:
0x3d: {  	s28 =	simm.s32 $0x7900;
	(pc) =	sbr.rel @!p0 .LBB2_5-.Ltmp1, $4  }
0x3e: {  	s8 =	simm.s32 $0x9900;
	s9 =	simm.s32 $0xD900;
	s10 =	simm.s32 $0xB900  }
0x3f: {  	s5 =	simm.s32 $0x13900;
	s11 =	simm.s32 $0x11900;
	s13 =	simm.s32 $0xF900  }
0x40: {  	s14 =	simm.s32 $0x17900;
	s23 =	simm.s32 $0x3900;
	[sflag:s15] =	ssyncset.done $0x0  }
0x41: {  	s25 =	simm.s32 $0x5900;
	s26 =	simm.s32 $0x1900;
	[sflag:s15] =	ssyncadd.s32 $0xFFFFE000  }
.LBB2_1:
0x42: {  	[dreg:$0x8] =	wrdreg s12  }
0x43: {  	s16 =	rddreg [dreg:$0x2];
	s12 =	simm.s32 $0x19  }
0x44: {  	[tilespmem:s2], [sflag:$0x19] =	stream.linear.gather [hbm4b:s16+s2], $0x1900, $0x38;
	[tilespmem:$0x19900] =	vst v63  }
0x45: {  	_ =	swait.ge [sflag:s12], $0x1900  }
0x46: {  	[sflag:s12] =	ssyncset.done $0x0  }
0x47: {  	[sflag:s12] =	ssyncadd.s32 $0xFFFFE700  }
0x48: {  	v17 =	vld [tilespmem:$0x0];
	_ =	sdelay $0x4  }
0x49: {  	v18 =	vshrl.u32 v17, $0x3  }
0x4a: {  	v18 =	vmul.u32 $0x18, v18  }
0x4b: {  	v17 =	vand.u32 $0x7, v17  }
0x4c: {  	v17 =	vor.u32 v17, v18  }
0x4d: {  	v18 =	vperm.xlane v17, v2;
	_ =	sdelay $0x1  }
0x4e: {  	v19 =	vperm.xlane v17, v4;
	v18 =	vadd.s32 v3, v18;
	_ =	sdelay $0x1  }
0x4f: {  	v20 =	vperm.xlane v17, v5;
	v19 =	vadd.s32 v3, v19;
	_ =	sdelay $0x1  }
0x50: {  	v21 =	vperm.xlane v17, v0;
	v20 =	vadd.s32 v3, v20  }
0x51: {  	[tilespmem:s26], [sflag:$0x1] =	stream.indirect_vreg.gather [hbm4b:s3+s2], $0x80, v18, vm0, $0xb8;
	[tilespmem:$0x19900] =	vst v63  }
0x52: {  	s12 =	simm.s32 $0x1980;
	v42 =	vperm.xlane v17, v6;
	v18 =	vadd.s32 v3, v21  }
0x53: {  	[tilespmem:s12], [sflag:$0x1] =	stream.indirect_vreg.gather [hbm4b:s3+s2], $0x80, v19, vm0, $0xb8;
	[tilespmem:$0x19900] =	vst v63  }
0x54: {  	v43 =	vperm.xlane v17, v7;
	v19 =	vadd.s32 v3, v42;
	s12 =	simm.s32 $0x1A00  }
0x55: {  	[tilespmem:s12], [sflag:$0x1] =	stream.indirect_vreg.gather [hbm4b:s3+s2], $0x80, v20, vm0, $0xb8;
	[tilespmem:$0x19900] =	vst v63  }
0x56: {  	v45 =	vperm.xlane v17, v8;
	v44 =	vadd.s32 v3, v43;
	s12 =	simm.s32 $0x1A80  }
0x57: {  	[tilespmem:s12], [sflag:$0x1] =	stream.indirect_vreg.gather [hbm4b:s3+s2], $0x80, v18, vm0, $0xb8;
	[tilespmem:$0x19900] =	vst v63  }
0x58: {  	v46 =	vperm.xlane v17, v1;
	v18 =	vadd.s32 v3, v45;
	s12 =	simm.s32 $0x1B00  }
0x59: {  	[tilespmem:s12], [sflag:$0x1] =	stream.indirect_vreg.gather [hbm4b:s3+s2], $0x80, v19, vm0, $0xb8;
	[tilespmem:$0x19900] =	vst v63  }
0x5a: {  	v47 =	vperm.xlane v17, v9;
	v19 =	vadd.s32 v3, v46;
	s12 =	simm.s32 $0x1B80  }
0x5b: {  	[tilespmem:s12], [sflag:$0x1] =	stream.indirect_vreg.gather [hbm4b:s3+s2], $0x80, v44, vm0, $0xb8;
	[tilespmem:$0x19900] =	vst v63  }
0x5c: {  	v49 =	vperm.xlane v17, v10;
	v48 =	vadd.s32 v3, v47;
	s12 =	simm.s32 $0x1C00  }
0x5d: {  	[tilespmem:s12], [sflag:$0x1] =	stream.indirect_vreg.gather [hbm4b:s3+s2], $0x80, v18, vm0, $0xb8;
	[tilespmem:$0x19900] =	vst v63  }
0x5e: {  	v50 =	vperm.xlane v17, v11;
	v18 =	vadd.s32 v3, v49;
	s12 =	simm.s32 $0x1C80  }
0x5f: {  	[tilespmem:s12], [sflag:$0x1] =	stream.indirect_vreg.gather [hbm4b:s3+s2], $0x80, v19, vm0, $0xb8;
	[tilespmem:$0x19900] =	vst v63  }
0x60: {  	v51 =	vperm.xlane v17, v12;
	v19 =	vadd.s32 v3, v50;
	s12 =	simm.s32 $0x1D00  }
0x61: {  	[tilespmem:s12], [sflag:$0x1] =	stream.indirect_vreg.gather [hbm4b:s3+s2], $0x80, v48, vm0, $0xb8;
	[tilespmem:$0x19900] =	vst v63  }
0x62: {  	v53 =	vperm.xlane v17, v13;
	v52 =	vadd.s32 v3, v51;
	s12 =	simm.s32 $0x1D80  }
0x63: {  	[tilespmem:s12], [sflag:$0x1] =	stream.indirect_vreg.gather [hbm4b:s3+s2], $0x80, v18, vm0, $0xb8;
	[tilespmem:$0x19900] =	vst v63  }
0x64: {  	v54 =	vperm.xlane v17, v14;
	v18 =	vadd.s32 v3, v53;
	s12 =	simm.s32 $0x1E00  }
0x65: {  	[tilespmem:s12], [sflag:$0x1] =	stream.indirect_vreg.gather [hbm4b:s3+s2], $0x80, v19, vm0, $0xb8;
	[tilespmem:$0x19900] =	vst v63  }
0x66: {  	v55 =	vperm.xlane v17, v15;
	v19 =	vadd.s32 v3, v54;
	s12 =	simm.s32 $0x1E80  }
0x67: {  	[tilespmem:s12], [sflag:$0x1] =	stream.indirect_vreg.gather [hbm4b:s3+s2], $0x80, v52, vm0, $0xb8;
	[tilespmem:$0x19900] =	vst v63  }
0x68: {  	v17 =	vperm.xlane v17, v16;
	v56 =	vadd.s32 v3, v55;
	s12 =	simm.s32 $0x1F00  }
0x69: {  	[tilespmem:s12], [sflag:$0x1] =	stream.indirect_vreg.gather [hbm4b:s3+s2], $0x80, v18, vm0, $0xb8;
	[tilespmem:$0x19900] =	vst v63  }
0x6a: {  	v17 =	vadd.s32 v3, v17;
	s12 =	simm.s32 $0x1F80  }
0x6b: {  	[tilespmem:s12], [sflag:$0x1] =	stream.indirect_vreg.gather [hbm4b:s3+s2], $0x80, v19, vm0, $0xb8;
	[tilespmem:$0x19900] =	vst v63  }
0x6c: {  	s12 =	simm.s32 $0x2000  }
0x6d: {  	[tilespmem:s12], [sflag:$0x1] =	stream.indirect_vreg.gather [hbm4b:s3+s2], $0x80, v56, vm0, $0xb8;
	[tilespmem:$0x19900] =	vst v63  }
0x6e: {  	s12 =	simm.s32 $0x2080  }
0x6f: {  	[tilespmem:s12], [sflag:$0x1] =	stream.indirect_vreg.gather [hbm4b:s3+s2], $0x80, v17, vm0, $0xb8;
	[tilespmem:$0x19900] =	vst v63  }
0x70: {  	v17 =	vld [tilespmem:$0x10];
	_ =	sdelay $0x4  }
0x71: {  	v18 =	vshrl.u32 v17, $0x3  }
0x72: {  	v18 =	vmul.u32 $0x18, v18  }
0x73: {  	v17 =	vand.u32 $0x7, v17  }
0x74: {  	v17 =	vor.u32 v17, v18  }
0x75: {  	v18 =	vperm.xlane v17, v2;
	_ =	sdelay $0x1  }
0x76: {  	v19 =	vperm.xlane v17, v4;
	v18 =	vadd.s32 v3, v18;
	_ =	sdelay $0x1  }
0x77: {  	v57 =	vperm.xlane v17, v5;
	v19 =	vadd.s32 v3, v19;
	_ =	sdelay $0x1  }
0x78: {  	s12 =	simm.s32 $0x2100;
	v58 =	vperm.xlane v17, v0;
	v20 =	vadd.s32 v3, v57  }
0x79: {  	[tilespmem:s12], [sflag:$0x1] =	stream.indirect_vreg.gather [hbm4b:s3+s2], $0x80, v18, vm0, $0xb8;
	[tilespmem:$0x19900] =	vst v63  }
0x7a: {  	v59 =	vperm.xlane v17, v6;
	v18 =	vadd.s32 v3, v58;
	s12 =	simm.s32 $0x2180  }
0x7b: {  	[tilespmem:s12], [sflag:$0x1] =	stream.indirect_vreg.gather [hbm4b:s3+s2], $0x80, v19, vm0, $0xb8;
	[tilespmem:$0x19900] =	vst v63  }
0x7c: {  	v60 =	vperm.xlane v17, v7;
	v19 =	vadd.s32 v3, v59;
	s12 =	simm.s32 $0x2200  }
0x7d: {  	[tilespmem:s12], [sflag:$0x1] =	stream.indirect_vreg.gather [hbm4b:s3+s2], $0x80, v20, vm0, $0xb8;
	[tilespmem:$0x19900] =	vst v63  }
0x7e: {  	v62 =	vperm.xlane v17, v8;
	v61 =	vadd.s32 v3, v60;
	s12 =	simm.s32 $0x2280  }
0x7f: {  	[tilespmem:s12], [sflag:$0x1] =	stream.indirect_vreg.gather [hbm4b:s3+s2], $0x80, v18, vm0, $0xb8;
	[tilespmem:$0x19900] =	vst v63  }
0x80: {  	v63 =	vperm.xlane v17, v1;
	v18 =	vadd.s32 v3, v62;
	s12 =	simm.s32 $0x2300  }
0x81: {  	[tilespmem:s12], [sflag:$0x1] =	stream.indirect_vreg.gather [hbm4b:s3+s2], $0x80, v19, vm0, $0xb8;
	[tilespmem:$0x19900] =	vst v63  }
0x82: {  	v24 =	vperm.xlane v17, v9;
	v19 =	vadd.s32 v3, v63;
	s12 =	simm.s32 $0x2380  }
0x83: {  	[tilespmem:s12], [sflag:$0x1] =	stream.indirect_vreg.gather [hbm4b:s3+s2], $0x80, v61, vm0, $0xb8;
	[tilespmem:$0x19900] =	vst v63  }
0x84: {  	v26 =	vperm.xlane v17, v10;
	v25 =	vadd.s32 v3, v24;
	s12 =	simm.s32 $0x2400  }
0x85: {  	[tilespmem:s12], [sflag:$0x1] =	stream.indirect_vreg.gather [hbm4b:s3+s2], $0x80, v18, vm0, $0xb8;
	[tilespmem:$0x19900] =	vst v63  }
0x86: {  	v27 =	vperm.xlane v17, v11;
	v18 =	vadd.s32 v3, v26;
	s12 =	simm.s32 $0x2480  }
0x87: {  	[tilespmem:s12], [sflag:$0x1] =	stream.indirect_vreg.gather [hbm4b:s3+s2], $0x80, v19, vm0, $0xb8;
	[tilespmem:$0x19900] =	vst v63  }
0x88: {  	v28 =	vperm.xlane v17, v12;
	v19 =	vadd.s32 v3, v27;
	s12 =	simm.s32 $0x2500  }
0x89: {  	[tilespmem:s12], [sflag:$0x1] =	stream.indirect_vreg.gather [hbm4b:s3+s2], $0x80, v25, vm0, $0xb8;
	[tilespmem:$0x19900] =	vst v63  }
0x8a: {  	v30 =	vperm.xlane v17, v13;
	v29 =	vadd.s32 v3, v28;
	s12 =	simm.s32 $0x2580  }
0x8b: {  	[tilespmem:s12], [sflag:$0x1] =	stream.indirect_vreg.gather [hbm4b:s3+s2], $0x80, v18, vm0, $0xb8;
	[tilespmem:$0x19900] =	vst v63  }
0x8c: {  	v31 =	vperm.xlane v17, v14;
	v18 =	vadd.s32 v3, v30;
	s12 =	simm.s32 $0x2600  }
0x8d: {  	[tilespmem:s12], [sflag:$0x1] =	stream.indirect_vreg.gather [hbm4b:s3+s2], $0x80, v19, vm0, $0xb8;
	[tilespmem:$0x19900] =	vst v63  }
0x8e: {  	v32 =	vperm.xlane v17, v15;
	v19 =	vadd.s32 v3, v31;
	s12 =	simm.s32 $0x2680  }
0x8f: {  	[tilespmem:s12], [sflag:$0x1] =	stream.indirect_vreg.gather [hbm4b:s3+s2], $0x80, v29, vm0, $0xb8;
	[tilespmem:$0x19900] =	vst v63  }
0x90: {  	v17 =	vperm.xlane v17, v16;
	v33 =	vadd.s32 v3, v32;
	s12 =	simm.s32 $0x2700  }
0x91: {  	[tilespmem:s12], [sflag:$0x1] =	stream.indirect_vreg.gather [hbm4b:s3+s2], $0x80, v18, vm0, $0xb8;
	[tilespmem:$0x19900] =	vst v63  }
0x92: {  	v17 =	vadd.s32 v3, v17;
	s12 =	simm.s32 $0x2780  }
0x93: {  	[tilespmem:s12], [sflag:$0x1] =	stream.indirect_vreg.gather [hbm4b:s3+s2], $0x80, v19, vm0, $0xb8;
	[tilespmem:$0x19900] =	vst v63  }
0x94: {  	s12 =	simm.s32 $0x2800  }
0x95: {  	[tilespmem:s12], [sflag:$0x1] =	stream.indirect_vreg.gather [hbm4b:s3+s2], $0x80, v33, vm0, $0xb8;
	[tilespmem:$0x19900] =	vst v63  }
0x96: {  	s12 =	simm.s32 $0x2880  }
0x97: {  	[tilespmem:s12], [sflag:$0x1] =	stream.indirect_vreg.gather [hbm4b:s3+s2], $0x80, v17, vm0, $0xb8;
	[tilespmem:$0x19900] =	vst v63  }
0x98: {  	v17 =	vld [tilespmem:$0x20];
	_ =	sdelay $0x4  }
0x99: {  	v18 =	vshrl.u32 v17, $0x3  }
0x9a: {  	v18 =	vmul.u32 $0x18, v18  }
0x9b: {  	v17 =	vand.u32 $0x7, v17  }
0x9c: {  	v17 =	vor.u32 v17, v18  }
0x9d: {  	v18 =	vperm.xlane v17, v2;
	_ =	sdelay $0x1  }
0x9e: {  	v19 =	vperm.xlane v17, v4;
	v18 =	vadd.s32 v3, v18;
	_ =	sdelay $0x1  }
0x9f: {  	v34 =	vperm.xlane v17, v5;
	v19 =	vadd.s32 v3, v19;
	_ =	sdelay $0x1  }
0xa0: {  	s12 =	simm.s32 $0x2900;
	v35 =	vperm.xlane v17, v0;
	v20 =	vadd.s32 v3, v34  }
0xa1: {  	[tilespmem:s12], [sflag:$0x1] =	stream.indirect_vreg.gather [hbm4b:s3+s2], $0x80, v18, vm0, $0xb8;
	[tilespmem:$0x19900] =	vst v63  }
0xa2: {  	v36 =	vperm.xlane v17, v6;
	v18 =	vadd.s32 v3, v35;
	s12 =	simm.s32 $0x2980  }
0xa3: {  	[tilespmem:s12], [sflag:$0x1] =	stream.indirect_vreg.gather [hbm4b:s3+s2], $0x80, v19, vm0, $0xb8;
	[tilespmem:$0x19900] =	vst v63  }
0xa4: {  	v37 =	vperm.xlane v17, v7;
	v19 =	vadd.s32 v3, v36;
	s12 =	simm.s32 $0x2A00  }
0xa5: {  	[tilespmem:s12], [sflag:$0x1] =	stream.indirect_vreg.gather [hbm4b:s3+s2], $0x80, v20, vm0, $0xb8;
	[tilespmem:$0x19900] =	vst v63  }
0xa6: {  	v39 =	vperm.xlane v17, v8;
	v38 =	vadd.s32 v3, v37;
	s12 =	simm.s32 $0x2A80  }
0xa7: {  	[tilespmem:s12], [sflag:$0x1] =	stream.indirect_vreg.gather [hbm4b:s3+s2], $0x80, v18, vm0, $0xb8;
	[tilespmem:$0x19900] =	vst v63  }
0xa8: {  	v40 =	vperm.xlane v17, v1;
	v18 =	vadd.s32 v3, v39;
	s12 =	simm.s32 $0x2B00  }
0xa9: {  	[tilespmem:s12], [sflag:$0x1] =	stream.indirect_vreg.gather [hbm4b:s3+s2], $0x80, v19, vm0, $0xb8;
	[tilespmem:$0x19900] =	vst v63  }
0xaa: {  	v41 =	vperm.xlane v17, v9;
	v19 =	vadd.s32 v3, v40;
	s12 =	simm.s32 $0x2B80  }
0xab: {  	[tilespmem:s12], [sflag:$0x1] =	stream.indirect_vreg.gather [hbm4b:s3+s2], $0x80, v38, vm0, $0xb8;
	[tilespmem:$0x19900] =	vst v63  }
0xac: {  	v43 =	vperm.xlane v17, v10;
	v42 =	vadd.s32 v3, v41;
	s12 =	simm.s32 $0x2C00  }
0xad: {  	[tilespmem:s12], [sflag:$0x1] =	stream.indirect_vreg.gather [hbm4b:s3+s2], $0x80, v18, vm0, $0xb8;
	[tilespmem:$0x19900] =	vst v63  }
0xae: {  	v44 =	vperm.xlane v17, v11;
	v18 =	vadd.s32 v3, v43;
	s12 =	simm.s32 $0x2C80  }
0xaf: {  	[tilespmem:s12], [sflag:$0x1] =	stream.indirect_vreg.gather [hbm4b:s3+s2], $0x80, v19, vm0, $0xb8;
	[tilespmem:$0x19900] =	vst v63  }
0xb0: {  	v45 =	vperm.xlane v17, v12;
	v19 =	vadd.s32 v3, v44;
	s12 =	simm.s32 $0x2D00  }
0xb1: {  	[tilespmem:s12], [sflag:$0x1] =	stream.indirect_vreg.gather [hbm4b:s3+s2], $0x80, v42, vm0, $0xb8;
	[tilespmem:$0x19900] =	vst v63  }
0xb2: {  	v47 =	vperm.xlane v17, v13;
	v46 =	vadd.s32 v3, v45;
	s12 =	simm.s32 $0x2D80  }
0xb3: {  	[tilespmem:s12], [sflag:$0x1] =	stream.indirect_vreg.gather [hbm4b:s3+s2], $0x80, v18, vm0, $0xb8;
	[tilespmem:$0x19900] =	vst v63  }
0xb4: {  	v48 =	vperm.xlane v17, v14;
	v18 =	vadd.s32 v3, v47;
	s12 =	simm.s32 $0x2E00  }
0xb5: {  	[tilespmem:s12], [sflag:$0x1] =	stream.indirect_vreg.gather [hbm4b:s3+s2], $0x80, v19, vm0, $0xb8;
	[tilespmem:$0x19900] =	vst v63  }
0xb6: {  	v49 =	vperm.xlane v17, v15;
	v19 =	vadd.s32 v3, v48;
	s12 =	simm.s32 $0x2E80  }
0xb7: {  	[tilespmem:s12], [sflag:$0x1] =	stream.indirect_vreg.gather [hbm4b:s3+s2], $0x80, v46, vm0, $0xb8;
	[tilespmem:$0x19900] =	vst v63  }
0xb8: {  	v17 =	vperm.xlane v17, v16;
	v50 =	vadd.s32 v3, v49;
	s12 =	simm.s32 $0x2F00  }
0xb9: {  	[tilespmem:s12], [sflag:$0x1] =	stream.indirect_vreg.gather [hbm4b:s3+s2], $0x80, v18, vm0, $0xb8;
	[tilespmem:$0x19900] =	vst v63  }
0xba: {  	v17 =	vadd.s32 v3, v17;
	s12 =	simm.s32 $0x2F80  }
0xbb: {  	[tilespmem:s12], [sflag:$0x1] =	stream.indirect_vreg.gather [hbm4b:s3+s2], $0x80, v19, vm0, $0xb8;
	[tilespmem:$0x19900] =	vst v63  }
0xbc: {  	s12 =	simm.s32 $0x3000  }
0xbd: {  	[tilespmem:s12], [sflag:$0x1] =	stream.indirect_vreg.gather [hbm4b:s3+s2], $0x80, v50, vm0, $0xb8;
	[tilespmem:$0x19900] =	vst v63  }
0xbe: {  	s12 =	simm.s32 $0x3080  }
0xbf: {  	[tilespmem:s12], [sflag:$0x1] =	stream.indirect_vreg.gather [hbm4b:s3+s2], $0x80, v17, vm0, $0xb8;
	[tilespmem:$0x19900] =	vst v63  }
0xc0: {  	v17 =	vld [tilespmem:$0x30];
	_ =	sdelay $0x4  }
0xc1: {  	v18 =	vshrl.u32 v17, $0x3  }
0xc2: {  	v18 =	vmul.u32 $0x18, v18  }
0xc3: {  	v17 =	vand.u32 $0x7, v17  }
0xc4: {  	v17 =	vor.u32 v17, v18  }
0xc5: {  	v18 =	vperm.xlane v17, v2;
	_ =	sdelay $0x1  }
0xc6: {  	v19 =	vperm.xlane v17, v4;
	v18 =	vadd.s32 v3, v18;
	_ =	sdelay $0x1  }
0xc7: {  	v51 =	vperm.xlane v17, v5;
	v19 =	vadd.s32 v3, v19;
	_ =	sdelay $0x1  }
0xc8: {  	s12 =	simm.s32 $0x3100;
	v52 =	vperm.xlane v17, v0;
	v20 =	vadd.s32 v3, v51  }
0xc9: {  	[tilespmem:s12], [sflag:$0x1] =	stream.indirect_vreg.gather [hbm4b:s3+s2], $0x80, v18, vm0, $0xb8;
	[tilespmem:$0x19900] =	vst v63  }
0xca: {  	v53 =	vperm.xlane v17, v6;
	v18 =	vadd.s32 v3, v52;
	s12 =	simm.s32 $0x3180  }
0xcb: {  	[tilespmem:s12], [sflag:$0x1] =	stream.indirect_vreg.gather [hbm4b:s3+s2], $0x80, v19, vm0, $0xb8;
	[tilespmem:$0x19900] =	vst v63  }
0xcc: {  	v54 =	vperm.xlane v17, v7;
	v19 =	vadd.s32 v3, v53;
	s12 =	simm.s32 $0x3200  }
0xcd: {  	[tilespmem:s12], [sflag:$0x1] =	stream.indirect_vreg.gather [hbm4b:s3+s2], $0x80, v20, vm0, $0xb8;
	[tilespmem:$0x19900] =	vst v63  }
0xce: {  	v56 =	vperm.xlane v17, v8;
	v55 =	vadd.s32 v3, v54;
	s12 =	simm.s32 $0x3280  }
0xcf: {  	[tilespmem:s12], [sflag:$0x1] =	stream.indirect_vreg.gather [hbm4b:s3+s2], $0x80, v18, vm0, $0xb8;
	[tilespmem:$0x19900] =	vst v63  }
0xd0: {  	v57 =	vperm.xlane v17, v1;
	v18 =	vadd.s32 v3, v56;
	s12 =	simm.s32 $0x3300  }
0xd1: {  	[tilespmem:s12], [sflag:$0x1] =	stream.indirect_vreg.gather [hbm4b:s3+s2], $0x80, v19, vm0, $0xb8;
	[tilespmem:$0x19900] =	vst v63  }
0xd2: {  	v58 =	vperm.xlane v17, v9;
	v19 =	vadd.s32 v3, v57;
	s12 =	simm.s32 $0x3380  }
0xd3: {  	[tilespmem:s12], [sflag:$0x1] =	stream.indirect_vreg.gather [hbm4b:s3+s2], $0x80, v55, vm0, $0xb8;
	[tilespmem:$0x19900] =	vst v63  }
0xd4: {  	v60 =	vperm.xlane v17, v10;
	v59 =	vadd.s32 v3, v58;
	s12 =	simm.s32 $0x3400  }
0xd5: {  	[tilespmem:s12], [sflag:$0x1] =	stream.indirect_vreg.gather [hbm4b:s3+s2], $0x80, v18, vm0, $0xb8;
	[tilespmem:$0x19900] =	vst v63  }
0xd6: {  	v61 =	vperm.xlane v17, v11;
	v18 =	vadd.s32 v3, v60;
	s12 =	simm.s32 $0x3480  }
0xd7: {  	[tilespmem:s12], [sflag:$0x1] =	stream.indirect_vreg.gather [hbm4b:s3+s2], $0x80, v19, vm0, $0xb8;
	[tilespmem:$0x19900] =	vst v63  }
0xd8: {  	v62 =	vperm.xlane v17, v12;
	v19 =	vadd.s32 v3, v61;
	s12 =	simm.s32 $0x3500  }
0xd9: {  	[tilespmem:s12], [sflag:$0x1] =	stream.indirect_vreg.gather [hbm4b:s3+s2], $0x80, v59, vm0, $0xb8;
	[tilespmem:$0x19900] =	vst v63  }
0xda: {  	v24 =	vperm.xlane v17, v13;
	v63 =	vadd.s32 v3, v62;
	s12 =	simm.s32 $0x3580  }
0xdb: {  	[tilespmem:s12], [sflag:$0x1] =	stream.indirect_vreg.gather [hbm4b:s3+s2], $0x80, v18, vm0, $0xb8;
	[tilespmem:$0x19900] =	vst v63  }
0xdc: {  	v25 =	vperm.xlane v17, v14;
	v18 =	vadd.s32 v3, v24;
	s12 =	simm.s32 $0x3600  }
0xdd: {  	[tilespmem:s12], [sflag:$0x1] =	stream.indirect_vreg.gather [hbm4b:s3+s2], $0x80, v19, vm0, $0xb8;
	[tilespmem:$0x19900] =	vst v63  }
0xde: {  	v26 =	vperm.xlane v17, v15;
	v19 =	vadd.s32 v3, v25;
	s12 =	simm.s32 $0x3680  }
0xdf: {  	[tilespmem:s12], [sflag:$0x1] =	stream.indirect_vreg.gather [hbm4b:s3+s2], $0x80, v63, vm0, $0xb8;
	[tilespmem:$0x19900] =	vst v63  }
0xe0: {  	v17 =	vperm.xlane v17, v16;
	v27 =	vadd.s32 v3, v26;
	s12 =	simm.s32 $0x3700  }
0xe1: {  	[tilespmem:s12], [sflag:$0x1] =	stream.indirect_vreg.gather [hbm4b:s3+s2], $0x80, v18, vm0, $0xb8;
	[tilespmem:$0x19900] =	vst v63  }
0xe2: {  	v17 =	vadd.s32 v3, v17;
	s12 =	simm.s32 $0x3780  }
0xe3: {  	[tilespmem:s12], [sflag:$0x1] =	stream.indirect_vreg.gather [hbm4b:s3+s2], $0x80, v19, vm0, $0xb8;
	[tilespmem:$0x19900] =	vst v63  }
0xe4: {  	s12 =	simm.s32 $0x3800  }
0xe5: {  	[tilespmem:s12], [sflag:$0x1] =	stream.indirect_vreg.gather [hbm4b:s3+s2], $0x80, v27, vm0, $0xb8;
	[tilespmem:$0x19900] =	vst v63  }
0xe6: {  	s12 =	simm.s32 $0x3880  }
0xe7: {  	[tilespmem:s12], [sflag:$0x1] =	stream.indirect_vreg.gather [hbm4b:s3+s2], $0x80, v17, vm0, $0xb8;
	[tilespmem:$0x19900] =	vst v63  }
0xe8: {  	v17 =	vld [tilespmem:$0x0];
	_ =	sdelay $0x4  }
0xe9: {  	v18 =	vshrl.u32 v17, $0x3  }
0xea: {  	v18 =	vmul.u32 $0x18, v18  }
0xeb: {  	v17 =	vand.u32 $0x7, v17  }
0xec: {  	v17 =	vor.u32 v17, v18  }
0xed: {  	v18 =	vperm.xlane v17, v2;
	_ =	sdelay $0x1  }
0xee: {  	v19 =	vperm.xlane v17, v4;
	v18 =	vadd.s32 v3, v18;
	_ =	sdelay $0x1  }
0xef: {  	v28 =	vperm.xlane v17, v5;
	v19 =	vadd.s32 v3, v19;
	_ =	sdelay $0x1  }
0xf0: {  	v29 =	vperm.xlane v17, v0;
	v20 =	vadd.s32 v3, v28  }
0xf1: {  	[tilespmem:s23], [sflag:$0x2] =	stream.indirect_vreg.gather [hbm4b:s6+s2], $0x80, v18, vm0, $0xb8;
	[tilespmem:$0x19900] =	vst v63  }
0xf2: {  	v30 =	vperm.xlane v17, v6;
	v18 =	vadd.s32 v3, v29;
	s23 =	simm.s32 $0x3980  }
0xf3: {  	[tilespmem:s23], [sflag:$0x2] =	stream.indirect_vreg.gather [hbm4b:s6+s2], $0x80, v19, vm0, $0xb8;
	[tilespmem:$0x19900] =	vst v63  }
0xf4: {  	s12 =	simm.s32 $0x3A00;
	v31 =	vperm.xlane v17, v7;
	v19 =	vadd.s32 v3, v30  }
0xf5: {  	[tilespmem:s12], [sflag:$0x2] =	stream.indirect_vreg.gather [hbm4b:s6+s2], $0x80, v20, vm0, $0xb8;
	[tilespmem:$0x19900] =	vst v63  }
0xf6: {  	v33 =	vperm.xlane v17, v8;
	v32 =	vadd.s32 v3, v31;
	s23 =	simm.s32 $0x3A80  }
0xf7: {  	[tilespmem:s23], [sflag:$0x2] =	stream.indirect_vreg.gather [hbm4b:s6+s2], $0x80, v18, vm0, $0xb8;
	[tilespmem:$0x19900] =	vst v63  }
0xf8: {  	v34 =	vperm.xlane v17, v1;
	s12 =	simm.s32 $0x3B00;
	v18 =	vadd.s32 v3, v33  }
0xf9: {  	[tilespmem:s12], [sflag:$0x2] =	stream.indirect_vreg.gather [hbm4b:s6+s2], $0x80, v19, vm0, $0xb8;
	[tilespmem:$0x19900] =	vst v63  }
0xfa: {  	v35 =	vperm.xlane v17, v9;
	s23 =	simm.s32 $0x3B80;
	v19 =	vadd.s32 v3, v34  }
0xfb: {  	[tilespmem:s23], [sflag:$0x2] =	stream.indirect_vreg.gather [hbm4b:s6+s2], $0x80, v32, vm0, $0xb8;
	[tilespmem:$0x19900] =	vst v63  }
0xfc: {  	v37 =	vperm.xlane v17, v10;
	v36 =	vadd.s32 v3, v35;
	s12 =	simm.s32 $0x3C00  }
0xfd: {  	[tilespmem:s12], [sflag:$0x2] =	stream.indirect_vreg.gather [hbm4b:s6+s2], $0x80, v18, vm0, $0xb8;
	[tilespmem:$0x19900] =	vst v63  }
0xfe: {  	v38 =	vperm.xlane v17, v11;
	s23 =	simm.s32 $0x3C80;
	v18 =	vadd.s32 v3, v37  }
0xff: {  	[tilespmem:s23], [sflag:$0x2] =	stream.indirect_vreg.gather [hbm4b:s6+s2], $0x80, v19, vm0, $0xb8;
	[tilespmem:$0x19900] =	vst v63  }
0x100: {  	v39 =	vperm.xlane v17, v12;
	s12 =	simm.s32 $0x3D00;
	v19 =	vadd.s32 v3, v38  }
0x101: {  	[tilespmem:s12], [sflag:$0x2] =	stream.indirect_vreg.gather [hbm4b:s6+s2], $0x80, v36, vm0, $0xb8;
	[tilespmem:$0x19900] =	vst v63  }
0x102: {  	v41 =	vperm.xlane v17, v13;
	v40 =	vadd.s32 v3, v39;
	s23 =	simm.s32 $0x3D80  }
0x103: {  	[tilespmem:s23], [sflag:$0x2] =	stream.indirect_vreg.gather [hbm4b:s6+s2], $0x80, v18, vm0, $0xb8;
	[tilespmem:$0x19900] =	vst v63  }
0x104: {  	v42 =	vperm.xlane v17, v14;
	s12 =	simm.s32 $0x3E00;
	v18 =	vadd.s32 v3, v41  }
0x105: {  	[tilespmem:s12], [sflag:$0x2] =	stream.indirect_vreg.gather [hbm4b:s6+s2], $0x80, v19, vm0, $0xb8;
	[tilespmem:$0x19900] =	vst v63  }
0x106: {  	v43 =	vperm.xlane v17, v15;
	s23 =	simm.s32 $0x3E80;
	v19 =	vadd.s32 v3, v42  }
0x107: {  	[tilespmem:s23], [sflag:$0x2] =	stream.indirect_vreg.gather [hbm4b:s6+s2], $0x80, v40, vm0, $0xb8;
	[tilespmem:$0x19900] =	vst v63  }
0x108: {  	v17 =	vperm.xlane v17, v16;
	v44 =	vadd.s32 v3, v43;
	s12 =	simm.s32 $0x3F00  }
0x109: {  	[tilespmem:s12], [sflag:$0x2] =	stream.indirect_vreg.gather [hbm4b:s6+s2], $0x80, v18, vm0, $0xb8;
	[tilespmem:$0x19900] =	vst v63  }
0x10a: {  	v17 =	vadd.s32 v3, v17;
	s23 =	simm.s32 $0x3F80  }
0x10b: {  	[tilespmem:s23], [sflag:$0x2] =	stream.indirect_vreg.gather [hbm4b:s6+s2], $0x80, v19, vm0, $0xb8;
	[tilespmem:$0x19900] =	vst v63  }
0x10c: {  	s12 =	simm.s32 $0x4000  }
0x10d: {  	[tilespmem:s12], [sflag:$0x2] =	stream.indirect_vreg.gather [hbm4b:s6+s2], $0x80, v44, vm0, $0xb8;
	[tilespmem:$0x19900] =	vst v63  }
0x10e: {  	s23 =	simm.s32 $0x4080  }
0x10f: {  	[tilespmem:s23], [sflag:$0x2] =	stream.indirect_vreg.gather [hbm4b:s6+s2], $0x80, v17, vm0, $0xb8;
	[tilespmem:$0x19900] =	vst v63  }
0x110: {  	v17 =	vld [tilespmem:$0x10];
	_ =	sdelay $0x4  }
0x111: {  	v18 =	vshrl.u32 v17, $0x3  }
0x112: {  	v18 =	vmul.u32 $0x18, v18  }
0x113: {  	v17 =	vand.u32 $0x7, v17  }
0x114: {  	v17 =	vor.u32 v17, v18  }
0x115: {  	v18 =	vperm.xlane v17, v2;
	_ =	sdelay $0x1  }
0x116: {  	v19 =	vperm.xlane v17, v4;
	v18 =	vadd.s32 v3, v18;
	_ =	sdelay $0x1  }
0x117: {  	v45 =	vperm.xlane v17, v5;
	v19 =	vadd.s32 v3, v19;
	_ =	sdelay $0x1  }
0x118: {  	s12 =	simm.s32 $0x4100;
	v46 =	vperm.xlane v17, v0;
	v20 =	vadd.s32 v3, v45  }
0x119: {  	[tilespmem:s12], [sflag:$0x2] =	stream.indirect_vreg.gather [hbm4b:s6+s2], $0x80, v18, vm0, $0xb8;
	[tilespmem:$0x19900] =	vst v63  }
0x11a: {  	s23 =	simm.s32 $0x4180;
	v47 =	vperm.xlane v17, v6;
	v18 =	vadd.s32 v3, v46  }
0x11b: {  	[tilespmem:s23], [sflag:$0x2] =	stream.indirect_vreg.gather [hbm4b:s6+s2], $0x80, v19, vm0, $0xb8;
	[tilespmem:$0x19900] =	vst v63  }
0x11c: {  	v48 =	vperm.xlane v17, v7;
	s12 =	simm.s32 $0x4200;
	v19 =	vadd.s32 v3, v47  }
0x11d: {  	[tilespmem:s12], [sflag:$0x2] =	stream.indirect_vreg.gather [hbm4b:s6+s2], $0x80, v20, vm0, $0xb8;
	[tilespmem:$0x19900] =	vst v63  }
0x11e: {  	v50 =	vperm.xlane v17, v8;
	v49 =	vadd.s32 v3, v48;
	s23 =	simm.s32 $0x4280  }
0x11f: {  	[tilespmem:s23], [sflag:$0x2] =	stream.indirect_vreg.gather [hbm4b:s6+s2], $0x80, v18, vm0, $0xb8;
	[tilespmem:$0x19900] =	vst v63  }
0x120: {  	v51 =	vperm.xlane v17, v1;
	s12 =	simm.s32 $0x4300;
	v18 =	vadd.s32 v3, v50  }
0x121: {  	[tilespmem:s12], [sflag:$0x2] =	stream.indirect_vreg.gather [hbm4b:s6+s2], $0x80, v19, vm0, $0xb8;
	[tilespmem:$0x19900] =	vst v63  }
0x122: {  	v52 =	vperm.xlane v17, v9;
	s23 =	simm.s32 $0x4380;
	v19 =	vadd.s32 v3, v51  }
0x123: {  	[tilespmem:s23], [sflag:$0x2] =	stream.indirect_vreg.gather [hbm4b:s6+s2], $0x80, v49, vm0, $0xb8;
	[tilespmem:$0x19900] =	vst v63  }
0x124: {  	v54 =	vperm.xlane v17, v10;
	v53 =	vadd.s32 v3, v52;
	s12 =	simm.s32 $0x4400  }
0x125: {  	[tilespmem:s12], [sflag:$0x2] =	stream.indirect_vreg.gather [hbm4b:s6+s2], $0x80, v18, vm0, $0xb8;
	[tilespmem:$0x19900] =	vst v63  }
0x126: {  	v55 =	vperm.xlane v17, v11;
	s23 =	simm.s32 $0x4480;
	v18 =	vadd.s32 v3, v54  }
0x127: {  	[tilespmem:s23], [sflag:$0x2] =	stream.indirect_vreg.gather [hbm4b:s6+s2], $0x80, v19, vm0, $0xb8;
	[tilespmem:$0x19900] =	vst v63  }
0x128: {  	v56 =	vperm.xlane v17, v12;
	s12 =	simm.s32 $0x4500;
	v19 =	vadd.s32 v3, v55  }
0x129: {  	[tilespmem:s12], [sflag:$0x2] =	stream.indirect_vreg.gather [hbm4b:s6+s2], $0x80, v53, vm0, $0xb8;
	[tilespmem:$0x19900] =	vst v63  }
0x12a: {  	v58 =	vperm.xlane v17, v13;
	v57 =	vadd.s32 v3, v56;
	s23 =	simm.s32 $0x4580  }
0x12b: {  	[tilespmem:s23], [sflag:$0x2] =	stream.indirect_vreg.gather [hbm4b:s6+s2], $0x80, v18, vm0, $0xb8;
	[tilespmem:$0x19900] =	vst v63  }
0x12c: {  	v59 =	vperm.xlane v17, v14;
	s12 =	simm.s32 $0x4600;
	v18 =	vadd.s32 v3, v58  }
0x12d: {  	[tilespmem:s12], [sflag:$0x2] =	stream.indirect_vreg.gather [hbm4b:s6+s2], $0x80, v19, vm0, $0xb8;
	[tilespmem:$0x19900] =	vst v63  }
0x12e: {  	v60 =	vperm.xlane v17, v15;
	s23 =	simm.s32 $0x4680;
	v19 =	vadd.s32 v3, v59  }
0x12f: {  	[tilespmem:s23], [sflag:$0x2] =	stream.indirect_vreg.gather [hbm4b:s6+s2], $0x80, v57, vm0, $0xb8;
	[tilespmem:$0x19900] =	vst v63  }
0x130: {  	v17 =	vperm.xlane v17, v16;
	v61 =	vadd.s32 v3, v60;
	s12 =	simm.s32 $0x4700  }
0x131: {  	[tilespmem:s12], [sflag:$0x2] =	stream.indirect_vreg.gather [hbm4b:s6+s2], $0x80, v18, vm0, $0xb8;
	[tilespmem:$0x19900] =	vst v63  }
0x132: {  	v17 =	vadd.s32 v3, v17;
	s23 =	simm.s32 $0x4780  }
0x133: {  	[tilespmem:s23], [sflag:$0x2] =	stream.indirect_vreg.gather [hbm4b:s6+s2], $0x80, v19, vm0, $0xb8;
	[tilespmem:$0x19900] =	vst v63  }
0x134: {  	s12 =	simm.s32 $0x4800  }
0x135: {  	[tilespmem:s12], [sflag:$0x2] =	stream.indirect_vreg.gather [hbm4b:s6+s2], $0x80, v61, vm0, $0xb8;
	[tilespmem:$0x19900] =	vst v63  }
0x136: {  	s23 =	simm.s32 $0x4880  }
0x137: {  	[tilespmem:s23], [sflag:$0x2] =	stream.indirect_vreg.gather [hbm4b:s6+s2], $0x80, v17, vm0, $0xb8;
	[tilespmem:$0x19900] =	vst v63  }
0x138: {  	v17 =	vld [tilespmem:$0x20];
	_ =	sdelay $0x4  }
0x139: {  	v18 =	vshrl.u32 v17, $0x3  }
0x13a: {  	v18 =	vmul.u32 $0x18, v18  }
0x13b: {  	v17 =	vand.u32 $0x7, v17  }
0x13c: {  	v17 =	vor.u32 v17, v18  }
0x13d: {  	v18 =	vperm.xlane v17, v2;
	_ =	sdelay $0x1  }
0x13e: {  	v19 =	vperm.xlane v17, v4;
	v18 =	vadd.s32 v3, v18;
	_ =	sdelay $0x1  }
0x13f: {  	v62 =	vperm.xlane v17, v5;
	v19 =	vadd.s32 v3, v19;
	_ =	sdelay $0x1  }
0x140: {  	s12 =	simm.s32 $0x4900;
	v63 =	vperm.xlane v17, v0;
	v20 =	vadd.s32 v3, v62  }
0x141: {  	[tilespmem:s12], [sflag:$0x2] =	stream.indirect_vreg.gather [hbm4b:s6+s2], $0x80, v18, vm0, $0xb8;
	[tilespmem:$0x19900] =	vst v63  }
0x142: {  	s23 =	simm.s32 $0x4980;
	v24 =	vperm.xlane v17, v6;
	v18 =	vadd.s32 v3, v63  }
0x143: {  	[tilespmem:s23], [sflag:$0x2] =	stream.indirect_vreg.gather [hbm4b:s6+s2], $0x80, v19, vm0, $0xb8;
	[tilespmem:$0x19900] =	vst v63  }
0x144: {  	v25 =	vperm.xlane v17, v7;
	s12 =	simm.s32 $0x4A00;
	v19 =	vadd.s32 v3, v24  }
0x145: {  	[tilespmem:s12], [sflag:$0x2] =	stream.indirect_vreg.gather [hbm4b:s6+s2], $0x80, v20, vm0, $0xb8;
	[tilespmem:$0x19900] =	vst v63  }
0x146: {  	v27 =	vperm.xlane v17, v8;
	v26 =	vadd.s32 v3, v25;
	s23 =	simm.s32 $0x4A80  }
0x147: {  	[tilespmem:s23], [sflag:$0x2] =	stream.indirect_vreg.gather [hbm4b:s6+s2], $0x80, v18, vm0, $0xb8;
	[tilespmem:$0x19900] =	vst v63  }
0x148: {  	v28 =	vperm.xlane v17, v1;
	s12 =	simm.s32 $0x4B00;
	v18 =	vadd.s32 v3, v27  }
0x149: {  	[tilespmem:s12], [sflag:$0x2] =	stream.indirect_vreg.gather [hbm4b:s6+s2], $0x80, v19, vm0, $0xb8;
	[tilespmem:$0x19900] =	vst v63  }
0x14a: {  	v29 =	vperm.xlane v17, v9;
	s23 =	simm.s32 $0x4B80;
	v19 =	vadd.s32 v3, v28  }
0x14b: {  	[tilespmem:s23], [sflag:$0x2] =	stream.indirect_vreg.gather [hbm4b:s6+s2], $0x80, v26, vm0, $0xb8;
	[tilespmem:$0x19900] =	vst v63  }
0x14c: {  	v31 =	vperm.xlane v17, v10;
	v30 =	vadd.s32 v3, v29;
	s12 =	simm.s32 $0x4C00  }
0x14d: {  	[tilespmem:s12], [sflag:$0x2] =	stream.indirect_vreg.gather [hbm4b:s6+s2], $0x80, v18, vm0, $0xb8;
	[tilespmem:$0x19900] =	vst v63  }
0x14e: {  	v32 =	vperm.xlane v17, v11;
	s23 =	simm.s32 $0x4C80;
	v18 =	vadd.s32 v3, v31  }
0x14f: {  	[tilespmem:s23], [sflag:$0x2] =	stream.indirect_vreg.gather [hbm4b:s6+s2], $0x80, v19, vm0, $0xb8;
	[tilespmem:$0x19900] =	vst v63  }
0x150: {  	v33 =	vperm.xlane v17, v12;
	s12 =	simm.s32 $0x4D00;
	v19 =	vadd.s32 v3, v32  }
0x151: {  	[tilespmem:s12], [sflag:$0x2] =	stream.indirect_vreg.gather [hbm4b:s6+s2], $0x80, v30, vm0, $0xb8;
	[tilespmem:$0x19900] =	vst v63  }
0x152: {  	v35 =	vperm.xlane v17, v13;
	v34 =	vadd.s32 v3, v33;
	s23 =	simm.s32 $0x4D80  }
0x153: {  	[tilespmem:s23], [sflag:$0x2] =	stream.indirect_vreg.gather [hbm4b:s6+s2], $0x80, v18, vm0, $0xb8;
	[tilespmem:$0x19900] =	vst v63  }
0x154: {  	v36 =	vperm.xlane v17, v14;
	s12 =	simm.s32 $0x4E00;
	v18 =	vadd.s32 v3, v35  }
0x155: {  	[tilespmem:s12], [sflag:$0x2] =	stream.indirect_vreg.gather [hbm4b:s6+s2], $0x80, v19, vm0, $0xb8;
	[tilespmem:$0x19900] =	vst v63  }
0x156: {  	v37 =	vperm.xlane v17, v15;
	s23 =	simm.s32 $0x4E80;
	v19 =	vadd.s32 v3, v36  }
0x157: {  	[tilespmem:s23], [sflag:$0x2] =	stream.indirect_vreg.gather [hbm4b:s6+s2], $0x80, v34, vm0, $0xb8;
	[tilespmem:$0x19900] =	vst v63  }
0x158: {  	v17 =	vperm.xlane v17, v16;
	v38 =	vadd.s32 v3, v37;
	s12 =	simm.s32 $0x4F00  }
0x159: {  	[tilespmem:s12], [sflag:$0x2] =	stream.indirect_vreg.gather [hbm4b:s6+s2], $0x80, v18, vm0, $0xb8;
	[tilespmem:$0x19900] =	vst v63  }
0x15a: {  	v17 =	vadd.s32 v3, v17;
	s23 =	simm.s32 $0x4F80  }
0x15b: {  	[tilespmem:s23], [sflag:$0x2] =	stream.indirect_vreg.gather [hbm4b:s6+s2], $0x80, v19, vm0, $0xb8;
	[tilespmem:$0x19900] =	vst v63  }
0x15c: {  	s12 =	simm.s32 $0x5000  }
0x15d: {  	[tilespmem:s12], [sflag:$0x2] =	stream.indirect_vreg.gather [hbm4b:s6+s2], $0x80, v38, vm0, $0xb8;
	[tilespmem:$0x19900] =	vst v63  }
0x15e: {  	s23 =	simm.s32 $0x5080  }
0x15f: {  	[tilespmem:s23], [sflag:$0x2] =	stream.indirect_vreg.gather [hbm4b:s6+s2], $0x80, v17, vm0, $0xb8;
	[tilespmem:$0x19900] =	vst v63  }
0x160: {  	v17 =	vld [tilespmem:$0x30];
	_ =	sdelay $0x4  }
0x161: {  	v18 =	vshrl.u32 v17, $0x3  }
0x162: {  	v18 =	vmul.u32 $0x18, v18  }
0x163: {  	v17 =	vand.u32 $0x7, v17  }
0x164: {  	v17 =	vor.u32 v17, v18  }
0x165: {  	v18 =	vperm.xlane v17, v2;
	_ =	sdelay $0x1  }
0x166: {  	v19 =	vperm.xlane v17, v4;
	v18 =	vadd.s32 v3, v18;
	_ =	sdelay $0x1  }
0x167: {  	v39 =	vperm.xlane v17, v5;
	v19 =	vadd.s32 v3, v19;
	_ =	sdelay $0x1  }
0x168: {  	s12 =	simm.s32 $0x5100;
	v40 =	vperm.xlane v17, v0;
	v20 =	vadd.s32 v3, v39  }
0x169: {  	[tilespmem:s12], [sflag:$0x2] =	stream.indirect_vreg.gather [hbm4b:s6+s2], $0x80, v18, vm0, $0xb8;
	[tilespmem:$0x19900] =	vst v63  }
0x16a: {  	s23 =	simm.s32 $0x5180;
	v41 =	vperm.xlane v17, v6;
	v18 =	vadd.s32 v3, v40  }
0x16b: {  	[tilespmem:s23], [sflag:$0x2] =	stream.indirect_vreg.gather [hbm4b:s6+s2], $0x80, v19, vm0, $0xb8;
	[tilespmem:$0x19900] =	vst v63  }
0x16c: {  	v42 =	vperm.xlane v17, v7;
	s12 =	simm.s32 $0x5200;
	v19 =	vadd.s32 v3, v41  }
0x16d: {  	[tilespmem:s12], [sflag:$0x2] =	stream.indirect_vreg.gather [hbm4b:s6+s2], $0x80, v20, vm0, $0xb8;
	[tilespmem:$0x19900] =	vst v63  }
0x16e: {  	v44 =	vperm.xlane v17, v8;
	v43 =	vadd.s32 v3, v42;
	s23 =	simm.s32 $0x5280  }
0x16f: {  	[tilespmem:s23], [sflag:$0x2] =	stream.indirect_vreg.gather [hbm4b:s6+s2], $0x80, v18, vm0, $0xb8;
	[tilespmem:$0x19900] =	vst v63  }
0x170: {  	v45 =	vperm.xlane v17, v1;
	s12 =	simm.s32 $0x5300;
	v18 =	vadd.s32 v3, v44  }
0x171: {  	[tilespmem:s12], [sflag:$0x2] =	stream.indirect_vreg.gather [hbm4b:s6+s2], $0x80, v19, vm0, $0xb8;
	[tilespmem:$0x19900] =	vst v63  }
0x172: {  	v46 =	vperm.xlane v17, v9;
	s23 =	simm.s32 $0x5380;
	v19 =	vadd.s32 v3, v45  }
0x173: {  	[tilespmem:s23], [sflag:$0x2] =	stream.indirect_vreg.gather [hbm4b:s6+s2], $0x80, v43, vm0, $0xb8;
	[tilespmem:$0x19900] =	vst v63  }
0x174: {  	v48 =	vperm.xlane v17, v10;
	v47 =	vadd.s32 v3, v46;
	s12 =	simm.s32 $0x5400  }
0x175: {  	[tilespmem:s12], [sflag:$0x2] =	stream.indirect_vreg.gather [hbm4b:s6+s2], $0x80, v18, vm0, $0xb8;
	[tilespmem:$0x19900] =	vst v63  }
0x176: {  	v49 =	vperm.xlane v17, v11;
	s23 =	simm.s32 $0x5480;
	v18 =	vadd.s32 v3, v48  }
0x177: {  	[tilespmem:s23], [sflag:$0x2] =	stream.indirect_vreg.gather [hbm4b:s6+s2], $0x80, v19, vm0, $0xb8;
	[tilespmem:$0x19900] =	vst v63  }
0x178: {  	v50 =	vperm.xlane v17, v12;
	s12 =	simm.s32 $0x5500;
	v19 =	vadd.s32 v3, v49  }
0x179: {  	[tilespmem:s12], [sflag:$0x2] =	stream.indirect_vreg.gather [hbm4b:s6+s2], $0x80, v47, vm0, $0xb8;
	[tilespmem:$0x19900] =	vst v63  }
0x17a: {  	v52 =	vperm.xlane v17, v13;
	v51 =	vadd.s32 v3, v50;
	s23 =	simm.s32 $0x5580  }
0x17b: {  	[tilespmem:s23], [sflag:$0x2] =	stream.indirect_vreg.gather [hbm4b:s6+s2], $0x80, v18, vm0, $0xb8;
	[tilespmem:$0x19900] =	vst v63  }
0x17c: {  	v53 =	vperm.xlane v17, v14;
	s12 =	simm.s32 $0x5600;
	v18 =	vadd.s32 v3, v52  }
0x17d: {  	[tilespmem:s12], [sflag:$0x2] =	stream.indirect_vreg.gather [hbm4b:s6+s2], $0x80, v19, vm0, $0xb8;
	[tilespmem:$0x19900] =	vst v63  }
0x17e: {  	v54 =	vperm.xlane v17, v15;
	s23 =	simm.s32 $0x5680;
	v19 =	vadd.s32 v3, v53  }
0x17f: {  	[tilespmem:s23], [sflag:$0x2] =	stream.indirect_vreg.gather [hbm4b:s6+s2], $0x80, v51, vm0, $0xb8;
	[tilespmem:$0x19900] =	vst v63  }
0x180: {  	v17 =	vperm.xlane v17, v16;
	v55 =	vadd.s32 v3, v54;
	s12 =	simm.s32 $0x5700  }
0x181: {  	[tilespmem:s12], [sflag:$0x2] =	stream.indirect_vreg.gather [hbm4b:s6+s2], $0x80, v18, vm0, $0xb8;
	[tilespmem:$0x19900] =	vst v63  }
0x182: {  	v17 =	vadd.s32 v3, v17;
	s23 =	simm.s32 $0x5780  }
0x183: {  	[tilespmem:s23], [sflag:$0x2] =	stream.indirect_vreg.gather [hbm4b:s6+s2], $0x80, v19, vm0, $0xb8;
	[tilespmem:$0x19900] =	vst v63  }
0x184: {  	s12 =	simm.s32 $0x5800  }
0x185: {  	[tilespmem:s12], [sflag:$0x2] =	stream.indirect_vreg.gather [hbm4b:s6+s2], $0x80, v55, vm0, $0xb8;
	[tilespmem:$0x19900] =	vst v63  }
0x186: {  	s23 =	simm.s32 $0x5880  }
0x187: {  	[tilespmem:s23], [sflag:$0x2] =	stream.indirect_vreg.gather [hbm4b:s6+s2], $0x80, v17, vm0, $0xb8;
	[tilespmem:$0x19900] =	vst v63  }
0x188: {  	_ = 	snop  }
0x189: {  	[tilespmem:s25], [sflag:$0x3] =	stream.indirect.gather [hbm4b:s4+s7], $0x80, s2, s7, $0xb8;
	[tilespmem:$0x19900] =	vst v63  }
0x18a: {  	v17 =	vld [tilespmem:$0x40];
	_ =	sdelay $0x4  }
0x18b: {  	v18 =	vshrl.u32 v17, $0x3  }
0x18c: {  	v18 =	vmul.u32 $0x18, v18  }
0x18d: {  	v17 =	vand.u32 $0x7, v17  }
0x18e: {  	v17 =	vor.u32 v17, v18  }
0x18f: {  	v18 =	vperm.xlane v17, v2;
	_ =	sdelay $0x1  }
0x190: {  	v19 =	vperm.xlane v17, v4;
	v18 =	vadd.s32 v3, v18;
	_ =	sdelay $0x1  }
0x191: {  	v56 =	vperm.xlane v17, v5;
	v19 =	vadd.s32 v3, v19;
	_ =	sdelay $0x1  }
0x192: {  	v57 =	vperm.xlane v17, v0;
	v20 =	vadd.s32 v3, v56  }
0x193: {  	[tilespmem:s28], [sflag:$0x4] =	stream.indirect_vreg.gather [hbm4b:s3+s2], $0x80, v18, vm0, $0xb8;
	[tilespmem:$0x19900] =	vst v63  }
0x194: {  	v58 =	vperm.xlane v17, v6;
	v18 =	vadd.s32 v3, v57;
	s28 =	simm.s32 $0x7980  }
0x195: {  	[tilespmem:s28], [sflag:$0x4] =	stream.indirect_vreg.gather [hbm4b:s3+s2], $0x80, v19, vm0, $0xb8;
	[tilespmem:$0x19900] =	vst v63  }
0x196: {  	s12 =	simm.s32 $0x7A00;
	v59 =	vperm.xlane v17, v7;
	v19 =	vadd.s32 v3, v58  }
0x197: {  	[tilespmem:s12], [sflag:$0x4] =	stream.indirect_vreg.gather [hbm4b:s3+s2], $0x80, v20, vm0, $0xb8;
	[tilespmem:$0x19900] =	vst v63  }
0x198: {  	s23 =	simm.s32 $0x7A80;
	v61 =	vperm.xlane v17, v8;
	v60 =	vadd.s32 v3, v59  }
0x199: {  	[tilespmem:s23], [sflag:$0x4] =	stream.indirect_vreg.gather [hbm4b:s3+s2], $0x80, v18, vm0, $0xb8;
	[tilespmem:$0x19900] =	vst v63  }
0x19a: {  	s25 =	simm.s32 $0x7B00;
	v62 =	vperm.xlane v17, v1;
	v18 =	vadd.s32 v3, v61  }
0x19b: {  	[tilespmem:s25], [sflag:$0x4] =	stream.indirect_vreg.gather [hbm4b:s3+s2], $0x80, v19, vm0, $0xb8;
	[tilespmem:$0x19900] =	vst v63  }
0x19c: {  	v63 =	vperm.xlane v17, v9;
	s28 =	simm.s32 $0x7B80;
	v19 =	vadd.s32 v3, v62  }
0x19d: {  	[tilespmem:s28], [sflag:$0x4] =	stream.indirect_vreg.gather [hbm4b:s3+s2], $0x80, v60, vm0, $0xb8;
	[tilespmem:$0x19900] =	vst v63  }
0x19e: {  	v25 =	vperm.xlane v17, v10;
	v24 =	vadd.s32 v3, v63;
	s12 =	simm.s32 $0x7C00  }
0x19f: {  	[tilespmem:s12], [sflag:$0x4] =	stream.indirect_vreg.gather [hbm4b:s3+s2], $0x80, v18, vm0, $0xb8;
	[tilespmem:$0x19900] =	vst v63  }
0x1a0: {  	v26 =	vperm.xlane v17, v11;
	s23 =	simm.s32 $0x7C80;
	v18 =	vadd.s32 v3, v25  }
0x1a1: {  	[tilespmem:s23], [sflag:$0x4] =	stream.indirect_vreg.gather [hbm4b:s3+s2], $0x80, v19, vm0, $0xb8;
	[tilespmem:$0x19900] =	vst v63  }
0x1a2: {  	v27 =	vperm.xlane v17, v12;
	s25 =	simm.s32 $0x7D00;
	v19 =	vadd.s32 v3, v26  }
0x1a3: {  	[tilespmem:s25], [sflag:$0x4] =	stream.indirect_vreg.gather [hbm4b:s3+s2], $0x80, v24, vm0, $0xb8;
	[tilespmem:$0x19900] =	vst v63  }
0x1a4: {  	v29 =	vperm.xlane v17, v13;
	v28 =	vadd.s32 v3, v27;
	s28 =	simm.s32 $0x7D80  }
0x1a5: {  	[tilespmem:s28], [sflag:$0x4] =	stream.indirect_vreg.gather [hbm4b:s3+s2], $0x80, v18, vm0, $0xb8;
	[tilespmem:$0x19900] =	vst v63  }
0x1a6: {  	v30 =	vperm.xlane v17, v14;
	s12 =	simm.s32 $0x7E00;
	v18 =	vadd.s32 v3, v29  }
0x1a7: {  	[tilespmem:s12], [sflag:$0x4] =	stream.indirect_vreg.gather [hbm4b:s3+s2], $0x80, v19, vm0, $0xb8;
	[tilespmem:$0x19900] =	vst v63  }
0x1a8: {  	v31 =	vperm.xlane v17, v15;
	s23 =	simm.s32 $0x7E80;
	v19 =	vadd.s32 v3, v30  }
0x1a9: {  	[tilespmem:s23], [sflag:$0x4] =	stream.indirect_vreg.gather [hbm4b:s3+s2], $0x80, v28, vm0, $0xb8;
	[tilespmem:$0x19900] =	vst v63  }
0x1aa: {  	v17 =	vperm.xlane v17, v16;
	v32 =	vadd.s32 v3, v31;
	s25 =	simm.s32 $0x7F00  }
0x1ab: {  	[tilespmem:s25], [sflag:$0x4] =	stream.indirect_vreg.gather [hbm4b:s3+s2], $0x80, v18, vm0, $0xb8;
	[tilespmem:$0x19900] =	vst v63  }
0x1ac: {  	v17 =	vadd.s32 v3, v17;
	s28 =	simm.s32 $0x7F80  }
0x1ad: {  	[tilespmem:s28], [sflag:$0x4] =	stream.indirect_vreg.gather [hbm4b:s3+s2], $0x80, v19, vm0, $0xb8;
	[tilespmem:$0x19900] =	vst v63  }
0x1ae: {  	s12 =	simm.s32 $0x8000  }
0x1af: {  	[tilespmem:s12], [sflag:$0x4] =	stream.indirect_vreg.gather [hbm4b:s3+s2], $0x80, v32, vm0, $0xb8;
	[tilespmem:$0x19900] =	vst v63  }
0x1b0: {  	s23 =	simm.s32 $0x8080  }
0x1b1: {  	[tilespmem:s23], [sflag:$0x4] =	stream.indirect_vreg.gather [hbm4b:s3+s2], $0x80, v17, vm0, $0xb8;
	[tilespmem:$0x19900] =	vst v63  }
0x1b2: {  	v17 =	vld [tilespmem:$0x50];
	_ =	sdelay $0x4  }
0x1b3: {  	v18 =	vshrl.u32 v17, $0x3  }
0x1b4: {  	v18 =	vmul.u32 $0x18, v18  }
0x1b5: {  	v17 =	vand.u32 $0x7, v17  }
0x1b6: {  	v17 =	vor.u32 v17, v18  }
0x1b7: {  	v18 =	vperm.xlane v17, v2;
	_ =	sdelay $0x1  }
0x1b8: {  	v19 =	vperm.xlane v17, v4;
	v18 =	vadd.s32 v3, v18;
	_ =	sdelay $0x1  }
0x1b9: {  	v33 =	vperm.xlane v17, v5;
	v19 =	vadd.s32 v3, v19;
	_ =	sdelay $0x1  }
0x1ba: {  	s25 =	simm.s32 $0x8100;
	v34 =	vperm.xlane v17, v0;
	v20 =	vadd.s32 v3, v33  }
0x1bb: {  	[tilespmem:s25], [sflag:$0x4] =	stream.indirect_vreg.gather [hbm4b:s3+s2], $0x80, v18, vm0, $0xb8;
	[tilespmem:$0x19900] =	vst v63  }
0x1bc: {  	s28 =	simm.s32 $0x8180;
	v35 =	vperm.xlane v17, v6;
	v18 =	vadd.s32 v3, v34  }
0x1bd: {  	[tilespmem:s28], [sflag:$0x4] =	stream.indirect_vreg.gather [hbm4b:s3+s2], $0x80, v19, vm0, $0xb8;
	[tilespmem:$0x19900] =	vst v63  }
0x1be: {  	s12 =	simm.s32 $0x8200;
	v36 =	vperm.xlane v17, v7;
	v19 =	vadd.s32 v3, v35  }
0x1bf: {  	[tilespmem:s12], [sflag:$0x4] =	stream.indirect_vreg.gather [hbm4b:s3+s2], $0x80, v20, vm0, $0xb8;
	[tilespmem:$0x19900] =	vst v63  }
0x1c0: {  	s23 =	simm.s32 $0x8280;
	v38 =	vperm.xlane v17, v8;
	v37 =	vadd.s32 v3, v36  }
0x1c1: {  	[tilespmem:s23], [sflag:$0x4] =	stream.indirect_vreg.gather [hbm4b:s3+s2], $0x80, v18, vm0, $0xb8;
	[tilespmem:$0x19900] =	vst v63  }
0x1c2: {  	v39 =	vperm.xlane v17, v1;
	s25 =	simm.s32 $0x8300;
	v18 =	vadd.s32 v3, v38  }
0x1c3: {  	[tilespmem:s25], [sflag:$0x4] =	stream.indirect_vreg.gather [hbm4b:s3+s2], $0x80, v19, vm0, $0xb8;
	[tilespmem:$0x19900] =	vst v63  }
0x1c4: {  	v40 =	vperm.xlane v17, v9;
	s28 =	simm.s32 $0x8380;
	v19 =	vadd.s32 v3, v39  }
0x1c5: {  	[tilespmem:s28], [sflag:$0x4] =	stream.indirect_vreg.gather [hbm4b:s3+s2], $0x80, v37, vm0, $0xb8;
	[tilespmem:$0x19900] =	vst v63  }
0x1c6: {  	v42 =	vperm.xlane v17, v10;
	v41 =	vadd.s32 v3, v40;
	s12 =	simm.s32 $0x8400  }
0x1c7: {  	[tilespmem:s12], [sflag:$0x4] =	stream.indirect_vreg.gather [hbm4b:s3+s2], $0x80, v18, vm0, $0xb8;
	[tilespmem:$0x19900] =	vst v63  }
0x1c8: {  	v43 =	vperm.xlane v17, v11;
	s23 =	simm.s32 $0x8480;
	v18 =	vadd.s32 v3, v42  }
0x1c9: {  	[tilespmem:s23], [sflag:$0x4] =	stream.indirect_vreg.gather [hbm4b:s3+s2], $0x80, v19, vm0, $0xb8;
	[tilespmem:$0x19900] =	vst v63  }
0x1ca: {  	v44 =	vperm.xlane v17, v12;
	s25 =	simm.s32 $0x8500;
	v19 =	vadd.s32 v3, v43  }
0x1cb: {  	[tilespmem:s25], [sflag:$0x4] =	stream.indirect_vreg.gather [hbm4b:s3+s2], $0x80, v41, vm0, $0xb8;
	[tilespmem:$0x19900] =	vst v63  }
0x1cc: {  	v46 =	vperm.xlane v17, v13;
	v45 =	vadd.s32 v3, v44;
	s28 =	simm.s32 $0x8580  }
0x1cd: {  	[tilespmem:s28], [sflag:$0x4] =	stream.indirect_vreg.gather [hbm4b:s3+s2], $0x80, v18, vm0, $0xb8;
	[tilespmem:$0x19900] =	vst v63  }
0x1ce: {  	v47 =	vperm.xlane v17, v14;
	s12 =	simm.s32 $0x8600;
	v18 =	vadd.s32 v3, v46  }
0x1cf: {  	[tilespmem:s12], [sflag:$0x4] =	stream.indirect_vreg.gather [hbm4b:s3+s2], $0x80, v19, vm0, $0xb8;
	[tilespmem:$0x19900] =	vst v63  }
0x1d0: {  	v48 =	vperm.xlane v17, v15;
	s23 =	simm.s32 $0x8680;
	v19 =	vadd.s32 v3, v47  }
0x1d1: {  	[tilespmem:s23], [sflag:$0x4] =	stream.indirect_vreg.gather [hbm4b:s3+s2], $0x80, v45, vm0, $0xb8;
	[tilespmem:$0x19900] =	vst v63  }
0x1d2: {  	v17 =	vperm.xlane v17, v16;
	v49 =	vadd.s32 v3, v48;
	s25 =	simm.s32 $0x8700  }
0x1d3: {  	[tilespmem:s25], [sflag:$0x4] =	stream.indirect_vreg.gather [hbm4b:s3+s2], $0x80, v18, vm0, $0xb8;
	[tilespmem:$0x19900] =	vst v63  }
0x1d4: {  	v17 =	vadd.s32 v3, v17;
	s28 =	simm.s32 $0x8780  }
0x1d5: {  	[tilespmem:s28], [sflag:$0x4] =	stream.indirect_vreg.gather [hbm4b:s3+s2], $0x80, v19, vm0, $0xb8;
	[tilespmem:$0x19900] =	vst v63  }
0x1d6: {  	s12 =	simm.s32 $0x8800  }
0x1d7: {  	[tilespmem:s12], [sflag:$0x4] =	stream.indirect_vreg.gather [hbm4b:s3+s2], $0x80, v49, vm0, $0xb8;
	[tilespmem:$0x19900] =	vst v63  }
0x1d8: {  	s23 =	simm.s32 $0x8880  }
0x1d9: {  	[tilespmem:s23], [sflag:$0x4] =	stream.indirect_vreg.gather [hbm4b:s3+s2], $0x80, v17, vm0, $0xb8;
	[tilespmem:$0x19900] =	vst v63  }
0x1da: {  	v17 =	vld [tilespmem:$0x60];
	_ =	sdelay $0x4  }
0x1db: {  	v18 =	vshrl.u32 v17, $0x3  }
0x1dc: {  	v18 =	vmul.u32 $0x18, v18  }
0x1dd: {  	v17 =	vand.u32 $0x7, v17  }
0x1de: {  	v17 =	vor.u32 v17, v18  }
0x1df: {  	v18 =	vperm.xlane v17, v2;
	_ =	sdelay $0x1  }
0x1e0: {  	v19 =	vperm.xlane v17, v4;
	v18 =	vadd.s32 v3, v18;
	_ =	sdelay $0x1  }
0x1e1: {  	v50 =	vperm.xlane v17, v5;
	v19 =	vadd.s32 v3, v19;
	_ =	sdelay $0x1  }
0x1e2: {  	s25 =	simm.s32 $0x8900;
	v51 =	vperm.xlane v17, v0;
	v20 =	vadd.s32 v3, v50  }
0x1e3: {  	[tilespmem:s25], [sflag:$0x4] =	stream.indirect_vreg.gather [hbm4b:s3+s2], $0x80, v18, vm0, $0xb8;
	[tilespmem:$0x19900] =	vst v63  }
0x1e4: {  	s28 =	simm.s32 $0x8980;
	v52 =	vperm.xlane v17, v6;
	v18 =	vadd.s32 v3, v51  }
0x1e5: {  	[tilespmem:s28], [sflag:$0x4] =	stream.indirect_vreg.gather [hbm4b:s3+s2], $0x80, v19, vm0, $0xb8;
	[tilespmem:$0x19900] =	vst v63  }
0x1e6: {  	s12 =	simm.s32 $0x8A00;
	v53 =	vperm.xlane v17, v7;
	v19 =	vadd.s32 v3, v52  }
0x1e7: {  	[tilespmem:s12], [sflag:$0x4] =	stream.indirect_vreg.gather [hbm4b:s3+s2], $0x80, v20, vm0, $0xb8;
	[tilespmem:$0x19900] =	vst v63  }
0x1e8: {  	s23 =	simm.s32 $0x8A80;
	v55 =	vperm.xlane v17, v8;
	v54 =	vadd.s32 v3, v53  }
0x1e9: {  	[tilespmem:s23], [sflag:$0x4] =	stream.indirect_vreg.gather [hbm4b:s3+s2], $0x80, v18, vm0, $0xb8;
	[tilespmem:$0x19900] =	vst v63  }
0x1ea: {  	v56 =	vperm.xlane v17, v1;
	s25 =	simm.s32 $0x8B00;
	v18 =	vadd.s32 v3, v55  }
0x1eb: {  	[tilespmem:s25], [sflag:$0x4] =	stream.indirect_vreg.gather [hbm4b:s3+s2], $0x80, v19, vm0, $0xb8;
	[tilespmem:$0x19900] =	vst v63  }
0x1ec: {  	v57 =	vperm.xlane v17, v9;
	s28 =	simm.s32 $0x8B80;
	v19 =	vadd.s32 v3, v56  }
0x1ed: {  	[tilespmem:s28], [sflag:$0x4] =	stream.indirect_vreg.gather [hbm4b:s3+s2], $0x80, v54, vm0, $0xb8;
	[tilespmem:$0x19900] =	vst v63  }
0x1ee: {  	v59 =	vperm.xlane v17, v10;
	v58 =	vadd.s32 v3, v57;
	s12 =	simm.s32 $0x8C00  }
0x1ef: {  	[tilespmem:s12], [sflag:$0x4] =	stream.indirect_vreg.gather [hbm4b:s3+s2], $0x80, v18, vm0, $0xb8;
	[tilespmem:$0x19900] =	vst v63  }
0x1f0: {  	v60 =	vperm.xlane v17, v11;
	s23 =	simm.s32 $0x8C80;
	v18 =	vadd.s32 v3, v59  }
0x1f1: {  	[tilespmem:s23], [sflag:$0x4] =	stream.indirect_vreg.gather [hbm4b:s3+s2], $0x80, v19, vm0, $0xb8;
	[tilespmem:$0x19900] =	vst v63  }
0x1f2: {  	v61 =	vperm.xlane v17, v12;
	s25 =	simm.s32 $0x8D00;
	v19 =	vadd.s32 v3, v60  }
0x1f3: {  	[tilespmem:s25], [sflag:$0x4] =	stream.indirect_vreg.gather [hbm4b:s3+s2], $0x80, v58, vm0, $0xb8;
	[tilespmem:$0x19900] =	vst v63  }
0x1f4: {  	v63 =	vperm.xlane v17, v13;
	v62 =	vadd.s32 v3, v61;
	s28 =	simm.s32 $0x8D80  }
0x1f5: {  	[tilespmem:s28], [sflag:$0x4] =	stream.indirect_vreg.gather [hbm4b:s3+s2], $0x80, v18, vm0, $0xb8;
	[tilespmem:$0x19900] =	vst v63  }
0x1f6: {  	v24 =	vperm.xlane v17, v14;
	s12 =	simm.s32 $0x8E00;
	v18 =	vadd.s32 v3, v63  }
0x1f7: {  	[tilespmem:s12], [sflag:$0x4] =	stream.indirect_vreg.gather [hbm4b:s3+s2], $0x80, v19, vm0, $0xb8;
	[tilespmem:$0x19900] =	vst v63  }
0x1f8: {  	v25 =	vperm.xlane v17, v15;
	s23 =	simm.s32 $0x8E80;
	v19 =	vadd.s32 v3, v24  }
0x1f9: {  	[tilespmem:s23], [sflag:$0x4] =	stream.indirect_vreg.gather [hbm4b:s3+s2], $0x80, v62, vm0, $0xb8;
	[tilespmem:$0x19900] =	vst v63  }
0x1fa: {  	v17 =	vperm.xlane v17, v16;
	v26 =	vadd.s32 v3, v25;
	s25 =	simm.s32 $0x8F00  }
0x1fb: {  	[tilespmem:s25], [sflag:$0x4] =	stream.indirect_vreg.gather [hbm4b:s3+s2], $0x80, v18, vm0, $0xb8;
	[tilespmem:$0x19900] =	vst v63  }
0x1fc: {  	v17 =	vadd.s32 v3, v17;
	s28 =	simm.s32 $0x8F80  }
0x1fd: {  	[tilespmem:s28], [sflag:$0x4] =	stream.indirect_vreg.gather [hbm4b:s3+s2], $0x80, v19, vm0, $0xb8;
	[tilespmem:$0x19900] =	vst v63  }
0x1fe: {  	s12 =	simm.s32 $0x9000  }
0x1ff: {  	[tilespmem:s12], [sflag:$0x4] =	stream.indirect_vreg.gather [hbm4b:s3+s2], $0x80, v26, vm0, $0xb8;
	[tilespmem:$0x19900] =	vst v63  }
0x200: {  	s23 =	simm.s32 $0x9080  }
0x201: {  	[tilespmem:s23], [sflag:$0x4] =	stream.indirect_vreg.gather [hbm4b:s3+s2], $0x80, v17, vm0, $0xb8;
	[tilespmem:$0x19900] =	vst v63  }
0x202: {  	v17 =	vld [tilespmem:$0x70];
	_ =	sdelay $0x4  }
0x203: {  	v18 =	vshrl.u32 v17, $0x3  }
0x204: {  	v18 =	vmul.u32 $0x18, v18  }
0x205: {  	v17 =	vand.u32 $0x7, v17  }
0x206: {  	v17 =	vor.u32 v17, v18  }
0x207: {  	v18 =	vperm.xlane v17, v2;
	_ =	sdelay $0x1  }
0x208: {  	v19 =	vperm.xlane v17, v4;
	v18 =	vadd.s32 v3, v18;
	_ =	sdelay $0x1  }
0x209: {  	v27 =	vperm.xlane v17, v5;
	v19 =	vadd.s32 v3, v19;
	_ =	sdelay $0x1  }
0x20a: {  	s25 =	simm.s32 $0x9100;
	v28 =	vperm.xlane v17, v0;
	v20 =	vadd.s32 v3, v27  }
0x20b: {  	[tilespmem:s25], [sflag:$0x4] =	stream.indirect_vreg.gather [hbm4b:s3+s2], $0x80, v18, vm0, $0xb8;
	[tilespmem:$0x19900] =	vst v63  }
0x20c: {  	s28 =	simm.s32 $0x9180;
	v29 =	vperm.xlane v17, v6;
	v18 =	vadd.s32 v3, v28  }
0x20d: {  	[tilespmem:s28], [sflag:$0x4] =	stream.indirect_vreg.gather [hbm4b:s3+s2], $0x80, v19, vm0, $0xb8;
	[tilespmem:$0x19900] =	vst v63  }
0x20e: {  	s12 =	simm.s32 $0x9200;
	v30 =	vperm.xlane v17, v7;
	v19 =	vadd.s32 v3, v29  }
0x20f: {  	[tilespmem:s12], [sflag:$0x4] =	stream.indirect_vreg.gather [hbm4b:s3+s2], $0x80, v20, vm0, $0xb8;
	[tilespmem:$0x19900] =	vst v63  }
0x210: {  	s23 =	simm.s32 $0x9280;
	v32 =	vperm.xlane v17, v8;
	v31 =	vadd.s32 v3, v30  }
0x211: {  	[tilespmem:s23], [sflag:$0x4] =	stream.indirect_vreg.gather [hbm4b:s3+s2], $0x80, v18, vm0, $0xb8;
	[tilespmem:$0x19900] =	vst v63  }
0x212: {  	v33 =	vperm.xlane v17, v1;
	s25 =	simm.s32 $0x9300;
	v18 =	vadd.s32 v3, v32  }
0x213: {  	[tilespmem:s25], [sflag:$0x4] =	stream.indirect_vreg.gather [hbm4b:s3+s2], $0x80, v19, vm0, $0xb8;
	[tilespmem:$0x19900] =	vst v63  }
0x214: {  	v34 =	vperm.xlane v17, v9;
	s28 =	simm.s32 $0x9380;
	v19 =	vadd.s32 v3, v33  }
0x215: {  	[tilespmem:s28], [sflag:$0x4] =	stream.indirect_vreg.gather [hbm4b:s3+s2], $0x80, v31, vm0, $0xb8;
	[tilespmem:$0x19900] =	vst v63  }
0x216: {  	v36 =	vperm.xlane v17, v10;
	v35 =	vadd.s32 v3, v34;
	s12 =	simm.s32 $0x9400  }
0x217: {  	[tilespmem:s12], [sflag:$0x4] =	stream.indirect_vreg.gather [hbm4b:s3+s2], $0x80, v18, vm0, $0xb8;
	[tilespmem:$0x19900] =	vst v63  }
0x218: {  	v37 =	vperm.xlane v17, v11;
	s23 =	simm.s32 $0x9480;
	v18 =	vadd.s32 v3, v36  }
0x219: {  	[tilespmem:s23], [sflag:$0x4] =	stream.indirect_vreg.gather [hbm4b:s3+s2], $0x80, v19, vm0, $0xb8;
	[tilespmem:$0x19900] =	vst v63  }
0x21a: {  	v38 =	vperm.xlane v17, v12;
	s25 =	simm.s32 $0x9500;
	v19 =	vadd.s32 v3, v37  }
0x21b: {  	[tilespmem:s25], [sflag:$0x4] =	stream.indirect_vreg.gather [hbm4b:s3+s2], $0x80, v35, vm0, $0xb8;
	[tilespmem:$0x19900] =	vst v63  }
0x21c: {  	v40 =	vperm.xlane v17, v13;
	v39 =	vadd.s32 v3, v38;
	s28 =	simm.s32 $0x9580  }
0x21d: {  	[tilespmem:s28], [sflag:$0x4] =	stream.indirect_vreg.gather [hbm4b:s3+s2], $0x80, v18, vm0, $0xb8;
	[tilespmem:$0x19900] =	vst v63  }
0x21e: {  	v41 =	vperm.xlane v17, v14;
	s12 =	simm.s32 $0x9600;
	v18 =	vadd.s32 v3, v40  }
0x21f: {  	[tilespmem:s12], [sflag:$0x4] =	stream.indirect_vreg.gather [hbm4b:s3+s2], $0x80, v19, vm0, $0xb8;
	[tilespmem:$0x19900] =	vst v63  }
0x220: {  	v42 =	vperm.xlane v17, v15;
	s23 =	simm.s32 $0x9680;
	v19 =	vadd.s32 v3, v41  }
0x221: {  	[tilespmem:s23], [sflag:$0x4] =	stream.indirect_vreg.gather [hbm4b:s3+s2], $0x80, v39, vm0, $0xb8;
	[tilespmem:$0x19900] =	vst v63  }
0x222: {  	v17 =	vperm.xlane v17, v16;
	v43 =	vadd.s32 v3, v42;
	s25 =	simm.s32 $0x9700  }
0x223: {  	[tilespmem:s25], [sflag:$0x4] =	stream.indirect_vreg.gather [hbm4b:s3+s2], $0x80, v18, vm0, $0xb8;
	[tilespmem:$0x19900] =	vst v63  }
0x224: {  	v17 =	vadd.s32 v3, v17;
	s28 =	simm.s32 $0x9780  }
0x225: {  	[tilespmem:s28], [sflag:$0x4] =	stream.indirect_vreg.gather [hbm4b:s3+s2], $0x80, v19, vm0, $0xb8;
	[tilespmem:$0x19900] =	vst v63  }
0x226: {  	s12 =	simm.s32 $0x9800  }
0x227: {  	[tilespmem:s12], [sflag:$0x4] =	stream.indirect_vreg.gather [hbm4b:s3+s2], $0x80, v43, vm0, $0xb8;
	[tilespmem:$0x19900] =	vst v63  }
0x228: {  	s23 =	simm.s32 $0x9880  }
0x229: {  	[tilespmem:s23], [sflag:$0x4] =	stream.indirect_vreg.gather [hbm4b:s3+s2], $0x80, v17, vm0, $0xb8;
	[tilespmem:$0x19900] =	vst v63  }
0x22a: {  	v17 =	vld [tilespmem:$0x40];
	_ =	sdelay $0x4  }
0x22b: {  	v18 =	vshrl.u32 v17, $0x3  }
0x22c: {  	v18 =	vmul.u32 $0x18, v18  }
0x22d: {  	v17 =	vand.u32 $0x7, v17  }
0x22e: {  	v17 =	vor.u32 v17, v18  }
0x22f: {  	v18 =	vperm.xlane v17, v2;
	_ =	sdelay $0x1  }
0x230: {  	v19 =	vperm.xlane v17, v4;
	v18 =	vadd.s32 v3, v18;
	_ =	sdelay $0x1  }
0x231: {  	v44 =	vperm.xlane v17, v5;
	v19 =	vadd.s32 v3, v19;
	_ =	sdelay $0x1  }
0x232: {  	v45 =	vperm.xlane v17, v0;
	v20 =	vadd.s32 v3, v44  }
0x233: {  	[tilespmem:s8], [sflag:$0x5] =	stream.indirect_vreg.gather [hbm4b:s6+s2], $0x80, v18, vm0, $0xb8;
	[tilespmem:$0x19900] =	vst v63  }
0x234: {  	s25 =	simm.s32 $0x9980;
	v46 =	vperm.xlane v17, v6;
	v18 =	vadd.s32 v3, v45  }
0x235: {  	[tilespmem:s25], [sflag:$0x5] =	stream.indirect_vreg.gather [hbm4b:s6+s2], $0x80, v19, vm0, $0xb8;
	[tilespmem:$0x19900] =	vst v63  }
0x236: {  	s28 =	simm.s32 $0x9A00;
	v47 =	vperm.xlane v17, v7;
	v19 =	vadd.s32 v3, v46  }
0x237: {  	[tilespmem:s28], [sflag:$0x5] =	stream.indirect_vreg.gather [hbm4b:s6+s2], $0x80, v20, vm0, $0xb8;
	[tilespmem:$0x19900] =	vst v63  }
0x238: {  	s12 =	simm.s32 $0x9A80;
	v49 =	vperm.xlane v17, v8;
	v48 =	vadd.s32 v3, v47  }
0x239: {  	[tilespmem:s12], [sflag:$0x5] =	stream.indirect_vreg.gather [hbm4b:s6+s2], $0x80, v18, vm0, $0xb8;
	[tilespmem:$0x19900] =	vst v63  }
0x23a: {  	s16 =	simm.s32 $0x9B00;
	v50 =	vperm.xlane v17, v1;
	v18 =	vadd.s32 v3, v49  }
0x23b: {  	[tilespmem:s16], [sflag:$0x5] =	stream.indirect_vreg.gather [hbm4b:s6+s2], $0x80, v19, vm0, $0xb8;
	[tilespmem:$0x19900] =	vst v63  }
0x23c: {  	s23 =	simm.s32 $0x9B80;
	v51 =	vperm.xlane v17, v9;
	v19 =	vadd.s32 v3, v50  }
0x23d: {  	[tilespmem:s23], [sflag:$0x5] =	stream.indirect_vreg.gather [hbm4b:s6+s2], $0x80, v48, vm0, $0xb8;
	[tilespmem:$0x19900] =	vst v63  }
0x23e: {  	v53 =	vperm.xlane v17, v10;
	v52 =	vadd.s32 v3, v51;
	s25 =	simm.s32 $0x9C00  }
0x23f: {  	[tilespmem:s25], [sflag:$0x5] =	stream.indirect_vreg.gather [hbm4b:s6+s2], $0x80, v18, vm0, $0xb8;
	[tilespmem:$0x19900] =	vst v63  }
0x240: {  	v54 =	vperm.xlane v17, v11;
	s28 =	simm.s32 $0x9C80;
	v18 =	vadd.s32 v3, v53  }
0x241: {  	[tilespmem:s28], [sflag:$0x5] =	stream.indirect_vreg.gather [hbm4b:s6+s2], $0x80, v19, vm0, $0xb8;
	[tilespmem:$0x19900] =	vst v63  }
0x242: {  	v55 =	vperm.xlane v17, v12;
	s12 =	simm.s32 $0x9D00;
	v19 =	vadd.s32 v3, v54  }
0x243: {  	[tilespmem:s12], [sflag:$0x5] =	stream.indirect_vreg.gather [hbm4b:s6+s2], $0x80, v52, vm0, $0xb8;
	[tilespmem:$0x19900] =	vst v63  }
0x244: {  	v57 =	vperm.xlane v17, v13;
	v56 =	vadd.s32 v3, v55;
	s16 =	simm.s32 $0x9D80  }
0x245: {  	[tilespmem:s16], [sflag:$0x5] =	stream.indirect_vreg.gather [hbm4b:s6+s2], $0x80, v18, vm0, $0xb8;
	[tilespmem:$0x19900] =	vst v63  }
0x246: {  	v58 =	vperm.xlane v17, v14;
	s23 =	simm.s32 $0x9E00;
	v18 =	vadd.s32 v3, v57  }
0x247: {  	[tilespmem:s23], [sflag:$0x5] =	stream.indirect_vreg.gather [hbm4b:s6+s2], $0x80, v19, vm0, $0xb8;
	[tilespmem:$0x19900] =	vst v63  }
0x248: {  	v59 =	vperm.xlane v17, v15;
	s25 =	simm.s32 $0x9E80;
	v19 =	vadd.s32 v3, v58  }
0x249: {  	[tilespmem:s25], [sflag:$0x5] =	stream.indirect_vreg.gather [hbm4b:s6+s2], $0x80, v56, vm0, $0xb8;
	[tilespmem:$0x19900] =	vst v63  }
0x24a: {  	v17 =	vperm.xlane v17, v16;
	v60 =	vadd.s32 v3, v59;
	s28 =	simm.s32 $0x9F00  }
0x24b: {  	[tilespmem:s28], [sflag:$0x5] =	stream.indirect_vreg.gather [hbm4b:s6+s2], $0x80, v18, vm0, $0xb8;
	[tilespmem:$0x19900] =	vst v63  }
0x24c: {  	v17 =	vadd.s32 v3, v17;
	s12 =	simm.s32 $0x9F80  }
0x24d: {  	[tilespmem:s12], [sflag:$0x5] =	stream.indirect_vreg.gather [hbm4b:s6+s2], $0x80, v19, vm0, $0xb8;
	[tilespmem:$0x19900] =	vst v63  }
0x24e: {  	s16 =	simm.s32 $0xA000  }
0x24f: {  	[tilespmem:s16], [sflag:$0x5] =	stream.indirect_vreg.gather [hbm4b:s6+s2], $0x80, v60, vm0, $0xb8;
	[tilespmem:$0x19900] =	vst v63  }
0x250: {  	s23 =	simm.s32 $0xA080  }
0x251: {  	[tilespmem:s23], [sflag:$0x5] =	stream.indirect_vreg.gather [hbm4b:s6+s2], $0x80, v17, vm0, $0xb8;
	[tilespmem:$0x19900] =	vst v63  }
0x252: {  	v17 =	vld [tilespmem:$0x50];
	_ =	sdelay $0x4  }
0x253: {  	v18 =	vshrl.u32 v17, $0x3  }
0x254: {  	v18 =	vmul.u32 $0x18, v18  }
0x255: {  	v17 =	vand.u32 $0x7, v17  }
0x256: {  	v17 =	vor.u32 v17, v18  }
0x257: {  	v18 =	vperm.xlane v17, v2;
	_ =	sdelay $0x1  }
0x258: {  	v19 =	vperm.xlane v17, v4;
	v18 =	vadd.s32 v3, v18;
	_ =	sdelay $0x1  }
0x259: {  	v61 =	vperm.xlane v17, v5;
	v19 =	vadd.s32 v3, v19;
	_ =	sdelay $0x1  }
0x25a: {  	s25 =	simm.s32 $0xA100;
	v62 =	vperm.xlane v17, v0;
	v20 =	vadd.s32 v3, v61  }
0x25b: {  	[tilespmem:s25], [sflag:$0x5] =	stream.indirect_vreg.gather [hbm4b:s6+s2], $0x80, v18, vm0, $0xb8;
	[tilespmem:$0x19900] =	vst v63  }
0x25c: {  	s28 =	simm.s32 $0xA180;
	v63 =	vperm.xlane v17, v6;
	v18 =	vadd.s32 v3, v62  }
0x25d: {  	[tilespmem:s28], [sflag:$0x5] =	stream.indirect_vreg.gather [hbm4b:s6+s2], $0x80, v19, vm0, $0xb8;
	[tilespmem:$0x19900] =	vst v63  }
0x25e: {  	s12 =	simm.s32 $0xA200;
	v24 =	vperm.xlane v17, v7;
	v19 =	vadd.s32 v3, v63  }
0x25f: {  	[tilespmem:s12], [sflag:$0x5] =	stream.indirect_vreg.gather [hbm4b:s6+s2], $0x80, v20, vm0, $0xb8;
	[tilespmem:$0x19900] =	vst v63  }
0x260: {  	s16 =	simm.s32 $0xA280;
	v26 =	vperm.xlane v17, v8;
	v25 =	vadd.s32 v3, v24  }
0x261: {  	[tilespmem:s16], [sflag:$0x5] =	stream.indirect_vreg.gather [hbm4b:s6+s2], $0x80, v18, vm0, $0xb8;
	[tilespmem:$0x19900] =	vst v63  }
0x262: {  	s23 =	simm.s32 $0xA300;
	v27 =	vperm.xlane v17, v1;
	v18 =	vadd.s32 v3, v26  }
0x263: {  	[tilespmem:s23], [sflag:$0x5] =	stream.indirect_vreg.gather [hbm4b:s6+s2], $0x80, v19, vm0, $0xb8;
	[tilespmem:$0x19900] =	vst v63  }
0x264: {  	v28 =	vperm.xlane v17, v9;
	s25 =	simm.s32 $0xA380;
	v19 =	vadd.s32 v3, v27  }
0x265: {  	[tilespmem:s25], [sflag:$0x5] =	stream.indirect_vreg.gather [hbm4b:s6+s2], $0x80, v25, vm0, $0xb8;
	[tilespmem:$0x19900] =	vst v63  }
0x266: {  	v30 =	vperm.xlane v17, v10;
	v29 =	vadd.s32 v3, v28;
	s28 =	simm.s32 $0xA400  }
0x267: {  	[tilespmem:s28], [sflag:$0x5] =	stream.indirect_vreg.gather [hbm4b:s6+s2], $0x80, v18, vm0, $0xb8;
	[tilespmem:$0x19900] =	vst v63  }
0x268: {  	v31 =	vperm.xlane v17, v11;
	s12 =	simm.s32 $0xA480;
	v18 =	vadd.s32 v3, v30  }
0x269: {  	[tilespmem:s12], [sflag:$0x5] =	stream.indirect_vreg.gather [hbm4b:s6+s2], $0x80, v19, vm0, $0xb8;
	[tilespmem:$0x19900] =	vst v63  }
0x26a: {  	v32 =	vperm.xlane v17, v12;
	s16 =	simm.s32 $0xA500;
	v19 =	vadd.s32 v3, v31  }
0x26b: {  	[tilespmem:s16], [sflag:$0x5] =	stream.indirect_vreg.gather [hbm4b:s6+s2], $0x80, v29, vm0, $0xb8;
	[tilespmem:$0x19900] =	vst v63  }
0x26c: {  	v34 =	vperm.xlane v17, v13;
	v33 =	vadd.s32 v3, v32;
	s23 =	simm.s32 $0xA580  }
0x26d: {  	[tilespmem:s23], [sflag:$0x5] =	stream.indirect_vreg.gather [hbm4b:s6+s2], $0x80, v18, vm0, $0xb8;
	[tilespmem:$0x19900] =	vst v63  }
0x26e: {  	v35 =	vperm.xlane v17, v14;
	s25 =	simm.s32 $0xA600;
	v18 =	vadd.s32 v3, v34  }
0x26f: {  	[tilespmem:s25], [sflag:$0x5] =	stream.indirect_vreg.gather [hbm4b:s6+s2], $0x80, v19, vm0, $0xb8;
	[tilespmem:$0x19900] =	vst v63  }
0x270: {  	v36 =	vperm.xlane v17, v15;
	s28 =	simm.s32 $0xA680;
	v19 =	vadd.s32 v3, v35  }
0x271: {  	[tilespmem:s28], [sflag:$0x5] =	stream.indirect_vreg.gather [hbm4b:s6+s2], $0x80, v33, vm0, $0xb8;
	[tilespmem:$0x19900] =	vst v63  }
0x272: {  	v17 =	vperm.xlane v17, v16;
	v37 =	vadd.s32 v3, v36;
	s12 =	simm.s32 $0xA700  }
0x273: {  	[tilespmem:s12], [sflag:$0x5] =	stream.indirect_vreg.gather [hbm4b:s6+s2], $0x80, v18, vm0, $0xb8;
	[tilespmem:$0x19900] =	vst v63  }
0x274: {  	v17 =	vadd.s32 v3, v17;
	s16 =	simm.s32 $0xA780  }
0x275: {  	[tilespmem:s16], [sflag:$0x5] =	stream.indirect_vreg.gather [hbm4b:s6+s2], $0x80, v19, vm0, $0xb8;
	[tilespmem:$0x19900] =	vst v63  }
0x276: {  	s23 =	simm.s32 $0xA800  }
0x277: {  	[tilespmem:s23], [sflag:$0x5] =	stream.indirect_vreg.gather [hbm4b:s6+s2], $0x80, v37, vm0, $0xb8;
	[tilespmem:$0x19900] =	vst v63  }
0x278: {  	s25 =	simm.s32 $0xA880  }
0x279: {  	[tilespmem:s25], [sflag:$0x5] =	stream.indirect_vreg.gather [hbm4b:s6+s2], $0x80, v17, vm0, $0xb8;
	[tilespmem:$0x19900] =	vst v63  }
0x27a: {  	v17 =	vld [tilespmem:$0x60];
	_ =	sdelay $0x4  }
0x27b: {  	v18 =	vshrl.u32 v17, $0x3  }
0x27c: {  	v18 =	vmul.u32 $0x18, v18  }
0x27d: {  	v17 =	vand.u32 $0x7, v17  }
0x27e: {  	v17 =	vor.u32 v17, v18  }
0x27f: {  	v18 =	vperm.xlane v17, v2;
	_ =	sdelay $0x1  }
0x280: {  	v19 =	vperm.xlane v17, v4;
	v18 =	vadd.s32 v3, v18;
	_ =	sdelay $0x1  }
0x281: {  	v38 =	vperm.xlane v17, v5;
	v19 =	vadd.s32 v3, v19;
	_ =	sdelay $0x1  }
0x282: {  	s28 =	simm.s32 $0xA900;
	v39 =	vperm.xlane v17, v0;
	v20 =	vadd.s32 v3, v38  }
0x283: {  	[tilespmem:s28], [sflag:$0x5] =	stream.indirect_vreg.gather [hbm4b:s6+s2], $0x80, v18, vm0, $0xb8;
	[tilespmem:$0x19900] =	vst v63  }
0x284: {  	s12 =	simm.s32 $0xA980;
	v40 =	vperm.xlane v17, v6;
	v18 =	vadd.s32 v3, v39  }
0x285: {  	[tilespmem:s12], [sflag:$0x5] =	stream.indirect_vreg.gather [hbm4b:s6+s2], $0x80, v19, vm0, $0xb8;
	[tilespmem:$0x19900] =	vst v63  }
0x286: {  	s16 =	simm.s32 $0xAA00;
	v41 =	vperm.xlane v17, v7;
	v19 =	vadd.s32 v3, v40  }
0x287: {  	[tilespmem:s16], [sflag:$0x5] =	stream.indirect_vreg.gather [hbm4b:s6+s2], $0x80, v20, vm0, $0xb8;
	[tilespmem:$0x19900] =	vst v63  }
0x288: {  	s23 =	simm.s32 $0xAA80;
	v43 =	vperm.xlane v17, v8;
	v42 =	vadd.s32 v3, v41  }
0x289: {  	[tilespmem:s23], [sflag:$0x5] =	stream.indirect_vreg.gather [hbm4b:s6+s2], $0x80, v18, vm0, $0xb8;
	[tilespmem:$0x19900] =	vst v63  }
0x28a: {  	s25 =	simm.s32 $0xAB00;
	v44 =	vperm.xlane v17, v1;
	v18 =	vadd.s32 v3, v43  }
0x28b: {  	[tilespmem:s25], [sflag:$0x5] =	stream.indirect_vreg.gather [hbm4b:s6+s2], $0x80, v19, vm0, $0xb8;
	[tilespmem:$0x19900] =	vst v63  }
0x28c: {  	v45 =	vperm.xlane v17, v9;
	s28 =	simm.s32 $0xAB80;
	v19 =	vadd.s32 v3, v44  }
0x28d: {  	[tilespmem:s28], [sflag:$0x5] =	stream.indirect_vreg.gather [hbm4b:s6+s2], $0x80, v42, vm0, $0xb8;
	[tilespmem:$0x19900] =	vst v63  }
0x28e: {  	v47 =	vperm.xlane v17, v10;
	v46 =	vadd.s32 v3, v45;
	s12 =	simm.s32 $0xAC00  }
0x28f: {  	[tilespmem:s12], [sflag:$0x5] =	stream.indirect_vreg.gather [hbm4b:s6+s2], $0x80, v18, vm0, $0xb8;
	[tilespmem:$0x19900] =	vst v63  }
0x290: {  	v48 =	vperm.xlane v17, v11;
	s16 =	simm.s32 $0xAC80;
	v18 =	vadd.s32 v3, v47  }
0x291: {  	[tilespmem:s16], [sflag:$0x5] =	stream.indirect_vreg.gather [hbm4b:s6+s2], $0x80, v19, vm0, $0xb8;
	[tilespmem:$0x19900] =	vst v63  }
0x292: {  	v49 =	vperm.xlane v17, v12;
	s23 =	simm.s32 $0xAD00;
	v19 =	vadd.s32 v3, v48  }
0x293: {  	[tilespmem:s23], [sflag:$0x5] =	stream.indirect_vreg.gather [hbm4b:s6+s2], $0x80, v46, vm0, $0xb8;
	[tilespmem:$0x19900] =	vst v63  }
0x294: {  	v51 =	vperm.xlane v17, v13;
	v50 =	vadd.s32 v3, v49;
	s25 =	simm.s32 $0xAD80  }
0x295: {  	[tilespmem:s25], [sflag:$0x5] =	stream.indirect_vreg.gather [hbm4b:s6+s2], $0x80, v18, vm0, $0xb8;
	[tilespmem:$0x19900] =	vst v63  }
0x296: {  	v52 =	vperm.xlane v17, v14;
	s28 =	simm.s32 $0xAE00;
	v18 =	vadd.s32 v3, v51  }
0x297: {  	[tilespmem:s28], [sflag:$0x5] =	stream.indirect_vreg.gather [hbm4b:s6+s2], $0x80, v19, vm0, $0xb8;
	[tilespmem:$0x19900] =	vst v63  }
0x298: {  	v53 =	vperm.xlane v17, v15;
	s12 =	simm.s32 $0xAE80;
	v19 =	vadd.s32 v3, v52  }
0x299: {  	[tilespmem:s12], [sflag:$0x5] =	stream.indirect_vreg.gather [hbm4b:s6+s2], $0x80, v50, vm0, $0xb8;
	[tilespmem:$0x19900] =	vst v63  }
0x29a: {  	v17 =	vperm.xlane v17, v16;
	v54 =	vadd.s32 v3, v53;
	s16 =	simm.s32 $0xAF00  }
0x29b: {  	[tilespmem:s16], [sflag:$0x5] =	stream.indirect_vreg.gather [hbm4b:s6+s2], $0x80, v18, vm0, $0xb8;
	[tilespmem:$0x19900] =	vst v63  }
0x29c: {  	v17 =	vadd.s32 v3, v17;
	s23 =	simm.s32 $0xAF80  }
0x29d: {  	[tilespmem:s23], [sflag:$0x5] =	stream.indirect_vreg.gather [hbm4b:s6+s2], $0x80, v19, vm0, $0xb8;
	[tilespmem:$0x19900] =	vst v63  }
0x29e: {  	s25 =	simm.s32 $0xB000  }
0x29f: {  	[tilespmem:s25], [sflag:$0x5] =	stream.indirect_vreg.gather [hbm4b:s6+s2], $0x80, v54, vm0, $0xb8;
	[tilespmem:$0x19900] =	vst v63  }
0x2a0: {  	s28 =	simm.s32 $0xB080  }
0x2a1: {  	[tilespmem:s28], [sflag:$0x5] =	stream.indirect_vreg.gather [hbm4b:s6+s2], $0x80, v17, vm0, $0xb8;
	[tilespmem:$0x19900] =	vst v63  }
0x2a2: {  	v17 =	vld [tilespmem:$0x70];
	_ =	sdelay $0x4  }
0x2a3: {  	v18 =	vshrl.u32 v17, $0x3  }
0x2a4: {  	v18 =	vmul.u32 $0x18, v18  }
0x2a5: {  	v17 =	vand.u32 $0x7, v17  }
0x2a6: {  	v17 =	vor.u32 v17, v18  }
0x2a7: {  	v18 =	vperm.xlane v17, v2;
	_ =	sdelay $0x1  }
0x2a8: {  	v19 =	vperm.xlane v17, v4;
	v18 =	vadd.s32 v3, v18;
	_ =	sdelay $0x1  }
0x2a9: {  	v55 =	vperm.xlane v17, v5;
	v19 =	vadd.s32 v3, v19;
	_ =	sdelay $0x1  }
0x2aa: {  	s12 =	simm.s32 $0xB100;
	v56 =	vperm.xlane v17, v0;
	v20 =	vadd.s32 v3, v55  }
0x2ab: {  	[tilespmem:s12], [sflag:$0x5] =	stream.indirect_vreg.gather [hbm4b:s6+s2], $0x80, v18, vm0, $0xb8;
	[tilespmem:$0x19900] =	vst v63  }
0x2ac: {  	s16 =	simm.s32 $0xB180;
	v57 =	vperm.xlane v17, v6;
	v18 =	vadd.s32 v3, v56  }
0x2ad: {  	[tilespmem:s16], [sflag:$0x5] =	stream.indirect_vreg.gather [hbm4b:s6+s2], $0x80, v19, vm0, $0xb8;
	[tilespmem:$0x19900] =	vst v63  }
0x2ae: {  	s23 =	simm.s32 $0xB200;
	v58 =	vperm.xlane v17, v7;
	v19 =	vadd.s32 v3, v57  }
0x2af: {  	[tilespmem:s23], [sflag:$0x5] =	stream.indirect_vreg.gather [hbm4b:s6+s2], $0x80, v20, vm0, $0xb8;
	[tilespmem:$0x19900] =	vst v63  }
0x2b0: {  	s25 =	simm.s32 $0xB280;
	v60 =	vperm.xlane v17, v8;
	v59 =	vadd.s32 v3, v58  }
0x2b1: {  	[tilespmem:s25], [sflag:$0x5] =	stream.indirect_vreg.gather [hbm4b:s6+s2], $0x80, v18, vm0, $0xb8;
	[tilespmem:$0x19900] =	vst v63  }
0x2b2: {  	s28 =	simm.s32 $0xB300;
	v61 =	vperm.xlane v17, v1;
	v18 =	vadd.s32 v3, v60  }
0x2b3: {  	[tilespmem:s28], [sflag:$0x5] =	stream.indirect_vreg.gather [hbm4b:s6+s2], $0x80, v19, vm0, $0xb8;
	[tilespmem:$0x19900] =	vst v63  }
0x2b4: {  	v62 =	vperm.xlane v17, v9;
	s12 =	simm.s32 $0xB380;
	v19 =	vadd.s32 v3, v61  }
0x2b5: {  	[tilespmem:s12], [sflag:$0x5] =	stream.indirect_vreg.gather [hbm4b:s6+s2], $0x80, v59, vm0, $0xb8;
	[tilespmem:$0x19900] =	vst v63  }
0x2b6: {  	v24 =	vperm.xlane v17, v10;
	v63 =	vadd.s32 v3, v62;
	s16 =	simm.s32 $0xB400  }
0x2b7: {  	[tilespmem:s16], [sflag:$0x5] =	stream.indirect_vreg.gather [hbm4b:s6+s2], $0x80, v18, vm0, $0xb8;
	[tilespmem:$0x19900] =	vst v63  }
0x2b8: {  	v25 =	vperm.xlane v17, v11;
	s23 =	simm.s32 $0xB480;
	v18 =	vadd.s32 v3, v24  }
0x2b9: {  	[tilespmem:s23], [sflag:$0x5] =	stream.indirect_vreg.gather [hbm4b:s6+s2], $0x80, v19, vm0, $0xb8;
	[tilespmem:$0x19900] =	vst v63  }
0x2ba: {  	v26 =	vperm.xlane v17, v12;
	s25 =	simm.s32 $0xB500;
	v19 =	vadd.s32 v3, v25  }
0x2bb: {  	[tilespmem:s25], [sflag:$0x5] =	stream.indirect_vreg.gather [hbm4b:s6+s2], $0x80, v63, vm0, $0xb8;
	[tilespmem:$0x19900] =	vst v63  }
0x2bc: {  	v28 =	vperm.xlane v17, v13;
	v27 =	vadd.s32 v3, v26;
	s28 =	simm.s32 $0xB580  }
0x2bd: {  	[tilespmem:s28], [sflag:$0x5] =	stream.indirect_vreg.gather [hbm4b:s6+s2], $0x80, v18, vm0, $0xb8;
	[tilespmem:$0x19900] =	vst v63  }
0x2be: {  	v29 =	vperm.xlane v17, v14;
	s12 =	simm.s32 $0xB600;
	v18 =	vadd.s32 v3, v28  }
0x2bf: {  	[tilespmem:s12], [sflag:$0x5] =	stream.indirect_vreg.gather [hbm4b:s6+s2], $0x80, v19, vm0, $0xb8;
	[tilespmem:$0x19900] =	vst v63  }
0x2c0: {  	v30 =	vperm.xlane v17, v15;
	s16 =	simm.s32 $0xB680;
	v19 =	vadd.s32 v3, v29  }
0x2c1: {  	[tilespmem:s16], [sflag:$0x5] =	stream.indirect_vreg.gather [hbm4b:s6+s2], $0x80, v27, vm0, $0xb8;
	[tilespmem:$0x19900] =	vst v63  }
0x2c2: {  	v17 =	vperm.xlane v17, v16;
	v31 =	vadd.s32 v3, v30;
	s23 =	simm.s32 $0xB700  }
0x2c3: {  	[tilespmem:s23], [sflag:$0x5] =	stream.indirect_vreg.gather [hbm4b:s6+s2], $0x80, v18, vm0, $0xb8;
	[tilespmem:$0x19900] =	vst v63  }
0x2c4: {  	v17 =	vadd.s32 v3, v17;
	s25 =	simm.s32 $0xB780  }
0x2c5: {  	[tilespmem:s25], [sflag:$0x5] =	stream.indirect_vreg.gather [hbm4b:s6+s2], $0x80, v19, vm0, $0xb8;
	[tilespmem:$0x19900] =	vst v63  }
0x2c6: {  	s28 =	simm.s32 $0xB800  }
0x2c7: {  	[tilespmem:s28], [sflag:$0x5] =	stream.indirect_vreg.gather [hbm4b:s6+s2], $0x80, v31, vm0, $0xb8;
	[tilespmem:$0x19900] =	vst v63  }
0x2c8: {  	s12 =	simm.s32 $0xB880  }
0x2c9: {  	[tilespmem:s12], [sflag:$0x5] =	stream.indirect_vreg.gather [hbm4b:s6+s2], $0x80, v17, vm0, $0xb8;
	[tilespmem:$0x19900] =	vst v63  }
0x2ca: {  	_ = 	snop  }
0x2cb: {  	[tilespmem:s10], [sflag:$0x6] =	stream.indirect.gather [hbm4b:s4+s7], $0x80, s7, s7, $0xb8;
	[tilespmem:$0x19900] =	vst v63  }
0x2cc: {  	v17 =	vld [tilespmem:$0x80];
	_ =	sdelay $0x4  }
0x2cd: {  	v18 =	vshrl.u32 v17, $0x3  }
0x2ce: {  	v18 =	vmul.u32 $0x18, v18  }
0x2cf: {  	v17 =	vand.u32 $0x7, v17  }
0x2d0: {  	v17 =	vor.u32 v17, v18  }
0x2d1: {  	v18 =	vperm.xlane v17, v2;
	_ =	sdelay $0x1  }
0x2d2: {  	v19 =	vperm.xlane v17, v4;
	v18 =	vadd.s32 v3, v18;
	_ =	sdelay $0x1  }
0x2d3: {  	v32 =	vperm.xlane v17, v5;
	v19 =	vadd.s32 v3, v19;
	_ =	sdelay $0x1  }
0x2d4: {  	v33 =	vperm.xlane v17, v0;
	v20 =	vadd.s32 v3, v32  }
0x2d5: {  	[tilespmem:s9], [sflag:$0x7] =	stream.indirect_vreg.gather [hbm4b:s3+s2], $0x80, v18, vm0, $0xb8;
	[tilespmem:$0x19900] =	vst v63  }
0x2d6: {  	s16 =	simm.s32 $0xD980;
	v34 =	vperm.xlane v17, v6;
	v18 =	vadd.s32 v3, v33  }
0x2d7: {  	[tilespmem:s16], [sflag:$0x7] =	stream.indirect_vreg.gather [hbm4b:s3+s2], $0x80, v19, vm0, $0xb8;
	[tilespmem:$0x19900] =	vst v63  }
0x2d8: {  	s23 =	simm.s32 $0xDA00;
	v35 =	vperm.xlane v17, v7;
	v19 =	vadd.s32 v3, v34  }
0x2d9: {  	[tilespmem:s23], [sflag:$0x7] =	stream.indirect_vreg.gather [hbm4b:s3+s2], $0x80, v20, vm0, $0xb8;
	[tilespmem:$0x19900] =	vst v63  }
0x2da: {  	s25 =	simm.s32 $0xDA80;
	v37 =	vperm.xlane v17, v8;
	v36 =	vadd.s32 v3, v35  }
0x2db: {  	[tilespmem:s25], [sflag:$0x7] =	stream.indirect_vreg.gather [hbm4b:s3+s2], $0x80, v18, vm0, $0xb8;
	[tilespmem:$0x19900] =	vst v63  }
0x2dc: {  	s28 =	simm.s32 $0xDB00;
	v38 =	vperm.xlane v17, v1;
	v18 =	vadd.s32 v3, v37  }
0x2dd: {  	[tilespmem:s28], [sflag:$0x7] =	stream.indirect_vreg.gather [hbm4b:s3+s2], $0x80, v19, vm0, $0xb8;
	[tilespmem:$0x19900] =	vst v63  }
0x2de: {  	v39 =	vperm.xlane v17, v9;
	s9 =	simm.s32 $0xDB80;
	v19 =	vadd.s32 v3, v38  }
0x2df: {  	[tilespmem:s9], [sflag:$0x7] =	stream.indirect_vreg.gather [hbm4b:s3+s2], $0x80, v36, vm0, $0xb8;
	[tilespmem:$0x19900] =	vst v63  }
0x2e0: {  	s10 =	simm.s32 $0xDC00;
	v41 =	vperm.xlane v17, v10;
	v40 =	vadd.s32 v3, v39  }
0x2e1: {  	[tilespmem:s10], [sflag:$0x7] =	stream.indirect_vreg.gather [hbm4b:s3+s2], $0x80, v18, vm0, $0xb8;
	[tilespmem:$0x19900] =	vst v63  }
0x2e2: {  	s12 =	simm.s32 $0xDC80;
	v42 =	vperm.xlane v17, v11;
	v18 =	vadd.s32 v3, v41  }
0x2e3: {  	[tilespmem:s12], [sflag:$0x7] =	stream.indirect_vreg.gather [hbm4b:s3+s2], $0x80, v19, vm0, $0xb8;
	[tilespmem:$0x19900] =	vst v63  }
0x2e4: {  	v43 =	vperm.xlane v17, v12;
	s16 =	simm.s32 $0xDD00;
	v19 =	vadd.s32 v3, v42  }
0x2e5: {  	[tilespmem:s16], [sflag:$0x7] =	stream.indirect_vreg.gather [hbm4b:s3+s2], $0x80, v40, vm0, $0xb8;
	[tilespmem:$0x19900] =	vst v63  }
0x2e6: {  	v45 =	vperm.xlane v17, v13;
	v44 =	vadd.s32 v3, v43;
	s23 =	simm.s32 $0xDD80  }
0x2e7: {  	[tilespmem:s23], [sflag:$0x7] =	stream.indirect_vreg.gather [hbm4b:s3+s2], $0x80, v18, vm0, $0xb8;
	[tilespmem:$0x19900] =	vst v63  }
0x2e8: {  	v46 =	vperm.xlane v17, v14;
	s25 =	simm.s32 $0xDE00;
	v18 =	vadd.s32 v3, v45  }
0x2e9: {  	[tilespmem:s25], [sflag:$0x7] =	stream.indirect_vreg.gather [hbm4b:s3+s2], $0x80, v19, vm0, $0xb8;
	[tilespmem:$0x19900] =	vst v63  }
0x2ea: {  	v47 =	vperm.xlane v17, v15;
	s28 =	simm.s32 $0xDE80;
	v19 =	vadd.s32 v3, v46  }
0x2eb: {  	[tilespmem:s28], [sflag:$0x7] =	stream.indirect_vreg.gather [hbm4b:s3+s2], $0x80, v44, vm0, $0xb8;
	[tilespmem:$0x19900] =	vst v63  }
0x2ec: {  	v17 =	vperm.xlane v17, v16;
	v48 =	vadd.s32 v3, v47;
	s9 =	simm.s32 $0xDF00  }
0x2ed: {  	[tilespmem:s9], [sflag:$0x7] =	stream.indirect_vreg.gather [hbm4b:s3+s2], $0x80, v18, vm0, $0xb8;
	[tilespmem:$0x19900] =	vst v63  }
0x2ee: {  	v17 =	vadd.s32 v3, v17;
	s10 =	simm.s32 $0xDF80  }
0x2ef: {  	[tilespmem:s10], [sflag:$0x7] =	stream.indirect_vreg.gather [hbm4b:s3+s2], $0x80, v19, vm0, $0xb8;
	[tilespmem:$0x19900] =	vst v63  }
0x2f0: {  	s12 =	simm.s32 $0xE000  }
0x2f1: {  	[tilespmem:s12], [sflag:$0x7] =	stream.indirect_vreg.gather [hbm4b:s3+s2], $0x80, v48, vm0, $0xb8;
	[tilespmem:$0x19900] =	vst v63  }
0x2f2: {  	s16 =	simm.s32 $0xE080  }
0x2f3: {  	[tilespmem:s16], [sflag:$0x7] =	stream.indirect_vreg.gather [hbm4b:s3+s2], $0x80, v17, vm0, $0xb8;
	[tilespmem:$0x19900] =	vst v63  }
0x2f4: {  	v17 =	vld [tilespmem:$0x90];
	_ =	sdelay $0x4  }
0x2f5: {  	v18 =	vshrl.u32 v17, $0x3  }
0x2f6: {  	v18 =	vmul.u32 $0x18, v18  }
0x2f7: {  	v17 =	vand.u32 $0x7, v17  }
0x2f8: {  	v17 =	vor.u32 v17, v18  }
0x2f9: {  	v18 =	vperm.xlane v17, v2;
	_ =	sdelay $0x1  }
0x2fa: {  	v19 =	vperm.xlane v17, v4;
	v18 =	vadd.s32 v3, v18;
	_ =	sdelay $0x1  }
0x2fb: {  	v49 =	vperm.xlane v17, v5;
	v19 =	vadd.s32 v3, v19;
	_ =	sdelay $0x1  }
0x2fc: {  	s23 =	simm.s32 $0xE100;
	v50 =	vperm.xlane v17, v0;
	v20 =	vadd.s32 v3, v49  }
0x2fd: {  	[tilespmem:s23], [sflag:$0x7] =	stream.indirect_vreg.gather [hbm4b:s3+s2], $0x80, v18, vm0, $0xb8;
	[tilespmem:$0x19900] =	vst v63  }
0x2fe: {  	s25 =	simm.s32 $0xE180;
	v51 =	vperm.xlane v17, v6;
	v18 =	vadd.s32 v3, v50  }
0x2ff: {  	[tilespmem:s25], [sflag:$0x7] =	stream.indirect_vreg.gather [hbm4b:s3+s2], $0x80, v19, vm0, $0xb8;
	[tilespmem:$0x19900] =	vst v63  }
0x300: {  	s28 =	simm.s32 $0xE200;
	v52 =	vperm.xlane v17, v7;
	v19 =	vadd.s32 v3, v51  }
0x301: {  	[tilespmem:s28], [sflag:$0x7] =	stream.indirect_vreg.gather [hbm4b:s3+s2], $0x80, v20, vm0, $0xb8;
	[tilespmem:$0x19900] =	vst v63  }
0x302: {  	s9 =	simm.s32 $0xE280;
	v54 =	vperm.xlane v17, v8;
	v53 =	vadd.s32 v3, v52  }
0x303: {  	[tilespmem:s9], [sflag:$0x7] =	stream.indirect_vreg.gather [hbm4b:s3+s2], $0x80, v18, vm0, $0xb8;
	[tilespmem:$0x19900] =	vst v63  }
0x304: {  	s10 =	simm.s32 $0xE300;
	v55 =	vperm.xlane v17, v1;
	v18 =	vadd.s32 v3, v54  }
0x305: {  	[tilespmem:s10], [sflag:$0x7] =	stream.indirect_vreg.gather [hbm4b:s3+s2], $0x80, v19, vm0, $0xb8;
	[tilespmem:$0x19900] =	vst v63  }
0x306: {  	s12 =	simm.s32 $0xE380;
	v56 =	vperm.xlane v17, v9;
	v19 =	vadd.s32 v3, v55  }
0x307: {  	[tilespmem:s12], [sflag:$0x7] =	stream.indirect_vreg.gather [hbm4b:s3+s2], $0x80, v53, vm0, $0xb8;
	[tilespmem:$0x19900] =	vst v63  }
0x308: {  	s16 =	simm.s32 $0xE400;
	v58 =	vperm.xlane v17, v10;
	v57 =	vadd.s32 v3, v56  }
0x309: {  	[tilespmem:s16], [sflag:$0x7] =	stream.indirect_vreg.gather [hbm4b:s3+s2], $0x80, v18, vm0, $0xb8;
	[tilespmem:$0x19900] =	vst v63  }
0x30a: {  	v59 =	vperm.xlane v17, v11;
	s23 =	simm.s32 $0xE480;
	v18 =	vadd.s32 v3, v58  }
0x30b: {  	[tilespmem:s23], [sflag:$0x7] =	stream.indirect_vreg.gather [hbm4b:s3+s2], $0x80, v19, vm0, $0xb8;
	[tilespmem:$0x19900] =	vst v63  }
0x30c: {  	v60 =	vperm.xlane v17, v12;
	s25 =	simm.s32 $0xE500;
	v19 =	vadd.s32 v3, v59  }
0x30d: {  	[tilespmem:s25], [sflag:$0x7] =	stream.indirect_vreg.gather [hbm4b:s3+s2], $0x80, v57, vm0, $0xb8;
	[tilespmem:$0x19900] =	vst v63  }
0x30e: {  	v62 =	vperm.xlane v17, v13;
	v61 =	vadd.s32 v3, v60;
	s28 =	simm.s32 $0xE580  }
0x30f: {  	[tilespmem:s28], [sflag:$0x7] =	stream.indirect_vreg.gather [hbm4b:s3+s2], $0x80, v18, vm0, $0xb8;
	[tilespmem:$0x19900] =	vst v63  }
0x310: {  	v63 =	vperm.xlane v17, v14;
	s9 =	simm.s32 $0xE600;
	v18 =	vadd.s32 v3, v62  }
0x311: {  	[tilespmem:s9], [sflag:$0x7] =	stream.indirect_vreg.gather [hbm4b:s3+s2], $0x80, v19, vm0, $0xb8;
	[tilespmem:$0x19900] =	vst v63  }
0x312: {  	v24 =	vperm.xlane v17, v15;
	s10 =	simm.s32 $0xE680;
	v19 =	vadd.s32 v3, v63  }
0x313: {  	[tilespmem:s10], [sflag:$0x7] =	stream.indirect_vreg.gather [hbm4b:s3+s2], $0x80, v61, vm0, $0xb8;
	[tilespmem:$0x19900] =	vst v63  }
0x314: {  	v17 =	vperm.xlane v17, v16;
	v25 =	vadd.s32 v3, v24;
	s12 =	simm.s32 $0xE700  }
0x315: {  	[tilespmem:s12], [sflag:$0x7] =	stream.indirect_vreg.gather [hbm4b:s3+s2], $0x80, v18, vm0, $0xb8;
	[tilespmem:$0x19900] =	vst v63  }
0x316: {  	v17 =	vadd.s32 v3, v17;
	s16 =	simm.s32 $0xE780  }
0x317: {  	[tilespmem:s16], [sflag:$0x7] =	stream.indirect_vreg.gather [hbm4b:s3+s2], $0x80, v19, vm0, $0xb8;
	[tilespmem:$0x19900] =	vst v63  }
0x318: {  	s23 =	simm.s32 $0xE800  }
0x319: {  	[tilespmem:s23], [sflag:$0x7] =	stream.indirect_vreg.gather [hbm4b:s3+s2], $0x80, v25, vm0, $0xb8;
	[tilespmem:$0x19900] =	vst v63  }
0x31a: {  	s25 =	simm.s32 $0xE880  }
0x31b: {  	[tilespmem:s25], [sflag:$0x7] =	stream.indirect_vreg.gather [hbm4b:s3+s2], $0x80, v17, vm0, $0xb8;
	[tilespmem:$0x19900] =	vst v63  }
0x31c: {  	v17 =	vld [tilespmem:$0xA0];
	_ =	sdelay $0x4  }
0x31d: {  	v18 =	vshrl.u32 v17, $0x3  }
0x31e: {  	v18 =	vmul.u32 $0x18, v18  }
0x31f: {  	v17 =	vand.u32 $0x7, v17  }
0x320: {  	v17 =	vor.u32 v17, v18  }
0x321: {  	v18 =	vperm.xlane v17, v2;
	_ =	sdelay $0x1  }
0x322: {  	v19 =	vperm.xlane v17, v4;
	v18 =	vadd.s32 v3, v18;
	_ =	sdelay $0x1  }
0x323: {  	v26 =	vperm.xlane v17, v5;
	v19 =	vadd.s32 v3, v19;
	_ =	sdelay $0x1  }
0x324: {  	s28 =	simm.s32 $0xE900;
	v27 =	vperm.xlane v17, v0;
	v20 =	vadd.s32 v3, v26  }
0x325: {  	[tilespmem:s28], [sflag:$0x7] =	stream.indirect_vreg.gather [hbm4b:s3+s2], $0x80, v18, vm0, $0xb8;
	[tilespmem:$0x19900] =	vst v63  }
0x326: {  	s9 =	simm.s32 $0xE980;
	v28 =	vperm.xlane v17, v6;
	v18 =	vadd.s32 v3, v27  }
0x327: {  	[tilespmem:s9], [sflag:$0x7] =	stream.indirect_vreg.gather [hbm4b:s3+s2], $0x80, v19, vm0, $0xb8;
	[tilespmem:$0x19900] =	vst v63  }
0x328: {  	s10 =	simm.s32 $0xEA00;
	v29 =	vperm.xlane v17, v7;
	v19 =	vadd.s32 v3, v28  }
0x329: {  	[tilespmem:s10], [sflag:$0x7] =	stream.indirect_vreg.gather [hbm4b:s3+s2], $0x80, v20, vm0, $0xb8;
	[tilespmem:$0x19900] =	vst v63  }
0x32a: {  	s12 =	simm.s32 $0xEA80;
	v31 =	vperm.xlane v17, v8;
	v30 =	vadd.s32 v3, v29  }
0x32b: {  	[tilespmem:s12], [sflag:$0x7] =	stream.indirect_vreg.gather [hbm4b:s3+s2], $0x80, v18, vm0, $0xb8;
	[tilespmem:$0x19900] =	vst v63  }
0x32c: {  	s16 =	simm.s32 $0xEB00;
	v32 =	vperm.xlane v17, v1;
	v18 =	vadd.s32 v3, v31  }
0x32d: {  	[tilespmem:s16], [sflag:$0x7] =	stream.indirect_vreg.gather [hbm4b:s3+s2], $0x80, v19, vm0, $0xb8;
	[tilespmem:$0x19900] =	vst v63  }
0x32e: {  	s23 =	simm.s32 $0xEB80;
	v33 =	vperm.xlane v17, v9;
	v19 =	vadd.s32 v3, v32  }
0x32f: {  	[tilespmem:s23], [sflag:$0x7] =	stream.indirect_vreg.gather [hbm4b:s3+s2], $0x80, v30, vm0, $0xb8;
	[tilespmem:$0x19900] =	vst v63  }
0x330: {  	s25 =	simm.s32 $0xEC00;
	v35 =	vperm.xlane v17, v10;
	v34 =	vadd.s32 v3, v33  }
0x331: {  	[tilespmem:s25], [sflag:$0x7] =	stream.indirect_vreg.gather [hbm4b:s3+s2], $0x80, v18, vm0, $0xb8;
	[tilespmem:$0x19900] =	vst v63  }
0x332: {  	v36 =	vperm.xlane v17, v11;
	s28 =	simm.s32 $0xEC80;
	v18 =	vadd.s32 v3, v35  }
0x333: {  	[tilespmem:s28], [sflag:$0x7] =	stream.indirect_vreg.gather [hbm4b:s3+s2], $0x80, v19, vm0, $0xb8;
	[tilespmem:$0x19900] =	vst v63  }
0x334: {  	v37 =	vperm.xlane v17, v12;
	s9 =	simm.s32 $0xED00;
	v19 =	vadd.s32 v3, v36  }
0x335: {  	[tilespmem:s9], [sflag:$0x7] =	stream.indirect_vreg.gather [hbm4b:s3+s2], $0x80, v34, vm0, $0xb8;
	[tilespmem:$0x19900] =	vst v63  }
0x336: {  	v39 =	vperm.xlane v17, v13;
	v38 =	vadd.s32 v3, v37;
	s10 =	simm.s32 $0xED80  }
0x337: {  	[tilespmem:s10], [sflag:$0x7] =	stream.indirect_vreg.gather [hbm4b:s3+s2], $0x80, v18, vm0, $0xb8;
	[tilespmem:$0x19900] =	vst v63  }
0x338: {  	v40 =	vperm.xlane v17, v14;
	s12 =	simm.s32 $0xEE00;
	v18 =	vadd.s32 v3, v39  }
0x339: {  	[tilespmem:s12], [sflag:$0x7] =	stream.indirect_vreg.gather [hbm4b:s3+s2], $0x80, v19, vm0, $0xb8;
	[tilespmem:$0x19900] =	vst v63  }
0x33a: {  	v41 =	vperm.xlane v17, v15;
	s16 =	simm.s32 $0xEE80;
	v19 =	vadd.s32 v3, v40  }
0x33b: {  	[tilespmem:s16], [sflag:$0x7] =	stream.indirect_vreg.gather [hbm4b:s3+s2], $0x80, v38, vm0, $0xb8;
	[tilespmem:$0x19900] =	vst v63  }
0x33c: {  	v17 =	vperm.xlane v17, v16;
	v42 =	vadd.s32 v3, v41;
	s23 =	simm.s32 $0xEF00  }
0x33d: {  	[tilespmem:s23], [sflag:$0x7] =	stream.indirect_vreg.gather [hbm4b:s3+s2], $0x80, v18, vm0, $0xb8;
	[tilespmem:$0x19900] =	vst v63  }
0x33e: {  	v17 =	vadd.s32 v3, v17;
	s25 =	simm.s32 $0xEF80  }
0x33f: {  	[tilespmem:s25], [sflag:$0x7] =	stream.indirect_vreg.gather [hbm4b:s3+s2], $0x80, v19, vm0, $0xb8;
	[tilespmem:$0x19900] =	vst v63  }
0x340: {  	s28 =	simm.s32 $0xF000  }
0x341: {  	[tilespmem:s28], [sflag:$0x7] =	stream.indirect_vreg.gather [hbm4b:s3+s2], $0x80, v42, vm0, $0xb8;
	[tilespmem:$0x19900] =	vst v63  }
0x342: {  	s9 =	simm.s32 $0xF080  }
0x343: {  	[tilespmem:s9], [sflag:$0x7] =	stream.indirect_vreg.gather [hbm4b:s3+s2], $0x80, v17, vm0, $0xb8;
	[tilespmem:$0x19900] =	vst v63  }
0x344: {  	v17 =	vld [tilespmem:$0xB0];
	_ =	sdelay $0x4  }
0x345: {  	v18 =	vshrl.u32 v17, $0x3  }
0x346: {  	v18 =	vmul.u32 $0x18, v18  }
0x347: {  	v17 =	vand.u32 $0x7, v17  }
0x348: {  	v17 =	vor.u32 v17, v18  }
0x349: {  	v18 =	vperm.xlane v17, v2;
	_ =	sdelay $0x1  }
0x34a: {  	v19 =	vperm.xlane v17, v4;
	v18 =	vadd.s32 v3, v18;
	_ =	sdelay $0x1  }
0x34b: {  	v43 =	vperm.xlane v17, v5;
	v19 =	vadd.s32 v3, v19;
	_ =	sdelay $0x1  }
0x34c: {  	s10 =	simm.s32 $0xF100;
	v44 =	vperm.xlane v17, v0;
	v20 =	vadd.s32 v3, v43  }
0x34d: {  	[tilespmem:s10], [sflag:$0x7] =	stream.indirect_vreg.gather [hbm4b:s3+s2], $0x80, v18, vm0, $0xb8;
	[tilespmem:$0x19900] =	vst v63  }
0x34e: {  	s12 =	simm.s32 $0xF180;
	v45 =	vperm.xlane v17, v6;
	v18 =	vadd.s32 v3, v44  }
0x34f: {  	[tilespmem:s12], [sflag:$0x7] =	stream.indirect_vreg.gather [hbm4b:s3+s2], $0x80, v19, vm0, $0xb8;
	[tilespmem:$0x19900] =	vst v63  }
0x350: {  	s16 =	simm.s32 $0xF200;
	v46 =	vperm.xlane v17, v7;
	v19 =	vadd.s32 v3, v45  }
0x351: {  	[tilespmem:s16], [sflag:$0x7] =	stream.indirect_vreg.gather [hbm4b:s3+s2], $0x80, v20, vm0, $0xb8;
	[tilespmem:$0x19900] =	vst v63  }
0x352: {  	s23 =	simm.s32 $0xF280;
	v48 =	vperm.xlane v17, v8;
	v47 =	vadd.s32 v3, v46  }
0x353: {  	[tilespmem:s23], [sflag:$0x7] =	stream.indirect_vreg.gather [hbm4b:s3+s2], $0x80, v18, vm0, $0xb8;
	[tilespmem:$0x19900] =	vst v63  }
0x354: {  	s25 =	simm.s32 $0xF300;
	v49 =	vperm.xlane v17, v1;
	v18 =	vadd.s32 v3, v48  }
0x355: {  	[tilespmem:s25], [sflag:$0x7] =	stream.indirect_vreg.gather [hbm4b:s3+s2], $0x80, v19, vm0, $0xb8;
	[tilespmem:$0x19900] =	vst v63  }
0x356: {  	s28 =	simm.s32 $0xF380;
	v50 =	vperm.xlane v17, v9;
	v19 =	vadd.s32 v3, v49  }
0x357: {  	[tilespmem:s28], [sflag:$0x7] =	stream.indirect_vreg.gather [hbm4b:s3+s2], $0x80, v47, vm0, $0xb8;
	[tilespmem:$0x19900] =	vst v63  }
0x358: {  	s9 =	simm.s32 $0xF400;
	v52 =	vperm.xlane v17, v10;
	v51 =	vadd.s32 v3, v50  }
0x359: {  	[tilespmem:s9], [sflag:$0x7] =	stream.indirect_vreg.gather [hbm4b:s3+s2], $0x80, v18, vm0, $0xb8;
	[tilespmem:$0x19900] =	vst v63  }
0x35a: {  	v53 =	vperm.xlane v17, v11;
	s10 =	simm.s32 $0xF480;
	v18 =	vadd.s32 v3, v52  }
0x35b: {  	[tilespmem:s10], [sflag:$0x7] =	stream.indirect_vreg.gather [hbm4b:s3+s2], $0x80, v19, vm0, $0xb8;
	[tilespmem:$0x19900] =	vst v63  }
0x35c: {  	v54 =	vperm.xlane v17, v12;
	s12 =	simm.s32 $0xF500;
	v19 =	vadd.s32 v3, v53  }
0x35d: {  	[tilespmem:s12], [sflag:$0x7] =	stream.indirect_vreg.gather [hbm4b:s3+s2], $0x80, v51, vm0, $0xb8;
	[tilespmem:$0x19900] =	vst v63  }
0x35e: {  	v56 =	vperm.xlane v17, v13;
	v55 =	vadd.s32 v3, v54;
	s16 =	simm.s32 $0xF580  }
0x35f: {  	[tilespmem:s16], [sflag:$0x7] =	stream.indirect_vreg.gather [hbm4b:s3+s2], $0x80, v18, vm0, $0xb8;
	[tilespmem:$0x19900] =	vst v63  }
0x360: {  	v57 =	vperm.xlane v17, v14;
	s23 =	simm.s32 $0xF600;
	v18 =	vadd.s32 v3, v56  }
0x361: {  	[tilespmem:s23], [sflag:$0x7] =	stream.indirect_vreg.gather [hbm4b:s3+s2], $0x80, v19, vm0, $0xb8;
	[tilespmem:$0x19900] =	vst v63  }
0x362: {  	v58 =	vperm.xlane v17, v15;
	s25 =	simm.s32 $0xF680;
	v19 =	vadd.s32 v3, v57  }
0x363: {  	[tilespmem:s25], [sflag:$0x7] =	stream.indirect_vreg.gather [hbm4b:s3+s2], $0x80, v55, vm0, $0xb8;
	[tilespmem:$0x19900] =	vst v63  }
0x364: {  	v17 =	vperm.xlane v17, v16;
	v59 =	vadd.s32 v3, v58;
	s28 =	simm.s32 $0xF700  }
0x365: {  	[tilespmem:s28], [sflag:$0x7] =	stream.indirect_vreg.gather [hbm4b:s3+s2], $0x80, v18, vm0, $0xb8;
	[tilespmem:$0x19900] =	vst v63  }
0x366: {  	v17 =	vadd.s32 v3, v17;
	s9 =	simm.s32 $0xF780  }
0x367: {  	[tilespmem:s9], [sflag:$0x7] =	stream.indirect_vreg.gather [hbm4b:s3+s2], $0x80, v19, vm0, $0xb8;
	[tilespmem:$0x19900] =	vst v63  }
0x368: {  	s10 =	simm.s32 $0xF800  }
0x369: {  	[tilespmem:s10], [sflag:$0x7] =	stream.indirect_vreg.gather [hbm4b:s3+s2], $0x80, v59, vm0, $0xb8;
	[tilespmem:$0x19900] =	vst v63  }
0x36a: {  	s12 =	simm.s32 $0xF880  }
0x36b: {  	[tilespmem:s12], [sflag:$0x7] =	stream.indirect_vreg.gather [hbm4b:s3+s2], $0x80, v17, vm0, $0xb8;
	[tilespmem:$0x19900] =	vst v63  }
0x36c: {  	v17 =	vld [tilespmem:$0x80];
	_ =	sdelay $0x4  }
0x36d: {  	v18 =	vshrl.u32 v17, $0x3  }
0x36e: {  	v18 =	vmul.u32 $0x18, v18  }
0x36f: {  	v17 =	vand.u32 $0x7, v17  }
0x370: {  	v17 =	vor.u32 v17, v18  }
0x371: {  	v18 =	vperm.xlane v17, v2;
	_ =	sdelay $0x1  }
0x372: {  	v19 =	vperm.xlane v17, v4;
	v18 =	vadd.s32 v3, v18;
	_ =	sdelay $0x1  }
0x373: {  	v60 =	vperm.xlane v17, v5;
	v19 =	vadd.s32 v3, v19;
	_ =	sdelay $0x1  }
0x374: {  	v61 =	vperm.xlane v17, v0;
	v20 =	vadd.s32 v3, v60  }
0x375: {  	[tilespmem:s13], [sflag:$0x8] =	stream.indirect_vreg.gather [hbm4b:s6+s2], $0x80, v18, vm0, $0xb8;
	[tilespmem:$0x19900] =	vst v63  }
0x376: {  	s16 =	simm.s32 $0xF980;
	v62 =	vperm.xlane v17, v6;
	v18 =	vadd.s32 v3, v61  }
0x377: {  	[tilespmem:s16], [sflag:$0x8] =	stream.indirect_vreg.gather [hbm4b:s6+s2], $0x80, v19, vm0, $0xb8;
	[tilespmem:$0x19900] =	vst v63  }
0x378: {  	s23 =	simm.s32 $0xFA00;
	v63 =	vperm.xlane v17, v7;
	v19 =	vadd.s32 v3, v62  }
0x379: {  	[tilespmem:s23], [sflag:$0x8] =	stream.indirect_vreg.gather [hbm4b:s6+s2], $0x80, v20, vm0, $0xb8;
	[tilespmem:$0x19900] =	vst v63  }
0x37a: {  	s25 =	simm.s32 $0xFA80;
	v25 =	vperm.xlane v17, v8;
	v24 =	vadd.s32 v3, v63  }
0x37b: {  	[tilespmem:s25], [sflag:$0x8] =	stream.indirect_vreg.gather [hbm4b:s6+s2], $0x80, v18, vm0, $0xb8;
	[tilespmem:$0x19900] =	vst v63  }
0x37c: {  	s28 =	simm.s32 $0xFB00;
	v26 =	vperm.xlane v17, v1;
	v18 =	vadd.s32 v3, v25  }
0x37d: {  	[tilespmem:s28], [sflag:$0x8] =	stream.indirect_vreg.gather [hbm4b:s6+s2], $0x80, v19, vm0, $0xb8;
	[tilespmem:$0x19900] =	vst v63  }
0x37e: {  	s9 =	simm.s32 $0xFB80;
	v27 =	vperm.xlane v17, v9;
	v19 =	vadd.s32 v3, v26  }
0x37f: {  	[tilespmem:s9], [sflag:$0x8] =	stream.indirect_vreg.gather [hbm4b:s6+s2], $0x80, v24, vm0, $0xb8;
	[tilespmem:$0x19900] =	vst v63  }
0x380: {  	s10 =	simm.s32 $0xFC00;
	v29 =	vperm.xlane v17, v10;
	v28 =	vadd.s32 v3, v27  }
0x381: {  	[tilespmem:s10], [sflag:$0x8] =	stream.indirect_vreg.gather [hbm4b:s6+s2], $0x80, v18, vm0, $0xb8;
	[tilespmem:$0x19900] =	vst v63  }
0x382: {  	s12 =	simm.s32 $0xFC80;
	v30 =	vperm.xlane v17, v11;
	v18 =	vadd.s32 v3, v29  }
0x383: {  	[tilespmem:s12], [sflag:$0x8] =	stream.indirect_vreg.gather [hbm4b:s6+s2], $0x80, v19, vm0, $0xb8;
	[tilespmem:$0x19900] =	vst v63  }
0x384: {  	v31 =	vperm.xlane v17, v12;
	s13 =	simm.s32 $0xFD00;
	v19 =	vadd.s32 v3, v30  }
0x385: {  	[tilespmem:s13], [sflag:$0x8] =	stream.indirect_vreg.gather [hbm4b:s6+s2], $0x80, v28, vm0, $0xb8;
	[tilespmem:$0x19900] =	vst v63  }
0x386: {  	v33 =	vperm.xlane v17, v13;
	v32 =	vadd.s32 v3, v31;
	s16 =	simm.s32 $0xFD80  }
0x387: {  	[tilespmem:s16], [sflag:$0x8] =	stream.indirect_vreg.gather [hbm4b:s6+s2], $0x80, v18, vm0, $0xb8;
	[tilespmem:$0x19900] =	vst v63  }
0x388: {  	v34 =	vperm.xlane v17, v14;
	s23 =	simm.s32 $0xFE00;
	v18 =	vadd.s32 v3, v33  }
0x389: {  	[tilespmem:s23], [sflag:$0x8] =	stream.indirect_vreg.gather [hbm4b:s6+s2], $0x80, v19, vm0, $0xb8;
	[tilespmem:$0x19900] =	vst v63  }
0x38a: {  	v35 =	vperm.xlane v17, v15;
	s25 =	simm.s32 $0xFE80;
	v19 =	vadd.s32 v3, v34  }
0x38b: {  	[tilespmem:s25], [sflag:$0x8] =	stream.indirect_vreg.gather [hbm4b:s6+s2], $0x80, v32, vm0, $0xb8;
	[tilespmem:$0x19900] =	vst v63  }
0x38c: {  	v17 =	vperm.xlane v17, v16;
	v36 =	vadd.s32 v3, v35;
	s28 =	simm.s32 $0xFF00  }
0x38d: {  	[tilespmem:s28], [sflag:$0x8] =	stream.indirect_vreg.gather [hbm4b:s6+s2], $0x80, v18, vm0, $0xb8;
	[tilespmem:$0x19900] =	vst v63  }
0x38e: {  	v17 =	vadd.s32 v3, v17;
	s9 =	simm.s32 $0xFF80  }
0x38f: {  	[tilespmem:s9], [sflag:$0x8] =	stream.indirect_vreg.gather [hbm4b:s6+s2], $0x80, v19, vm0, $0xb8;
	[tilespmem:$0x19900] =	vst v63  }
0x390: {  	s10 =	simm.s32 $0x10000  }
0x391: {  	[tilespmem:s10], [sflag:$0x8] =	stream.indirect_vreg.gather [hbm4b:s6+s2], $0x80, v36, vm0, $0xb8;
	[tilespmem:$0x19900] =	vst v63  }
0x392: {  	s12 =	simm.s32 $0x10080  }
0x393: {  	[tilespmem:s12], [sflag:$0x8] =	stream.indirect_vreg.gather [hbm4b:s6+s2], $0x80, v17, vm0, $0xb8;
	[tilespmem:$0x19900] =	vst v63  }
0x394: {  	v17 =	vld [tilespmem:$0x90];
	_ =	sdelay $0x4  }
0x395: {  	v18 =	vshrl.u32 v17, $0x3  }
0x396: {  	v18 =	vmul.u32 $0x18, v18  }
0x397: {  	v17 =	vand.u32 $0x7, v17  }
0x398: {  	v17 =	vor.u32 v17, v18  }
0x399: {  	v18 =	vperm.xlane v17, v2;
	_ =	sdelay $0x1  }
0x39a: {  	v19 =	vperm.xlane v17, v4;
	v18 =	vadd.s32 v3, v18;
	_ =	sdelay $0x1  }
0x39b: {  	v37 =	vperm.xlane v17, v5;
	v19 =	vadd.s32 v3, v19;
	_ =	sdelay $0x1  }
0x39c: {  	s13 =	simm.s32 $0x10100;
	v38 =	vperm.xlane v17, v0;
	v20 =	vadd.s32 v3, v37  }
0x39d: {  	[tilespmem:s13], [sflag:$0x8] =	stream.indirect_vreg.gather [hbm4b:s6+s2], $0x80, v18, vm0, $0xb8;
	[tilespmem:$0x19900] =	vst v63  }
0x39e: {  	s16 =	simm.s32 $0x10180;
	v39 =	vperm.xlane v17, v6;
	v18 =	vadd.s32 v3, v38  }
0x39f: {  	[tilespmem:s16], [sflag:$0x8] =	stream.indirect_vreg.gather [hbm4b:s6+s2], $0x80, v19, vm0, $0xb8;
	[tilespmem:$0x19900] =	vst v63  }
0x3a0: {  	s23 =	simm.s32 $0x10200;
	v40 =	vperm.xlane v17, v7;
	v19 =	vadd.s32 v3, v39  }
0x3a1: {  	[tilespmem:s23], [sflag:$0x8] =	stream.indirect_vreg.gather [hbm4b:s6+s2], $0x80, v20, vm0, $0xb8;
	[tilespmem:$0x19900] =	vst v63  }
0x3a2: {  	s25 =	simm.s32 $0x10280;
	v42 =	vperm.xlane v17, v8;
	v41 =	vadd.s32 v3, v40  }
0x3a3: {  	[tilespmem:s25], [sflag:$0x8] =	stream.indirect_vreg.gather [hbm4b:s6+s2], $0x80, v18, vm0, $0xb8;
	[tilespmem:$0x19900] =	vst v63  }
0x3a4: {  	s28 =	simm.s32 $0x10300;
	v43 =	vperm.xlane v17, v1;
	v18 =	vadd.s32 v3, v42  }
0x3a5: {  	[tilespmem:s28], [sflag:$0x8] =	stream.indirect_vreg.gather [hbm4b:s6+s2], $0x80, v19, vm0, $0xb8;
	[tilespmem:$0x19900] =	vst v63  }
0x3a6: {  	s9 =	simm.s32 $0x10380;
	v44 =	vperm.xlane v17, v9;
	v19 =	vadd.s32 v3, v43  }
0x3a7: {  	[tilespmem:s9], [sflag:$0x8] =	stream.indirect_vreg.gather [hbm4b:s6+s2], $0x80, v41, vm0, $0xb8;
	[tilespmem:$0x19900] =	vst v63  }
0x3a8: {  	s10 =	simm.s32 $0x10400;
	v46 =	vperm.xlane v17, v10;
	v45 =	vadd.s32 v3, v44  }
0x3a9: {  	[tilespmem:s10], [sflag:$0x8] =	stream.indirect_vreg.gather [hbm4b:s6+s2], $0x80, v18, vm0, $0xb8;
	[tilespmem:$0x19900] =	vst v63  }
0x3aa: {  	s12 =	simm.s32 $0x10480;
	v47 =	vperm.xlane v17, v11;
	v18 =	vadd.s32 v3, v46  }
0x3ab: {  	[tilespmem:s12], [sflag:$0x8] =	stream.indirect_vreg.gather [hbm4b:s6+s2], $0x80, v19, vm0, $0xb8;
	[tilespmem:$0x19900] =	vst v63  }
0x3ac: {  	v48 =	vperm.xlane v17, v12;
	s13 =	simm.s32 $0x10500;
	v19 =	vadd.s32 v3, v47  }
0x3ad: {  	[tilespmem:s13], [sflag:$0x8] =	stream.indirect_vreg.gather [hbm4b:s6+s2], $0x80, v45, vm0, $0xb8;
	[tilespmem:$0x19900] =	vst v63  }
0x3ae: {  	v50 =	vperm.xlane v17, v13;
	v49 =	vadd.s32 v3, v48;
	s16 =	simm.s32 $0x10580  }
0x3af: {  	[tilespmem:s16], [sflag:$0x8] =	stream.indirect_vreg.gather [hbm4b:s6+s2], $0x80, v18, vm0, $0xb8;
	[tilespmem:$0x19900] =	vst v63  }
0x3b0: {  	v51 =	vperm.xlane v17, v14;
	s23 =	simm.s32 $0x10600;
	v18 =	vadd.s32 v3, v50  }
0x3b1: {  	[tilespmem:s23], [sflag:$0x8] =	stream.indirect_vreg.gather [hbm4b:s6+s2], $0x80, v19, vm0, $0xb8;
	[tilespmem:$0x19900] =	vst v63  }
0x3b2: {  	v52 =	vperm.xlane v17, v15;
	s25 =	simm.s32 $0x10680;
	v19 =	vadd.s32 v3, v51  }
0x3b3: {  	[tilespmem:s25], [sflag:$0x8] =	stream.indirect_vreg.gather [hbm4b:s6+s2], $0x80, v49, vm0, $0xb8;
	[tilespmem:$0x19900] =	vst v63  }
0x3b4: {  	v17 =	vperm.xlane v17, v16;
	v53 =	vadd.s32 v3, v52;
	s28 =	simm.s32 $0x10700  }
0x3b5: {  	[tilespmem:s28], [sflag:$0x8] =	stream.indirect_vreg.gather [hbm4b:s6+s2], $0x80, v18, vm0, $0xb8;
	[tilespmem:$0x19900] =	vst v63  }
0x3b6: {  	v17 =	vadd.s32 v3, v17;
	s9 =	simm.s32 $0x10780  }
0x3b7: {  	[tilespmem:s9], [sflag:$0x8] =	stream.indirect_vreg.gather [hbm4b:s6+s2], $0x80, v19, vm0, $0xb8;
	[tilespmem:$0x19900] =	vst v63  }
0x3b8: {  	s10 =	simm.s32 $0x10800  }
0x3b9: {  	[tilespmem:s10], [sflag:$0x8] =	stream.indirect_vreg.gather [hbm4b:s6+s2], $0x80, v53, vm0, $0xb8;
	[tilespmem:$0x19900] =	vst v63  }
0x3ba: {  	s12 =	simm.s32 $0x10880  }
0x3bb: {  	[tilespmem:s12], [sflag:$0x8] =	stream.indirect_vreg.gather [hbm4b:s6+s2], $0x80, v17, vm0, $0xb8;
	[tilespmem:$0x19900] =	vst v63  }
0x3bc: {  	v17 =	vld [tilespmem:$0xA0];
	_ =	sdelay $0x4  }
0x3bd: {  	v18 =	vshrl.u32 v17, $0x3  }
0x3be: {  	v18 =	vmul.u32 $0x18, v18  }
0x3bf: {  	v17 =	vand.u32 $0x7, v17  }
0x3c0: {  	v17 =	vor.u32 v17, v18  }
0x3c1: {  	v18 =	vperm.xlane v17, v2;
	_ =	sdelay $0x1  }
0x3c2: {  	v19 =	vperm.xlane v17, v4;
	v18 =	vadd.s32 v3, v18;
	_ =	sdelay $0x1  }
0x3c3: {  	v54 =	vperm.xlane v17, v5;
	v19 =	vadd.s32 v3, v19;
	_ =	sdelay $0x1  }
0x3c4: {  	s13 =	simm.s32 $0x10900;
	v55 =	vperm.xlane v17, v0;
	v20 =	vadd.s32 v3, v54  }
0x3c5: {  	[tilespmem:s13], [sflag:$0x8] =	stream.indirect_vreg.gather [hbm4b:s6+s2], $0x80, v18, vm0, $0xb8;
	[tilespmem:$0x19900] =	vst v63  }
0x3c6: {  	s16 =	simm.s32 $0x10980;
	v56 =	vperm.xlane v17, v6;
	v18 =	vadd.s32 v3, v55  }
0x3c7: {  	[tilespmem:s16], [sflag:$0x8] =	stream.indirect_vreg.gather [hbm4b:s6+s2], $0x80, v19, vm0, $0xb8;
	[tilespmem:$0x19900] =	vst v63  }
0x3c8: {  	s23 =	simm.s32 $0x10A00;
	v57 =	vperm.xlane v17, v7;
	v19 =	vadd.s32 v3, v56  }
0x3c9: {  	[tilespmem:s23], [sflag:$0x8] =	stream.indirect_vreg.gather [hbm4b:s6+s2], $0x80, v20, vm0, $0xb8;
	[tilespmem:$0x19900] =	vst v63  }
0x3ca: {  	s25 =	simm.s32 $0x10A80;
	v59 =	vperm.xlane v17, v8;
	v58 =	vadd.s32 v3, v57  }
0x3cb: {  	[tilespmem:s25], [sflag:$0x8] =	stream.indirect_vreg.gather [hbm4b:s6+s2], $0x80, v18, vm0, $0xb8;
	[tilespmem:$0x19900] =	vst v63  }
0x3cc: {  	s28 =	simm.s32 $0x10B00;
	v60 =	vperm.xlane v17, v1;
	v18 =	vadd.s32 v3, v59  }
0x3cd: {  	[tilespmem:s28], [sflag:$0x8] =	stream.indirect_vreg.gather [hbm4b:s6+s2], $0x80, v19, vm0, $0xb8;
	[tilespmem:$0x19900] =	vst v63  }
0x3ce: {  	s9 =	simm.s32 $0x10B80;
	v61 =	vperm.xlane v17, v9;
	v19 =	vadd.s32 v3, v60  }
0x3cf: {  	[tilespmem:s9], [sflag:$0x8] =	stream.indirect_vreg.gather [hbm4b:s6+s2], $0x80, v58, vm0, $0xb8;
	[tilespmem:$0x19900] =	vst v63  }
0x3d0: {  	s10 =	simm.s32 $0x10C00;
	v63 =	vperm.xlane v17, v10;
	v62 =	vadd.s32 v3, v61  }
0x3d1: {  	[tilespmem:s10], [sflag:$0x8] =	stream.indirect_vreg.gather [hbm4b:s6+s2], $0x80, v18, vm0, $0xb8;
	[tilespmem:$0x19900] =	vst v63  }
0x3d2: {  	s12 =	simm.s32 $0x10C80;
	v24 =	vperm.xlane v17, v11;
	v18 =	vadd.s32 v3, v63  }
0x3d3: {  	[tilespmem:s12], [sflag:$0x8] =	stream.indirect_vreg.gather [hbm4b:s6+s2], $0x80, v19, vm0, $0xb8;
	[tilespmem:$0x19900] =	vst v63  }
0x3d4: {  	v25 =	vperm.xlane v17, v12;
	s13 =	simm.s32 $0x10D00;
	v19 =	vadd.s32 v3, v24  }
0x3d5: {  	[tilespmem:s13], [sflag:$0x8] =	stream.indirect_vreg.gather [hbm4b:s6+s2], $0x80, v62, vm0, $0xb8;
	[tilespmem:$0x19900] =	vst v63  }
0x3d6: {  	v27 =	vperm.xlane v17, v13;
	v26 =	vadd.s32 v3, v25;
	s16 =	simm.s32 $0x10D80  }
0x3d7: {  	[tilespmem:s16], [sflag:$0x8] =	stream.indirect_vreg.gather [hbm4b:s6+s2], $0x80, v18, vm0, $0xb8;
	[tilespmem:$0x19900] =	vst v63  }
0x3d8: {  	v28 =	vperm.xlane v17, v14;
	s23 =	simm.s32 $0x10E00;
	v18 =	vadd.s32 v3, v27  }
0x3d9: {  	[tilespmem:s23], [sflag:$0x8] =	stream.indirect_vreg.gather [hbm4b:s6+s2], $0x80, v19, vm0, $0xb8;
	[tilespmem:$0x19900] =	vst v63  }
0x3da: {  	v29 =	vperm.xlane v17, v15;
	s25 =	simm.s32 $0x10E80;
	v19 =	vadd.s32 v3, v28  }
0x3db: {  	[tilespmem:s25], [sflag:$0x8] =	stream.indirect_vreg.gather [hbm4b:s6+s2], $0x80, v26, vm0, $0xb8;
	[tilespmem:$0x19900] =	vst v63  }
0x3dc: {  	v17 =	vperm.xlane v17, v16;
	v30 =	vadd.s32 v3, v29;
	s28 =	simm.s32 $0x10F00  }
0x3dd: {  	[tilespmem:s28], [sflag:$0x8] =	stream.indirect_vreg.gather [hbm4b:s6+s2], $0x80, v18, vm0, $0xb8;
	[tilespmem:$0x19900] =	vst v63  }
0x3de: {  	v17 =	vadd.s32 v3, v17;
	s9 =	simm.s32 $0x10F80  }
0x3df: {  	[tilespmem:s9], [sflag:$0x8] =	stream.indirect_vreg.gather [hbm4b:s6+s2], $0x80, v19, vm0, $0xb8;
	[tilespmem:$0x19900] =	vst v63  }
0x3e0: {  	s10 =	simm.s32 $0x11000  }
0x3e1: {  	[tilespmem:s10], [sflag:$0x8] =	stream.indirect_vreg.gather [hbm4b:s6+s2], $0x80, v30, vm0, $0xb8;
	[tilespmem:$0x19900] =	vst v63  }
0x3e2: {  	s12 =	simm.s32 $0x11080  }
0x3e3: {  	[tilespmem:s12], [sflag:$0x8] =	stream.indirect_vreg.gather [hbm4b:s6+s2], $0x80, v17, vm0, $0xb8;
	[tilespmem:$0x19900] =	vst v63  }
0x3e4: {  	v17 =	vld [tilespmem:$0xB0];
	_ =	sdelay $0x4  }
0x3e5: {  	v18 =	vshrl.u32 v17, $0x3  }
0x3e6: {  	v18 =	vmul.u32 $0x18, v18  }
0x3e7: {  	v17 =	vand.u32 $0x7, v17  }
0x3e8: {  	v17 =	vor.u32 v17, v18  }
0x3e9: {  	v18 =	vperm.xlane v17, v2;
	_ =	sdelay $0x1  }
0x3ea: {  	v19 =	vperm.xlane v17, v4;
	v18 =	vadd.s32 v3, v18;
	_ =	sdelay $0x1  }
0x3eb: {  	v31 =	vperm.xlane v17, v5;
	v19 =	vadd.s32 v3, v19;
	_ =	sdelay $0x1  }
0x3ec: {  	s13 =	simm.s32 $0x11100;
	v32 =	vperm.xlane v17, v0;
	v20 =	vadd.s32 v3, v31  }
0x3ed: {  	[tilespmem:s13], [sflag:$0x8] =	stream.indirect_vreg.gather [hbm4b:s6+s2], $0x80, v18, vm0, $0xb8;
	[tilespmem:$0x19900] =	vst v63  }
0x3ee: {  	s16 =	simm.s32 $0x11180;
	v33 =	vperm.xlane v17, v6;
	v18 =	vadd.s32 v3, v32  }
0x3ef: {  	[tilespmem:s16], [sflag:$0x8] =	stream.indirect_vreg.gather [hbm4b:s6+s2], $0x80, v19, vm0, $0xb8;
	[tilespmem:$0x19900] =	vst v63  }
0x3f0: {  	s23 =	simm.s32 $0x11200;
	v34 =	vperm.xlane v17, v7;
	v19 =	vadd.s32 v3, v33  }
0x3f1: {  	[tilespmem:s23], [sflag:$0x8] =	stream.indirect_vreg.gather [hbm4b:s6+s2], $0x80, v20, vm0, $0xb8;
	[tilespmem:$0x19900] =	vst v63  }
0x3f2: {  	s25 =	simm.s32 $0x11280;
	v36 =	vperm.xlane v17, v8;
	v35 =	vadd.s32 v3, v34  }
0x3f3: {  	[tilespmem:s25], [sflag:$0x8] =	stream.indirect_vreg.gather [hbm4b:s6+s2], $0x80, v18, vm0, $0xb8;
	[tilespmem:$0x19900] =	vst v63  }
0x3f4: {  	s28 =	simm.s32 $0x11300;
	v37 =	vperm.xlane v17, v1;
	v18 =	vadd.s32 v3, v36  }
0x3f5: {  	[tilespmem:s28], [sflag:$0x8] =	stream.indirect_vreg.gather [hbm4b:s6+s2], $0x80, v19, vm0, $0xb8;
	[tilespmem:$0x19900] =	vst v63  }
0x3f6: {  	s9 =	simm.s32 $0x11380;
	v38 =	vperm.xlane v17, v9;
	v19 =	vadd.s32 v3, v37  }
0x3f7: {  	[tilespmem:s9], [sflag:$0x8] =	stream.indirect_vreg.gather [hbm4b:s6+s2], $0x80, v35, vm0, $0xb8;
	[tilespmem:$0x19900] =	vst v63  }
0x3f8: {  	s10 =	simm.s32 $0x11400;
	v40 =	vperm.xlane v17, v10;
	v39 =	vadd.s32 v3, v38  }
0x3f9: {  	[tilespmem:s10], [sflag:$0x8] =	stream.indirect_vreg.gather [hbm4b:s6+s2], $0x80, v18, vm0, $0xb8;
	[tilespmem:$0x19900] =	vst v63  }
0x3fa: {  	s12 =	simm.s32 $0x11480;
	v41 =	vperm.xlane v17, v11;
	v18 =	vadd.s32 v3, v40  }
0x3fb: {  	[tilespmem:s12], [sflag:$0x8] =	stream.indirect_vreg.gather [hbm4b:s6+s2], $0x80, v19, vm0, $0xb8;
	[tilespmem:$0x19900] =	vst v63  }
0x3fc: {  	v42 =	vperm.xlane v17, v12;
	s13 =	simm.s32 $0x11500;
	v19 =	vadd.s32 v3, v41  }
0x3fd: {  	[tilespmem:s13], [sflag:$0x8] =	stream.indirect_vreg.gather [hbm4b:s6+s2], $0x80, v39, vm0, $0xb8;
	[tilespmem:$0x19900] =	vst v63  }
0x3fe: {  	v44 =	vperm.xlane v17, v13;
	v43 =	vadd.s32 v3, v42;
	s16 =	simm.s32 $0x11580  }
0x3ff: {  	[tilespmem:s16], [sflag:$0x8] =	stream.indirect_vreg.gather [hbm4b:s6+s2], $0x80, v18, vm0, $0xb8;
	[tilespmem:$0x19900] =	vst v63  }
0x400: {  	v45 =	vperm.xlane v17, v14;
	s23 =	simm.s32 $0x11600;
	v18 =	vadd.s32 v3, v44  }
0x401: {  	[tilespmem:s23], [sflag:$0x8] =	stream.indirect_vreg.gather [hbm4b:s6+s2], $0x80, v19, vm0, $0xb8;
	[tilespmem:$0x19900] =	vst v63  }
0x402: {  	v46 =	vperm.xlane v17, v15;
	s25 =	simm.s32 $0x11680;
	v19 =	vadd.s32 v3, v45  }
0x403: {  	[tilespmem:s25], [sflag:$0x8] =	stream.indirect_vreg.gather [hbm4b:s6+s2], $0x80, v43, vm0, $0xb8;
	[tilespmem:$0x19900] =	vst v63  }
0x404: {  	v17 =	vperm.xlane v17, v16;
	v47 =	vadd.s32 v3, v46;
	s28 =	simm.s32 $0x11700  }
0x405: {  	[tilespmem:s28], [sflag:$0x8] =	stream.indirect_vreg.gather [hbm4b:s6+s2], $0x80, v18, vm0, $0xb8;
	[tilespmem:$0x19900] =	vst v63  }
0x406: {  	v17 =	vadd.s32 v3, v17;
	s9 =	simm.s32 $0x11780  }
0x407: {  	[tilespmem:s9], [sflag:$0x8] =	stream.indirect_vreg.gather [hbm4b:s6+s2], $0x80, v19, vm0, $0xb8;
	[tilespmem:$0x19900] =	vst v63  }
0x408: {  	s10 =	simm.s32 $0x11800  }
0x409: {  	[tilespmem:s10], [sflag:$0x8] =	stream.indirect_vreg.gather [hbm4b:s6+s2], $0x80, v47, vm0, $0xb8;
	[tilespmem:$0x19900] =	vst v63  }
0x40a: {  	s12 =	simm.s32 $0x11880  }
0x40b: {  	[tilespmem:s12], [sflag:$0x8] =	stream.indirect_vreg.gather [hbm4b:s6+s2], $0x80, v17, vm0, $0xb8;
	[tilespmem:$0x19900] =	vst v63  }
0x40c: {  	s13 =	simm.s32 $0x80  }
0x40d: {  	[tilespmem:s11], [sflag:$0x9] =	stream.indirect.gather [hbm4b:s4+s7], $0x80, s13, s7, $0xb8;
	[tilespmem:$0x19900] =	vst v63  }
0x40e: {  	v17 =	vld [tilespmem:$0xC0];
	_ =	sdelay $0x4  }
0x40f: {  	v18 =	vshrl.u32 v17, $0x3  }
0x410: {  	v18 =	vmul.u32 $0x18, v18  }
0x411: {  	v17 =	vand.u32 $0x7, v17  }
0x412: {  	v17 =	vor.u32 v17, v18  }
0x413: {  	v18 =	vperm.xlane v17, v2;
	_ =	sdelay $0x1  }
0x414: {  	v19 =	vperm.xlane v17, v4;
	v18 =	vadd.s32 v3, v18;
	_ =	sdelay $0x1  }
0x415: {  	v48 =	vperm.xlane v17, v5;
	v19 =	vadd.s32 v3, v19;
	_ =	sdelay $0x1  }
0x416: {  	v49 =	vperm.xlane v17, v0;
	v20 =	vadd.s32 v3, v48  }
0x417: {  	[tilespmem:s5], [sflag:$0xA] =	stream.indirect_vreg.gather [hbm4b:s3+s2], $0x80, v18, vm0, $0xb8;
	[tilespmem:$0x19900] =	vst v63  }
0x418: {  	s16 =	simm.s32 $0x13980;
	v50 =	vperm.xlane v17, v6;
	v18 =	vadd.s32 v3, v49  }
0x419: {  	[tilespmem:s16], [sflag:$0xA] =	stream.indirect_vreg.gather [hbm4b:s3+s2], $0x80, v19, vm0, $0xb8;
	[tilespmem:$0x19900] =	vst v63  }
0x41a: {  	s23 =	simm.s32 $0x13A00;
	v51 =	vperm.xlane v17, v7;
	v19 =	vadd.s32 v3, v50  }
0x41b: {  	[tilespmem:s23], [sflag:$0xA] =	stream.indirect_vreg.gather [hbm4b:s3+s2], $0x80, v20, vm0, $0xb8;
	[tilespmem:$0x19900] =	vst v63  }
0x41c: {  	s25 =	simm.s32 $0x13A80;
	v53 =	vperm.xlane v17, v8;
	v52 =	vadd.s32 v3, v51  }
0x41d: {  	[tilespmem:s25], [sflag:$0xA] =	stream.indirect_vreg.gather [hbm4b:s3+s2], $0x80, v18, vm0, $0xb8;
	[tilespmem:$0x19900] =	vst v63  }
0x41e: {  	s28 =	simm.s32 $0x13B00;
	v54 =	vperm.xlane v17, v1;
	v18 =	vadd.s32 v3, v53  }
0x41f: {  	[tilespmem:s28], [sflag:$0xA] =	stream.indirect_vreg.gather [hbm4b:s3+s2], $0x80, v19, vm0, $0xb8;
	[tilespmem:$0x19900] =	vst v63  }
0x420: {  	s8 =	simm.s32 $0x13B80;
	v55 =	vperm.xlane v17, v9;
	v19 =	vadd.s32 v3, v54  }
0x421: {  	[tilespmem:s8], [sflag:$0xA] =	stream.indirect_vreg.gather [hbm4b:s3+s2], $0x80, v52, vm0, $0xb8;
	[tilespmem:$0x19900] =	vst v63  }
0x422: {  	s9 =	simm.s32 $0x13C00;
	v57 =	vperm.xlane v17, v10;
	v56 =	vadd.s32 v3, v55  }
0x423: {  	[tilespmem:s9], [sflag:$0xA] =	stream.indirect_vreg.gather [hbm4b:s3+s2], $0x80, v18, vm0, $0xb8;
	[tilespmem:$0x19900] =	vst v63  }
0x424: {  	s10 =	simm.s32 $0x13C80;
	v58 =	vperm.xlane v17, v11;
	v18 =	vadd.s32 v3, v57  }
0x425: {  	[tilespmem:s10], [sflag:$0xA] =	stream.indirect_vreg.gather [hbm4b:s3+s2], $0x80, v19, vm0, $0xb8;
	[tilespmem:$0x19900] =	vst v63  }
0x426: {  	s11 =	simm.s32 $0x13D00;
	v59 =	vperm.xlane v17, v12;
	v19 =	vadd.s32 v3, v58  }
0x427: {  	[tilespmem:s11], [sflag:$0xA] =	stream.indirect_vreg.gather [hbm4b:s3+s2], $0x80, v56, vm0, $0xb8;
	[tilespmem:$0x19900] =	vst v63  }
0x428: {  	s12 =	simm.s32 $0x13D80;
	v61 =	vperm.xlane v17, v13;
	v60 =	vadd.s32 v3, v59  }
0x429: {  	[tilespmem:s12], [sflag:$0xA] =	stream.indirect_vreg.gather [hbm4b:s3+s2], $0x80, v18, vm0, $0xb8;
	[tilespmem:$0x19900] =	vst v63  }
0x42a: {  	s13 =	simm.s32 $0x13E00;
	v62 =	vperm.xlane v17, v14;
	v18 =	vadd.s32 v3, v61  }
0x42b: {  	[tilespmem:s13], [sflag:$0xA] =	stream.indirect_vreg.gather [hbm4b:s3+s2], $0x80, v19, vm0, $0xb8;
	[tilespmem:$0x19900] =	vst v63  }
0x42c: {  	v63 =	vperm.xlane v17, v15;
	s16 =	simm.s32 $0x13E80;
	v19 =	vadd.s32 v3, v62  }
0x42d: {  	[tilespmem:s16], [sflag:$0xA] =	stream.indirect_vreg.gather [hbm4b:s3+s2], $0x80, v60, vm0, $0xb8;
	[tilespmem:$0x19900] =	vst v63  }
0x42e: {  	v17 =	vperm.xlane v17, v16;
	v24 =	vadd.s32 v3, v63;
	s23 =	simm.s32 $0x13F00  }
0x42f: {  	[tilespmem:s23], [sflag:$0xA] =	stream.indirect_vreg.gather [hbm4b:s3+s2], $0x80, v18, vm0, $0xb8;
	[tilespmem:$0x19900] =	vst v63  }
0x430: {  	v17 =	vadd.s32 v3, v17;
	s25 =	simm.s32 $0x13F80  }
0x431: {  	[tilespmem:s25], [sflag:$0xA] =	stream.indirect_vreg.gather [hbm4b:s3+s2], $0x80, v19, vm0, $0xb8;
	[tilespmem:$0x19900] =	vst v63  }
0x432: {  	s28 =	simm.s32 $0x14000  }
0x433: {  	[tilespmem:s28], [sflag:$0xA] =	stream.indirect_vreg.gather [hbm4b:s3+s2], $0x80, v24, vm0, $0xb8;
	[tilespmem:$0x19900] =	vst v63  }
0x434: {  	s8 =	simm.s32 $0x14080  }
0x435: {  	[tilespmem:s8], [sflag:$0xA] =	stream.indirect_vreg.gather [hbm4b:s3+s2], $0x80, v17, vm0, $0xb8;
	[tilespmem:$0x19900] =	vst v63  }
0x436: {  	v17 =	vld [tilespmem:$0xD0];
	_ =	sdelay $0x4  }
0x437: {  	v18 =	vshrl.u32 v17, $0x3  }
0x438: {  	v18 =	vmul.u32 $0x18, v18  }
0x439: {  	v17 =	vand.u32 $0x7, v17  }
0x43a: {  	v17 =	vor.u32 v17, v18  }
0x43b: {  	v18 =	vperm.xlane v17, v2;
	_ =	sdelay $0x1  }
0x43c: {  	v19 =	vperm.xlane v17, v4;
	v18 =	vadd.s32 v3, v18;
	_ =	sdelay $0x1  }
0x43d: {  	v25 =	vperm.xlane v17, v5;
	v19 =	vadd.s32 v3, v19;
	_ =	sdelay $0x1  }
0x43e: {  	s9 =	simm.s32 $0x14100;
	v26 =	vperm.xlane v17, v0;
	v20 =	vadd.s32 v3, v25  }
0x43f: {  	[tilespmem:s9], [sflag:$0xA] =	stream.indirect_vreg.gather [hbm4b:s3+s2], $0x80, v18, vm0, $0xb8;
	[tilespmem:$0x19900] =	vst v63  }
0x440: {  	s10 =	simm.s32 $0x14180;
	v27 =	vperm.xlane v17, v6;
	v18 =	vadd.s32 v3, v26  }
0x441: {  	[tilespmem:s10], [sflag:$0xA] =	stream.indirect_vreg.gather [hbm4b:s3+s2], $0x80, v19, vm0, $0xb8;
	[tilespmem:$0x19900] =	vst v63  }
0x442: {  	s11 =	simm.s32 $0x14200;
	v28 =	vperm.xlane v17, v7;
	v19 =	vadd.s32 v3, v27  }
0x443: {  	[tilespmem:s11], [sflag:$0xA] =	stream.indirect_vreg.gather [hbm4b:s3+s2], $0x80, v20, vm0, $0xb8;
	[tilespmem:$0x19900] =	vst v63  }
0x444: {  	s12 =	simm.s32 $0x14280;
	v30 =	vperm.xlane v17, v8;
	v29 =	vadd.s32 v3, v28  }
0x445: {  	[tilespmem:s12], [sflag:$0xA] =	stream.indirect_vreg.gather [hbm4b:s3+s2], $0x80, v18, vm0, $0xb8;
	[tilespmem:$0x19900] =	vst v63  }
0x446: {  	s13 =	simm.s32 $0x14300;
	v31 =	vperm.xlane v17, v1;
	v18 =	vadd.s32 v3, v30  }
0x447: {  	[tilespmem:s13], [sflag:$0xA] =	stream.indirect_vreg.gather [hbm4b:s3+s2], $0x80, v19, vm0, $0xb8;
	[tilespmem:$0x19900] =	vst v63  }
0x448: {  	s16 =	simm.s32 $0x14380;
	v32 =	vperm.xlane v17, v9;
	v19 =	vadd.s32 v3, v31  }
0x449: {  	[tilespmem:s16], [sflag:$0xA] =	stream.indirect_vreg.gather [hbm4b:s3+s2], $0x80, v29, vm0, $0xb8;
	[tilespmem:$0x19900] =	vst v63  }
0x44a: {  	s23 =	simm.s32 $0x14400;
	v34 =	vperm.xlane v17, v10;
	v33 =	vadd.s32 v3, v32  }
0x44b: {  	[tilespmem:s23], [sflag:$0xA] =	stream.indirect_vreg.gather [hbm4b:s3+s2], $0x80, v18, vm0, $0xb8;
	[tilespmem:$0x19900] =	vst v63  }
0x44c: {  	s25 =	simm.s32 $0x14480;
	v35 =	vperm.xlane v17, v11;
	v18 =	vadd.s32 v3, v34  }
0x44d: {  	[tilespmem:s25], [sflag:$0xA] =	stream.indirect_vreg.gather [hbm4b:s3+s2], $0x80, v19, vm0, $0xb8;
	[tilespmem:$0x19900] =	vst v63  }
0x44e: {  	s28 =	simm.s32 $0x14500;
	v36 =	vperm.xlane v17, v12;
	v19 =	vadd.s32 v3, v35  }
0x44f: {  	[tilespmem:s28], [sflag:$0xA] =	stream.indirect_vreg.gather [hbm4b:s3+s2], $0x80, v33, vm0, $0xb8;
	[tilespmem:$0x19900] =	vst v63  }
0x450: {  	s8 =	simm.s32 $0x14580;
	v38 =	vperm.xlane v17, v13;
	v37 =	vadd.s32 v3, v36  }
0x451: {  	[tilespmem:s8], [sflag:$0xA] =	stream.indirect_vreg.gather [hbm4b:s3+s2], $0x80, v18, vm0, $0xb8;
	[tilespmem:$0x19900] =	vst v63  }
0x452: {  	v39 =	vperm.xlane v17, v14;
	s9 =	simm.s32 $0x14600;
	v18 =	vadd.s32 v3, v38  }
0x453: {  	[tilespmem:s9], [sflag:$0xA] =	stream.indirect_vreg.gather [hbm4b:s3+s2], $0x80, v19, vm0, $0xb8;
	[tilespmem:$0x19900] =	vst v63  }
0x454: {  	v40 =	vperm.xlane v17, v15;
	s10 =	simm.s32 $0x14680;
	v19 =	vadd.s32 v3, v39  }
0x455: {  	[tilespmem:s10], [sflag:$0xA] =	stream.indirect_vreg.gather [hbm4b:s3+s2], $0x80, v37, vm0, $0xb8;
	[tilespmem:$0x19900] =	vst v63  }
0x456: {  	v17 =	vperm.xlane v17, v16;
	v41 =	vadd.s32 v3, v40;
	s11 =	simm.s32 $0x14700  }
0x457: {  	[tilespmem:s11], [sflag:$0xA] =	stream.indirect_vreg.gather [hbm4b:s3+s2], $0x80, v18, vm0, $0xb8;
	[tilespmem:$0x19900] =	vst v63  }
0x458: {  	v17 =	vadd.s32 v3, v17;
	s12 =	simm.s32 $0x14780  }
0x459: {  	[tilespmem:s12], [sflag:$0xA] =	stream.indirect_vreg.gather [hbm4b:s3+s2], $0x80, v19, vm0, $0xb8;
	[tilespmem:$0x19900] =	vst v63  }
0x45a: {  	s13 =	simm.s32 $0x14800  }
0x45b: {  	[tilespmem:s13], [sflag:$0xA] =	stream.indirect_vreg.gather [hbm4b:s3+s2], $0x80, v41, vm0, $0xb8;
	[tilespmem:$0x19900] =	vst v63  }
0x45c: {  	s16 =	simm.s32 $0x14880  }
0x45d: {  	[tilespmem:s16], [sflag:$0xA] =	stream.indirect_vreg.gather [hbm4b:s3+s2], $0x80, v17, vm0, $0xb8;
	[tilespmem:$0x19900] =	vst v63  }
0x45e: {  	v17 =	vld [tilespmem:$0xE0];
	_ =	sdelay $0x4  }
0x45f: {  	v18 =	vshrl.u32 v17, $0x3  }
0x460: {  	v18 =	vmul.u32 $0x18, v18  }
0x461: {  	v17 =	vand.u32 $0x7, v17  }
0x462: {  	v17 =	vor.u32 v17, v18  }
0x463: {  	v18 =	vperm.xlane v17, v2;
	_ =	sdelay $0x1  }
0x464: {  	v19 =	vperm.xlane v17, v4;
	v18 =	vadd.s32 v3, v18;
	_ =	sdelay $0x1  }
0x465: {  	v42 =	vperm.xlane v17, v5;
	v19 =	vadd.s32 v3, v19;
	_ =	sdelay $0x1  }
0x466: {  	s23 =	simm.s32 $0x14900;
	v43 =	vperm.xlane v17, v0;
	v20 =	vadd.s32 v3, v42  }
0x467: {  	[tilespmem:s23], [sflag:$0xA] =	stream.indirect_vreg.gather [hbm4b:s3+s2], $0x80, v18, vm0, $0xb8;
	[tilespmem:$0x19900] =	vst v63  }
0x468: {  	s25 =	simm.s32 $0x14980;
	v44 =	vperm.xlane v17, v6;
	v18 =	vadd.s32 v3, v43  }
0x469: {  	[tilespmem:s25], [sflag:$0xA] =	stream.indirect_vreg.gather [hbm4b:s3+s2], $0x80, v19, vm0, $0xb8;
	[tilespmem:$0x19900] =	vst v63  }
0x46a: {  	s28 =	simm.s32 $0x14A00;
	v45 =	vperm.xlane v17, v7;
	v19 =	vadd.s32 v3, v44  }
0x46b: {  	[tilespmem:s28], [sflag:$0xA] =	stream.indirect_vreg.gather [hbm4b:s3+s2], $0x80, v20, vm0, $0xb8;
	[tilespmem:$0x19900] =	vst v63  }
0x46c: {  	s8 =	simm.s32 $0x14A80;
	v47 =	vperm.xlane v17, v8;
	v46 =	vadd.s32 v3, v45  }
0x46d: {  	[tilespmem:s8], [sflag:$0xA] =	stream.indirect_vreg.gather [hbm4b:s3+s2], $0x80, v18, vm0, $0xb8;
	[tilespmem:$0x19900] =	vst v63  }
0x46e: {  	s9 =	simm.s32 $0x14B00;
	v48 =	vperm.xlane v17, v1;
	v18 =	vadd.s32 v3, v47  }
0x46f: {  	[tilespmem:s9], [sflag:$0xA] =	stream.indirect_vreg.gather [hbm4b:s3+s2], $0x80, v19, vm0, $0xb8;
	[tilespmem:$0x19900] =	vst v63  }
0x470: {  	s10 =	simm.s32 $0x14B80;
	v49 =	vperm.xlane v17, v9;
	v19 =	vadd.s32 v3, v48  }
0x471: {  	[tilespmem:s10], [sflag:$0xA] =	stream.indirect_vreg.gather [hbm4b:s3+s2], $0x80, v46, vm0, $0xb8;
	[tilespmem:$0x19900] =	vst v63  }
0x472: {  	s11 =	simm.s32 $0x14C00;
	v51 =	vperm.xlane v17, v10;
	v50 =	vadd.s32 v3, v49  }
0x473: {  	[tilespmem:s11], [sflag:$0xA] =	stream.indirect_vreg.gather [hbm4b:s3+s2], $0x80, v18, vm0, $0xb8;
	[tilespmem:$0x19900] =	vst v63  }
0x474: {  	s12 =	simm.s32 $0x14C80;
	v52 =	vperm.xlane v17, v11;
	v18 =	vadd.s32 v3, v51  }
0x475: {  	[tilespmem:s12], [sflag:$0xA] =	stream.indirect_vreg.gather [hbm4b:s3+s2], $0x80, v19, vm0, $0xb8;
	[tilespmem:$0x19900] =	vst v63  }
0x476: {  	s13 =	simm.s32 $0x14D00;
	v53 =	vperm.xlane v17, v12;
	v19 =	vadd.s32 v3, v52  }
0x477: {  	[tilespmem:s13], [sflag:$0xA] =	stream.indirect_vreg.gather [hbm4b:s3+s2], $0x80, v50, vm0, $0xb8;
	[tilespmem:$0x19900] =	vst v63  }
0x478: {  	s16 =	simm.s32 $0x14D80;
	v55 =	vperm.xlane v17, v13;
	v54 =	vadd.s32 v3, v53  }
0x479: {  	[tilespmem:s16], [sflag:$0xA] =	stream.indirect_vreg.gather [hbm4b:s3+s2], $0x80, v18, vm0, $0xb8;
	[tilespmem:$0x19900] =	vst v63  }
0x47a: {  	v56 =	vperm.xlane v17, v14;
	s23 =	simm.s32 $0x14E00;
	v18 =	vadd.s32 v3, v55  }
0x47b: {  	[tilespmem:s23], [sflag:$0xA] =	stream.indirect_vreg.gather [hbm4b:s3+s2], $0x80, v19, vm0, $0xb8;
	[tilespmem:$0x19900] =	vst v63  }
0x47c: {  	v57 =	vperm.xlane v17, v15;
	s25 =	simm.s32 $0x14E80;
	v19 =	vadd.s32 v3, v56  }
0x47d: {  	[tilespmem:s25], [sflag:$0xA] =	stream.indirect_vreg.gather [hbm4b:s3+s2], $0x80, v54, vm0, $0xb8;
	[tilespmem:$0x19900] =	vst v63  }
0x47e: {  	v17 =	vperm.xlane v17, v16;
	v58 =	vadd.s32 v3, v57;
	s28 =	simm.s32 $0x14F00  }
0x47f: {  	[tilespmem:s28], [sflag:$0xA] =	stream.indirect_vreg.gather [hbm4b:s3+s2], $0x80, v18, vm0, $0xb8;
	[tilespmem:$0x19900] =	vst v63  }
0x480: {  	v17 =	vadd.s32 v3, v17;
	s8 =	simm.s32 $0x14F80  }
0x481: {  	[tilespmem:s8], [sflag:$0xA] =	stream.indirect_vreg.gather [hbm4b:s3+s2], $0x80, v19, vm0, $0xb8;
	[tilespmem:$0x19900] =	vst v63  }
0x482: {  	s9 =	simm.s32 $0x15000  }
0x483: {  	[tilespmem:s9], [sflag:$0xA] =	stream.indirect_vreg.gather [hbm4b:s3+s2], $0x80, v58, vm0, $0xb8;
	[tilespmem:$0x19900] =	vst v63  }
0x484: {  	s10 =	simm.s32 $0x15080  }
0x485: {  	[tilespmem:s10], [sflag:$0xA] =	stream.indirect_vreg.gather [hbm4b:s3+s2], $0x80, v17, vm0, $0xb8;
	[tilespmem:$0x19900] =	vst v63  }
0x486: {  	v17 =	vld [tilespmem:$0xF0];
	_ =	sdelay $0x4  }
0x487: {  	v18 =	vshrl.u32 v17, $0x3  }
0x488: {  	v18 =	vmul.u32 $0x18, v18  }
0x489: {  	v17 =	vand.u32 $0x7, v17  }
0x48a: {  	v17 =	vor.u32 v17, v18  }
0x48b: {  	v18 =	vperm.xlane v17, v2;
	_ =	sdelay $0x1  }
0x48c: {  	v19 =	vperm.xlane v17, v4;
	v18 =	vadd.s32 v3, v18;
	_ =	sdelay $0x1  }
0x48d: {  	v59 =	vperm.xlane v17, v5;
	v19 =	vadd.s32 v3, v19;
	_ =	sdelay $0x1  }
0x48e: {  	s11 =	simm.s32 $0x15100;
	v60 =	vperm.xlane v17, v0;
	v20 =	vadd.s32 v3, v59  }
0x48f: {  	[tilespmem:s11], [sflag:$0xA] =	stream.indirect_vreg.gather [hbm4b:s3+s2], $0x80, v18, vm0, $0xb8;
	[tilespmem:$0x19900] =	vst v63  }
0x490: {  	s12 =	simm.s32 $0x15180;
	v61 =	vperm.xlane v17, v6;
	v18 =	vadd.s32 v3, v60  }
0x491: {  	[tilespmem:s12], [sflag:$0xA] =	stream.indirect_vreg.gather [hbm4b:s3+s2], $0x80, v19, vm0, $0xb8;
	[tilespmem:$0x19900] =	vst v63  }
0x492: {  	s13 =	simm.s32 $0x15200;
	v62 =	vperm.xlane v17, v7;
	v19 =	vadd.s32 v3, v61  }
0x493: {  	[tilespmem:s13], [sflag:$0xA] =	stream.indirect_vreg.gather [hbm4b:s3+s2], $0x80, v20, vm0, $0xb8;
	[tilespmem:$0x19900] =	vst v63  }
0x494: {  	s16 =	simm.s32 $0x15280;
	v24 =	vperm.xlane v17, v8;
	v63 =	vadd.s32 v3, v62  }
0x495: {  	[tilespmem:s16], [sflag:$0xA] =	stream.indirect_vreg.gather [hbm4b:s3+s2], $0x80, v18, vm0, $0xb8;
	[tilespmem:$0x19900] =	vst v63  }
0x496: {  	s23 =	simm.s32 $0x15300;
	v25 =	vperm.xlane v17, v1;
	v18 =	vadd.s32 v3, v24  }
0x497: {  	[tilespmem:s23], [sflag:$0xA] =	stream.indirect_vreg.gather [hbm4b:s3+s2], $0x80, v19, vm0, $0xb8;
	[tilespmem:$0x19900] =	vst v63  }
0x498: {  	s25 =	simm.s32 $0x15380;
	v26 =	vperm.xlane v17, v9;
	v19 =	vadd.s32 v3, v25  }
0x499: {  	[tilespmem:s25], [sflag:$0xA] =	stream.indirect_vreg.gather [hbm4b:s3+s2], $0x80, v63, vm0, $0xb8;
	[tilespmem:$0x19900] =	vst v63  }
0x49a: {  	s28 =	simm.s32 $0x15400;
	v28 =	vperm.xlane v17, v10;
	v27 =	vadd.s32 v3, v26  }
0x49b: {  	[tilespmem:s28], [sflag:$0xA] =	stream.indirect_vreg.gather [hbm4b:s3+s2], $0x80, v18, vm0, $0xb8;
	[tilespmem:$0x19900] =	vst v63  }
0x49c: {  	s8 =	simm.s32 $0x15480;
	v29 =	vperm.xlane v17, v11;
	v18 =	vadd.s32 v3, v28  }
0x49d: {  	[tilespmem:s8], [sflag:$0xA] =	stream.indirect_vreg.gather [hbm4b:s3+s2], $0x80, v19, vm0, $0xb8;
	[tilespmem:$0x19900] =	vst v63  }
0x49e: {  	s9 =	simm.s32 $0x15500;
	v30 =	vperm.xlane v17, v12;
	v19 =	vadd.s32 v3, v29  }
0x49f: {  	[tilespmem:s9], [sflag:$0xA] =	stream.indirect_vreg.gather [hbm4b:s3+s2], $0x80, v27, vm0, $0xb8;
	[tilespmem:$0x19900] =	vst v63  }
0x4a0: {  	s10 =	simm.s32 $0x15580;
	v32 =	vperm.xlane v17, v13;
	v31 =	vadd.s32 v3, v30  }
0x4a1: {  	[tilespmem:s10], [sflag:$0xA] =	stream.indirect_vreg.gather [hbm4b:s3+s2], $0x80, v18, vm0, $0xb8;
	[tilespmem:$0x19900] =	vst v63  }
0x4a2: {  	v33 =	vperm.xlane v17, v14;
	s11 =	simm.s32 $0x15600;
	v18 =	vadd.s32 v3, v32  }
0x4a3: {  	[tilespmem:s11], [sflag:$0xA] =	stream.indirect_vreg.gather [hbm4b:s3+s2], $0x80, v19, vm0, $0xb8;
	[tilespmem:$0x19900] =	vst v63  }
0x4a4: {  	v34 =	vperm.xlane v17, v15;
	s12 =	simm.s32 $0x15680;
	v19 =	vadd.s32 v3, v33  }
0x4a5: {  	[tilespmem:s12], [sflag:$0xA] =	stream.indirect_vreg.gather [hbm4b:s3+s2], $0x80, v31, vm0, $0xb8;
	[tilespmem:$0x19900] =	vst v63  }
0x4a6: {  	v17 =	vperm.xlane v17, v16;
	v35 =	vadd.s32 v3, v34;
	s13 =	simm.s32 $0x15700  }
0x4a7: {  	[tilespmem:s13], [sflag:$0xA] =	stream.indirect_vreg.gather [hbm4b:s3+s2], $0x80, v18, vm0, $0xb8;
	[tilespmem:$0x19900] =	vst v63  }
0x4a8: {  	v17 =	vadd.s32 v3, v17;
	s16 =	simm.s32 $0x15780  }
0x4a9: {  	[tilespmem:s16], [sflag:$0xA] =	stream.indirect_vreg.gather [hbm4b:s3+s2], $0x80, v19, vm0, $0xb8;
	[tilespmem:$0x19900] =	vst v63  }
0x4aa: {  	s23 =	simm.s32 $0x15800  }
0x4ab: {  	[tilespmem:s23], [sflag:$0xA] =	stream.indirect_vreg.gather [hbm4b:s3+s2], $0x80, v35, vm0, $0xb8;
	[tilespmem:$0x19900] =	vst v63  }
0x4ac: {  	s25 =	simm.s32 $0x15880  }
0x4ad: {  	[tilespmem:s25], [sflag:$0xA] =	stream.indirect_vreg.gather [hbm4b:s3+s2], $0x80, v17, vm0, $0xb8;
	[tilespmem:$0x19900] =	vst v63  }
0x4ae: {  	v17 =	vld [tilespmem:$0xC0];
	_ =	sdelay $0x4  }
0x4af: {  	v18 =	vshrl.u32 v17, $0x3  }
0x4b0: {  	v18 =	vmul.u32 $0x18, v18  }
0x4b1: {  	v17 =	vand.u32 $0x7, v17  }
0x4b2: {  	v17 =	vor.u32 v17, v18  }
0x4b3: {  	v18 =	vperm.xlane v17, v2;
	_ =	sdelay $0x1  }
0x4b4: {  	v19 =	vperm.xlane v17, v4;
	v18 =	vadd.s32 v3, v18;
	_ =	sdelay $0x1  }
0x4b5: {  	v36 =	vperm.xlane v17, v5;
	v19 =	vadd.s32 v3, v19;
	_ =	sdelay $0x1  }
0x4b6: {  	s12 =	simm.s32 $0x15900;
	v37 =	vperm.xlane v17, v0;
	v20 =	vadd.s32 v3, v36  }
0x4b7: {  	[tilespmem:s12], [sflag:$0xB] =	stream.indirect_vreg.gather [hbm4b:s6+s2], $0x80, v18, vm0, $0xb8;
	[tilespmem:$0x19900] =	vst v63  }
0x4b8: {  	s28 =	simm.s32 $0x15980;
	v38 =	vperm.xlane v17, v6;
	v18 =	vadd.s32 v3, v37  }
0x4b9: {  	[tilespmem:s28], [sflag:$0xB] =	stream.indirect_vreg.gather [hbm4b:s6+s2], $0x80, v19, vm0, $0xb8;
	[tilespmem:$0x19900] =	vst v63  }
0x4ba: {  	s8 =	simm.s32 $0x15A00;
	v39 =	vperm.xlane v17, v7;
	v19 =	vadd.s32 v3, v38  }
0x4bb: {  	[tilespmem:s8], [sflag:$0xB] =	stream.indirect_vreg.gather [hbm4b:s6+s2], $0x80, v20, vm0, $0xb8;
	[tilespmem:$0x19900] =	vst v63  }
0x4bc: {  	s9 =	simm.s32 $0x15A80;
	v41 =	vperm.xlane v17, v8;
	v40 =	vadd.s32 v3, v39  }
0x4bd: {  	[tilespmem:s9], [sflag:$0xB] =	stream.indirect_vreg.gather [hbm4b:s6+s2], $0x80, v18, vm0, $0xb8;
	[tilespmem:$0x19900] =	vst v63  }
0x4be: {  	s10 =	simm.s32 $0x15B00;
	v42 =	vperm.xlane v17, v1;
	v18 =	vadd.s32 v3, v41  }
0x4bf: {  	[tilespmem:s10], [sflag:$0xB] =	stream.indirect_vreg.gather [hbm4b:s6+s2], $0x80, v19, vm0, $0xb8;
	[tilespmem:$0x19900] =	vst v63  }
0x4c0: {  	s11 =	simm.s32 $0x15B80;
	v43 =	vperm.xlane v17, v9;
	v19 =	vadd.s32 v3, v42  }
0x4c1: {  	[tilespmem:s11], [sflag:$0xB] =	stream.indirect_vreg.gather [hbm4b:s6+s2], $0x80, v40, vm0, $0xb8;
	[tilespmem:$0x19900] =	vst v63  }
0x4c2: {  	s13 =	simm.s32 $0x15C00;
	v45 =	vperm.xlane v17, v10;
	v44 =	vadd.s32 v3, v43  }
0x4c3: {  	[tilespmem:s13], [sflag:$0xB] =	stream.indirect_vreg.gather [hbm4b:s6+s2], $0x80, v18, vm0, $0xb8;
	[tilespmem:$0x19900] =	vst v63  }
0x4c4: {  	s16 =	simm.s32 $0x15C80;
	v46 =	vperm.xlane v17, v11;
	v18 =	vadd.s32 v3, v45  }
0x4c5: {  	[tilespmem:s16], [sflag:$0xB] =	stream.indirect_vreg.gather [hbm4b:s6+s2], $0x80, v19, vm0, $0xb8;
	[tilespmem:$0x19900] =	vst v63  }
0x4c6: {  	s23 =	simm.s32 $0x15D00;
	v47 =	vperm.xlane v17, v12;
	v19 =	vadd.s32 v3, v46  }
0x4c7: {  	[tilespmem:s23], [sflag:$0xB] =	stream.indirect_vreg.gather [hbm4b:s6+s2], $0x80, v44, vm0, $0xb8;
	[tilespmem:$0x19900] =	vst v63  }
0x4c8: {  	s25 =	simm.s32 $0x15D80;
	v49 =	vperm.xlane v17, v13;
	v48 =	vadd.s32 v3, v47  }
0x4c9: {  	[tilespmem:s25], [sflag:$0xB] =	stream.indirect_vreg.gather [hbm4b:s6+s2], $0x80, v18, vm0, $0xb8;
	[tilespmem:$0x19900] =	vst v63  }
0x4ca: {  	v50 =	vperm.xlane v17, v14;
	s28 =	simm.s32 $0x15E00;
	v18 =	vadd.s32 v3, v49  }
0x4cb: {  	[tilespmem:s28], [sflag:$0xB] =	stream.indirect_vreg.gather [hbm4b:s6+s2], $0x80, v19, vm0, $0xb8;
	[tilespmem:$0x19900] =	vst v63  }
0x4cc: {  	v51 =	vperm.xlane v17, v15;
	s8 =	simm.s32 $0x15E80;
	v19 =	vadd.s32 v3, v50  }
0x4cd: {  	[tilespmem:s8], [sflag:$0xB] =	stream.indirect_vreg.gather [hbm4b:s6+s2], $0x80, v48, vm0, $0xb8;
	[tilespmem:$0x19900] =	vst v63  }
0x4ce: {  	v17 =	vperm.xlane v17, v16;
	v52 =	vadd.s32 v3, v51;
	s9 =	simm.s32 $0x15F00  }
0x4cf: {  	[tilespmem:s9], [sflag:$0xB] =	stream.indirect_vreg.gather [hbm4b:s6+s2], $0x80, v18, vm0, $0xb8;
	[tilespmem:$0x19900] =	vst v63  }
0x4d0: {  	v17 =	vadd.s32 v3, v17;
	s10 =	simm.s32 $0x15F80  }
0x4d1: {  	[tilespmem:s10], [sflag:$0xB] =	stream.indirect_vreg.gather [hbm4b:s6+s2], $0x80, v19, vm0, $0xb8;
	[tilespmem:$0x19900] =	vst v63  }
0x4d2: {  	s11 =	simm.s32 $0x16000  }
0x4d3: {  	[tilespmem:s11], [sflag:$0xB] =	stream.indirect_vreg.gather [hbm4b:s6+s2], $0x80, v52, vm0, $0xb8;
	[tilespmem:$0x19900] =	vst v63  }
0x4d4: {  	s13 =	simm.s32 $0x16080  }
0x4d5: {  	[tilespmem:s13], [sflag:$0xB] =	stream.indirect_vreg.gather [hbm4b:s6+s2], $0x80, v17, vm0, $0xb8;
	[tilespmem:$0x19900] =	vst v63  }
0x4d6: {  	v17 =	vld [tilespmem:$0xD0];
	_ =	sdelay $0x4  }
0x4d7: {  	v18 =	vshrl.u32 v17, $0x3  }
0x4d8: {  	v18 =	vmul.u32 $0x18, v18  }
0x4d9: {  	v17 =	vand.u32 $0x7, v17  }
0x4da: {  	v17 =	vor.u32 v17, v18  }
0x4db: {  	v18 =	vperm.xlane v17, v2;
	_ =	sdelay $0x1  }
0x4dc: {  	v19 =	vperm.xlane v17, v4;
	v18 =	vadd.s32 v3, v18;
	_ =	sdelay $0x1  }
0x4dd: {  	v53 =	vperm.xlane v17, v5;
	v19 =	vadd.s32 v3, v19;
	_ =	sdelay $0x1  }
0x4de: {  	s16 =	simm.s32 $0x16100;
	v54 =	vperm.xlane v17, v0;
	v20 =	vadd.s32 v3, v53  }
0x4df: {  	[tilespmem:s16], [sflag:$0xB] =	stream.indirect_vreg.gather [hbm4b:s6+s2], $0x80, v18, vm0, $0xb8;
	[tilespmem:$0x19900] =	vst v63  }
0x4e0: {  	s23 =	simm.s32 $0x16180;
	v55 =	vperm.xlane v17, v6;
	v18 =	vadd.s32 v3, v54  }
0x4e1: {  	[tilespmem:s23], [sflag:$0xB] =	stream.indirect_vreg.gather [hbm4b:s6+s2], $0x80, v19, vm0, $0xb8;
	[tilespmem:$0x19900] =	vst v63  }
0x4e2: {  	s25 =	simm.s32 $0x16200;
	v56 =	vperm.xlane v17, v7;
	v19 =	vadd.s32 v3, v55  }
0x4e3: {  	[tilespmem:s25], [sflag:$0xB] =	stream.indirect_vreg.gather [hbm4b:s6+s2], $0x80, v20, vm0, $0xb8;
	[tilespmem:$0x19900] =	vst v63  }
0x4e4: {  	s28 =	simm.s32 $0x16280;
	v58 =	vperm.xlane v17, v8;
	v57 =	vadd.s32 v3, v56  }
0x4e5: {  	[tilespmem:s28], [sflag:$0xB] =	stream.indirect_vreg.gather [hbm4b:s6+s2], $0x80, v18, vm0, $0xb8;
	[tilespmem:$0x19900] =	vst v63  }
0x4e6: {  	s8 =	simm.s32 $0x16300;
	v59 =	vperm.xlane v17, v1;
	v18 =	vadd.s32 v3, v58  }
0x4e7: {  	[tilespmem:s8], [sflag:$0xB] =	stream.indirect_vreg.gather [hbm4b:s6+s2], $0x80, v19, vm0, $0xb8;
	[tilespmem:$0x19900] =	vst v63  }
0x4e8: {  	s9 =	simm.s32 $0x16380;
	v60 =	vperm.xlane v17, v9;
	v19 =	vadd.s32 v3, v59  }
0x4e9: {  	[tilespmem:s9], [sflag:$0xB] =	stream.indirect_vreg.gather [hbm4b:s6+s2], $0x80, v57, vm0, $0xb8;
	[tilespmem:$0x19900] =	vst v63  }
0x4ea: {  	s10 =	simm.s32 $0x16400;
	v62 =	vperm.xlane v17, v10;
	v61 =	vadd.s32 v3, v60  }
0x4eb: {  	[tilespmem:s10], [sflag:$0xB] =	stream.indirect_vreg.gather [hbm4b:s6+s2], $0x80, v18, vm0, $0xb8;
	[tilespmem:$0x19900] =	vst v63  }
0x4ec: {  	s11 =	simm.s32 $0x16480;
	v63 =	vperm.xlane v17, v11;
	v18 =	vadd.s32 v3, v62  }
0x4ed: {  	[tilespmem:s11], [sflag:$0xB] =	stream.indirect_vreg.gather [hbm4b:s6+s2], $0x80, v19, vm0, $0xb8;
	[tilespmem:$0x19900] =	vst v63  }
0x4ee: {  	s13 =	simm.s32 $0x16500;
	v24 =	vperm.xlane v17, v12;
	v19 =	vadd.s32 v3, v63  }
0x4ef: {  	[tilespmem:s13], [sflag:$0xB] =	stream.indirect_vreg.gather [hbm4b:s6+s2], $0x80, v61, vm0, $0xb8;
	[tilespmem:$0x19900] =	vst v63  }
0x4f0: {  	v26 =	vperm.xlane v17, v13;
	v25 =	vadd.s32 v3, v24;
	s16 =	simm.s32 $0x16580  }
0x4f1: {  	[tilespmem:s16], [sflag:$0xB] =	stream.indirect_vreg.gather [hbm4b:s6+s2], $0x80, v18, vm0, $0xb8;
	[tilespmem:$0x19900] =	vst v63  }
0x4f2: {  	v27 =	vperm.xlane v17, v14;
	s23 =	simm.s32 $0x16600;
	v18 =	vadd.s32 v3, v26  }
0x4f3: {  	[tilespmem:s23], [sflag:$0xB] =	stream.indirect_vreg.gather [hbm4b:s6+s2], $0x80, v19, vm0, $0xb8;
	[tilespmem:$0x19900] =	vst v63  }
0x4f4: {  	v28 =	vperm.xlane v17, v15;
	s25 =	simm.s32 $0x16680;
	v19 =	vadd.s32 v3, v27  }
0x4f5: {  	[tilespmem:s25], [sflag:$0xB] =	stream.indirect_vreg.gather [hbm4b:s6+s2], $0x80, v25, vm0, $0xb8;
	[tilespmem:$0x19900] =	vst v63  }
0x4f6: {  	v17 =	vperm.xlane v17, v16;
	v29 =	vadd.s32 v3, v28;
	s28 =	simm.s32 $0x16700  }
0x4f7: {  	[tilespmem:s28], [sflag:$0xB] =	stream.indirect_vreg.gather [hbm4b:s6+s2], $0x80, v18, vm0, $0xb8;
	[tilespmem:$0x19900] =	vst v63  }
0x4f8: {  	v17 =	vadd.s32 v3, v17;
	s8 =	simm.s32 $0x16780  }
0x4f9: {  	[tilespmem:s8], [sflag:$0xB] =	stream.indirect_vreg.gather [hbm4b:s6+s2], $0x80, v19, vm0, $0xb8;
	[tilespmem:$0x19900] =	vst v63  }
0x4fa: {  	s9 =	simm.s32 $0x16800  }
0x4fb: {  	[tilespmem:s9], [sflag:$0xB] =	stream.indirect_vreg.gather [hbm4b:s6+s2], $0x80, v29, vm0, $0xb8;
	[tilespmem:$0x19900] =	vst v63  }
0x4fc: {  	s10 =	simm.s32 $0x16880  }
0x4fd: {  	[tilespmem:s10], [sflag:$0xB] =	stream.indirect_vreg.gather [hbm4b:s6+s2], $0x80, v17, vm0, $0xb8;
	[tilespmem:$0x19900] =	vst v63  }
0x4fe: {  	v17 =	vld [tilespmem:$0xE0];
	_ =	sdelay $0x4  }
0x4ff: {  	v18 =	vshrl.u32 v17, $0x3  }
0x500: {  	v18 =	vmul.u32 $0x18, v18  }
0x501: {  	v17 =	vand.u32 $0x7, v17  }
0x502: {  	v17 =	vor.u32 v17, v18  }
0x503: {  	v18 =	vperm.xlane v17, v2;
	_ =	sdelay $0x1  }
0x504: {  	v19 =	vperm.xlane v17, v4;
	v18 =	vadd.s32 v3, v18;
	_ =	sdelay $0x1  }
0x505: {  	v30 =	vperm.xlane v17, v5;
	v19 =	vadd.s32 v3, v19;
	_ =	sdelay $0x1  }
0x506: {  	s11 =	simm.s32 $0x16900;
	v31 =	vperm.xlane v17, v0;
	v20 =	vadd.s32 v3, v30  }
0x507: {  	[tilespmem:s11], [sflag:$0xB] =	stream.indirect_vreg.gather [hbm4b:s6+s2], $0x80, v18, vm0, $0xb8;
	[tilespmem:$0x19900] =	vst v63  }
0x508: {  	s13 =	simm.s32 $0x16980;
	v32 =	vperm.xlane v17, v6;
	v18 =	vadd.s32 v3, v31  }
0x509: {  	[tilespmem:s13], [sflag:$0xB] =	stream.indirect_vreg.gather [hbm4b:s6+s2], $0x80, v19, vm0, $0xb8;
	[tilespmem:$0x19900] =	vst v63  }
0x50a: {  	s16 =	simm.s32 $0x16A00;
	v33 =	vperm.xlane v17, v7;
	v19 =	vadd.s32 v3, v32  }
0x50b: {  	[tilespmem:s16], [sflag:$0xB] =	stream.indirect_vreg.gather [hbm4b:s6+s2], $0x80, v20, vm0, $0xb8;
	[tilespmem:$0x19900] =	vst v63  }
0x50c: {  	s23 =	simm.s32 $0x16A80;
	v35 =	vperm.xlane v17, v8;
	v34 =	vadd.s32 v3, v33  }
0x50d: {  	[tilespmem:s23], [sflag:$0xB] =	stream.indirect_vreg.gather [hbm4b:s6+s2], $0x80, v18, vm0, $0xb8;
	[tilespmem:$0x19900] =	vst v63  }
0x50e: {  	s25 =	simm.s32 $0x16B00;
	v36 =	vperm.xlane v17, v1;
	v18 =	vadd.s32 v3, v35  }
0x50f: {  	[tilespmem:s25], [sflag:$0xB] =	stream.indirect_vreg.gather [hbm4b:s6+s2], $0x80, v19, vm0, $0xb8;
	[tilespmem:$0x19900] =	vst v63  }
0x510: {  	s28 =	simm.s32 $0x16B80;
	v37 =	vperm.xlane v17, v9;
	v19 =	vadd.s32 v3, v36  }
0x511: {  	[tilespmem:s28], [sflag:$0xB] =	stream.indirect_vreg.gather [hbm4b:s6+s2], $0x80, v34, vm0, $0xb8;
	[tilespmem:$0x19900] =	vst v63  }
0x512: {  	s8 =	simm.s32 $0x16C00;
	v39 =	vperm.xlane v17, v10;
	v38 =	vadd.s32 v3, v37  }
0x513: {  	[tilespmem:s8], [sflag:$0xB] =	stream.indirect_vreg.gather [hbm4b:s6+s2], $0x80, v18, vm0, $0xb8;
	[tilespmem:$0x19900] =	vst v63  }
0x514: {  	s9 =	simm.s32 $0x16C80;
	v40 =	vperm.xlane v17, v11;
	v18 =	vadd.s32 v3, v39  }
0x515: {  	[tilespmem:s9], [sflag:$0xB] =	stream.indirect_vreg.gather [hbm4b:s6+s2], $0x80, v19, vm0, $0xb8;
	[tilespmem:$0x19900] =	vst v63  }
0x516: {  	s10 =	simm.s32 $0x16D00;
	v41 =	vperm.xlane v17, v12;
	v19 =	vadd.s32 v3, v40  }
0x517: {  	[tilespmem:s10], [sflag:$0xB] =	stream.indirect_vreg.gather [hbm4b:s6+s2], $0x80, v38, vm0, $0xb8;
	[tilespmem:$0x19900] =	vst v63  }
0x518: {  	v43 =	vperm.xlane v17, v13;
	v42 =	vadd.s32 v3, v41;
	s11 =	simm.s32 $0x16D80  }
0x519: {  	[tilespmem:s11], [sflag:$0xB] =	stream.indirect_vreg.gather [hbm4b:s6+s2], $0x80, v18, vm0, $0xb8;
	[tilespmem:$0x19900] =	vst v63  }
0x51a: {  	v44 =	vperm.xlane v17, v14;
	s13 =	simm.s32 $0x16E00;
	v18 =	vadd.s32 v3, v43  }
0x51b: {  	[tilespmem:s13], [sflag:$0xB] =	stream.indirect_vreg.gather [hbm4b:s6+s2], $0x80, v19, vm0, $0xb8;
	[tilespmem:$0x19900] =	vst v63  }
0x51c: {  	v45 =	vperm.xlane v17, v15;
	s16 =	simm.s32 $0x16E80;
	v19 =	vadd.s32 v3, v44  }
0x51d: {  	[tilespmem:s16], [sflag:$0xB] =	stream.indirect_vreg.gather [hbm4b:s6+s2], $0x80, v42, vm0, $0xb8;
	[tilespmem:$0x19900] =	vst v63  }
0x51e: {  	v17 =	vperm.xlane v17, v16;
	v46 =	vadd.s32 v3, v45;
	s23 =	simm.s32 $0x16F00  }
0x51f: {  	[tilespmem:s23], [sflag:$0xB] =	stream.indirect_vreg.gather [hbm4b:s6+s2], $0x80, v18, vm0, $0xb8;
	[tilespmem:$0x19900] =	vst v63  }
0x520: {  	v17 =	vadd.s32 v3, v17;
	s25 =	simm.s32 $0x16F80  }
0x521: {  	[tilespmem:s25], [sflag:$0xB] =	stream.indirect_vreg.gather [hbm4b:s6+s2], $0x80, v19, vm0, $0xb8;
	[tilespmem:$0x19900] =	vst v63  }
0x522: {  	s28 =	simm.s32 $0x17000  }
0x523: {  	[tilespmem:s28], [sflag:$0xB] =	stream.indirect_vreg.gather [hbm4b:s6+s2], $0x80, v46, vm0, $0xb8;
	[tilespmem:$0x19900] =	vst v63  }
0x524: {  	s8 =	simm.s32 $0x17080  }
0x525: {  	[tilespmem:s8], [sflag:$0xB] =	stream.indirect_vreg.gather [hbm4b:s6+s2], $0x80, v17, vm0, $0xb8;
	[tilespmem:$0x19900] =	vst v63  }
0x526: {  	v17 =	vld [tilespmem:$0xF0];
	_ =	sdelay $0x4  }
0x527: {  	v18 =	vshrl.u32 v17, $0x3  }
0x528: {  	v18 =	vmul.u32 $0x18, v18  }
0x529: {  	v17 =	vand.u32 $0x7, v17  }
0x52a: {  	v17 =	vor.u32 v17, v18  }
0x52b: {  	v18 =	vperm.xlane v17, v2;
	_ =	sdelay $0x1  }
0x52c: {  	v19 =	vperm.xlane v17, v4;
	v18 =	vadd.s32 v3, v18;
	_ =	sdelay $0x1  }
0x52d: {  	v47 =	vperm.xlane v17, v5;
	v19 =	vadd.s32 v3, v19;
	_ =	sdelay $0x1  }
0x52e: {  	s9 =	simm.s32 $0x17100;
	v48 =	vperm.xlane v17, v0;
	v20 =	vadd.s32 v3, v47  }
0x52f: {  	[tilespmem:s9], [sflag:$0xB] =	stream.indirect_vreg.gather [hbm4b:s6+s2], $0x80, v18, vm0, $0xb8;
	[tilespmem:$0x19900] =	vst v63  }
0x530: {  	s10 =	simm.s32 $0x17180;
	v49 =	vperm.xlane v17, v6;
	v18 =	vadd.s32 v3, v48  }
0x531: {  	[tilespmem:s10], [sflag:$0xB] =	stream.indirect_vreg.gather [hbm4b:s6+s2], $0x80, v19, vm0, $0xb8;
	[tilespmem:$0x19900] =	vst v63  }
0x532: {  	s11 =	simm.s32 $0x17200;
	v50 =	vperm.xlane v17, v7;
	v19 =	vadd.s32 v3, v49  }
0x533: {  	[tilespmem:s11], [sflag:$0xB] =	stream.indirect_vreg.gather [hbm4b:s6+s2], $0x80, v20, vm0, $0xb8;
	[tilespmem:$0x19900] =	vst v63  }
0x534: {  	s13 =	simm.s32 $0x17280;
	v52 =	vperm.xlane v17, v8;
	v51 =	vadd.s32 v3, v50  }
0x535: {  	[tilespmem:s13], [sflag:$0xB] =	stream.indirect_vreg.gather [hbm4b:s6+s2], $0x80, v18, vm0, $0xb8;
	[tilespmem:$0x19900] =	vst v63  }
0x536: {  	s16 =	simm.s32 $0x17300;
	v53 =	vperm.xlane v17, v1;
	v18 =	vadd.s32 v3, v52  }
0x537: {  	[tilespmem:s16], [sflag:$0xB] =	stream.indirect_vreg.gather [hbm4b:s6+s2], $0x80, v19, vm0, $0xb8;
	[tilespmem:$0x19900] =	vst v63  }
0x538: {  	s23 =	simm.s32 $0x17380;
	v54 =	vperm.xlane v17, v9;
	v19 =	vadd.s32 v3, v53  }
0x539: {  	[tilespmem:s23], [sflag:$0xB] =	stream.indirect_vreg.gather [hbm4b:s6+s2], $0x80, v51, vm0, $0xb8;
	[tilespmem:$0x19900] =	vst v63  }
0x53a: {  	s25 =	simm.s32 $0x17400;
	v56 =	vperm.xlane v17, v10;
	v55 =	vadd.s32 v3, v54  }
0x53b: {  	[tilespmem:s25], [sflag:$0xB] =	stream.indirect_vreg.gather [hbm4b:s6+s2], $0x80, v18, vm0, $0xb8;
	[tilespmem:$0x19900] =	vst v63  }
0x53c: {  	s28 =	simm.s32 $0x17480;
	v57 =	vperm.xlane v17, v11;
	v18 =	vadd.s32 v3, v56  }
0x53d: {  	[tilespmem:s28], [sflag:$0xB] =	stream.indirect_vreg.gather [hbm4b:s6+s2], $0x80, v19, vm0, $0xb8;
	[tilespmem:$0x19900] =	vst v63  }
0x53e: {  	s8 =	simm.s32 $0x17500;
	v58 =	vperm.xlane v17, v12;
	v19 =	vadd.s32 v3, v57  }
0x53f: {  	[tilespmem:s8], [sflag:$0xB] =	stream.indirect_vreg.gather [hbm4b:s6+s2], $0x80, v55, vm0, $0xb8;
	[tilespmem:$0x19900] =	vst v63  }
0x540: {  	v60 =	vperm.xlane v17, v13;
	v59 =	vadd.s32 v3, v58;
	s9 =	simm.s32 $0x17580  }
0x541: {  	[tilespmem:s9], [sflag:$0xB] =	stream.indirect_vreg.gather [hbm4b:s6+s2], $0x80, v18, vm0, $0xb8;
	[tilespmem:$0x19900] =	vst v63  }
0x542: {  	v61 =	vperm.xlane v17, v14;
	s10 =	simm.s32 $0x17600;
	v18 =	vadd.s32 v3, v60  }
0x543: {  	[tilespmem:s10], [sflag:$0xB] =	stream.indirect_vreg.gather [hbm4b:s6+s2], $0x80, v19, vm0, $0xb8;
	[tilespmem:$0x19900] =	vst v63  }
0x544: {  	v62 =	vperm.xlane v17, v15;
	s11 =	simm.s32 $0x17680;
	v19 =	vadd.s32 v3, v61  }
0x545: {  	[tilespmem:s11], [sflag:$0xB] =	stream.indirect_vreg.gather [hbm4b:s6+s2], $0x80, v59, vm0, $0xb8;
	[tilespmem:$0x19900] =	vst v63  }
0x546: {  	v17 =	vperm.xlane v17, v16;
	v63 =	vadd.s32 v3, v62;
	s13 =	simm.s32 $0x17700  }
0x547: {  	[tilespmem:s13], [sflag:$0xB] =	stream.indirect_vreg.gather [hbm4b:s6+s2], $0x80, v18, vm0, $0xb8;
	[tilespmem:$0x19900] =	vst v63  }
0x548: {  	v17 =	vadd.s32 v3, v17;
	s16 =	simm.s32 $0x17780  }
0x549: {  	[tilespmem:s16], [sflag:$0xB] =	stream.indirect_vreg.gather [hbm4b:s6+s2], $0x80, v19, vm0, $0xb8;
	[tilespmem:$0x19900] =	vst v63  }
0x54a: {  	s5 =	simm.s32 $0x13900;
	s23 =	simm.s32 $0x17800;
	s25 =	simm.s32 $0x17880  }
0x54b: {  	[tilespmem:s23], [sflag:$0xB] =	stream.indirect_vreg.gather [hbm4b:s6+s2], $0x80, v63, vm0, $0xb8;
	[tilespmem:$0x19900] =	vst v63  }
0x54c: {  	s28 =	simm.s32 $0xC0;
	s8 =	simm.s32 $0x9900;
	s9 =	simm.s32 $0xD900  }
0x54d: {  	[tilespmem:s25], [sflag:$0xB] =	stream.indirect_vreg.gather [hbm4b:s6+s2], $0x80, v17, vm0, $0xb8;
	[tilespmem:$0x19900] =	vst v63  }
0x54e: {  	s10 =	simm.s32 $0xB900;
	s11 =	simm.s32 $0x11900;
	s13 =	simm.s32 $0xF900  }
0x54f: {  	[tilespmem:s14], [sflag:$0xC] =	stream.indirect.gather [hbm4b:s4+s7], $0x80, s28, s7, $0xb8;
	[tilespmem:$0x19900] =	vst v63  }
0x550: {  	s16 =	simm.s32 $0x100;
	s23 =	simm.s32 $0x0;
	s14 =	simm.s32 $0x17900  }
.LBB2_2:
0x551: {  	s25 =	simm.s32 $0x1  }
0x552: {  	_ =	swait.ge [sflag:s25], $0x2000  }
0x553: {  	[sflag:s25] =	ssyncset.done $0x0  }
0x554: {  	[sflag:s25] =	ssyncadd.s32 $0xFFFFE000;
	s25 =	rddreg [dreg:$0x7]  }
0x555: {  	s25 =	sadd.s32 s23, s25  }
0x556: {  	[hbm4b:s25+s19] =	stream.strided.scatter [tilespmem:s26], [sflag:$0xD], $0x2000, s21, s19, $0x38;
	[tilespmem:$0x19900] =	vst v63  }
0x557: {  	s26 =	simm.s32 $0x2  }
0x558: {  	_ =	swait.ge [sflag:s26], $0x2000  }
0x559: {  	[sflag:s26] =	ssyncset.done $0x0  }
0x55a: {  	[sflag:s26] =	ssyncadd.s32 $0xFFFFE000;
	s26 =	sadd.s32 $0x80, s25  }
0x55b: {  	[hbm4b:s26+s19] =	stream.strided.scatter [tilespmem:s29], [sflag:$0xE], $0x2000, s21, s19, $0x38;
	[tilespmem:$0x19900] =	vst v63  }
0x55c: {  	_ =	swait.ge [sflag:s18], $0x2000  }
0x55d: {  	[sflag:s18] =	ssyncset.done $0x0  }
0x55e: {  	s25 =	sadd.s32 $0x100, s25;
	[sflag:s18] =	ssyncadd.s32 $0xFFFFE000  }
0x55f: {  	[hbm4b:s25+s19] =	stream.strided.scatter [tilespmem:s30], [sflag:$0xF], $0x2000, s21, s19, $0x38;
	[tilespmem:$0x19900] =	vst v63  }
0x560: {  	_ =	swait.ge [sflag:s22], $0x2000  }
0x561: {  	[sflag:s22] =	ssyncset.done $0x0;
	s26 =	rddreg [dreg:$0x6]  }
0x562: {  	[sflag:s22] =	ssyncadd.s32 $0xFFFFE000;
	s25 =	sadd.s32 s23, s26  }
0x563: {  	[hbm4b:s25+s19] =	stream.strided.scatter [tilespmem:s31], [sflag:$0x10], $0x2000, s21, s19, $0x38;
	[tilespmem:$0x19900] =	vst v63  }
0x564: {  	_ =	swait.ge [sflag:s1], $0x2000  }
0x565: {  	[sflag:s1] =	ssyncset.done $0x0  }
0x566: {  	s26 =	sadd.s32 $0x80, s25;
	[sflag:s1] =	ssyncadd.s32 $0xFFFFE000  }
0x567: {  	[hbm4b:s26+s19] =	stream.strided.scatter [tilespmem:s8], [sflag:$0x11], $0x2000, s21, s19, $0x38;
	[tilespmem:$0x19900] =	vst v63  }
0x568: {  	_ =	swait.ge [sflag:s0], $0x2000  }
0x569: {  	[sflag:s0] =	ssyncset.done $0x0  }
0x56a: {  	s25 =	sadd.s32 $0x100, s25;
	[sflag:s0] =	ssyncadd.s32 $0xFFFFE000  }
0x56b: {  	[hbm4b:s25+s19] =	stream.strided.scatter [tilespmem:s10], [sflag:$0x12], $0x2000, s21, s19, $0x38;
	[tilespmem:$0x19900] =	vst v63  }
0x56c: {  	_ =	swait.ge [sflag:s17], $0x2000  }
0x56d: {  	[sflag:s17] =	ssyncset.done $0x0;
	s26 =	rddreg [dreg:$0x5]  }
0x56e: {  	[sflag:s17] =	ssyncadd.s32 $0xFFFFE000;
	s25 =	sadd.s32 s23, s26  }
0x56f: {  	[hbm4b:s25+s19] =	stream.strided.scatter [tilespmem:s9], [sflag:$0x13], $0x2000, s21, s19, $0x38;
	[tilespmem:$0x19900] =	vst v63  }
0x570: {  	_ =	swait.ge [sflag:s24], $0x2000  }
0x571: {  	[sflag:s24] =	ssyncset.done $0x0  }
0x572: {  	s26 =	sadd.s32 $0x80, s25;
	[sflag:s24] =	ssyncadd.s32 $0xFFFFE000  }
0x573: {  	[hbm4b:s26+s19] =	stream.strided.scatter [tilespmem:s13], [sflag:$0x14], $0x2000, s21, s19, $0x38;
	[tilespmem:$0x19900] =	vst v63  }
0x574: {  	s26 =	simm.s32 $0x9  }
0x575: {  	_ =	swait.ge [sflag:s26], $0x2000  }
0x576: {  	[sflag:s26] =	ssyncset.done $0x0  }
0x577: {  	s25 =	sadd.s32 $0x100, s25;
	[sflag:s26] =	ssyncadd.s32 $0xFFFFE000;
	s26 =	simm.s32 $0xA  }
0x578: {  	[hbm4b:s25+s19] =	stream.strided.scatter [tilespmem:s11], [sflag:$0x15], $0x2000, s21, s19, $0x38;
	[tilespmem:$0x19900] =	vst v63  }
0x579: {  	_ =	swait.ge [sflag:s26], $0x2000  }
0x57a: {  	[sflag:s26] =	ssyncset.done $0x0  }
0x57b: {  	[sflag:s26] =	ssyncadd.s32 $0xFFFFE000;
	s26 =	rddreg [dreg:$0x4]  }
0x57c: {  	s25 =	sadd.s32 s23, s26;
	s26 =	simm.s32 $0xB  }
0x57d: {  	[hbm4b:s25+s19] =	stream.strided.scatter [tilespmem:s5], [sflag:$0x16], $0x2000, s21, s19, $0x38;
	[tilespmem:$0x19900] =	vst v63  }
0x57e: {  	_ =	swait.ge [sflag:s26], $0x2000  }
0x57f: {  	[sflag:s26] =	ssyncset.done $0x0  }
0x580: {  	[sflag:s26] =	ssyncadd.s32 $0xFFFFE000;
	s26 =	sadd.s32 $0x80, s25  }
0x581: {  	[hbm4b:s26+s19] =	stream.strided.scatter [tilespmem:s12], [sflag:$0x17], $0x2000, s21, s19, $0x38;
	[tilespmem:$0x19900] =	vst v63  }
0x582: {  	s26 =	simm.s32 $0xC  }
0x583: {  	_ =	swait.ge [sflag:s26], $0x2000  }
0x584: {  	p0 =	seq.s32 s23, $0x48000;
	s25 =	sadd.s32 $0x100, s25;
	[sflag:s26] =	ssyncset.done $0x0  }
.Ltmp2:
0x585: {  	[sflag:s26] =	ssyncadd.s32 $0xFFFFE000;
	s26 =	simm.s32 $0xD;
	(pc) =	sbr.rel @p0 .LBB2_4-.Ltmp2, $4  }
0x586: {  	[hbm4b:s25+s19] =	stream.strided.scatter [tilespmem:s14], [sflag:$0x18], $0x2000, s21, s19, $0x38;
	[tilespmem:$0x19900] =	vst v63  }
0x587: {  	_ =	swait.ge [sflag:s26], $0x2000  }
0x588: {  	[sflag:s26] =	ssyncset.done $0x0  }
0x589: {  	s28 =	simm.s32 $0x1900;
	[sflag:s26] =	ssyncadd.s32 $0xFFFFE000;
	s26 =	simm.s32 $0x15900  }
0x58a: {  	v17 =	vld [tilespmem:s16+$0x0];
	_ =	sdelay $0x4  }
0x58b: {  	v18 =	vshrl.u32 v17, $0x3  }
0x58c: {  	v18 =	vmul.u32 $0x18, v18  }
0x58d: {  	v17 =	vand.u32 $0x7, v17  }
0x58e: {  	v17 =	vor.u32 v17, v18  }
0x58f: {  	v18 =	vperm.xlane v17, v2;
	_ =	sdelay $0x1  }
0x590: {  	v19 =	vperm.xlane v17, v4;
	v18 =	vadd.s32 v3, v18;
	_ =	sdelay $0x1  }
0x591: {  	v20 =	vperm.xlane v17, v5;
	v19 =	vadd.s32 v3, v19;
	_ =	sdelay $0x1  }
0x592: {  	v21 =	vperm.xlane v17, v0;
	v20 =	vadd.s32 v3, v20  }
0x593: {  	[tilespmem:s28], [sflag:$0x1] =	stream.indirect_vreg.gather [hbm4b:s3+s2], $0x80, v18, vm0, $0xb8;
	[tilespmem:$0x19900] =	vst v63  }
0x594: {  	s25 =	simm.s32 $0x1980;
	v42 =	vperm.xlane v17, v6;
	v18 =	vadd.s32 v3, v21  }
0x595: {  	[tilespmem:s25], [sflag:$0x1] =	stream.indirect_vreg.gather [hbm4b:s3+s2], $0x80, v19, vm0, $0xb8;
	[tilespmem:$0x19900] =	vst v63  }
0x596: {  	s12 =	simm.s32 $0x1A00;
	v43 =	vperm.xlane v17, v7;
	v19 =	vadd.s32 v3, v42  }
0x597: {  	[tilespmem:s12], [sflag:$0x1] =	stream.indirect_vreg.gather [hbm4b:s3+s2], $0x80, v20, vm0, $0xb8;
	[tilespmem:$0x19900] =	vst v63  }
0x598: {  	v45 =	vperm.xlane v17, v8;
	v44 =	vadd.s32 v3, v43;
	s28 =	simm.s32 $0x1A80  }
0x599: {  	[tilespmem:s28], [sflag:$0x1] =	stream.indirect_vreg.gather [hbm4b:s3+s2], $0x80, v18, vm0, $0xb8;
	[tilespmem:$0x19900] =	vst v63  }
0x59a: {  	v46 =	vperm.xlane v17, v1;
	s12 =	simm.s32 $0x1B00;
	v18 =	vadd.s32 v3, v45  }
0x59b: {  	[tilespmem:s12], [sflag:$0x1] =	stream.indirect_vreg.gather [hbm4b:s3+s2], $0x80, v19, vm0, $0xb8;
	[tilespmem:$0x19900] =	vst v63  }
0x59c: {  	v47 =	vperm.xlane v17, v9;
	s28 =	simm.s32 $0x1B80;
	v19 =	vadd.s32 v3, v46  }
0x59d: {  	[tilespmem:s28], [sflag:$0x1] =	stream.indirect_vreg.gather [hbm4b:s3+s2], $0x80, v44, vm0, $0xb8;
	[tilespmem:$0x19900] =	vst v63  }
0x59e: {  	v49 =	vperm.xlane v17, v10;
	v48 =	vadd.s32 v3, v47;
	s12 =	simm.s32 $0x1C00  }
0x59f: {  	[tilespmem:s12], [sflag:$0x1] =	stream.indirect_vreg.gather [hbm4b:s3+s2], $0x80, v18, vm0, $0xb8;
	[tilespmem:$0x19900] =	vst v63  }
0x5a0: {  	v50 =	vperm.xlane v17, v11;
	s28 =	simm.s32 $0x1C80;
	v18 =	vadd.s32 v3, v49  }
0x5a1: {  	[tilespmem:s28], [sflag:$0x1] =	stream.indirect_vreg.gather [hbm4b:s3+s2], $0x80, v19, vm0, $0xb8;
	[tilespmem:$0x19900] =	vst v63  }
0x5a2: {  	v51 =	vperm.xlane v17, v12;
	s12 =	simm.s32 $0x1D00;
	v19 =	vadd.s32 v3, v50  }
0x5a3: {  	[tilespmem:s12], [sflag:$0x1] =	stream.indirect_vreg.gather [hbm4b:s3+s2], $0x80, v48, vm0, $0xb8;
	[tilespmem:$0x19900] =	vst v63  }
0x5a4: {  	v53 =	vperm.xlane v17, v13;
	v52 =	vadd.s32 v3, v51;
	s28 =	simm.s32 $0x1D80  }
0x5a5: {  	[tilespmem:s28], [sflag:$0x1] =	stream.indirect_vreg.gather [hbm4b:s3+s2], $0x80, v18, vm0, $0xb8;
	[tilespmem:$0x19900] =	vst v63  }
0x5a6: {  	v54 =	vperm.xlane v17, v14;
	s12 =	simm.s32 $0x1E00;
	v18 =	vadd.s32 v3, v53  }
0x5a7: {  	[tilespmem:s12], [sflag:$0x1] =	stream.indirect_vreg.gather [hbm4b:s3+s2], $0x80, v19, vm0, $0xb8;
	[tilespmem:$0x19900] =	vst v63  }
0x5a8: {  	v55 =	vperm.xlane v17, v15;
	s28 =	simm.s32 $0x1E80;
	v19 =	vadd.s32 v3, v54  }
0x5a9: {  	[tilespmem:s28], [sflag:$0x1] =	stream.indirect_vreg.gather [hbm4b:s3+s2], $0x80, v52, vm0, $0xb8;
	[tilespmem:$0x19900] =	vst v63  }
0x5aa: {  	v17 =	vperm.xlane v17, v16;
	v56 =	vadd.s32 v3, v55;
	s12 =	simm.s32 $0x1F00  }
0x5ab: {  	[tilespmem:s12], [sflag:$0x1] =	stream.indirect_vreg.gather [hbm4b:s3+s2], $0x80, v18, vm0, $0xb8;
	[tilespmem:$0x19900] =	vst v63  }
0x5ac: {  	v17 =	vadd.s32 v3, v17;
	s28 =	simm.s32 $0x1F80  }
0x5ad: {  	[tilespmem:s28], [sflag:$0x1] =	stream.indirect_vreg.gather [hbm4b:s3+s2], $0x80, v19, vm0, $0xb8;
	[tilespmem:$0x19900] =	vst v63  }
0x5ae: {  	s12 =	simm.s32 $0x2000  }
0x5af: {  	[tilespmem:s12], [sflag:$0x1] =	stream.indirect_vreg.gather [hbm4b:s3+s2], $0x80, v56, vm0, $0xb8;
	[tilespmem:$0x19900] =	vst v63  }
0x5b0: {  	s28 =	simm.s32 $0x2080  }
0x5b1: {  	[tilespmem:s28], [sflag:$0x1] =	stream.indirect_vreg.gather [hbm4b:s3+s2], $0x80, v17, vm0, $0xb8;
	[tilespmem:$0x19900] =	vst v63  }
0x5b2: {  	v17 =	vld [tilespmem:s16+$0x10];
	_ =	sdelay $0x4  }
0x5b3: {  	v18 =	vshrl.u32 v17, $0x3  }
0x5b4: {  	v18 =	vmul.u32 $0x18, v18  }
0x5b5: {  	v17 =	vand.u32 $0x7, v17  }
0x5b6: {  	v17 =	vor.u32 v17, v18  }
0x5b7: {  	v18 =	vperm.xlane v17, v2;
	_ =	sdelay $0x1  }
0x5b8: {  	v19 =	vperm.xlane v17, v4;
	v18 =	vadd.s32 v3, v18;
	_ =	sdelay $0x1  }
0x5b9: {  	v57 =	vperm.xlane v17, v5;
	v19 =	vadd.s32 v3, v19;
	_ =	sdelay $0x1  }
0x5ba: {  	s12 =	simm.s32 $0x2100;
	v58 =	vperm.xlane v17, v0;
	v20 =	vadd.s32 v3, v57  }
0x5bb: {  	[tilespmem:s12], [sflag:$0x1] =	stream.indirect_vreg.gather [hbm4b:s3+s2], $0x80, v18, vm0, $0xb8;
	[tilespmem:$0x19900] =	vst v63  }
0x5bc: {  	s28 =	simm.s32 $0x2180;
	v59 =	vperm.xlane v17, v6;
	v18 =	vadd.s32 v3, v58  }
0x5bd: {  	[tilespmem:s28], [sflag:$0x1] =	stream.indirect_vreg.gather [hbm4b:s3+s2], $0x80, v19, vm0, $0xb8;
	[tilespmem:$0x19900] =	vst v63  }
0x5be: {  	v60 =	vperm.xlane v17, v7;
	s12 =	simm.s32 $0x2200;
	v19 =	vadd.s32 v3, v59  }
0x5bf: {  	[tilespmem:s12], [sflag:$0x1] =	stream.indirect_vreg.gather [hbm4b:s3+s2], $0x80, v20, vm0, $0xb8;
	[tilespmem:$0x19900] =	vst v63  }
0x5c0: {  	v62 =	vperm.xlane v17, v8;
	v61 =	vadd.s32 v3, v60;
	s28 =	simm.s32 $0x2280  }
0x5c1: {  	[tilespmem:s28], [sflag:$0x1] =	stream.indirect_vreg.gather [hbm4b:s3+s2], $0x80, v18, vm0, $0xb8;
	[tilespmem:$0x19900] =	vst v63  }
0x5c2: {  	v63 =	vperm.xlane v17, v1;
	s12 =	simm.s32 $0x2300;
	v18 =	vadd.s32 v3, v62  }
0x5c3: {  	[tilespmem:s12], [sflag:$0x1] =	stream.indirect_vreg.gather [hbm4b:s3+s2], $0x80, v19, vm0, $0xb8;
	[tilespmem:$0x19900] =	vst v63  }
0x5c4: {  	v24 =	vperm.xlane v17, v9;
	s28 =	simm.s32 $0x2380;
	v19 =	vadd.s32 v3, v63  }
0x5c5: {  	[tilespmem:s28], [sflag:$0x1] =	stream.indirect_vreg.gather [hbm4b:s3+s2], $0x80, v61, vm0, $0xb8;
	[tilespmem:$0x19900] =	vst v63  }
0x5c6: {  	v26 =	vperm.xlane v17, v10;
	v25 =	vadd.s32 v3, v24;
	s12 =	simm.s32 $0x2400  }
0x5c7: {  	[tilespmem:s12], [sflag:$0x1] =	stream.indirect_vreg.gather [hbm4b:s3+s2], $0x80, v18, vm0, $0xb8;
	[tilespmem:$0x19900] =	vst v63  }
0x5c8: {  	v27 =	vperm.xlane v17, v11;
	s28 =	simm.s32 $0x2480;
	v18 =	vadd.s32 v3, v26  }
0x5c9: {  	[tilespmem:s28], [sflag:$0x1] =	stream.indirect_vreg.gather [hbm4b:s3+s2], $0x80, v19, vm0, $0xb8;
	[tilespmem:$0x19900] =	vst v63  }
0x5ca: {  	v28 =	vperm.xlane v17, v12;
	s12 =	simm.s32 $0x2500;
	v19 =	vadd.s32 v3, v27  }
0x5cb: {  	[tilespmem:s12], [sflag:$0x1] =	stream.indirect_vreg.gather [hbm4b:s3+s2], $0x80, v25, vm0, $0xb8;
	[tilespmem:$0x19900] =	vst v63  }
0x5cc: {  	v30 =	vperm.xlane v17, v13;
	v29 =	vadd.s32 v3, v28;
	s28 =	simm.s32 $0x2580  }
0x5cd: {  	[tilespmem:s28], [sflag:$0x1] =	stream.indirect_vreg.gather [hbm4b:s3+s2], $0x80, v18, vm0, $0xb8;
	[tilespmem:$0x19900] =	vst v63  }
0x5ce: {  	v31 =	vperm.xlane v17, v14;
	s12 =	simm.s32 $0x2600;
	v18 =	vadd.s32 v3, v30  }
0x5cf: {  	[tilespmem:s12], [sflag:$0x1] =	stream.indirect_vreg.gather [hbm4b:s3+s2], $0x80, v19, vm0, $0xb8;
	[tilespmem:$0x19900] =	vst v63  }
0x5d0: {  	v32 =	vperm.xlane v17, v15;
	s28 =	simm.s32 $0x2680;
	v19 =	vadd.s32 v3, v31  }
0x5d1: {  	[tilespmem:s28], [sflag:$0x1] =	stream.indirect_vreg.gather [hbm4b:s3+s2], $0x80, v29, vm0, $0xb8;
	[tilespmem:$0x19900] =	vst v63  }
0x5d2: {  	v17 =	vperm.xlane v17, v16;
	v33 =	vadd.s32 v3, v32;
	s12 =	simm.s32 $0x2700  }
0x5d3: {  	[tilespmem:s12], [sflag:$0x1] =	stream.indirect_vreg.gather [hbm4b:s3+s2], $0x80, v18, vm0, $0xb8;
	[tilespmem:$0x19900] =	vst v63  }
0x5d4: {  	v17 =	vadd.s32 v3, v17;
	s28 =	simm.s32 $0x2780  }
0x5d5: {  	[tilespmem:s28], [sflag:$0x1] =	stream.indirect_vreg.gather [hbm4b:s3+s2], $0x80, v19, vm0, $0xb8;
	[tilespmem:$0x19900] =	vst v63  }
0x5d6: {  	s12 =	simm.s32 $0x2800  }
0x5d7: {  	[tilespmem:s12], [sflag:$0x1] =	stream.indirect_vreg.gather [hbm4b:s3+s2], $0x80, v33, vm0, $0xb8;
	[tilespmem:$0x19900] =	vst v63  }
0x5d8: {  	s28 =	simm.s32 $0x2880  }
0x5d9: {  	[tilespmem:s28], [sflag:$0x1] =	stream.indirect_vreg.gather [hbm4b:s3+s2], $0x80, v17, vm0, $0xb8;
	[tilespmem:$0x19900] =	vst v63  }
0x5da: {  	v17 =	vld [tilespmem:s16+$0x20];
	_ =	sdelay $0x4  }
0x5db: {  	v18 =	vshrl.u32 v17, $0x3  }
0x5dc: {  	v18 =	vmul.u32 $0x18, v18  }
0x5dd: {  	v17 =	vand.u32 $0x7, v17  }
0x5de: {  	v17 =	vor.u32 v17, v18  }
0x5df: {  	v18 =	vperm.xlane v17, v2;
	_ =	sdelay $0x1  }
0x5e0: {  	v19 =	vperm.xlane v17, v4;
	v18 =	vadd.s32 v3, v18;
	_ =	sdelay $0x1  }
0x5e1: {  	v34 =	vperm.xlane v17, v5;
	v19 =	vadd.s32 v3, v19;
	_ =	sdelay $0x1  }
0x5e2: {  	s12 =	simm.s32 $0x2900;
	v35 =	vperm.xlane v17, v0;
	v20 =	vadd.s32 v3, v34  }
0x5e3: {  	[tilespmem:s12], [sflag:$0x1] =	stream.indirect_vreg.gather [hbm4b:s3+s2], $0x80, v18, vm0, $0xb8;
	[tilespmem:$0x19900] =	vst v63  }
0x5e4: {  	s28 =	simm.s32 $0x2980;
	v36 =	vperm.xlane v17, v6;
	v18 =	vadd.s32 v3, v35  }
0x5e5: {  	[tilespmem:s28], [sflag:$0x1] =	stream.indirect_vreg.gather [hbm4b:s3+s2], $0x80, v19, vm0, $0xb8;
	[tilespmem:$0x19900] =	vst v63  }
0x5e6: {  	v37 =	vperm.xlane v17, v7;
	s12 =	simm.s32 $0x2A00;
	v19 =	vadd.s32 v3, v36  }
0x5e7: {  	[tilespmem:s12], [sflag:$0x1] =	stream.indirect_vreg.gather [hbm4b:s3+s2], $0x80, v20, vm0, $0xb8;
	[tilespmem:$0x19900] =	vst v63  }
0x5e8: {  	v39 =	vperm.xlane v17, v8;
	v38 =	vadd.s32 v3, v37;
	s28 =	simm.s32 $0x2A80  }
0x5e9: {  	[tilespmem:s28], [sflag:$0x1] =	stream.indirect_vreg.gather [hbm4b:s3+s2], $0x80, v18, vm0, $0xb8;
	[tilespmem:$0x19900] =	vst v63  }
0x5ea: {  	v40 =	vperm.xlane v17, v1;
	s12 =	simm.s32 $0x2B00;
	v18 =	vadd.s32 v3, v39  }
0x5eb: {  	[tilespmem:s12], [sflag:$0x1] =	stream.indirect_vreg.gather [hbm4b:s3+s2], $0x80, v19, vm0, $0xb8;
	[tilespmem:$0x19900] =	vst v63  }
0x5ec: {  	v41 =	vperm.xlane v17, v9;
	s28 =	simm.s32 $0x2B80;
	v19 =	vadd.s32 v3, v40  }
0x5ed: {  	[tilespmem:s28], [sflag:$0x1] =	stream.indirect_vreg.gather [hbm4b:s3+s2], $0x80, v38, vm0, $0xb8;
	[tilespmem:$0x19900] =	vst v63  }
0x5ee: {  	v43 =	vperm.xlane v17, v10;
	v42 =	vadd.s32 v3, v41;
	s12 =	simm.s32 $0x2C00  }
0x5ef: {  	[tilespmem:s12], [sflag:$0x1] =	stream.indirect_vreg.gather [hbm4b:s3+s2], $0x80, v18, vm0, $0xb8;
	[tilespmem:$0x19900] =	vst v63  }
0x5f0: {  	v44 =	vperm.xlane v17, v11;
	s28 =	simm.s32 $0x2C80;
	v18 =	vadd.s32 v3, v43  }
0x5f1: {  	[tilespmem:s28], [sflag:$0x1] =	stream.indirect_vreg.gather [hbm4b:s3+s2], $0x80, v19, vm0, $0xb8;
	[tilespmem:$0x19900] =	vst v63  }
0x5f2: {  	v45 =	vperm.xlane v17, v12;
	s12 =	simm.s32 $0x2D00;
	v19 =	vadd.s32 v3, v44  }
0x5f3: {  	[tilespmem:s12], [sflag:$0x1] =	stream.indirect_vreg.gather [hbm4b:s3+s2], $0x80, v42, vm0, $0xb8;
	[tilespmem:$0x19900] =	vst v63  }
0x5f4: {  	v47 =	vperm.xlane v17, v13;
	v46 =	vadd.s32 v3, v45;
	s28 =	simm.s32 $0x2D80  }
0x5f5: {  	[tilespmem:s28], [sflag:$0x1] =	stream.indirect_vreg.gather [hbm4b:s3+s2], $0x80, v18, vm0, $0xb8;
	[tilespmem:$0x19900] =	vst v63  }
0x5f6: {  	v48 =	vperm.xlane v17, v14;
	s12 =	simm.s32 $0x2E00;
	v18 =	vadd.s32 v3, v47  }
0x5f7: {  	[tilespmem:s12], [sflag:$0x1] =	stream.indirect_vreg.gather [hbm4b:s3+s2], $0x80, v19, vm0, $0xb8;
	[tilespmem:$0x19900] =	vst v63  }
0x5f8: {  	v49 =	vperm.xlane v17, v15;
	s28 =	simm.s32 $0x2E80;
	v19 =	vadd.s32 v3, v48  }
0x5f9: {  	[tilespmem:s28], [sflag:$0x1] =	stream.indirect_vreg.gather [hbm4b:s3+s2], $0x80, v46, vm0, $0xb8;
	[tilespmem:$0x19900] =	vst v63  }
0x5fa: {  	v17 =	vperm.xlane v17, v16;
	v50 =	vadd.s32 v3, v49;
	s12 =	simm.s32 $0x2F00  }
0x5fb: {  	[tilespmem:s12], [sflag:$0x1] =	stream.indirect_vreg.gather [hbm4b:s3+s2], $0x80, v18, vm0, $0xb8;
	[tilespmem:$0x19900] =	vst v63  }
0x5fc: {  	v17 =	vadd.s32 v3, v17;
	s28 =	simm.s32 $0x2F80  }
0x5fd: {  	[tilespmem:s28], [sflag:$0x1] =	stream.indirect_vreg.gather [hbm4b:s3+s2], $0x80, v19, vm0, $0xb8;
	[tilespmem:$0x19900] =	vst v63  }
0x5fe: {  	s12 =	simm.s32 $0x3000  }
0x5ff: {  	[tilespmem:s12], [sflag:$0x1] =	stream.indirect_vreg.gather [hbm4b:s3+s2], $0x80, v50, vm0, $0xb8;
	[tilespmem:$0x19900] =	vst v63  }
0x600: {  	s28 =	simm.s32 $0x3080  }
0x601: {  	[tilespmem:s28], [sflag:$0x1] =	stream.indirect_vreg.gather [hbm4b:s3+s2], $0x80, v17, vm0, $0xb8;
	[tilespmem:$0x19900] =	vst v63  }
0x602: {  	v17 =	vld [tilespmem:s16+$0x30];
	_ =	sdelay $0x4  }
0x603: {  	v18 =	vshrl.u32 v17, $0x3  }
0x604: {  	v18 =	vmul.u32 $0x18, v18  }
0x605: {  	v17 =	vand.u32 $0x7, v17  }
0x606: {  	v17 =	vor.u32 v17, v18  }
0x607: {  	v18 =	vperm.xlane v17, v2;
	_ =	sdelay $0x1  }
0x608: {  	v19 =	vperm.xlane v17, v4;
	v18 =	vadd.s32 v3, v18;
	_ =	sdelay $0x1  }
0x609: {  	v51 =	vperm.xlane v17, v5;
	v19 =	vadd.s32 v3, v19;
	_ =	sdelay $0x1  }
0x60a: {  	s12 =	simm.s32 $0x3100;
	v52 =	vperm.xlane v17, v0;
	v20 =	vadd.s32 v3, v51  }
0x60b: {  	[tilespmem:s12], [sflag:$0x1] =	stream.indirect_vreg.gather [hbm4b:s3+s2], $0x80, v18, vm0, $0xb8;
	[tilespmem:$0x19900] =	vst v63  }
0x60c: {  	s28 =	simm.s32 $0x3180;
	v53 =	vperm.xlane v17, v6;
	v18 =	vadd.s32 v3, v52  }
0x60d: {  	[tilespmem:s28], [sflag:$0x1] =	stream.indirect_vreg.gather [hbm4b:s3+s2], $0x80, v19, vm0, $0xb8;
	[tilespmem:$0x19900] =	vst v63  }
0x60e: {  	v54 =	vperm.xlane v17, v7;
	s12 =	simm.s32 $0x3200;
	v19 =	vadd.s32 v3, v53  }
0x60f: {  	[tilespmem:s12], [sflag:$0x1] =	stream.indirect_vreg.gather [hbm4b:s3+s2], $0x80, v20, vm0, $0xb8;
	[tilespmem:$0x19900] =	vst v63  }
0x610: {  	v56 =	vperm.xlane v17, v8;
	v55 =	vadd.s32 v3, v54;
	s28 =	simm.s32 $0x3280  }
0x611: {  	[tilespmem:s28], [sflag:$0x1] =	stream.indirect_vreg.gather [hbm4b:s3+s2], $0x80, v18, vm0, $0xb8;
	[tilespmem:$0x19900] =	vst v63  }
0x612: {  	v57 =	vperm.xlane v17, v1;
	s12 =	simm.s32 $0x3300;
	v18 =	vadd.s32 v3, v56  }
0x613: {  	[tilespmem:s12], [sflag:$0x1] =	stream.indirect_vreg.gather [hbm4b:s3+s2], $0x80, v19, vm0, $0xb8;
	[tilespmem:$0x19900] =	vst v63  }
0x614: {  	v58 =	vperm.xlane v17, v9;
	s28 =	simm.s32 $0x3380;
	v19 =	vadd.s32 v3, v57  }
0x615: {  	[tilespmem:s28], [sflag:$0x1] =	stream.indirect_vreg.gather [hbm4b:s3+s2], $0x80, v55, vm0, $0xb8;
	[tilespmem:$0x19900] =	vst v63  }
0x616: {  	v60 =	vperm.xlane v17, v10;
	v59 =	vadd.s32 v3, v58;
	s12 =	simm.s32 $0x3400  }
0x617: {  	[tilespmem:s12], [sflag:$0x1] =	stream.indirect_vreg.gather [hbm4b:s3+s2], $0x80, v18, vm0, $0xb8;
	[tilespmem:$0x19900] =	vst v63  }
0x618: {  	v61 =	vperm.xlane v17, v11;
	s28 =	simm.s32 $0x3480;
	v18 =	vadd.s32 v3, v60  }
0x619: {  	[tilespmem:s28], [sflag:$0x1] =	stream.indirect_vreg.gather [hbm4b:s3+s2], $0x80, v19, vm0, $0xb8;
	[tilespmem:$0x19900] =	vst v63  }
0x61a: {  	v62 =	vperm.xlane v17, v12;
	s12 =	simm.s32 $0x3500;
	v19 =	vadd.s32 v3, v61  }
0x61b: {  	[tilespmem:s12], [sflag:$0x1] =	stream.indirect_vreg.gather [hbm4b:s3+s2], $0x80, v59, vm0, $0xb8;
	[tilespmem:$0x19900] =	vst v63  }
0x61c: {  	v24 =	vperm.xlane v17, v13;
	v63 =	vadd.s32 v3, v62;
	s28 =	simm.s32 $0x3580  }
0x61d: {  	[tilespmem:s28], [sflag:$0x1] =	stream.indirect_vreg.gather [hbm4b:s3+s2], $0x80, v18, vm0, $0xb8;
	[tilespmem:$0x19900] =	vst v63  }
0x61e: {  	v25 =	vperm.xlane v17, v14;
	s12 =	simm.s32 $0x3600;
	v18 =	vadd.s32 v3, v24  }
0x61f: {  	[tilespmem:s12], [sflag:$0x1] =	stream.indirect_vreg.gather [hbm4b:s3+s2], $0x80, v19, vm0, $0xb8;
	[tilespmem:$0x19900] =	vst v63  }
0x620: {  	v26 =	vperm.xlane v17, v15;
	s28 =	simm.s32 $0x3680;
	v19 =	vadd.s32 v3, v25  }
0x621: {  	[tilespmem:s28], [sflag:$0x1] =	stream.indirect_vreg.gather [hbm4b:s3+s2], $0x80, v63, vm0, $0xb8;
	[tilespmem:$0x19900] =	vst v63  }
0x622: {  	v17 =	vperm.xlane v17, v16;
	v27 =	vadd.s32 v3, v26;
	s12 =	simm.s32 $0x3700  }
0x623: {  	[tilespmem:s12], [sflag:$0x1] =	stream.indirect_vreg.gather [hbm4b:s3+s2], $0x80, v18, vm0, $0xb8;
	[tilespmem:$0x19900] =	vst v63  }
0x624: {  	v17 =	vadd.s32 v3, v17;
	s28 =	simm.s32 $0x3780  }
0x625: {  	[tilespmem:s28], [sflag:$0x1] =	stream.indirect_vreg.gather [hbm4b:s3+s2], $0x80, v19, vm0, $0xb8;
	[tilespmem:$0x19900] =	vst v63  }
0x626: {  	s12 =	simm.s32 $0x3800  }
0x627: {  	[tilespmem:s12], [sflag:$0x1] =	stream.indirect_vreg.gather [hbm4b:s3+s2], $0x80, v27, vm0, $0xb8;
	[tilespmem:$0x19900] =	vst v63  }
0x628: {  	s28 =	simm.s32 $0x3880;
	s12 =	simm.s32 $0xE  }
0x629: {  	[tilespmem:s28], [sflag:$0x1] =	stream.indirect_vreg.gather [hbm4b:s3+s2], $0x80, v17, vm0, $0xb8;
	[tilespmem:$0x19900] =	vst v63  }
0x62a: {  	_ =	swait.ge [sflag:s12], $0x2000  }
0x62b: {  	[sflag:s12] =	ssyncset.done $0x0  }
0x62c: {  	[sflag:s12] =	ssyncadd.s32 $0xFFFFE000  }
0x62d: {  	v17 =	vld [tilespmem:s16+$0x0];
	_ =	sdelay $0x4  }
0x62e: {  	v18 =	vshrl.u32 v17, $0x3  }
0x62f: {  	v18 =	vmul.u32 $0x18, v18  }
0x630: {  	v17 =	vand.u32 $0x7, v17  }
0x631: {  	v17 =	vor.u32 v17, v18  }
0x632: {  	v18 =	vperm.xlane v17, v2;
	_ =	sdelay $0x1  }
0x633: {  	v19 =	vperm.xlane v17, v4;
	v18 =	vadd.s32 v3, v18;
	_ =	sdelay $0x1  }
0x634: {  	v28 =	vperm.xlane v17, v5;
	v19 =	vadd.s32 v3, v19;
	_ =	sdelay $0x1  }
0x635: {  	v29 =	vperm.xlane v17, v0;
	v20 =	vadd.s32 v3, v28  }
0x636: {  	[tilespmem:s29], [sflag:$0x2] =	stream.indirect_vreg.gather [hbm4b:s6+s2], $0x80, v18, vm0, $0xb8;
	[tilespmem:$0x19900] =	vst v63  }
0x637: {  	s12 =	simm.s32 $0x3980;
	v30 =	vperm.xlane v17, v6;
	v18 =	vadd.s32 v3, v29  }
0x638: {  	[tilespmem:s12], [sflag:$0x2] =	stream.indirect_vreg.gather [hbm4b:s6+s2], $0x80, v19, vm0, $0xb8;
	[tilespmem:$0x19900] =	vst v63  }
0x639: {  	s28 =	simm.s32 $0x3A00;
	v31 =	vperm.xlane v17, v7;
	v19 =	vadd.s32 v3, v30  }
0x63a: {  	[tilespmem:s28], [sflag:$0x2] =	stream.indirect_vreg.gather [hbm4b:s6+s2], $0x80, v20, vm0, $0xb8;
	[tilespmem:$0x19900] =	vst v63  }
0x63b: {  	v33 =	vperm.xlane v17, v8;
	v32 =	vadd.s32 v3, v31;
	s12 =	simm.s32 $0x3A80  }
0x63c: {  	[tilespmem:s12], [sflag:$0x2] =	stream.indirect_vreg.gather [hbm4b:s6+s2], $0x80, v18, vm0, $0xb8;
	[tilespmem:$0x19900] =	vst v63  }
0x63d: {  	v34 =	vperm.xlane v17, v1;
	s28 =	simm.s32 $0x3B00;
	v18 =	vadd.s32 v3, v33  }
0x63e: {  	[tilespmem:s28], [sflag:$0x2] =	stream.indirect_vreg.gather [hbm4b:s6+s2], $0x80, v19, vm0, $0xb8;
	[tilespmem:$0x19900] =	vst v63  }
0x63f: {  	v35 =	vperm.xlane v17, v9;
	s12 =	simm.s32 $0x3B80;
	v19 =	vadd.s32 v3, v34  }
0x640: {  	[tilespmem:s12], [sflag:$0x2] =	stream.indirect_vreg.gather [hbm4b:s6+s2], $0x80, v32, vm0, $0xb8;
	[tilespmem:$0x19900] =	vst v63  }
0x641: {  	v37 =	vperm.xlane v17, v10;
	v36 =	vadd.s32 v3, v35;
	s28 =	simm.s32 $0x3C00  }
0x642: {  	[tilespmem:s28], [sflag:$0x2] =	stream.indirect_vreg.gather [hbm4b:s6+s2], $0x80, v18, vm0, $0xb8;
	[tilespmem:$0x19900] =	vst v63  }
0x643: {  	v38 =	vperm.xlane v17, v11;
	s12 =	simm.s32 $0x3C80;
	v18 =	vadd.s32 v3, v37  }
0x644: {  	[tilespmem:s12], [sflag:$0x2] =	stream.indirect_vreg.gather [hbm4b:s6+s2], $0x80, v19, vm0, $0xb8;
	[tilespmem:$0x19900] =	vst v63  }
0x645: {  	v39 =	vperm.xlane v17, v12;
	s28 =	simm.s32 $0x3D00;
	v19 =	vadd.s32 v3, v38  }
0x646: {  	[tilespmem:s28], [sflag:$0x2] =	stream.indirect_vreg.gather [hbm4b:s6+s2], $0x80, v36, vm0, $0xb8;
	[tilespmem:$0x19900] =	vst v63  }
0x647: {  	v41 =	vperm.xlane v17, v13;
	v40 =	vadd.s32 v3, v39;
	s12 =	simm.s32 $0x3D80  }
0x648: {  	[tilespmem:s12], [sflag:$0x2] =	stream.indirect_vreg.gather [hbm4b:s6+s2], $0x80, v18, vm0, $0xb8;
	[tilespmem:$0x19900] =	vst v63  }
0x649: {  	v42 =	vperm.xlane v17, v14;
	s28 =	simm.s32 $0x3E00;
	v18 =	vadd.s32 v3, v41  }
0x64a: {  	[tilespmem:s28], [sflag:$0x2] =	stream.indirect_vreg.gather [hbm4b:s6+s2], $0x80, v19, vm0, $0xb8;
	[tilespmem:$0x19900] =	vst v63  }
0x64b: {  	v43 =	vperm.xlane v17, v15;
	s12 =	simm.s32 $0x3E80;
	v19 =	vadd.s32 v3, v42  }
0x64c: {  	[tilespmem:s12], [sflag:$0x2] =	stream.indirect_vreg.gather [hbm4b:s6+s2], $0x80, v40, vm0, $0xb8;
	[tilespmem:$0x19900] =	vst v63  }
0x64d: {  	v17 =	vperm.xlane v17, v16;
	v44 =	vadd.s32 v3, v43;
	s28 =	simm.s32 $0x3F00  }
0x64e: {  	[tilespmem:s28], [sflag:$0x2] =	stream.indirect_vreg.gather [hbm4b:s6+s2], $0x80, v18, vm0, $0xb8;
	[tilespmem:$0x19900] =	vst v63  }
0x64f: {  	v17 =	vadd.s32 v3, v17;
	s12 =	simm.s32 $0x3F80  }
0x650: {  	[tilespmem:s12], [sflag:$0x2] =	stream.indirect_vreg.gather [hbm4b:s6+s2], $0x80, v19, vm0, $0xb8;
	[tilespmem:$0x19900] =	vst v63  }
0x651: {  	s28 =	simm.s32 $0x4000  }
0x652: {  	[tilespmem:s28], [sflag:$0x2] =	stream.indirect_vreg.gather [hbm4b:s6+s2], $0x80, v44, vm0, $0xb8;
	[tilespmem:$0x19900] =	vst v63  }
0x653: {  	s12 =	simm.s32 $0x4080  }
0x654: {  	[tilespmem:s12], [sflag:$0x2] =	stream.indirect_vreg.gather [hbm4b:s6+s2], $0x80, v17, vm0, $0xb8;
	[tilespmem:$0x19900] =	vst v63  }
0x655: {  	v17 =	vld [tilespmem:s16+$0x10];
	_ =	sdelay $0x4  }
0x656: {  	v18 =	vshrl.u32 v17, $0x3  }
0x657: {  	v18 =	vmul.u32 $0x18, v18  }
0x658: {  	v17 =	vand.u32 $0x7, v17  }
0x659: {  	v17 =	vor.u32 v17, v18  }
0x65a: {  	v18 =	vperm.xlane v17, v2;
	_ =	sdelay $0x1  }
0x65b: {  	v19 =	vperm.xlane v17, v4;
	v18 =	vadd.s32 v3, v18;
	_ =	sdelay $0x1  }
0x65c: {  	v45 =	vperm.xlane v17, v5;
	v19 =	vadd.s32 v3, v19;
	_ =	sdelay $0x1  }
0x65d: {  	s28 =	simm.s32 $0x4100;
	v46 =	vperm.xlane v17, v0;
	v20 =	vadd.s32 v3, v45  }
0x65e: {  	[tilespmem:s28], [sflag:$0x2] =	stream.indirect_vreg.gather [hbm4b:s6+s2], $0x80, v18, vm0, $0xb8;
	[tilespmem:$0x19900] =	vst v63  }
0x65f: {  	s12 =	simm.s32 $0x4180;
	v47 =	vperm.xlane v17, v6;
	v18 =	vadd.s32 v3, v46  }
0x660: {  	[tilespmem:s12], [sflag:$0x2] =	stream.indirect_vreg.gather [hbm4b:s6+s2], $0x80, v19, vm0, $0xb8;
	[tilespmem:$0x19900] =	vst v63  }
0x661: {  	v48 =	vperm.xlane v17, v7;
	s28 =	simm.s32 $0x4200;
	v19 =	vadd.s32 v3, v47  }
0x662: {  	[tilespmem:s28], [sflag:$0x2] =	stream.indirect_vreg.gather [hbm4b:s6+s2], $0x80, v20, vm0, $0xb8;
	[tilespmem:$0x19900] =	vst v63  }
0x663: {  	v50 =	vperm.xlane v17, v8;
	v49 =	vadd.s32 v3, v48;
	s12 =	simm.s32 $0x4280  }
0x664: {  	[tilespmem:s12], [sflag:$0x2] =	stream.indirect_vreg.gather [hbm4b:s6+s2], $0x80, v18, vm0, $0xb8;
	[tilespmem:$0x19900] =	vst v63  }
0x665: {  	v51 =	vperm.xlane v17, v1;
	s28 =	simm.s32 $0x4300;
	v18 =	vadd.s32 v3, v50  }
0x666: {  	[tilespmem:s28], [sflag:$0x2] =	stream.indirect_vreg.gather [hbm4b:s6+s2], $0x80, v19, vm0, $0xb8;
	[tilespmem:$0x19900] =	vst v63  }
0x667: {  	v52 =	vperm.xlane v17, v9;
	s12 =	simm.s32 $0x4380;
	v19 =	vadd.s32 v3, v51  }
0x668: {  	[tilespmem:s12], [sflag:$0x2] =	stream.indirect_vreg.gather [hbm4b:s6+s2], $0x80, v49, vm0, $0xb8;
	[tilespmem:$0x19900] =	vst v63  }
0x669: {  	v54 =	vperm.xlane v17, v10;
	v53 =	vadd.s32 v3, v52;
	s28 =	simm.s32 $0x4400  }
0x66a: {  	[tilespmem:s28], [sflag:$0x2] =	stream.indirect_vreg.gather [hbm4b:s6+s2], $0x80, v18, vm0, $0xb8;
	[tilespmem:$0x19900] =	vst v63  }
0x66b: {  	v55 =	vperm.xlane v17, v11;
	s12 =	simm.s32 $0x4480;
	v18 =	vadd.s32 v3, v54  }
0x66c: {  	[tilespmem:s12], [sflag:$0x2] =	stream.indirect_vreg.gather [hbm4b:s6+s2], $0x80, v19, vm0, $0xb8;
	[tilespmem:$0x19900] =	vst v63  }
0x66d: {  	v56 =	vperm.xlane v17, v12;
	s28 =	simm.s32 $0x4500;
	v19 =	vadd.s32 v3, v55  }
0x66e: {  	[tilespmem:s28], [sflag:$0x2] =	stream.indirect_vreg.gather [hbm4b:s6+s2], $0x80, v53, vm0, $0xb8;
	[tilespmem:$0x19900] =	vst v63  }
0x66f: {  	v58 =	vperm.xlane v17, v13;
	v57 =	vadd.s32 v3, v56;
	s12 =	simm.s32 $0x4580  }
0x670: {  	[tilespmem:s12], [sflag:$0x2] =	stream.indirect_vreg.gather [hbm4b:s6+s2], $0x80, v18, vm0, $0xb8;
	[tilespmem:$0x19900] =	vst v63  }
0x671: {  	v59 =	vperm.xlane v17, v14;
	s28 =	simm.s32 $0x4600;
	v18 =	vadd.s32 v3, v58  }
0x672: {  	[tilespmem:s28], [sflag:$0x2] =	stream.indirect_vreg.gather [hbm4b:s6+s2], $0x80, v19, vm0, $0xb8;
	[tilespmem:$0x19900] =	vst v63  }
0x673: {  	v60 =	vperm.xlane v17, v15;
	s12 =	simm.s32 $0x4680;
	v19 =	vadd.s32 v3, v59  }
0x674: {  	[tilespmem:s12], [sflag:$0x2] =	stream.indirect_vreg.gather [hbm4b:s6+s2], $0x80, v57, vm0, $0xb8;
	[tilespmem:$0x19900] =	vst v63  }
0x675: {  	v17 =	vperm.xlane v17, v16;
	v61 =	vadd.s32 v3, v60;
	s28 =	simm.s32 $0x4700  }
0x676: {  	[tilespmem:s28], [sflag:$0x2] =	stream.indirect_vreg.gather [hbm4b:s6+s2], $0x80, v18, vm0, $0xb8;
	[tilespmem:$0x19900] =	vst v63  }
0x677: {  	v17 =	vadd.s32 v3, v17;
	s12 =	simm.s32 $0x4780  }
0x678: {  	[tilespmem:s12], [sflag:$0x2] =	stream.indirect_vreg.gather [hbm4b:s6+s2], $0x80, v19, vm0, $0xb8;
	[tilespmem:$0x19900] =	vst v63  }
0x679: {  	s28 =	simm.s32 $0x4800  }
0x67a: {  	[tilespmem:s28], [sflag:$0x2] =	stream.indirect_vreg.gather [hbm4b:s6+s2], $0x80, v61, vm0, $0xb8;
	[tilespmem:$0x19900] =	vst v63  }
0x67b: {  	s12 =	simm.s32 $0x4880  }
0x67c: {  	[tilespmem:s12], [sflag:$0x2] =	stream.indirect_vreg.gather [hbm4b:s6+s2], $0x80, v17, vm0, $0xb8;
	[tilespmem:$0x19900] =	vst v63  }
0x67d: {  	v17 =	vld [tilespmem:s16+$0x20];
	_ =	sdelay $0x4  }
0x67e: {  	v18 =	vshrl.u32 v17, $0x3  }
0x67f: {  	v18 =	vmul.u32 $0x18, v18  }
0x680: {  	v17 =	vand.u32 $0x7, v17  }
0x681: {  	v17 =	vor.u32 v17, v18  }
0x682: {  	v18 =	vperm.xlane v17, v2;
	_ =	sdelay $0x1  }
0x683: {  	v19 =	vperm.xlane v17, v4;
	v18 =	vadd.s32 v3, v18;
	_ =	sdelay $0x1  }
0x684: {  	v62 =	vperm.xlane v17, v5;
	v19 =	vadd.s32 v3, v19;
	_ =	sdelay $0x1  }
0x685: {  	s28 =	simm.s32 $0x4900;
	v63 =	vperm.xlane v17, v0;
	v20 =	vadd.s32 v3, v62  }
0x686: {  	[tilespmem:s28], [sflag:$0x2] =	stream.indirect_vreg.gather [hbm4b:s6+s2], $0x80, v18, vm0, $0xb8;
	[tilespmem:$0x19900] =	vst v63  }
0x687: {  	s12 =	simm.s32 $0x4980;
	v24 =	vperm.xlane v17, v6;
	v18 =	vadd.s32 v3, v63  }
0x688: {  	[tilespmem:s12], [sflag:$0x2] =	stream.indirect_vreg.gather [hbm4b:s6+s2], $0x80, v19, vm0, $0xb8;
	[tilespmem:$0x19900] =	vst v63  }
0x689: {  	v25 =	vperm.xlane v17, v7;
	s28 =	simm.s32 $0x4A00;
	v19 =	vadd.s32 v3, v24  }
0x68a: {  	[tilespmem:s28], [sflag:$0x2] =	stream.indirect_vreg.gather [hbm4b:s6+s2], $0x80, v20, vm0, $0xb8;
	[tilespmem:$0x19900] =	vst v63  }
0x68b: {  	v27 =	vperm.xlane v17, v8;
	v26 =	vadd.s32 v3, v25;
	s12 =	simm.s32 $0x4A80  }
0x68c: {  	[tilespmem:s12], [sflag:$0x2] =	stream.indirect_vreg.gather [hbm4b:s6+s2], $0x80, v18, vm0, $0xb8;
	[tilespmem:$0x19900] =	vst v63  }
0x68d: {  	v28 =	vperm.xlane v17, v1;
	s28 =	simm.s32 $0x4B00;
	v18 =	vadd.s32 v3, v27  }
0x68e: {  	[tilespmem:s28], [sflag:$0x2] =	stream.indirect_vreg.gather [hbm4b:s6+s2], $0x80, v19, vm0, $0xb8;
	[tilespmem:$0x19900] =	vst v63  }
0x68f: {  	v29 =	vperm.xlane v17, v9;
	s12 =	simm.s32 $0x4B80;
	v19 =	vadd.s32 v3, v28  }
0x690: {  	[tilespmem:s12], [sflag:$0x2] =	stream.indirect_vreg.gather [hbm4b:s6+s2], $0x80, v26, vm0, $0xb8;
	[tilespmem:$0x19900] =	vst v63  }
0x691: {  	v31 =	vperm.xlane v17, v10;
	v30 =	vadd.s32 v3, v29;
	s28 =	simm.s32 $0x4C00  }
0x692: {  	[tilespmem:s28], [sflag:$0x2] =	stream.indirect_vreg.gather [hbm4b:s6+s2], $0x80, v18, vm0, $0xb8;
	[tilespmem:$0x19900] =	vst v63  }
0x693: {  	v32 =	vperm.xlane v17, v11;
	s12 =	simm.s32 $0x4C80;
	v18 =	vadd.s32 v3, v31  }
0x694: {  	[tilespmem:s12], [sflag:$0x2] =	stream.indirect_vreg.gather [hbm4b:s6+s2], $0x80, v19, vm0, $0xb8;
	[tilespmem:$0x19900] =	vst v63  }
0x695: {  	v33 =	vperm.xlane v17, v12;
	s28 =	simm.s32 $0x4D00;
	v19 =	vadd.s32 v3, v32  }
0x696: {  	[tilespmem:s28], [sflag:$0x2] =	stream.indirect_vreg.gather [hbm4b:s6+s2], $0x80, v30, vm0, $0xb8;
	[tilespmem:$0x19900] =	vst v63  }
0x697: {  	v35 =	vperm.xlane v17, v13;
	v34 =	vadd.s32 v3, v33;
	s12 =	simm.s32 $0x4D80  }
0x698: {  	[tilespmem:s12], [sflag:$0x2] =	stream.indirect_vreg.gather [hbm4b:s6+s2], $0x80, v18, vm0, $0xb8;
	[tilespmem:$0x19900] =	vst v63  }
0x699: {  	v36 =	vperm.xlane v17, v14;
	s28 =	simm.s32 $0x4E00;
	v18 =	vadd.s32 v3, v35  }
0x69a: {  	[tilespmem:s28], [sflag:$0x2] =	stream.indirect_vreg.gather [hbm4b:s6+s2], $0x80, v19, vm0, $0xb8;
	[tilespmem:$0x19900] =	vst v63  }
0x69b: {  	v37 =	vperm.xlane v17, v15;
	s12 =	simm.s32 $0x4E80;
	v19 =	vadd.s32 v3, v36  }
0x69c: {  	[tilespmem:s12], [sflag:$0x2] =	stream.indirect_vreg.gather [hbm4b:s6+s2], $0x80, v34, vm0, $0xb8;
	[tilespmem:$0x19900] =	vst v63  }
0x69d: {  	v17 =	vperm.xlane v17, v16;
	v38 =	vadd.s32 v3, v37;
	s28 =	simm.s32 $0x4F00  }
0x69e: {  	[tilespmem:s28], [sflag:$0x2] =	stream.indirect_vreg.gather [hbm4b:s6+s2], $0x80, v18, vm0, $0xb8;
	[tilespmem:$0x19900] =	vst v63  }
0x69f: {  	v17 =	vadd.s32 v3, v17;
	s12 =	simm.s32 $0x4F80  }
0x6a0: {  	[tilespmem:s12], [sflag:$0x2] =	stream.indirect_vreg.gather [hbm4b:s6+s2], $0x80, v19, vm0, $0xb8;
	[tilespmem:$0x19900] =	vst v63  }
0x6a1: {  	s28 =	simm.s32 $0x5000  }
0x6a2: {  	[tilespmem:s28], [sflag:$0x2] =	stream.indirect_vreg.gather [hbm4b:s6+s2], $0x80, v38, vm0, $0xb8;
	[tilespmem:$0x19900] =	vst v63  }
0x6a3: {  	s12 =	simm.s32 $0x5080  }
0x6a4: {  	[tilespmem:s12], [sflag:$0x2] =	stream.indirect_vreg.gather [hbm4b:s6+s2], $0x80, v17, vm0, $0xb8;
	[tilespmem:$0x19900] =	vst v63  }
0x6a5: {  	v17 =	vld [tilespmem:s16+$0x30];
	_ =	sdelay $0x4  }
0x6a6: {  	v18 =	vshrl.u32 v17, $0x3  }
0x6a7: {  	v18 =	vmul.u32 $0x18, v18  }
0x6a8: {  	v17 =	vand.u32 $0x7, v17  }
0x6a9: {  	v17 =	vor.u32 v17, v18  }
0x6aa: {  	v18 =	vperm.xlane v17, v2;
	_ =	sdelay $0x1  }
0x6ab: {  	v19 =	vperm.xlane v17, v4;
	v18 =	vadd.s32 v3, v18;
	_ =	sdelay $0x1  }
0x6ac: {  	v39 =	vperm.xlane v17, v5;
	v19 =	vadd.s32 v3, v19;
	_ =	sdelay $0x1  }
0x6ad: {  	s28 =	simm.s32 $0x5100;
	v40 =	vperm.xlane v17, v0;
	v20 =	vadd.s32 v3, v39  }
0x6ae: {  	[tilespmem:s28], [sflag:$0x2] =	stream.indirect_vreg.gather [hbm4b:s6+s2], $0x80, v18, vm0, $0xb8;
	[tilespmem:$0x19900] =	vst v63  }
0x6af: {  	s12 =	simm.s32 $0x5180;
	v41 =	vperm.xlane v17, v6;
	v18 =	vadd.s32 v3, v40  }
0x6b0: {  	[tilespmem:s12], [sflag:$0x2] =	stream.indirect_vreg.gather [hbm4b:s6+s2], $0x80, v19, vm0, $0xb8;
	[tilespmem:$0x19900] =	vst v63  }
0x6b1: {  	v42 =	vperm.xlane v17, v7;
	s28 =	simm.s32 $0x5200;
	v19 =	vadd.s32 v3, v41  }
0x6b2: {  	[tilespmem:s28], [sflag:$0x2] =	stream.indirect_vreg.gather [hbm4b:s6+s2], $0x80, v20, vm0, $0xb8;
	[tilespmem:$0x19900] =	vst v63  }
0x6b3: {  	v44 =	vperm.xlane v17, v8;
	v43 =	vadd.s32 v3, v42;
	s12 =	simm.s32 $0x5280  }
0x6b4: {  	[tilespmem:s12], [sflag:$0x2] =	stream.indirect_vreg.gather [hbm4b:s6+s2], $0x80, v18, vm0, $0xb8;
	[tilespmem:$0x19900] =	vst v63  }
0x6b5: {  	v45 =	vperm.xlane v17, v1;
	s28 =	simm.s32 $0x5300;
	v18 =	vadd.s32 v3, v44  }
0x6b6: {  	[tilespmem:s28], [sflag:$0x2] =	stream.indirect_vreg.gather [hbm4b:s6+s2], $0x80, v19, vm0, $0xb8;
	[tilespmem:$0x19900] =	vst v63  }
0x6b7: {  	v46 =	vperm.xlane v17, v9;
	s12 =	simm.s32 $0x5380;
	v19 =	vadd.s32 v3, v45  }
0x6b8: {  	[tilespmem:s12], [sflag:$0x2] =	stream.indirect_vreg.gather [hbm4b:s6+s2], $0x80, v43, vm0, $0xb8;
	[tilespmem:$0x19900] =	vst v63  }
0x6b9: {  	v48 =	vperm.xlane v17, v10;
	v47 =	vadd.s32 v3, v46;
	s28 =	simm.s32 $0x5400  }
0x6ba: {  	[tilespmem:s28], [sflag:$0x2] =	stream.indirect_vreg.gather [hbm4b:s6+s2], $0x80, v18, vm0, $0xb8;
	[tilespmem:$0x19900] =	vst v63  }
0x6bb: {  	v49 =	vperm.xlane v17, v11;
	s12 =	simm.s32 $0x5480;
	v18 =	vadd.s32 v3, v48  }
0x6bc: {  	[tilespmem:s12], [sflag:$0x2] =	stream.indirect_vreg.gather [hbm4b:s6+s2], $0x80, v19, vm0, $0xb8;
	[tilespmem:$0x19900] =	vst v63  }
0x6bd: {  	v50 =	vperm.xlane v17, v12;
	s28 =	simm.s32 $0x5500;
	v19 =	vadd.s32 v3, v49  }
0x6be: {  	[tilespmem:s28], [sflag:$0x2] =	stream.indirect_vreg.gather [hbm4b:s6+s2], $0x80, v47, vm0, $0xb8;
	[tilespmem:$0x19900] =	vst v63  }
0x6bf: {  	v52 =	vperm.xlane v17, v13;
	v51 =	vadd.s32 v3, v50;
	s12 =	simm.s32 $0x5580  }
0x6c0: {  	[tilespmem:s12], [sflag:$0x2] =	stream.indirect_vreg.gather [hbm4b:s6+s2], $0x80, v18, vm0, $0xb8;
	[tilespmem:$0x19900] =	vst v63  }
0x6c1: {  	v53 =	vperm.xlane v17, v14;
	s28 =	simm.s32 $0x5600;
	v18 =	vadd.s32 v3, v52  }
0x6c2: {  	[tilespmem:s28], [sflag:$0x2] =	stream.indirect_vreg.gather [hbm4b:s6+s2], $0x80, v19, vm0, $0xb8;
	[tilespmem:$0x19900] =	vst v63  }
0x6c3: {  	v54 =	vperm.xlane v17, v15;
	s12 =	simm.s32 $0x5680;
	v19 =	vadd.s32 v3, v53  }
0x6c4: {  	[tilespmem:s12], [sflag:$0x2] =	stream.indirect_vreg.gather [hbm4b:s6+s2], $0x80, v51, vm0, $0xb8;
	[tilespmem:$0x19900] =	vst v63  }
0x6c5: {  	v17 =	vperm.xlane v17, v16;
	v55 =	vadd.s32 v3, v54;
	s28 =	simm.s32 $0x5700  }
0x6c6: {  	[tilespmem:s28], [sflag:$0x2] =	stream.indirect_vreg.gather [hbm4b:s6+s2], $0x80, v18, vm0, $0xb8;
	[tilespmem:$0x19900] =	vst v63  }
0x6c7: {  	v17 =	vadd.s32 v3, v17;
	s12 =	simm.s32 $0x5780  }
0x6c8: {  	[tilespmem:s12], [sflag:$0x2] =	stream.indirect_vreg.gather [hbm4b:s6+s2], $0x80, v19, vm0, $0xb8;
	[tilespmem:$0x19900] =	vst v63  }
0x6c9: {  	s28 =	simm.s32 $0x5800  }
0x6ca: {  	[tilespmem:s28], [sflag:$0x2] =	stream.indirect_vreg.gather [hbm4b:s6+s2], $0x80, v55, vm0, $0xb8;
	[tilespmem:$0x19900] =	vst v63  }
0x6cb: {  	s25 =	simm.s32 $0xF;
	s12 =	simm.s32 $0x5880  }
0x6cc: {  	[tilespmem:s12], [sflag:$0x2] =	stream.indirect_vreg.gather [hbm4b:s6+s2], $0x80, v17, vm0, $0xb8;
	[tilespmem:$0x19900] =	vst v63  }
0x6cd: {  	_ =	swait.ge [sflag:s25], $0x2000  }
0x6ce: {  	[sflag:s25] =	ssyncset.done $0x0  }
0x6cf: {  	s28 =	simm.s32 $0x10;
	[sflag:s25] =	ssyncadd.s32 $0xFFFFE000  }
0x6d0: {  	[tilespmem:s30], [sflag:$0x3] =	stream.indirect.gather [hbm4b:s4+s7], $0x80, s16, s7, $0xb8;
	[tilespmem:$0x19900] =	vst v63  }
0x6d1: {  	_ =	swait.ge [sflag:s28], $0x2000  }
0x6d2: {  	[sflag:s28] =	ssyncset.done $0x0  }
0x6d3: {  	[sflag:s28] =	ssyncadd.s32 $0xFFFFE000  }
0x6d4: {  	v17 =	vld [tilespmem:s16+$0x40];
	_ =	sdelay $0x4  }
0x6d5: {  	v18 =	vshrl.u32 v17, $0x3  }
0x6d6: {  	v18 =	vmul.u32 $0x18, v18  }
0x6d7: {  	v17 =	vand.u32 $0x7, v17  }
0x6d8: {  	v17 =	vor.u32 v17, v18  }
0x6d9: {  	v18 =	vperm.xlane v17, v2;
	_ =	sdelay $0x1  }
0x6da: {  	v19 =	vperm.xlane v17, v4;
	v18 =	vadd.s32 v3, v18;
	_ =	sdelay $0x1  }
0x6db: {  	v56 =	vperm.xlane v17, v5;
	v19 =	vadd.s32 v3, v19;
	_ =	sdelay $0x1  }
0x6dc: {  	v57 =	vperm.xlane v17, v0;
	v20 =	vadd.s32 v3, v56  }
0x6dd: {  	[tilespmem:s31], [sflag:$0x4] =	stream.indirect_vreg.gather [hbm4b:s3+s2], $0x80, v18, vm0, $0xb8;
	[tilespmem:$0x19900] =	vst v63  }
0x6de: {  	s12 =	simm.s32 $0x7980;
	v58 =	vperm.xlane v17, v6;
	v18 =	vadd.s32 v3, v57  }
0x6df: {  	[tilespmem:s12], [sflag:$0x4] =	stream.indirect_vreg.gather [hbm4b:s3+s2], $0x80, v19, vm0, $0xb8;
	[tilespmem:$0x19900] =	vst v63  }
0x6e0: {  	s28 =	simm.s32 $0x7A00;
	v59 =	vperm.xlane v17, v7;
	v19 =	vadd.s32 v3, v58  }
0x6e1: {  	[tilespmem:s28], [sflag:$0x4] =	stream.indirect_vreg.gather [hbm4b:s3+s2], $0x80, v20, vm0, $0xb8;
	[tilespmem:$0x19900] =	vst v63  }
0x6e2: {  	v61 =	vperm.xlane v17, v8;
	v60 =	vadd.s32 v3, v59;
	s12 =	simm.s32 $0x7A80  }
0x6e3: {  	[tilespmem:s12], [sflag:$0x4] =	stream.indirect_vreg.gather [hbm4b:s3+s2], $0x80, v18, vm0, $0xb8;
	[tilespmem:$0x19900] =	vst v63  }
0x6e4: {  	v62 =	vperm.xlane v17, v1;
	s28 =	simm.s32 $0x7B00;
	v18 =	vadd.s32 v3, v61  }
0x6e5: {  	[tilespmem:s28], [sflag:$0x4] =	stream.indirect_vreg.gather [hbm4b:s3+s2], $0x80, v19, vm0, $0xb8;
	[tilespmem:$0x19900] =	vst v63  }
0x6e6: {  	v63 =	vperm.xlane v17, v9;
	s12 =	simm.s32 $0x7B80;
	v19 =	vadd.s32 v3, v62  }
0x6e7: {  	[tilespmem:s12], [sflag:$0x4] =	stream.indirect_vreg.gather [hbm4b:s3+s2], $0x80, v60, vm0, $0xb8;
	[tilespmem:$0x19900] =	vst v63  }
0x6e8: {  	v25 =	vperm.xlane v17, v10;
	v24 =	vadd.s32 v3, v63;
	s28 =	simm.s32 $0x7C00  }
0x6e9: {  	[tilespmem:s28], [sflag:$0x4] =	stream.indirect_vreg.gather [hbm4b:s3+s2], $0x80, v18, vm0, $0xb8;
	[tilespmem:$0x19900] =	vst v63  }
0x6ea: {  	v26 =	vperm.xlane v17, v11;
	s12 =	simm.s32 $0x7C80;
	v18 =	vadd.s32 v3, v25  }
0x6eb: {  	[tilespmem:s12], [sflag:$0x4] =	stream.indirect_vreg.gather [hbm4b:s3+s2], $0x80, v19, vm0, $0xb8;
	[tilespmem:$0x19900] =	vst v63  }
0x6ec: {  	v27 =	vperm.xlane v17, v12;
	s28 =	simm.s32 $0x7D00;
	v19 =	vadd.s32 v3, v26  }
0x6ed: {  	[tilespmem:s28], [sflag:$0x4] =	stream.indirect_vreg.gather [hbm4b:s3+s2], $0x80, v24, vm0, $0xb8;
	[tilespmem:$0x19900] =	vst v63  }
0x6ee: {  	v29 =	vperm.xlane v17, v13;
	v28 =	vadd.s32 v3, v27;
	s12 =	simm.s32 $0x7D80  }
0x6ef: {  	[tilespmem:s12], [sflag:$0x4] =	stream.indirect_vreg.gather [hbm4b:s3+s2], $0x80, v18, vm0, $0xb8;
	[tilespmem:$0x19900] =	vst v63  }
0x6f0: {  	v30 =	vperm.xlane v17, v14;
	s28 =	simm.s32 $0x7E00;
	v18 =	vadd.s32 v3, v29  }
0x6f1: {  	[tilespmem:s28], [sflag:$0x4] =	stream.indirect_vreg.gather [hbm4b:s3+s2], $0x80, v19, vm0, $0xb8;
	[tilespmem:$0x19900] =	vst v63  }
0x6f2: {  	v31 =	vperm.xlane v17, v15;
	s12 =	simm.s32 $0x7E80;
	v19 =	vadd.s32 v3, v30  }
0x6f3: {  	[tilespmem:s12], [sflag:$0x4] =	stream.indirect_vreg.gather [hbm4b:s3+s2], $0x80, v28, vm0, $0xb8;
	[tilespmem:$0x19900] =	vst v63  }
0x6f4: {  	v17 =	vperm.xlane v17, v16;
	v32 =	vadd.s32 v3, v31;
	s28 =	simm.s32 $0x7F00  }
0x6f5: {  	[tilespmem:s28], [sflag:$0x4] =	stream.indirect_vreg.gather [hbm4b:s3+s2], $0x80, v18, vm0, $0xb8;
	[tilespmem:$0x19900] =	vst v63  }
0x6f6: {  	v17 =	vadd.s32 v3, v17;
	s12 =	simm.s32 $0x7F80  }
0x6f7: {  	[tilespmem:s12], [sflag:$0x4] =	stream.indirect_vreg.gather [hbm4b:s3+s2], $0x80, v19, vm0, $0xb8;
	[tilespmem:$0x19900] =	vst v63  }
0x6f8: {  	s28 =	simm.s32 $0x8000  }
0x6f9: {  	[tilespmem:s28], [sflag:$0x4] =	stream.indirect_vreg.gather [hbm4b:s3+s2], $0x80, v32, vm0, $0xb8;
	[tilespmem:$0x19900] =	vst v63  }
0x6fa: {  	s12 =	simm.s32 $0x8080  }
0x6fb: {  	[tilespmem:s12], [sflag:$0x4] =	stream.indirect_vreg.gather [hbm4b:s3+s2], $0x80, v17, vm0, $0xb8;
	[tilespmem:$0x19900] =	vst v63  }
0x6fc: {  	v17 =	vld [tilespmem:s16+$0x50];
	_ =	sdelay $0x4  }
0x6fd: {  	v18 =	vshrl.u32 v17, $0x3  }
0x6fe: {  	v18 =	vmul.u32 $0x18, v18  }
0x6ff: {  	v17 =	vand.u32 $0x7, v17  }
0x700: {  	v17 =	vor.u32 v17, v18  }
0x701: {  	v18 =	vperm.xlane v17, v2;
	_ =	sdelay $0x1  }
0x702: {  	v19 =	vperm.xlane v17, v4;
	v18 =	vadd.s32 v3, v18;
	_ =	sdelay $0x1  }
0x703: {  	v33 =	vperm.xlane v17, v5;
	v19 =	vadd.s32 v3, v19;
	_ =	sdelay $0x1  }
0x704: {  	s28 =	simm.s32 $0x8100;
	v34 =	vperm.xlane v17, v0;
	v20 =	vadd.s32 v3, v33  }
0x705: {  	[tilespmem:s28], [sflag:$0x4] =	stream.indirect_vreg.gather [hbm4b:s3+s2], $0x80, v18, vm0, $0xb8;
	[tilespmem:$0x19900] =	vst v63  }
0x706: {  	s12 =	simm.s32 $0x8180;
	v35 =	vperm.xlane v17, v6;
	v18 =	vadd.s32 v3, v34  }
0x707: {  	[tilespmem:s12], [sflag:$0x4] =	stream.indirect_vreg.gather [hbm4b:s3+s2], $0x80, v19, vm0, $0xb8;
	[tilespmem:$0x19900] =	vst v63  }
0x708: {  	v36 =	vperm.xlane v17, v7;
	s28 =	simm.s32 $0x8200;
	v19 =	vadd.s32 v3, v35  }
0x709: {  	[tilespmem:s28], [sflag:$0x4] =	stream.indirect_vreg.gather [hbm4b:s3+s2], $0x80, v20, vm0, $0xb8;
	[tilespmem:$0x19900] =	vst v63  }
0x70a: {  	v38 =	vperm.xlane v17, v8;
	v37 =	vadd.s32 v3, v36;
	s12 =	simm.s32 $0x8280  }
0x70b: {  	[tilespmem:s12], [sflag:$0x4] =	stream.indirect_vreg.gather [hbm4b:s3+s2], $0x80, v18, vm0, $0xb8;
	[tilespmem:$0x19900] =	vst v63  }
0x70c: {  	v39 =	vperm.xlane v17, v1;
	s28 =	simm.s32 $0x8300;
	v18 =	vadd.s32 v3, v38  }
0x70d: {  	[tilespmem:s28], [sflag:$0x4] =	stream.indirect_vreg.gather [hbm4b:s3+s2], $0x80, v19, vm0, $0xb8;
	[tilespmem:$0x19900] =	vst v63  }
0x70e: {  	v40 =	vperm.xlane v17, v9;
	s12 =	simm.s32 $0x8380;
	v19 =	vadd.s32 v3, v39  }
0x70f: {  	[tilespmem:s12], [sflag:$0x4] =	stream.indirect_vreg.gather [hbm4b:s3+s2], $0x80, v37, vm0, $0xb8;
	[tilespmem:$0x19900] =	vst v63  }
0x710: {  	v42 =	vperm.xlane v17, v10;
	v41 =	vadd.s32 v3, v40;
	s28 =	simm.s32 $0x8400  }
0x711: {  	[tilespmem:s28], [sflag:$0x4] =	stream.indirect_vreg.gather [hbm4b:s3+s2], $0x80, v18, vm0, $0xb8;
	[tilespmem:$0x19900] =	vst v63  }
0x712: {  	v43 =	vperm.xlane v17, v11;
	s12 =	simm.s32 $0x8480;
	v18 =	vadd.s32 v3, v42  }
0x713: {  	[tilespmem:s12], [sflag:$0x4] =	stream.indirect_vreg.gather [hbm4b:s3+s2], $0x80, v19, vm0, $0xb8;
	[tilespmem:$0x19900] =	vst v63  }
0x714: {  	v44 =	vperm.xlane v17, v12;
	s28 =	simm.s32 $0x8500;
	v19 =	vadd.s32 v3, v43  }
0x715: {  	[tilespmem:s28], [sflag:$0x4] =	stream.indirect_vreg.gather [hbm4b:s3+s2], $0x80, v41, vm0, $0xb8;
	[tilespmem:$0x19900] =	vst v63  }
0x716: {  	v46 =	vperm.xlane v17, v13;
	v45 =	vadd.s32 v3, v44;
	s12 =	simm.s32 $0x8580  }
0x717: {  	[tilespmem:s12], [sflag:$0x4] =	stream.indirect_vreg.gather [hbm4b:s3+s2], $0x80, v18, vm0, $0xb8;
	[tilespmem:$0x19900] =	vst v63  }
0x718: {  	v47 =	vperm.xlane v17, v14;
	s28 =	simm.s32 $0x8600;
	v18 =	vadd.s32 v3, v46  }
0x719: {  	[tilespmem:s28], [sflag:$0x4] =	stream.indirect_vreg.gather [hbm4b:s3+s2], $0x80, v19, vm0, $0xb8;
	[tilespmem:$0x19900] =	vst v63  }
0x71a: {  	v48 =	vperm.xlane v17, v15;
	s12 =	simm.s32 $0x8680;
	v19 =	vadd.s32 v3, v47  }
0x71b: {  	[tilespmem:s12], [sflag:$0x4] =	stream.indirect_vreg.gather [hbm4b:s3+s2], $0x80, v45, vm0, $0xb8;
	[tilespmem:$0x19900] =	vst v63  }
0x71c: {  	v17 =	vperm.xlane v17, v16;
	v49 =	vadd.s32 v3, v48;
	s28 =	simm.s32 $0x8700  }
0x71d: {  	[tilespmem:s28], [sflag:$0x4] =	stream.indirect_vreg.gather [hbm4b:s3+s2], $0x80, v18, vm0, $0xb8;
	[tilespmem:$0x19900] =	vst v63  }
0x71e: {  	v17 =	vadd.s32 v3, v17;
	s12 =	simm.s32 $0x8780  }
0x71f: {  	[tilespmem:s12], [sflag:$0x4] =	stream.indirect_vreg.gather [hbm4b:s3+s2], $0x80, v19, vm0, $0xb8;
	[tilespmem:$0x19900] =	vst v63  }
0x720: {  	s28 =	simm.s32 $0x8800  }
0x721: {  	[tilespmem:s28], [sflag:$0x4] =	stream.indirect_vreg.gather [hbm4b:s3+s2], $0x80, v49, vm0, $0xb8;
	[tilespmem:$0x19900] =	vst v63  }
0x722: {  	s12 =	simm.s32 $0x8880  }
0x723: {  	[tilespmem:s12], [sflag:$0x4] =	stream.indirect_vreg.gather [hbm4b:s3+s2], $0x80, v17, vm0, $0xb8;
	[tilespmem:$0x19900] =	vst v63  }
0x724: {  	v17 =	vld [tilespmem:s16+$0x60];
	_ =	sdelay $0x4  }
0x725: {  	v18 =	vshrl.u32 v17, $0x3  }
0x726: {  	v18 =	vmul.u32 $0x18, v18  }
0x727: {  	v17 =	vand.u32 $0x7, v17  }
0x728: {  	v17 =	vor.u32 v17, v18  }
0x729: {  	v18 =	vperm.xlane v17, v2;
	_ =	sdelay $0x1  }
0x72a: {  	v19 =	vperm.xlane v17, v4;
	v18 =	vadd.s32 v3, v18;
	_ =	sdelay $0x1  }
0x72b: {  	v50 =	vperm.xlane v17, v5;
	v19 =	vadd.s32 v3, v19;
	_ =	sdelay $0x1  }
0x72c: {  	s28 =	simm.s32 $0x8900;
	v51 =	vperm.xlane v17, v0;
	v20 =	vadd.s32 v3, v50  }
0x72d: {  	[tilespmem:s28], [sflag:$0x4] =	stream.indirect_vreg.gather [hbm4b:s3+s2], $0x80, v18, vm0, $0xb8;
	[tilespmem:$0x19900] =	vst v63  }
0x72e: {  	s12 =	simm.s32 $0x8980;
	v52 =	vperm.xlane v17, v6;
	v18 =	vadd.s32 v3, v51  }
0x72f: {  	[tilespmem:s12], [sflag:$0x4] =	stream.indirect_vreg.gather [hbm4b:s3+s2], $0x80, v19, vm0, $0xb8;
	[tilespmem:$0x19900] =	vst v63  }
0x730: {  	v53 =	vperm.xlane v17, v7;
	s28 =	simm.s32 $0x8A00;
	v19 =	vadd.s32 v3, v52  }
0x731: {  	[tilespmem:s28], [sflag:$0x4] =	stream.indirect_vreg.gather [hbm4b:s3+s2], $0x80, v20, vm0, $0xb8;
	[tilespmem:$0x19900] =	vst v63  }
0x732: {  	v55 =	vperm.xlane v17, v8;
	v54 =	vadd.s32 v3, v53;
	s12 =	simm.s32 $0x8A80  }
0x733: {  	[tilespmem:s12], [sflag:$0x4] =	stream.indirect_vreg.gather [hbm4b:s3+s2], $0x80, v18, vm0, $0xb8;
	[tilespmem:$0x19900] =	vst v63  }
0x734: {  	v56 =	vperm.xlane v17, v1;
	s28 =	simm.s32 $0x8B00;
	v18 =	vadd.s32 v3, v55  }
0x735: {  	[tilespmem:s28], [sflag:$0x4] =	stream.indirect_vreg.gather [hbm4b:s3+s2], $0x80, v19, vm0, $0xb8;
	[tilespmem:$0x19900] =	vst v63  }
0x736: {  	v57 =	vperm.xlane v17, v9;
	s12 =	simm.s32 $0x8B80;
	v19 =	vadd.s32 v3, v56  }
0x737: {  	[tilespmem:s12], [sflag:$0x4] =	stream.indirect_vreg.gather [hbm4b:s3+s2], $0x80, v54, vm0, $0xb8;
	[tilespmem:$0x19900] =	vst v63  }
0x738: {  	v59 =	vperm.xlane v17, v10;
	v58 =	vadd.s32 v3, v57;
	s28 =	simm.s32 $0x8C00  }
0x739: {  	[tilespmem:s28], [sflag:$0x4] =	stream.indirect_vreg.gather [hbm4b:s3+s2], $0x80, v18, vm0, $0xb8;
	[tilespmem:$0x19900] =	vst v63  }
0x73a: {  	v60 =	vperm.xlane v17, v11;
	s12 =	simm.s32 $0x8C80;
	v18 =	vadd.s32 v3, v59  }
0x73b: {  	[tilespmem:s12], [sflag:$0x4] =	stream.indirect_vreg.gather [hbm4b:s3+s2], $0x80, v19, vm0, $0xb8;
	[tilespmem:$0x19900] =	vst v63  }
0x73c: {  	v61 =	vperm.xlane v17, v12;
	s28 =	simm.s32 $0x8D00;
	v19 =	vadd.s32 v3, v60  }
0x73d: {  	[tilespmem:s28], [sflag:$0x4] =	stream.indirect_vreg.gather [hbm4b:s3+s2], $0x80, v58, vm0, $0xb8;
	[tilespmem:$0x19900] =	vst v63  }
0x73e: {  	v63 =	vperm.xlane v17, v13;
	v62 =	vadd.s32 v3, v61;
	s12 =	simm.s32 $0x8D80  }
0x73f: {  	[tilespmem:s12], [sflag:$0x4] =	stream.indirect_vreg.gather [hbm4b:s3+s2], $0x80, v18, vm0, $0xb8;
	[tilespmem:$0x19900] =	vst v63  }
0x740: {  	v24 =	vperm.xlane v17, v14;
	s28 =	simm.s32 $0x8E00;
	v18 =	vadd.s32 v3, v63  }
0x741: {  	[tilespmem:s28], [sflag:$0x4] =	stream.indirect_vreg.gather [hbm4b:s3+s2], $0x80, v19, vm0, $0xb8;
	[tilespmem:$0x19900] =	vst v63  }
0x742: {  	v25 =	vperm.xlane v17, v15;
	s12 =	simm.s32 $0x8E80;
	v19 =	vadd.s32 v3, v24  }
0x743: {  	[tilespmem:s12], [sflag:$0x4] =	stream.indirect_vreg.gather [hbm4b:s3+s2], $0x80, v62, vm0, $0xb8;
	[tilespmem:$0x19900] =	vst v63  }
0x744: {  	v17 =	vperm.xlane v17, v16;
	v26 =	vadd.s32 v3, v25;
	s28 =	simm.s32 $0x8F00  }
0x745: {  	[tilespmem:s28], [sflag:$0x4] =	stream.indirect_vreg.gather [hbm4b:s3+s2], $0x80, v18, vm0, $0xb8;
	[tilespmem:$0x19900] =	vst v63  }
0x746: {  	v17 =	vadd.s32 v3, v17;
	s12 =	simm.s32 $0x8F80  }
0x747: {  	[tilespmem:s12], [sflag:$0x4] =	stream.indirect_vreg.gather [hbm4b:s3+s2], $0x80, v19, vm0, $0xb8;
	[tilespmem:$0x19900] =	vst v63  }
0x748: {  	s28 =	simm.s32 $0x9000  }
0x749: {  	[tilespmem:s28], [sflag:$0x4] =	stream.indirect_vreg.gather [hbm4b:s3+s2], $0x80, v26, vm0, $0xb8;
	[tilespmem:$0x19900] =	vst v63  }
0x74a: {  	s12 =	simm.s32 $0x9080  }
0x74b: {  	[tilespmem:s12], [sflag:$0x4] =	stream.indirect_vreg.gather [hbm4b:s3+s2], $0x80, v17, vm0, $0xb8;
	[tilespmem:$0x19900] =	vst v63  }
0x74c: {  	v17 =	vld [tilespmem:s16+$0x70];
	_ =	sdelay $0x4  }
0x74d: {  	v18 =	vshrl.u32 v17, $0x3  }
0x74e: {  	v18 =	vmul.u32 $0x18, v18  }
0x74f: {  	v17 =	vand.u32 $0x7, v17  }
0x750: {  	v17 =	vor.u32 v17, v18  }
0x751: {  	v18 =	vperm.xlane v17, v2;
	_ =	sdelay $0x1  }
0x752: {  	v19 =	vperm.xlane v17, v4;
	v18 =	vadd.s32 v3, v18;
	_ =	sdelay $0x1  }
0x753: {  	v27 =	vperm.xlane v17, v5;
	v19 =	vadd.s32 v3, v19;
	_ =	sdelay $0x1  }
0x754: {  	s28 =	simm.s32 $0x9100;
	v28 =	vperm.xlane v17, v0;
	v20 =	vadd.s32 v3, v27  }
0x755: {  	[tilespmem:s28], [sflag:$0x4] =	stream.indirect_vreg.gather [hbm4b:s3+s2], $0x80, v18, vm0, $0xb8;
	[tilespmem:$0x19900] =	vst v63  }
0x756: {  	s12 =	simm.s32 $0x9180;
	v29 =	vperm.xlane v17, v6;
	v18 =	vadd.s32 v3, v28  }
0x757: {  	[tilespmem:s12], [sflag:$0x4] =	stream.indirect_vreg.gather [hbm4b:s3+s2], $0x80, v19, vm0, $0xb8;
	[tilespmem:$0x19900] =	vst v63  }
0x758: {  	v30 =	vperm.xlane v17, v7;
	s28 =	simm.s32 $0x9200;
	v19 =	vadd.s32 v3, v29  }
0x759: {  	[tilespmem:s28], [sflag:$0x4] =	stream.indirect_vreg.gather [hbm4b:s3+s2], $0x80, v20, vm0, $0xb8;
	[tilespmem:$0x19900] =	vst v63  }
0x75a: {  	v32 =	vperm.xlane v17, v8;
	v31 =	vadd.s32 v3, v30;
	s12 =	simm.s32 $0x9280  }
0x75b: {  	[tilespmem:s12], [sflag:$0x4] =	stream.indirect_vreg.gather [hbm4b:s3+s2], $0x80, v18, vm0, $0xb8;
	[tilespmem:$0x19900] =	vst v63  }
0x75c: {  	v33 =	vperm.xlane v17, v1;
	s28 =	simm.s32 $0x9300;
	v18 =	vadd.s32 v3, v32  }
0x75d: {  	[tilespmem:s28], [sflag:$0x4] =	stream.indirect_vreg.gather [hbm4b:s3+s2], $0x80, v19, vm0, $0xb8;
	[tilespmem:$0x19900] =	vst v63  }
0x75e: {  	v34 =	vperm.xlane v17, v9;
	s12 =	simm.s32 $0x9380;
	v19 =	vadd.s32 v3, v33  }
0x75f: {  	[tilespmem:s12], [sflag:$0x4] =	stream.indirect_vreg.gather [hbm4b:s3+s2], $0x80, v31, vm0, $0xb8;
	[tilespmem:$0x19900] =	vst v63  }
0x760: {  	v36 =	vperm.xlane v17, v10;
	v35 =	vadd.s32 v3, v34;
	s28 =	simm.s32 $0x9400  }
0x761: {  	[tilespmem:s28], [sflag:$0x4] =	stream.indirect_vreg.gather [hbm4b:s3+s2], $0x80, v18, vm0, $0xb8;
	[tilespmem:$0x19900] =	vst v63  }
0x762: {  	v37 =	vperm.xlane v17, v11;
	s12 =	simm.s32 $0x9480;
	v18 =	vadd.s32 v3, v36  }
0x763: {  	[tilespmem:s12], [sflag:$0x4] =	stream.indirect_vreg.gather [hbm4b:s3+s2], $0x80, v19, vm0, $0xb8;
	[tilespmem:$0x19900] =	vst v63  }
0x764: {  	v38 =	vperm.xlane v17, v12;
	s28 =	simm.s32 $0x9500;
	v19 =	vadd.s32 v3, v37  }
0x765: {  	[tilespmem:s28], [sflag:$0x4] =	stream.indirect_vreg.gather [hbm4b:s3+s2], $0x80, v35, vm0, $0xb8;
	[tilespmem:$0x19900] =	vst v63  }
0x766: {  	v40 =	vperm.xlane v17, v13;
	v39 =	vadd.s32 v3, v38;
	s12 =	simm.s32 $0x9580  }
0x767: {  	[tilespmem:s12], [sflag:$0x4] =	stream.indirect_vreg.gather [hbm4b:s3+s2], $0x80, v18, vm0, $0xb8;
	[tilespmem:$0x19900] =	vst v63  }
0x768: {  	v41 =	vperm.xlane v17, v14;
	s28 =	simm.s32 $0x9600;
	v18 =	vadd.s32 v3, v40  }
0x769: {  	[tilespmem:s28], [sflag:$0x4] =	stream.indirect_vreg.gather [hbm4b:s3+s2], $0x80, v19, vm0, $0xb8;
	[tilespmem:$0x19900] =	vst v63  }
0x76a: {  	v42 =	vperm.xlane v17, v15;
	s12 =	simm.s32 $0x9680;
	v19 =	vadd.s32 v3, v41  }
0x76b: {  	[tilespmem:s12], [sflag:$0x4] =	stream.indirect_vreg.gather [hbm4b:s3+s2], $0x80, v39, vm0, $0xb8;
	[tilespmem:$0x19900] =	vst v63  }
0x76c: {  	v17 =	vperm.xlane v17, v16;
	v43 =	vadd.s32 v3, v42;
	s28 =	simm.s32 $0x9700  }
0x76d: {  	[tilespmem:s28], [sflag:$0x4] =	stream.indirect_vreg.gather [hbm4b:s3+s2], $0x80, v18, vm0, $0xb8;
	[tilespmem:$0x19900] =	vst v63  }
0x76e: {  	v17 =	vadd.s32 v3, v17;
	s12 =	simm.s32 $0x9780  }
0x76f: {  	[tilespmem:s12], [sflag:$0x4] =	stream.indirect_vreg.gather [hbm4b:s3+s2], $0x80, v19, vm0, $0xb8;
	[tilespmem:$0x19900] =	vst v63  }
0x770: {  	s28 =	simm.s32 $0x9800  }
0x771: {  	[tilespmem:s28], [sflag:$0x4] =	stream.indirect_vreg.gather [hbm4b:s3+s2], $0x80, v43, vm0, $0xb8;
	[tilespmem:$0x19900] =	vst v63  }
0x772: {  	s12 =	simm.s32 $0x9880;
	s28 =	simm.s32 $0x11  }
0x773: {  	[tilespmem:s12], [sflag:$0x4] =	stream.indirect_vreg.gather [hbm4b:s3+s2], $0x80, v17, vm0, $0xb8;
	[tilespmem:$0x19900] =	vst v63  }
0x774: {  	_ =	swait.ge [sflag:s28], $0x2000  }
0x775: {  	[sflag:s28] =	ssyncset.done $0x0  }
0x776: {  	[sflag:s28] =	ssyncadd.s32 $0xFFFFE000  }
0x777: {  	v17 =	vld [tilespmem:s16+$0x40];
	_ =	sdelay $0x4  }
0x778: {  	v18 =	vshrl.u32 v17, $0x3  }
0x779: {  	v18 =	vmul.u32 $0x18, v18  }
0x77a: {  	v17 =	vand.u32 $0x7, v17  }
0x77b: {  	v17 =	vor.u32 v17, v18  }
0x77c: {  	v18 =	vperm.xlane v17, v2;
	_ =	sdelay $0x1  }
0x77d: {  	v19 =	vperm.xlane v17, v4;
	v18 =	vadd.s32 v3, v18;
	_ =	sdelay $0x1  }
0x77e: {  	v44 =	vperm.xlane v17, v5;
	v19 =	vadd.s32 v3, v19;
	_ =	sdelay $0x1  }
0x77f: {  	v45 =	vperm.xlane v17, v0;
	v20 =	vadd.s32 v3, v44  }
0x780: {  	[tilespmem:s8], [sflag:$0x5] =	stream.indirect_vreg.gather [hbm4b:s6+s2], $0x80, v18, vm0, $0xb8;
	[tilespmem:$0x19900] =	vst v63  }
0x781: {  	s12 =	simm.s32 $0x9980;
	v46 =	vperm.xlane v17, v6;
	v18 =	vadd.s32 v3, v45  }
0x782: {  	[tilespmem:s12], [sflag:$0x5] =	stream.indirect_vreg.gather [hbm4b:s6+s2], $0x80, v19, vm0, $0xb8;
	[tilespmem:$0x19900] =	vst v63  }
0x783: {  	s28 =	simm.s32 $0x9A00;
	v47 =	vperm.xlane v17, v7;
	v19 =	vadd.s32 v3, v46  }
0x784: {  	[tilespmem:s28], [sflag:$0x5] =	stream.indirect_vreg.gather [hbm4b:s6+s2], $0x80, v20, vm0, $0xb8;
	[tilespmem:$0x19900] =	vst v63  }
0x785: {  	v49 =	vperm.xlane v17, v8;
	v48 =	vadd.s32 v3, v47;
	s12 =	simm.s32 $0x9A80  }
0x786: {  	[tilespmem:s12], [sflag:$0x5] =	stream.indirect_vreg.gather [hbm4b:s6+s2], $0x80, v18, vm0, $0xb8;
	[tilespmem:$0x19900] =	vst v63  }
0x787: {  	v50 =	vperm.xlane v17, v1;
	s28 =	simm.s32 $0x9B00;
	v18 =	vadd.s32 v3, v49  }
0x788: {  	[tilespmem:s28], [sflag:$0x5] =	stream.indirect_vreg.gather [hbm4b:s6+s2], $0x80, v19, vm0, $0xb8;
	[tilespmem:$0x19900] =	vst v63  }
0x789: {  	v51 =	vperm.xlane v17, v9;
	s12 =	simm.s32 $0x9B80;
	v19 =	vadd.s32 v3, v50  }
0x78a: {  	[tilespmem:s12], [sflag:$0x5] =	stream.indirect_vreg.gather [hbm4b:s6+s2], $0x80, v48, vm0, $0xb8;
	[tilespmem:$0x19900] =	vst v63  }
0x78b: {  	v53 =	vperm.xlane v17, v10;
	v52 =	vadd.s32 v3, v51;
	s28 =	simm.s32 $0x9C00  }
0x78c: {  	[tilespmem:s28], [sflag:$0x5] =	stream.indirect_vreg.gather [hbm4b:s6+s2], $0x80, v18, vm0, $0xb8;
	[tilespmem:$0x19900] =	vst v63  }
0x78d: {  	v54 =	vperm.xlane v17, v11;
	s12 =	simm.s32 $0x9C80;
	v18 =	vadd.s32 v3, v53  }
0x78e: {  	[tilespmem:s12], [sflag:$0x5] =	stream.indirect_vreg.gather [hbm4b:s6+s2], $0x80, v19, vm0, $0xb8;
	[tilespmem:$0x19900] =	vst v63  }
0x78f: {  	v55 =	vperm.xlane v17, v12;
	s28 =	simm.s32 $0x9D00;
	v19 =	vadd.s32 v3, v54  }
0x790: {  	[tilespmem:s28], [sflag:$0x5] =	stream.indirect_vreg.gather [hbm4b:s6+s2], $0x80, v52, vm0, $0xb8;
	[tilespmem:$0x19900] =	vst v63  }
0x791: {  	v57 =	vperm.xlane v17, v13;
	v56 =	vadd.s32 v3, v55;
	s12 =	simm.s32 $0x9D80  }
0x792: {  	[tilespmem:s12], [sflag:$0x5] =	stream.indirect_vreg.gather [hbm4b:s6+s2], $0x80, v18, vm0, $0xb8;
	[tilespmem:$0x19900] =	vst v63  }
0x793: {  	v58 =	vperm.xlane v17, v14;
	s28 =	simm.s32 $0x9E00;
	v18 =	vadd.s32 v3, v57  }
0x794: {  	[tilespmem:s28], [sflag:$0x5] =	stream.indirect_vreg.gather [hbm4b:s6+s2], $0x80, v19, vm0, $0xb8;
	[tilespmem:$0x19900] =	vst v63  }
0x795: {  	v59 =	vperm.xlane v17, v15;
	s12 =	simm.s32 $0x9E80;
	v19 =	vadd.s32 v3, v58  }
0x796: {  	[tilespmem:s12], [sflag:$0x5] =	stream.indirect_vreg.gather [hbm4b:s6+s2], $0x80, v56, vm0, $0xb8;
	[tilespmem:$0x19900] =	vst v63  }
0x797: {  	v17 =	vperm.xlane v17, v16;
	v60 =	vadd.s32 v3, v59;
	s28 =	simm.s32 $0x9F00  }
0x798: {  	[tilespmem:s28], [sflag:$0x5] =	stream.indirect_vreg.gather [hbm4b:s6+s2], $0x80, v18, vm0, $0xb8;
	[tilespmem:$0x19900] =	vst v63  }
0x799: {  	v17 =	vadd.s32 v3, v17;
	s12 =	simm.s32 $0x9F80  }
0x79a: {  	[tilespmem:s12], [sflag:$0x5] =	stream.indirect_vreg.gather [hbm4b:s6+s2], $0x80, v19, vm0, $0xb8;
	[tilespmem:$0x19900] =	vst v63  }
0x79b: {  	s28 =	simm.s32 $0xA000  }
0x79c: {  	[tilespmem:s28], [sflag:$0x5] =	stream.indirect_vreg.gather [hbm4b:s6+s2], $0x80, v60, vm0, $0xb8;
	[tilespmem:$0x19900] =	vst v63  }
0x79d: {  	s12 =	simm.s32 $0xA080  }
0x79e: {  	[tilespmem:s12], [sflag:$0x5] =	stream.indirect_vreg.gather [hbm4b:s6+s2], $0x80, v17, vm0, $0xb8;
	[tilespmem:$0x19900] =	vst v63  }
0x79f: {  	v17 =	vld [tilespmem:s16+$0x50];
	_ =	sdelay $0x4  }
0x7a0: {  	v18 =	vshrl.u32 v17, $0x3  }
0x7a1: {  	v18 =	vmul.u32 $0x18, v18  }
0x7a2: {  	v17 =	vand.u32 $0x7, v17  }
0x7a3: {  	v17 =	vor.u32 v17, v18  }
0x7a4: {  	v18 =	vperm.xlane v17, v2;
	_ =	sdelay $0x1  }
0x7a5: {  	v19 =	vperm.xlane v17, v4;
	v18 =	vadd.s32 v3, v18;
	_ =	sdelay $0x1  }
0x7a6: {  	v61 =	vperm.xlane v17, v5;
	v19 =	vadd.s32 v3, v19;
	_ =	sdelay $0x1  }
0x7a7: {  	s28 =	simm.s32 $0xA100;
	v62 =	vperm.xlane v17, v0;
	v20 =	vadd.s32 v3, v61  }
0x7a8: {  	[tilespmem:s28], [sflag:$0x5] =	stream.indirect_vreg.gather [hbm4b:s6+s2], $0x80, v18, vm0, $0xb8;
	[tilespmem:$0x19900] =	vst v63  }
0x7a9: {  	s12 =	simm.s32 $0xA180;
	v63 =	vperm.xlane v17, v6;
	v18 =	vadd.s32 v3, v62  }
0x7aa: {  	[tilespmem:s12], [sflag:$0x5] =	stream.indirect_vreg.gather [hbm4b:s6+s2], $0x80, v19, vm0, $0xb8;
	[tilespmem:$0x19900] =	vst v63  }
0x7ab: {  	v24 =	vperm.xlane v17, v7;
	s28 =	simm.s32 $0xA200;
	v19 =	vadd.s32 v3, v63  }
0x7ac: {  	[tilespmem:s28], [sflag:$0x5] =	stream.indirect_vreg.gather [hbm4b:s6+s2], $0x80, v20, vm0, $0xb8;
	[tilespmem:$0x19900] =	vst v63  }
0x7ad: {  	v26 =	vperm.xlane v17, v8;
	v25 =	vadd.s32 v3, v24;
	s12 =	simm.s32 $0xA280  }
0x7ae: {  	[tilespmem:s12], [sflag:$0x5] =	stream.indirect_vreg.gather [hbm4b:s6+s2], $0x80, v18, vm0, $0xb8;
	[tilespmem:$0x19900] =	vst v63  }
0x7af: {  	v27 =	vperm.xlane v17, v1;
	s28 =	simm.s32 $0xA300;
	v18 =	vadd.s32 v3, v26  }
0x7b0: {  	[tilespmem:s28], [sflag:$0x5] =	stream.indirect_vreg.gather [hbm4b:s6+s2], $0x80, v19, vm0, $0xb8;
	[tilespmem:$0x19900] =	vst v63  }
0x7b1: {  	v28 =	vperm.xlane v17, v9;
	s12 =	simm.s32 $0xA380;
	v19 =	vadd.s32 v3, v27  }
0x7b2: {  	[tilespmem:s12], [sflag:$0x5] =	stream.indirect_vreg.gather [hbm4b:s6+s2], $0x80, v25, vm0, $0xb8;
	[tilespmem:$0x19900] =	vst v63  }
0x7b3: {  	v30 =	vperm.xlane v17, v10;
	v29 =	vadd.s32 v3, v28;
	s28 =	simm.s32 $0xA400  }
0x7b4: {  	[tilespmem:s28], [sflag:$0x5] =	stream.indirect_vreg.gather [hbm4b:s6+s2], $0x80, v18, vm0, $0xb8;
	[tilespmem:$0x19900] =	vst v63  }
0x7b5: {  	v31 =	vperm.xlane v17, v11;
	s12 =	simm.s32 $0xA480;
	v18 =	vadd.s32 v3, v30  }
0x7b6: {  	[tilespmem:s12], [sflag:$0x5] =	stream.indirect_vreg.gather [hbm4b:s6+s2], $0x80, v19, vm0, $0xb8;
	[tilespmem:$0x19900] =	vst v63  }
0x7b7: {  	v32 =	vperm.xlane v17, v12;
	s28 =	simm.s32 $0xA500;
	v19 =	vadd.s32 v3, v31  }
0x7b8: {  	[tilespmem:s28], [sflag:$0x5] =	stream.indirect_vreg.gather [hbm4b:s6+s2], $0x80, v29, vm0, $0xb8;
	[tilespmem:$0x19900] =	vst v63  }
0x7b9: {  	v34 =	vperm.xlane v17, v13;
	v33 =	vadd.s32 v3, v32;
	s12 =	simm.s32 $0xA580  }
0x7ba: {  	[tilespmem:s12], [sflag:$0x5] =	stream.indirect_vreg.gather [hbm4b:s6+s2], $0x80, v18, vm0, $0xb8;
	[tilespmem:$0x19900] =	vst v63  }
0x7bb: {  	v35 =	vperm.xlane v17, v14;
	s28 =	simm.s32 $0xA600;
	v18 =	vadd.s32 v3, v34  }
0x7bc: {  	[tilespmem:s28], [sflag:$0x5] =	stream.indirect_vreg.gather [hbm4b:s6+s2], $0x80, v19, vm0, $0xb8;
	[tilespmem:$0x19900] =	vst v63  }
0x7bd: {  	v36 =	vperm.xlane v17, v15;
	s12 =	simm.s32 $0xA680;
	v19 =	vadd.s32 v3, v35  }
0x7be: {  	[tilespmem:s12], [sflag:$0x5] =	stream.indirect_vreg.gather [hbm4b:s6+s2], $0x80, v33, vm0, $0xb8;
	[tilespmem:$0x19900] =	vst v63  }
0x7bf: {  	v17 =	vperm.xlane v17, v16;
	v37 =	vadd.s32 v3, v36;
	s28 =	simm.s32 $0xA700  }
0x7c0: {  	[tilespmem:s28], [sflag:$0x5] =	stream.indirect_vreg.gather [hbm4b:s6+s2], $0x80, v18, vm0, $0xb8;
	[tilespmem:$0x19900] =	vst v63  }
0x7c1: {  	v17 =	vadd.s32 v3, v17;
	s12 =	simm.s32 $0xA780  }
0x7c2: {  	[tilespmem:s12], [sflag:$0x5] =	stream.indirect_vreg.gather [hbm4b:s6+s2], $0x80, v19, vm0, $0xb8;
	[tilespmem:$0x19900] =	vst v63  }
0x7c3: {  	s28 =	simm.s32 $0xA800  }
0x7c4: {  	[tilespmem:s28], [sflag:$0x5] =	stream.indirect_vreg.gather [hbm4b:s6+s2], $0x80, v37, vm0, $0xb8;
	[tilespmem:$0x19900] =	vst v63  }
0x7c5: {  	s12 =	simm.s32 $0xA880  }
0x7c6: {  	[tilespmem:s12], [sflag:$0x5] =	stream.indirect_vreg.gather [hbm4b:s6+s2], $0x80, v17, vm0, $0xb8;
	[tilespmem:$0x19900] =	vst v63  }
0x7c7: {  	v17 =	vld [tilespmem:s16+$0x60];
	_ =	sdelay $0x4  }
0x7c8: {  	v18 =	vshrl.u32 v17, $0x3  }
0x7c9: {  	v18 =	vmul.u32 $0x18, v18  }
0x7ca: {  	v17 =	vand.u32 $0x7, v17  }
0x7cb: {  	v17 =	vor.u32 v17, v18  }
0x7cc: {  	v18 =	vperm.xlane v17, v2;
	_ =	sdelay $0x1  }
0x7cd: {  	v19 =	vperm.xlane v17, v4;
	v18 =	vadd.s32 v3, v18;
	_ =	sdelay $0x1  }
0x7ce: {  	v38 =	vperm.xlane v17, v5;
	v19 =	vadd.s32 v3, v19;
	_ =	sdelay $0x1  }
0x7cf: {  	s28 =	simm.s32 $0xA900;
	v39 =	vperm.xlane v17, v0;
	v20 =	vadd.s32 v3, v38  }
0x7d0: {  	[tilespmem:s28], [sflag:$0x5] =	stream.indirect_vreg.gather [hbm4b:s6+s2], $0x80, v18, vm0, $0xb8;
	[tilespmem:$0x19900] =	vst v63  }
0x7d1: {  	s12 =	simm.s32 $0xA980;
	v40 =	vperm.xlane v17, v6;
	v18 =	vadd.s32 v3, v39  }
0x7d2: {  	[tilespmem:s12], [sflag:$0x5] =	stream.indirect_vreg.gather [hbm4b:s6+s2], $0x80, v19, vm0, $0xb8;
	[tilespmem:$0x19900] =	vst v63  }
0x7d3: {  	v41 =	vperm.xlane v17, v7;
	s28 =	simm.s32 $0xAA00;
	v19 =	vadd.s32 v3, v40  }
0x7d4: {  	[tilespmem:s28], [sflag:$0x5] =	stream.indirect_vreg.gather [hbm4b:s6+s2], $0x80, v20, vm0, $0xb8;
	[tilespmem:$0x19900] =	vst v63  }
0x7d5: {  	v43 =	vperm.xlane v17, v8;
	v42 =	vadd.s32 v3, v41;
	s12 =	simm.s32 $0xAA80  }
0x7d6: {  	[tilespmem:s12], [sflag:$0x5] =	stream.indirect_vreg.gather [hbm4b:s6+s2], $0x80, v18, vm0, $0xb8;
	[tilespmem:$0x19900] =	vst v63  }
0x7d7: {  	v44 =	vperm.xlane v17, v1;
	s28 =	simm.s32 $0xAB00;
	v18 =	vadd.s32 v3, v43  }
0x7d8: {  	[tilespmem:s28], [sflag:$0x5] =	stream.indirect_vreg.gather [hbm4b:s6+s2], $0x80, v19, vm0, $0xb8;
	[tilespmem:$0x19900] =	vst v63  }
0x7d9: {  	v45 =	vperm.xlane v17, v9;
	s12 =	simm.s32 $0xAB80;
	v19 =	vadd.s32 v3, v44  }
0x7da: {  	[tilespmem:s12], [sflag:$0x5] =	stream.indirect_vreg.gather [hbm4b:s6+s2], $0x80, v42, vm0, $0xb8;
	[tilespmem:$0x19900] =	vst v63  }
0x7db: {  	v47 =	vperm.xlane v17, v10;
	v46 =	vadd.s32 v3, v45;
	s28 =	simm.s32 $0xAC00  }
0x7dc: {  	[tilespmem:s28], [sflag:$0x5] =	stream.indirect_vreg.gather [hbm4b:s6+s2], $0x80, v18, vm0, $0xb8;
	[tilespmem:$0x19900] =	vst v63  }
0x7dd: {  	v48 =	vperm.xlane v17, v11;
	s12 =	simm.s32 $0xAC80;
	v18 =	vadd.s32 v3, v47  }
0x7de: {  	[tilespmem:s12], [sflag:$0x5] =	stream.indirect_vreg.gather [hbm4b:s6+s2], $0x80, v19, vm0, $0xb8;
	[tilespmem:$0x19900] =	vst v63  }
0x7df: {  	v49 =	vperm.xlane v17, v12;
	s28 =	simm.s32 $0xAD00;
	v19 =	vadd.s32 v3, v48  }
0x7e0: {  	[tilespmem:s28], [sflag:$0x5] =	stream.indirect_vreg.gather [hbm4b:s6+s2], $0x80, v46, vm0, $0xb8;
	[tilespmem:$0x19900] =	vst v63  }
0x7e1: {  	v51 =	vperm.xlane v17, v13;
	v50 =	vadd.s32 v3, v49;
	s12 =	simm.s32 $0xAD80  }
0x7e2: {  	[tilespmem:s12], [sflag:$0x5] =	stream.indirect_vreg.gather [hbm4b:s6+s2], $0x80, v18, vm0, $0xb8;
	[tilespmem:$0x19900] =	vst v63  }
0x7e3: {  	v52 =	vperm.xlane v17, v14;
	s28 =	simm.s32 $0xAE00;
	v18 =	vadd.s32 v3, v51  }
0x7e4: {  	[tilespmem:s28], [sflag:$0x5] =	stream.indirect_vreg.gather [hbm4b:s6+s2], $0x80, v19, vm0, $0xb8;
	[tilespmem:$0x19900] =	vst v63  }
0x7e5: {  	v53 =	vperm.xlane v17, v15;
	s12 =	simm.s32 $0xAE80;
	v19 =	vadd.s32 v3, v52  }
0x7e6: {  	[tilespmem:s12], [sflag:$0x5] =	stream.indirect_vreg.gather [hbm4b:s6+s2], $0x80, v50, vm0, $0xb8;
	[tilespmem:$0x19900] =	vst v63  }
0x7e7: {  	v17 =	vperm.xlane v17, v16;
	v54 =	vadd.s32 v3, v53;
	s28 =	simm.s32 $0xAF00  }
0x7e8: {  	[tilespmem:s28], [sflag:$0x5] =	stream.indirect_vreg.gather [hbm4b:s6+s2], $0x80, v18, vm0, $0xb8;
	[tilespmem:$0x19900] =	vst v63  }
0x7e9: {  	v17 =	vadd.s32 v3, v17;
	s12 =	simm.s32 $0xAF80  }
0x7ea: {  	[tilespmem:s12], [sflag:$0x5] =	stream.indirect_vreg.gather [hbm4b:s6+s2], $0x80, v19, vm0, $0xb8;
	[tilespmem:$0x19900] =	vst v63  }
0x7eb: {  	s28 =	simm.s32 $0xB000  }
0x7ec: {  	[tilespmem:s28], [sflag:$0x5] =	stream.indirect_vreg.gather [hbm4b:s6+s2], $0x80, v54, vm0, $0xb8;
	[tilespmem:$0x19900] =	vst v63  }
0x7ed: {  	s12 =	simm.s32 $0xB080  }
0x7ee: {  	[tilespmem:s12], [sflag:$0x5] =	stream.indirect_vreg.gather [hbm4b:s6+s2], $0x80, v17, vm0, $0xb8;
	[tilespmem:$0x19900] =	vst v63  }
0x7ef: {  	v17 =	vld [tilespmem:s16+$0x70];
	_ =	sdelay $0x4  }
0x7f0: {  	v18 =	vshrl.u32 v17, $0x3  }
0x7f1: {  	v18 =	vmul.u32 $0x18, v18  }
0x7f2: {  	v17 =	vand.u32 $0x7, v17  }
0x7f3: {  	v17 =	vor.u32 v17, v18  }
0x7f4: {  	v18 =	vperm.xlane v17, v2;
	_ =	sdelay $0x1  }
0x7f5: {  	v19 =	vperm.xlane v17, v4;
	v18 =	vadd.s32 v3, v18;
	_ =	sdelay $0x1  }
0x7f6: {  	v55 =	vperm.xlane v17, v5;
	v19 =	vadd.s32 v3, v19;
	_ =	sdelay $0x1  }
0x7f7: {  	s28 =	simm.s32 $0xB100;
	v56 =	vperm.xlane v17, v0;
	v20 =	vadd.s32 v3, v55  }
0x7f8: {  	[tilespmem:s28], [sflag:$0x5] =	stream.indirect_vreg.gather [hbm4b:s6+s2], $0x80, v18, vm0, $0xb8;
	[tilespmem:$0x19900] =	vst v63  }
0x7f9: {  	s12 =	simm.s32 $0xB180;
	v57 =	vperm.xlane v17, v6;
	v18 =	vadd.s32 v3, v56  }
0x7fa: {  	[tilespmem:s12], [sflag:$0x5] =	stream.indirect_vreg.gather [hbm4b:s6+s2], $0x80, v19, vm0, $0xb8;
	[tilespmem:$0x19900] =	vst v63  }
0x7fb: {  	v58 =	vperm.xlane v17, v7;
	s28 =	simm.s32 $0xB200;
	v19 =	vadd.s32 v3, v57  }
0x7fc: {  	[tilespmem:s28], [sflag:$0x5] =	stream.indirect_vreg.gather [hbm4b:s6+s2], $0x80, v20, vm0, $0xb8;
	[tilespmem:$0x19900] =	vst v63  }
0x7fd: {  	v60 =	vperm.xlane v17, v8;
	v59 =	vadd.s32 v3, v58;
	s12 =	simm.s32 $0xB280  }
0x7fe: {  	[tilespmem:s12], [sflag:$0x5] =	stream.indirect_vreg.gather [hbm4b:s6+s2], $0x80, v18, vm0, $0xb8;
	[tilespmem:$0x19900] =	vst v63  }
0x7ff: {  	v61 =	vperm.xlane v17, v1;
	s28 =	simm.s32 $0xB300;
	v18 =	vadd.s32 v3, v60  }
0x800: {  	[tilespmem:s28], [sflag:$0x5] =	stream.indirect_vreg.gather [hbm4b:s6+s2], $0x80, v19, vm0, $0xb8;
	[tilespmem:$0x19900] =	vst v63  }
0x801: {  	v62 =	vperm.xlane v17, v9;
	s12 =	simm.s32 $0xB380;
	v19 =	vadd.s32 v3, v61  }
0x802: {  	[tilespmem:s12], [sflag:$0x5] =	stream.indirect_vreg.gather [hbm4b:s6+s2], $0x80, v59, vm0, $0xb8;
	[tilespmem:$0x19900] =	vst v63  }
0x803: {  	v24 =	vperm.xlane v17, v10;
	v63 =	vadd.s32 v3, v62;
	s28 =	simm.s32 $0xB400  }
0x804: {  	[tilespmem:s28], [sflag:$0x5] =	stream.indirect_vreg.gather [hbm4b:s6+s2], $0x80, v18, vm0, $0xb8;
	[tilespmem:$0x19900] =	vst v63  }
0x805: {  	v25 =	vperm.xlane v17, v11;
	s12 =	simm.s32 $0xB480;
	v18 =	vadd.s32 v3, v24  }
0x806: {  	[tilespmem:s12], [sflag:$0x5] =	stream.indirect_vreg.gather [hbm4b:s6+s2], $0x80, v19, vm0, $0xb8;
	[tilespmem:$0x19900] =	vst v63  }
0x807: {  	v26 =	vperm.xlane v17, v12;
	s28 =	simm.s32 $0xB500;
	v19 =	vadd.s32 v3, v25  }
0x808: {  	[tilespmem:s28], [sflag:$0x5] =	stream.indirect_vreg.gather [hbm4b:s6+s2], $0x80, v63, vm0, $0xb8;
	[tilespmem:$0x19900] =	vst v63  }
0x809: {  	v28 =	vperm.xlane v17, v13;
	v27 =	vadd.s32 v3, v26;
	s12 =	simm.s32 $0xB580  }
0x80a: {  	[tilespmem:s12], [sflag:$0x5] =	stream.indirect_vreg.gather [hbm4b:s6+s2], $0x80, v18, vm0, $0xb8;
	[tilespmem:$0x19900] =	vst v63  }
0x80b: {  	v29 =	vperm.xlane v17, v14;
	s28 =	simm.s32 $0xB600;
	v18 =	vadd.s32 v3, v28  }
0x80c: {  	[tilespmem:s28], [sflag:$0x5] =	stream.indirect_vreg.gather [hbm4b:s6+s2], $0x80, v19, vm0, $0xb8;
	[tilespmem:$0x19900] =	vst v63  }
0x80d: {  	v30 =	vperm.xlane v17, v15;
	s12 =	simm.s32 $0xB680;
	v19 =	vadd.s32 v3, v29  }
0x80e: {  	[tilespmem:s12], [sflag:$0x5] =	stream.indirect_vreg.gather [hbm4b:s6+s2], $0x80, v27, vm0, $0xb8;
	[tilespmem:$0x19900] =	vst v63  }
0x80f: {  	v17 =	vperm.xlane v17, v16;
	v31 =	vadd.s32 v3, v30;
	s28 =	simm.s32 $0xB700  }
0x810: {  	[tilespmem:s28], [sflag:$0x5] =	stream.indirect_vreg.gather [hbm4b:s6+s2], $0x80, v18, vm0, $0xb8;
	[tilespmem:$0x19900] =	vst v63  }
0x811: {  	v17 =	vadd.s32 v3, v17;
	s12 =	simm.s32 $0xB780  }
0x812: {  	[tilespmem:s12], [sflag:$0x5] =	stream.indirect_vreg.gather [hbm4b:s6+s2], $0x80, v19, vm0, $0xb8;
	[tilespmem:$0x19900] =	vst v63  }
0x813: {  	s28 =	simm.s32 $0xB800  }
0x814: {  	[tilespmem:s28], [sflag:$0x5] =	stream.indirect_vreg.gather [hbm4b:s6+s2], $0x80, v31, vm0, $0xb8;
	[tilespmem:$0x19900] =	vst v63  }
0x815: {  	s25 =	simm.s32 $0x12;
	s12 =	simm.s32 $0xB880  }
0x816: {  	[tilespmem:s12], [sflag:$0x5] =	stream.indirect_vreg.gather [hbm4b:s6+s2], $0x80, v17, vm0, $0xb8;
	[tilespmem:$0x19900] =	vst v63  }
0x817: {  	_ =	swait.ge [sflag:s25], $0x2000  }
0x818: {  	[sflag:s25] =	ssyncset.done $0x0  }
0x819: {  	s28 =	sadd.s32 $0x40, s16;
	[sflag:s25] =	ssyncadd.s32 $0xFFFFE000  }
0x81a: {  	[tilespmem:s10], [sflag:$0x6] =	stream.indirect.gather [hbm4b:s4+s7], $0x80, s28, s7, $0xb8;
	[tilespmem:$0x19900] =	vst v63  }
0x81b: {  	s28 =	simm.s32 $0x13  }
0x81c: {  	_ =	swait.ge [sflag:s28], $0x2000  }
0x81d: {  	[sflag:s28] =	ssyncset.done $0x0  }
0x81e: {  	[sflag:s28] =	ssyncadd.s32 $0xFFFFE000  }
0x81f: {  	v17 =	vld [tilespmem:s16+$0x80];
	_ =	sdelay $0x4  }
0x820: {  	v18 =	vshrl.u32 v17, $0x3  }
0x821: {  	v18 =	vmul.u32 $0x18, v18  }
0x822: {  	v17 =	vand.u32 $0x7, v17  }
0x823: {  	v17 =	vor.u32 v17, v18  }
0x824: {  	v18 =	vperm.xlane v17, v2;
	_ =	sdelay $0x1  }
0x825: {  	v19 =	vperm.xlane v17, v4;
	v18 =	vadd.s32 v3, v18;
	_ =	sdelay $0x1  }
0x826: {  	v32 =	vperm.xlane v17, v5;
	v19 =	vadd.s32 v3, v19;
	_ =	sdelay $0x1  }
0x827: {  	v33 =	vperm.xlane v17, v0;
	v20 =	vadd.s32 v3, v32  }
0x828: {  	[tilespmem:s9], [sflag:$0x7] =	stream.indirect_vreg.gather [hbm4b:s3+s2], $0x80, v18, vm0, $0xb8;
	[tilespmem:$0x19900] =	vst v63  }
0x829: {  	s12 =	simm.s32 $0xD980;
	v34 =	vperm.xlane v17, v6;
	v18 =	vadd.s32 v3, v33  }
0x82a: {  	[tilespmem:s12], [sflag:$0x7] =	stream.indirect_vreg.gather [hbm4b:s3+s2], $0x80, v19, vm0, $0xb8;
	[tilespmem:$0x19900] =	vst v63  }
0x82b: {  	s28 =	simm.s32 $0xDA00;
	v35 =	vperm.xlane v17, v7;
	v19 =	vadd.s32 v3, v34  }
0x82c: {  	[tilespmem:s28], [sflag:$0x7] =	stream.indirect_vreg.gather [hbm4b:s3+s2], $0x80, v20, vm0, $0xb8;
	[tilespmem:$0x19900] =	vst v63  }
0x82d: {  	v37 =	vperm.xlane v17, v8;
	v36 =	vadd.s32 v3, v35;
	s12 =	simm.s32 $0xDA80  }
0x82e: {  	[tilespmem:s12], [sflag:$0x7] =	stream.indirect_vreg.gather [hbm4b:s3+s2], $0x80, v18, vm0, $0xb8;
	[tilespmem:$0x19900] =	vst v63  }
0x82f: {  	v38 =	vperm.xlane v17, v1;
	s28 =	simm.s32 $0xDB00;
	v18 =	vadd.s32 v3, v37  }
0x830: {  	[tilespmem:s28], [sflag:$0x7] =	stream.indirect_vreg.gather [hbm4b:s3+s2], $0x80, v19, vm0, $0xb8;
	[tilespmem:$0x19900] =	vst v63  }
0x831: {  	v39 =	vperm.xlane v17, v9;
	s12 =	simm.s32 $0xDB80;
	v19 =	vadd.s32 v3, v38  }
0x832: {  	[tilespmem:s12], [sflag:$0x7] =	stream.indirect_vreg.gather [hbm4b:s3+s2], $0x80, v36, vm0, $0xb8;
	[tilespmem:$0x19900] =	vst v63  }
0x833: {  	v41 =	vperm.xlane v17, v10;
	v40 =	vadd.s32 v3, v39;
	s28 =	simm.s32 $0xDC00  }
0x834: {  	[tilespmem:s28], [sflag:$0x7] =	stream.indirect_vreg.gather [hbm4b:s3+s2], $0x80, v18, vm0, $0xb8;
	[tilespmem:$0x19900] =	vst v63  }
0x835: {  	v42 =	vperm.xlane v17, v11;
	s12 =	simm.s32 $0xDC80;
	v18 =	vadd.s32 v3, v41  }
0x836: {  	[tilespmem:s12], [sflag:$0x7] =	stream.indirect_vreg.gather [hbm4b:s3+s2], $0x80, v19, vm0, $0xb8;
	[tilespmem:$0x19900] =	vst v63  }
0x837: {  	v43 =	vperm.xlane v17, v12;
	s28 =	simm.s32 $0xDD00;
	v19 =	vadd.s32 v3, v42  }
0x838: {  	[tilespmem:s28], [sflag:$0x7] =	stream.indirect_vreg.gather [hbm4b:s3+s2], $0x80, v40, vm0, $0xb8;
	[tilespmem:$0x19900] =	vst v63  }
0x839: {  	v45 =	vperm.xlane v17, v13;
	v44 =	vadd.s32 v3, v43;
	s12 =	simm.s32 $0xDD80  }
0x83a: {  	[tilespmem:s12], [sflag:$0x7] =	stream.indirect_vreg.gather [hbm4b:s3+s2], $0x80, v18, vm0, $0xb8;
	[tilespmem:$0x19900] =	vst v63  }
0x83b: {  	v46 =	vperm.xlane v17, v14;
	s28 =	simm.s32 $0xDE00;
	v18 =	vadd.s32 v3, v45  }
0x83c: {  	[tilespmem:s28], [sflag:$0x7] =	stream.indirect_vreg.gather [hbm4b:s3+s2], $0x80, v19, vm0, $0xb8;
	[tilespmem:$0x19900] =	vst v63  }
0x83d: {  	v47 =	vperm.xlane v17, v15;
	s12 =	simm.s32 $0xDE80;
	v19 =	vadd.s32 v3, v46  }
0x83e: {  	[tilespmem:s12], [sflag:$0x7] =	stream.indirect_vreg.gather [hbm4b:s3+s2], $0x80, v44, vm0, $0xb8;
	[tilespmem:$0x19900] =	vst v63  }
0x83f: {  	v17 =	vperm.xlane v17, v16;
	v48 =	vadd.s32 v3, v47;
	s28 =	simm.s32 $0xDF00  }
0x840: {  	[tilespmem:s28], [sflag:$0x7] =	stream.indirect_vreg.gather [hbm4b:s3+s2], $0x80, v18, vm0, $0xb8;
	[tilespmem:$0x19900] =	vst v63  }
0x841: {  	v17 =	vadd.s32 v3, v17;
	s12 =	simm.s32 $0xDF80  }
0x842: {  	[tilespmem:s12], [sflag:$0x7] =	stream.indirect_vreg.gather [hbm4b:s3+s2], $0x80, v19, vm0, $0xb8;
	[tilespmem:$0x19900] =	vst v63  }
0x843: {  	s28 =	simm.s32 $0xE000  }
0x844: {  	[tilespmem:s28], [sflag:$0x7] =	stream.indirect_vreg.gather [hbm4b:s3+s2], $0x80, v48, vm0, $0xb8;
	[tilespmem:$0x19900] =	vst v63  }
0x845: {  	s12 =	simm.s32 $0xE080  }
0x846: {  	[tilespmem:s12], [sflag:$0x7] =	stream.indirect_vreg.gather [hbm4b:s3+s2], $0x80, v17, vm0, $0xb8;
	[tilespmem:$0x19900] =	vst v63  }
0x847: {  	v17 =	vld [tilespmem:s16+$0x90];
	_ =	sdelay $0x4  }
0x848: {  	v18 =	vshrl.u32 v17, $0x3  }
0x849: {  	v18 =	vmul.u32 $0x18, v18  }
0x84a: {  	v17 =	vand.u32 $0x7, v17  }
0x84b: {  	v17 =	vor.u32 v17, v18  }
0x84c: {  	v18 =	vperm.xlane v17, v2;
	_ =	sdelay $0x1  }
0x84d: {  	v19 =	vperm.xlane v17, v4;
	v18 =	vadd.s32 v3, v18;
	_ =	sdelay $0x1  }
0x84e: {  	v49 =	vperm.xlane v17, v5;
	v19 =	vadd.s32 v3, v19;
	_ =	sdelay $0x1  }
0x84f: {  	s28 =	simm.s32 $0xE100;
	v50 =	vperm.xlane v17, v0;
	v20 =	vadd.s32 v3, v49  }
0x850: {  	[tilespmem:s28], [sflag:$0x7] =	stream.indirect_vreg.gather [hbm4b:s3+s2], $0x80, v18, vm0, $0xb8;
	[tilespmem:$0x19900] =	vst v63  }
0x851: {  	s12 =	simm.s32 $0xE180;
	v51 =	vperm.xlane v17, v6;
	v18 =	vadd.s32 v3, v50  }
0x852: {  	[tilespmem:s12], [sflag:$0x7] =	stream.indirect_vreg.gather [hbm4b:s3+s2], $0x80, v19, vm0, $0xb8;
	[tilespmem:$0x19900] =	vst v63  }
0x853: {  	v52 =	vperm.xlane v17, v7;
	s28 =	simm.s32 $0xE200;
	v19 =	vadd.s32 v3, v51  }
0x854: {  	[tilespmem:s28], [sflag:$0x7] =	stream.indirect_vreg.gather [hbm4b:s3+s2], $0x80, v20, vm0, $0xb8;
	[tilespmem:$0x19900] =	vst v63  }
0x855: {  	v54 =	vperm.xlane v17, v8;
	v53 =	vadd.s32 v3, v52;
	s12 =	simm.s32 $0xE280  }
0x856: {  	[tilespmem:s12], [sflag:$0x7] =	stream.indirect_vreg.gather [hbm4b:s3+s2], $0x80, v18, vm0, $0xb8;
	[tilespmem:$0x19900] =	vst v63  }
0x857: {  	v55 =	vperm.xlane v17, v1;
	s28 =	simm.s32 $0xE300;
	v18 =	vadd.s32 v3, v54  }
0x858: {  	[tilespmem:s28], [sflag:$0x7] =	stream.indirect_vreg.gather [hbm4b:s3+s2], $0x80, v19, vm0, $0xb8;
	[tilespmem:$0x19900] =	vst v63  }
0x859: {  	v56 =	vperm.xlane v17, v9;
	s12 =	simm.s32 $0xE380;
	v19 =	vadd.s32 v3, v55  }
0x85a: {  	[tilespmem:s12], [sflag:$0x7] =	stream.indirect_vreg.gather [hbm4b:s3+s2], $0x80, v53, vm0, $0xb8;
	[tilespmem:$0x19900] =	vst v63  }
0x85b: {  	v58 =	vperm.xlane v17, v10;
	v57 =	vadd.s32 v3, v56;
	s28 =	simm.s32 $0xE400  }
0x85c: {  	[tilespmem:s28], [sflag:$0x7] =	stream.indirect_vreg.gather [hbm4b:s3+s2], $0x80, v18, vm0, $0xb8;
	[tilespmem:$0x19900] =	vst v63  }
0x85d: {  	v59 =	vperm.xlane v17, v11;
	s12 =	simm.s32 $0xE480;
	v18 =	vadd.s32 v3, v58  }
0x85e: {  	[tilespmem:s12], [sflag:$0x7] =	stream.indirect_vreg.gather [hbm4b:s3+s2], $0x80, v19, vm0, $0xb8;
	[tilespmem:$0x19900] =	vst v63  }
0x85f: {  	v60 =	vperm.xlane v17, v12;
	s28 =	simm.s32 $0xE500;
	v19 =	vadd.s32 v3, v59  }
0x860: {  	[tilespmem:s28], [sflag:$0x7] =	stream.indirect_vreg.gather [hbm4b:s3+s2], $0x80, v57, vm0, $0xb8;
	[tilespmem:$0x19900] =	vst v63  }
0x861: {  	v62 =	vperm.xlane v17, v13;
	v61 =	vadd.s32 v3, v60;
	s12 =	simm.s32 $0xE580  }
0x862: {  	[tilespmem:s12], [sflag:$0x7] =	stream.indirect_vreg.gather [hbm4b:s3+s2], $0x80, v18, vm0, $0xb8;
	[tilespmem:$0x19900] =	vst v63  }
0x863: {  	v63 =	vperm.xlane v17, v14;
	s28 =	simm.s32 $0xE600;
	v18 =	vadd.s32 v3, v62  }
0x864: {  	[tilespmem:s28], [sflag:$0x7] =	stream.indirect_vreg.gather [hbm4b:s3+s2], $0x80, v19, vm0, $0xb8;
	[tilespmem:$0x19900] =	vst v63  }
0x865: {  	v24 =	vperm.xlane v17, v15;
	s12 =	simm.s32 $0xE680;
	v19 =	vadd.s32 v3, v63  }
0x866: {  	[tilespmem:s12], [sflag:$0x7] =	stream.indirect_vreg.gather [hbm4b:s3+s2], $0x80, v61, vm0, $0xb8;
	[tilespmem:$0x19900] =	vst v63  }
0x867: {  	v17 =	vperm.xlane v17, v16;
	v25 =	vadd.s32 v3, v24;
	s28 =	simm.s32 $0xE700  }
0x868: {  	[tilespmem:s28], [sflag:$0x7] =	stream.indirect_vreg.gather [hbm4b:s3+s2], $0x80, v18, vm0, $0xb8;
	[tilespmem:$0x19900] =	vst v63  }
0x869: {  	v17 =	vadd.s32 v3, v17;
	s12 =	simm.s32 $0xE780  }
0x86a: {  	[tilespmem:s12], [sflag:$0x7] =	stream.indirect_vreg.gather [hbm4b:s3+s2], $0x80, v19, vm0, $0xb8;
	[tilespmem:$0x19900] =	vst v63  }
0x86b: {  	s28 =	simm.s32 $0xE800  }
0x86c: {  	[tilespmem:s28], [sflag:$0x7] =	stream.indirect_vreg.gather [hbm4b:s3+s2], $0x80, v25, vm0, $0xb8;
	[tilespmem:$0x19900] =	vst v63  }
0x86d: {  	s12 =	simm.s32 $0xE880  }
0x86e: {  	[tilespmem:s12], [sflag:$0x7] =	stream.indirect_vreg.gather [hbm4b:s3+s2], $0x80, v17, vm0, $0xb8;
	[tilespmem:$0x19900] =	vst v63  }
0x86f: {  	v17 =	vld [tilespmem:s16+$0xA0];
	_ =	sdelay $0x4  }
0x870: {  	v18 =	vshrl.u32 v17, $0x3  }
0x871: {  	v18 =	vmul.u32 $0x18, v18  }
0x872: {  	v17 =	vand.u32 $0x7, v17  }
0x873: {  	v17 =	vor.u32 v17, v18  }
0x874: {  	v18 =	vperm.xlane v17, v2;
	_ =	sdelay $0x1  }
0x875: {  	v19 =	vperm.xlane v17, v4;
	v18 =	vadd.s32 v3, v18;
	_ =	sdelay $0x1  }
0x876: {  	v26 =	vperm.xlane v17, v5;
	v19 =	vadd.s32 v3, v19;
	_ =	sdelay $0x1  }
0x877: {  	s28 =	simm.s32 $0xE900;
	v27 =	vperm.xlane v17, v0;
	v20 =	vadd.s32 v3, v26  }
0x878: {  	[tilespmem:s28], [sflag:$0x7] =	stream.indirect_vreg.gather [hbm4b:s3+s2], $0x80, v18, vm0, $0xb8;
	[tilespmem:$0x19900] =	vst v63  }
0x879: {  	s12 =	simm.s32 $0xE980;
	v28 =	vperm.xlane v17, v6;
	v18 =	vadd.s32 v3, v27  }
0x87a: {  	[tilespmem:s12], [sflag:$0x7] =	stream.indirect_vreg.gather [hbm4b:s3+s2], $0x80, v19, vm0, $0xb8;
	[tilespmem:$0x19900] =	vst v63  }
0x87b: {  	v29 =	vperm.xlane v17, v7;
	s28 =	simm.s32 $0xEA00;
	v19 =	vadd.s32 v3, v28  }
0x87c: {  	[tilespmem:s28], [sflag:$0x7] =	stream.indirect_vreg.gather [hbm4b:s3+s2], $0x80, v20, vm0, $0xb8;
	[tilespmem:$0x19900] =	vst v63  }
0x87d: {  	v31 =	vperm.xlane v17, v8;
	v30 =	vadd.s32 v3, v29;
	s12 =	simm.s32 $0xEA80  }
0x87e: {  	[tilespmem:s12], [sflag:$0x7] =	stream.indirect_vreg.gather [hbm4b:s3+s2], $0x80, v18, vm0, $0xb8;
	[tilespmem:$0x19900] =	vst v63  }
0x87f: {  	v32 =	vperm.xlane v17, v1;
	s28 =	simm.s32 $0xEB00;
	v18 =	vadd.s32 v3, v31  }
0x880: {  	[tilespmem:s28], [sflag:$0x7] =	stream.indirect_vreg.gather [hbm4b:s3+s2], $0x80, v19, vm0, $0xb8;
	[tilespmem:$0x19900] =	vst v63  }
0x881: {  	v33 =	vperm.xlane v17, v9;
	s12 =	simm.s32 $0xEB80;
	v19 =	vadd.s32 v3, v32  }
0x882: {  	[tilespmem:s12], [sflag:$0x7] =	stream.indirect_vreg.gather [hbm4b:s3+s2], $0x80, v30, vm0, $0xb8;
	[tilespmem:$0x19900] =	vst v63  }
0x883: {  	v35 =	vperm.xlane v17, v10;
	v34 =	vadd.s32 v3, v33;
	s28 =	simm.s32 $0xEC00  }
0x884: {  	[tilespmem:s28], [sflag:$0x7] =	stream.indirect_vreg.gather [hbm4b:s3+s2], $0x80, v18, vm0, $0xb8;
	[tilespmem:$0x19900] =	vst v63  }
0x885: {  	v36 =	vperm.xlane v17, v11;
	s12 =	simm.s32 $0xEC80;
	v18 =	vadd.s32 v3, v35  }
0x886: {  	[tilespmem:s12], [sflag:$0x7] =	stream.indirect_vreg.gather [hbm4b:s3+s2], $0x80, v19, vm0, $0xb8;
	[tilespmem:$0x19900] =	vst v63  }
0x887: {  	v37 =	vperm.xlane v17, v12;
	s28 =	simm.s32 $0xED00;
	v19 =	vadd.s32 v3, v36  }
0x888: {  	[tilespmem:s28], [sflag:$0x7] =	stream.indirect_vreg.gather [hbm4b:s3+s2], $0x80, v34, vm0, $0xb8;
	[tilespmem:$0x19900] =	vst v63  }
0x889: {  	v39 =	vperm.xlane v17, v13;
	v38 =	vadd.s32 v3, v37;
	s12 =	simm.s32 $0xED80  }
0x88a: {  	[tilespmem:s12], [sflag:$0x7] =	stream.indirect_vreg.gather [hbm4b:s3+s2], $0x80, v18, vm0, $0xb8;
	[tilespmem:$0x19900] =	vst v63  }
0x88b: {  	v40 =	vperm.xlane v17, v14;
	s28 =	simm.s32 $0xEE00;
	v18 =	vadd.s32 v3, v39  }
0x88c: {  	[tilespmem:s28], [sflag:$0x7] =	stream.indirect_vreg.gather [hbm4b:s3+s2], $0x80, v19, vm0, $0xb8;
	[tilespmem:$0x19900] =	vst v63  }
0x88d: {  	v41 =	vperm.xlane v17, v15;
	s12 =	simm.s32 $0xEE80;
	v19 =	vadd.s32 v3, v40  }
0x88e: {  	[tilespmem:s12], [sflag:$0x7] =	stream.indirect_vreg.gather [hbm4b:s3+s2], $0x80, v38, vm0, $0xb8;
	[tilespmem:$0x19900] =	vst v63  }
0x88f: {  	v17 =	vperm.xlane v17, v16;
	v42 =	vadd.s32 v3, v41;
	s28 =	simm.s32 $0xEF00  }
0x890: {  	[tilespmem:s28], [sflag:$0x7] =	stream.indirect_vreg.gather [hbm4b:s3+s2], $0x80, v18, vm0, $0xb8;
	[tilespmem:$0x19900] =	vst v63  }
0x891: {  	v17 =	vadd.s32 v3, v17;
	s12 =	simm.s32 $0xEF80  }
0x892: {  	[tilespmem:s12], [sflag:$0x7] =	stream.indirect_vreg.gather [hbm4b:s3+s2], $0x80, v19, vm0, $0xb8;
	[tilespmem:$0x19900] =	vst v63  }
0x893: {  	s28 =	simm.s32 $0xF000  }
0x894: {  	[tilespmem:s28], [sflag:$0x7] =	stream.indirect_vreg.gather [hbm4b:s3+s2], $0x80, v42, vm0, $0xb8;
	[tilespmem:$0x19900] =	vst v63  }
0x895: {  	s12 =	simm.s32 $0xF080  }
0x896: {  	[tilespmem:s12], [sflag:$0x7] =	stream.indirect_vreg.gather [hbm4b:s3+s2], $0x80, v17, vm0, $0xb8;
	[tilespmem:$0x19900] =	vst v63  }
0x897: {  	v17 =	vld [tilespmem:s16+$0xB0];
	_ =	sdelay $0x4  }
0x898: {  	v18 =	vshrl.u32 v17, $0x3  }
0x899: {  	v18 =	vmul.u32 $0x18, v18  }
0x89a: {  	v17 =	vand.u32 $0x7, v17  }
0x89b: {  	v17 =	vor.u32 v17, v18  }
0x89c: {  	v18 =	vperm.xlane v17, v2;
	_ =	sdelay $0x1  }
0x89d: {  	v19 =	vperm.xlane v17, v4;
	v18 =	vadd.s32 v3, v18;
	_ =	sdelay $0x1  }
0x89e: {  	v43 =	vperm.xlane v17, v5;
	v19 =	vadd.s32 v3, v19;
	_ =	sdelay $0x1  }
0x89f: {  	s28 =	simm.s32 $0xF100;
	v44 =	vperm.xlane v17, v0;
	v20 =	vadd.s32 v3, v43  }
0x8a0: {  	[tilespmem:s28], [sflag:$0x7] =	stream.indirect_vreg.gather [hbm4b:s3+s2], $0x80, v18, vm0, $0xb8;
	[tilespmem:$0x19900] =	vst v63  }
0x8a1: {  	s12 =	simm.s32 $0xF180;
	v45 =	vperm.xlane v17, v6;
	v18 =	vadd.s32 v3, v44  }
0x8a2: {  	[tilespmem:s12], [sflag:$0x7] =	stream.indirect_vreg.gather [hbm4b:s3+s2], $0x80, v19, vm0, $0xb8;
	[tilespmem:$0x19900] =	vst v63  }
0x8a3: {  	v46 =	vperm.xlane v17, v7;
	s28 =	simm.s32 $0xF200;
	v19 =	vadd.s32 v3, v45  }
0x8a4: {  	[tilespmem:s28], [sflag:$0x7] =	stream.indirect_vreg.gather [hbm4b:s3+s2], $0x80, v20, vm0, $0xb8;
	[tilespmem:$0x19900] =	vst v63  }
0x8a5: {  	v48 =	vperm.xlane v17, v8;
	v47 =	vadd.s32 v3, v46;
	s12 =	simm.s32 $0xF280  }
0x8a6: {  	[tilespmem:s12], [sflag:$0x7] =	stream.indirect_vreg.gather [hbm4b:s3+s2], $0x80, v18, vm0, $0xb8;
	[tilespmem:$0x19900] =	vst v63  }
0x8a7: {  	v49 =	vperm.xlane v17, v1;
	s28 =	simm.s32 $0xF300;
	v18 =	vadd.s32 v3, v48  }
0x8a8: {  	[tilespmem:s28], [sflag:$0x7] =	stream.indirect_vreg.gather [hbm4b:s3+s2], $0x80, v19, vm0, $0xb8;
	[tilespmem:$0x19900] =	vst v63  }
0x8a9: {  	v50 =	vperm.xlane v17, v9;
	s12 =	simm.s32 $0xF380;
	v19 =	vadd.s32 v3, v49  }
0x8aa: {  	[tilespmem:s12], [sflag:$0x7] =	stream.indirect_vreg.gather [hbm4b:s3+s2], $0x80, v47, vm0, $0xb8;
	[tilespmem:$0x19900] =	vst v63  }
0x8ab: {  	v52 =	vperm.xlane v17, v10;
	v51 =	vadd.s32 v3, v50;
	s28 =	simm.s32 $0xF400  }
0x8ac: {  	[tilespmem:s28], [sflag:$0x7] =	stream.indirect_vreg.gather [hbm4b:s3+s2], $0x80, v18, vm0, $0xb8;
	[tilespmem:$0x19900] =	vst v63  }
0x8ad: {  	v53 =	vperm.xlane v17, v11;
	s12 =	simm.s32 $0xF480;
	v18 =	vadd.s32 v3, v52  }
0x8ae: {  	[tilespmem:s12], [sflag:$0x7] =	stream.indirect_vreg.gather [hbm4b:s3+s2], $0x80, v19, vm0, $0xb8;
	[tilespmem:$0x19900] =	vst v63  }
0x8af: {  	v54 =	vperm.xlane v17, v12;
	s28 =	simm.s32 $0xF500;
	v19 =	vadd.s32 v3, v53  }
0x8b0: {  	[tilespmem:s28], [sflag:$0x7] =	stream.indirect_vreg.gather [hbm4b:s3+s2], $0x80, v51, vm0, $0xb8;
	[tilespmem:$0x19900] =	vst v63  }
0x8b1: {  	v56 =	vperm.xlane v17, v13;
	v55 =	vadd.s32 v3, v54;
	s12 =	simm.s32 $0xF580  }
0x8b2: {  	[tilespmem:s12], [sflag:$0x7] =	stream.indirect_vreg.gather [hbm4b:s3+s2], $0x80, v18, vm0, $0xb8;
	[tilespmem:$0x19900] =	vst v63  }
0x8b3: {  	v57 =	vperm.xlane v17, v14;
	s28 =	simm.s32 $0xF600;
	v18 =	vadd.s32 v3, v56  }
0x8b4: {  	[tilespmem:s28], [sflag:$0x7] =	stream.indirect_vreg.gather [hbm4b:s3+s2], $0x80, v19, vm0, $0xb8;
	[tilespmem:$0x19900] =	vst v63  }
0x8b5: {  	v58 =	vperm.xlane v17, v15;
	s12 =	simm.s32 $0xF680;
	v19 =	vadd.s32 v3, v57  }
0x8b6: {  	[tilespmem:s12], [sflag:$0x7] =	stream.indirect_vreg.gather [hbm4b:s3+s2], $0x80, v55, vm0, $0xb8;
	[tilespmem:$0x19900] =	vst v63  }
0x8b7: {  	v17 =	vperm.xlane v17, v16;
	v59 =	vadd.s32 v3, v58;
	s28 =	simm.s32 $0xF700  }
0x8b8: {  	[tilespmem:s28], [sflag:$0x7] =	stream.indirect_vreg.gather [hbm4b:s3+s2], $0x80, v18, vm0, $0xb8;
	[tilespmem:$0x19900] =	vst v63  }
0x8b9: {  	v17 =	vadd.s32 v3, v17;
	s12 =	simm.s32 $0xF780  }
0x8ba: {  	[tilespmem:s12], [sflag:$0x7] =	stream.indirect_vreg.gather [hbm4b:s3+s2], $0x80, v19, vm0, $0xb8;
	[tilespmem:$0x19900] =	vst v63  }
0x8bb: {  	s28 =	simm.s32 $0xF800  }
0x8bc: {  	[tilespmem:s28], [sflag:$0x7] =	stream.indirect_vreg.gather [hbm4b:s3+s2], $0x80, v59, vm0, $0xb8;
	[tilespmem:$0x19900] =	vst v63  }
0x8bd: {  	s12 =	simm.s32 $0xF880;
	s28 =	simm.s32 $0x14  }
0x8be: {  	[tilespmem:s12], [sflag:$0x7] =	stream.indirect_vreg.gather [hbm4b:s3+s2], $0x80, v17, vm0, $0xb8;
	[tilespmem:$0x19900] =	vst v63  }
0x8bf: {  	_ =	swait.ge [sflag:s28], $0x2000  }
0x8c0: {  	[sflag:s28] =	ssyncset.done $0x0  }
0x8c1: {  	[sflag:s28] =	ssyncadd.s32 $0xFFFFE000  }
0x8c2: {  	v17 =	vld [tilespmem:s16+$0x80];
	_ =	sdelay $0x4  }
0x8c3: {  	v18 =	vshrl.u32 v17, $0x3  }
0x8c4: {  	v18 =	vmul.u32 $0x18, v18  }
0x8c5: {  	v17 =	vand.u32 $0x7, v17  }
0x8c6: {  	v17 =	vor.u32 v17, v18  }
0x8c7: {  	v18 =	vperm.xlane v17, v2;
	_ =	sdelay $0x1  }
0x8c8: {  	v19 =	vperm.xlane v17, v4;
	v18 =	vadd.s32 v3, v18;
	_ =	sdelay $0x1  }
0x8c9: {  	v60 =	vperm.xlane v17, v5;
	v19 =	vadd.s32 v3, v19;
	_ =	sdelay $0x1  }
0x8ca: {  	v61 =	vperm.xlane v17, v0;
	v20 =	vadd.s32 v3, v60  }
0x8cb: {  	[tilespmem:s13], [sflag:$0x8] =	stream.indirect_vreg.gather [hbm4b:s6+s2], $0x80, v18, vm0, $0xb8;
	[tilespmem:$0x19900] =	vst v63  }
0x8cc: {  	s12 =	simm.s32 $0xF980;
	v62 =	vperm.xlane v17, v6;
	v18 =	vadd.s32 v3, v61  }
0x8cd: {  	[tilespmem:s12], [sflag:$0x8] =	stream.indirect_vreg.gather [hbm4b:s6+s2], $0x80, v19, vm0, $0xb8;
	[tilespmem:$0x19900] =	vst v63  }
0x8ce: {  	s28 =	simm.s32 $0xFA00;
	v63 =	vperm.xlane v17, v7;
	v19 =	vadd.s32 v3, v62  }
0x8cf: {  	[tilespmem:s28], [sflag:$0x8] =	stream.indirect_vreg.gather [hbm4b:s6+s2], $0x80, v20, vm0, $0xb8;
	[tilespmem:$0x19900] =	vst v63  }
0x8d0: {  	v25 =	vperm.xlane v17, v8;
	v24 =	vadd.s32 v3, v63;
	s12 =	simm.s32 $0xFA80  }
0x8d1: {  	[tilespmem:s12], [sflag:$0x8] =	stream.indirect_vreg.gather [hbm4b:s6+s2], $0x80, v18, vm0, $0xb8;
	[tilespmem:$0x19900] =	vst v63  }
0x8d2: {  	v26 =	vperm.xlane v17, v1;
	s28 =	simm.s32 $0xFB00;
	v18 =	vadd.s32 v3, v25  }
0x8d3: {  	[tilespmem:s28], [sflag:$0x8] =	stream.indirect_vreg.gather [hbm4b:s6+s2], $0x80, v19, vm0, $0xb8;
	[tilespmem:$0x19900] =	vst v63  }
0x8d4: {  	v27 =	vperm.xlane v17, v9;
	s12 =	simm.s32 $0xFB80;
	v19 =	vadd.s32 v3, v26  }
0x8d5: {  	[tilespmem:s12], [sflag:$0x8] =	stream.indirect_vreg.gather [hbm4b:s6+s2], $0x80, v24, vm0, $0xb8;
	[tilespmem:$0x19900] =	vst v63  }
0x8d6: {  	v29 =	vperm.xlane v17, v10;
	v28 =	vadd.s32 v3, v27;
	s28 =	simm.s32 $0xFC00  }
0x8d7: {  	[tilespmem:s28], [sflag:$0x8] =	stream.indirect_vreg.gather [hbm4b:s6+s2], $0x80, v18, vm0, $0xb8;
	[tilespmem:$0x19900] =	vst v63  }
0x8d8: {  	v30 =	vperm.xlane v17, v11;
	s12 =	simm.s32 $0xFC80;
	v18 =	vadd.s32 v3, v29  }
0x8d9: {  	[tilespmem:s12], [sflag:$0x8] =	stream.indirect_vreg.gather [hbm4b:s6+s2], $0x80, v19, vm0, $0xb8;
	[tilespmem:$0x19900] =	vst v63  }
0x8da: {  	v31 =	vperm.xlane v17, v12;
	s28 =	simm.s32 $0xFD00;
	v19 =	vadd.s32 v3, v30  }
0x8db: {  	[tilespmem:s28], [sflag:$0x8] =	stream.indirect_vreg.gather [hbm4b:s6+s2], $0x80, v28, vm0, $0xb8;
	[tilespmem:$0x19900] =	vst v63  }
0x8dc: {  	v33 =	vperm.xlane v17, v13;
	v32 =	vadd.s32 v3, v31;
	s12 =	simm.s32 $0xFD80  }
0x8dd: {  	[tilespmem:s12], [sflag:$0x8] =	stream.indirect_vreg.gather [hbm4b:s6+s2], $0x80, v18, vm0, $0xb8;
	[tilespmem:$0x19900] =	vst v63  }
0x8de: {  	v34 =	vperm.xlane v17, v14;
	s28 =	simm.s32 $0xFE00;
	v18 =	vadd.s32 v3, v33  }
0x8df: {  	[tilespmem:s28], [sflag:$0x8] =	stream.indirect_vreg.gather [hbm4b:s6+s2], $0x80, v19, vm0, $0xb8;
	[tilespmem:$0x19900] =	vst v63  }
0x8e0: {  	v35 =	vperm.xlane v17, v15;
	s12 =	simm.s32 $0xFE80;
	v19 =	vadd.s32 v3, v34  }
0x8e1: {  	[tilespmem:s12], [sflag:$0x8] =	stream.indirect_vreg.gather [hbm4b:s6+s2], $0x80, v32, vm0, $0xb8;
	[tilespmem:$0x19900] =	vst v63  }
0x8e2: {  	v17 =	vperm.xlane v17, v16;
	v36 =	vadd.s32 v3, v35;
	s28 =	simm.s32 $0xFF00  }
0x8e3: {  	[tilespmem:s28], [sflag:$0x8] =	stream.indirect_vreg.gather [hbm4b:s6+s2], $0x80, v18, vm0, $0xb8;
	[tilespmem:$0x19900] =	vst v63  }
0x8e4: {  	v17 =	vadd.s32 v3, v17;
	s12 =	simm.s32 $0xFF80  }
0x8e5: {  	[tilespmem:s12], [sflag:$0x8] =	stream.indirect_vreg.gather [hbm4b:s6+s2], $0x80, v19, vm0, $0xb8;
	[tilespmem:$0x19900] =	vst v63  }
0x8e6: {  	s28 =	simm.s32 $0x10000  }
0x8e7: {  	[tilespmem:s28], [sflag:$0x8] =	stream.indirect_vreg.gather [hbm4b:s6+s2], $0x80, v36, vm0, $0xb8;
	[tilespmem:$0x19900] =	vst v63  }
0x8e8: {  	s12 =	simm.s32 $0x10080  }
0x8e9: {  	[tilespmem:s12], [sflag:$0x8] =	stream.indirect_vreg.gather [hbm4b:s6+s2], $0x80, v17, vm0, $0xb8;
	[tilespmem:$0x19900] =	vst v63  }
0x8ea: {  	v17 =	vld [tilespmem:s16+$0x90];
	_ =	sdelay $0x4  }
0x8eb: {  	v18 =	vshrl.u32 v17, $0x3  }
0x8ec: {  	v18 =	vmul.u32 $0x18, v18  }
0x8ed: {  	v17 =	vand.u32 $0x7, v17  }
0x8ee: {  	v17 =	vor.u32 v17, v18  }
0x8ef: {  	v18 =	vperm.xlane v17, v2;
	_ =	sdelay $0x1  }
0x8f0: {  	v19 =	vperm.xlane v17, v4;
	v18 =	vadd.s32 v3, v18;
	_ =	sdelay $0x1  }
0x8f1: {  	v37 =	vperm.xlane v17, v5;
	v19 =	vadd.s32 v3, v19;
	_ =	sdelay $0x1  }
0x8f2: {  	s28 =	simm.s32 $0x10100;
	v38 =	vperm.xlane v17, v0;
	v20 =	vadd.s32 v3, v37  }
0x8f3: {  	[tilespmem:s28], [sflag:$0x8] =	stream.indirect_vreg.gather [hbm4b:s6+s2], $0x80, v18, vm0, $0xb8;
	[tilespmem:$0x19900] =	vst v63  }
0x8f4: {  	s12 =	simm.s32 $0x10180;
	v39 =	vperm.xlane v17, v6;
	v18 =	vadd.s32 v3, v38  }
0x8f5: {  	[tilespmem:s12], [sflag:$0x8] =	stream.indirect_vreg.gather [hbm4b:s6+s2], $0x80, v19, vm0, $0xb8;
	[tilespmem:$0x19900] =	vst v63  }
0x8f6: {  	v40 =	vperm.xlane v17, v7;
	s28 =	simm.s32 $0x10200;
	v19 =	vadd.s32 v3, v39  }
0x8f7: {  	[tilespmem:s28], [sflag:$0x8] =	stream.indirect_vreg.gather [hbm4b:s6+s2], $0x80, v20, vm0, $0xb8;
	[tilespmem:$0x19900] =	vst v63  }
0x8f8: {  	v42 =	vperm.xlane v17, v8;
	v41 =	vadd.s32 v3, v40;
	s12 =	simm.s32 $0x10280  }
0x8f9: {  	[tilespmem:s12], [sflag:$0x8] =	stream.indirect_vreg.gather [hbm4b:s6+s2], $0x80, v18, vm0, $0xb8;
	[tilespmem:$0x19900] =	vst v63  }
0x8fa: {  	v43 =	vperm.xlane v17, v1;
	s28 =	simm.s32 $0x10300;
	v18 =	vadd.s32 v3, v42  }
0x8fb: {  	[tilespmem:s28], [sflag:$0x8] =	stream.indirect_vreg.gather [hbm4b:s6+s2], $0x80, v19, vm0, $0xb8;
	[tilespmem:$0x19900] =	vst v63  }
0x8fc: {  	v44 =	vperm.xlane v17, v9;
	s12 =	simm.s32 $0x10380;
	v19 =	vadd.s32 v3, v43  }
0x8fd: {  	[tilespmem:s12], [sflag:$0x8] =	stream.indirect_vreg.gather [hbm4b:s6+s2], $0x80, v41, vm0, $0xb8;
	[tilespmem:$0x19900] =	vst v63  }
0x8fe: {  	v46 =	vperm.xlane v17, v10;
	v45 =	vadd.s32 v3, v44;
	s28 =	simm.s32 $0x10400  }
0x8ff: {  	[tilespmem:s28], [sflag:$0x8] =	stream.indirect_vreg.gather [hbm4b:s6+s2], $0x80, v18, vm0, $0xb8;
	[tilespmem:$0x19900] =	vst v63  }
0x900: {  	v47 =	vperm.xlane v17, v11;
	s12 =	simm.s32 $0x10480;
	v18 =	vadd.s32 v3, v46  }
0x901: {  	[tilespmem:s12], [sflag:$0x8] =	stream.indirect_vreg.gather [hbm4b:s6+s2], $0x80, v19, vm0, $0xb8;
	[tilespmem:$0x19900] =	vst v63  }
0x902: {  	v48 =	vperm.xlane v17, v12;
	s28 =	simm.s32 $0x10500;
	v19 =	vadd.s32 v3, v47  }
0x903: {  	[tilespmem:s28], [sflag:$0x8] =	stream.indirect_vreg.gather [hbm4b:s6+s2], $0x80, v45, vm0, $0xb8;
	[tilespmem:$0x19900] =	vst v63  }
0x904: {  	v50 =	vperm.xlane v17, v13;
	v49 =	vadd.s32 v3, v48;
	s12 =	simm.s32 $0x10580  }
0x905: {  	[tilespmem:s12], [sflag:$0x8] =	stream.indirect_vreg.gather [hbm4b:s6+s2], $0x80, v18, vm0, $0xb8;
	[tilespmem:$0x19900] =	vst v63  }
0x906: {  	v51 =	vperm.xlane v17, v14;
	s28 =	simm.s32 $0x10600;
	v18 =	vadd.s32 v3, v50  }
0x907: {  	[tilespmem:s28], [sflag:$0x8] =	stream.indirect_vreg.gather [hbm4b:s6+s2], $0x80, v19, vm0, $0xb8;
	[tilespmem:$0x19900] =	vst v63  }
0x908: {  	v52 =	vperm.xlane v17, v15;
	s12 =	simm.s32 $0x10680;
	v19 =	vadd.s32 v3, v51  }
0x909: {  	[tilespmem:s12], [sflag:$0x8] =	stream.indirect_vreg.gather [hbm4b:s6+s2], $0x80, v49, vm0, $0xb8;
	[tilespmem:$0x19900] =	vst v63  }
0x90a: {  	v17 =	vperm.xlane v17, v16;
	v53 =	vadd.s32 v3, v52;
	s28 =	simm.s32 $0x10700  }
0x90b: {  	[tilespmem:s28], [sflag:$0x8] =	stream.indirect_vreg.gather [hbm4b:s6+s2], $0x80, v18, vm0, $0xb8;
	[tilespmem:$0x19900] =	vst v63  }
0x90c: {  	v17 =	vadd.s32 v3, v17;
	s12 =	simm.s32 $0x10780  }
0x90d: {  	[tilespmem:s12], [sflag:$0x8] =	stream.indirect_vreg.gather [hbm4b:s6+s2], $0x80, v19, vm0, $0xb8;
	[tilespmem:$0x19900] =	vst v63  }
0x90e: {  	s28 =	simm.s32 $0x10800  }
0x90f: {  	[tilespmem:s28], [sflag:$0x8] =	stream.indirect_vreg.gather [hbm4b:s6+s2], $0x80, v53, vm0, $0xb8;
	[tilespmem:$0x19900] =	vst v63  }
0x910: {  	s12 =	simm.s32 $0x10880  }
0x911: {  	[tilespmem:s12], [sflag:$0x8] =	stream.indirect_vreg.gather [hbm4b:s6+s2], $0x80, v17, vm0, $0xb8;
	[tilespmem:$0x19900] =	vst v63  }
0x912: {  	v17 =	vld [tilespmem:s16+$0xA0];
	_ =	sdelay $0x4  }
0x913: {  	v18 =	vshrl.u32 v17, $0x3  }
0x914: {  	v18 =	vmul.u32 $0x18, v18  }
0x915: {  	v17 =	vand.u32 $0x7, v17  }
0x916: {  	v17 =	vor.u32 v17, v18  }
0x917: {  	v18 =	vperm.xlane v17, v2;
	_ =	sdelay $0x1  }
0x918: {  	v19 =	vperm.xlane v17, v4;
	v18 =	vadd.s32 v3, v18;
	_ =	sdelay $0x1  }
0x919: {  	v54 =	vperm.xlane v17, v5;
	v19 =	vadd.s32 v3, v19;
	_ =	sdelay $0x1  }
0x91a: {  	s28 =	simm.s32 $0x10900;
	v55 =	vperm.xlane v17, v0;
	v20 =	vadd.s32 v3, v54  }
0x91b: {  	[tilespmem:s28], [sflag:$0x8] =	stream.indirect_vreg.gather [hbm4b:s6+s2], $0x80, v18, vm0, $0xb8;
	[tilespmem:$0x19900] =	vst v63  }
0x91c: {  	s12 =	simm.s32 $0x10980;
	v56 =	vperm.xlane v17, v6;
	v18 =	vadd.s32 v3, v55  }
0x91d: {  	[tilespmem:s12], [sflag:$0x8] =	stream.indirect_vreg.gather [hbm4b:s6+s2], $0x80, v19, vm0, $0xb8;
	[tilespmem:$0x19900] =	vst v63  }
0x91e: {  	v57 =	vperm.xlane v17, v7;
	s28 =	simm.s32 $0x10A00;
	v19 =	vadd.s32 v3, v56  }
0x91f: {  	[tilespmem:s28], [sflag:$0x8] =	stream.indirect_vreg.gather [hbm4b:s6+s2], $0x80, v20, vm0, $0xb8;
	[tilespmem:$0x19900] =	vst v63  }
0x920: {  	v59 =	vperm.xlane v17, v8;
	v58 =	vadd.s32 v3, v57;
	s12 =	simm.s32 $0x10A80  }
0x921: {  	[tilespmem:s12], [sflag:$0x8] =	stream.indirect_vreg.gather [hbm4b:s6+s2], $0x80, v18, vm0, $0xb8;
	[tilespmem:$0x19900] =	vst v63  }
0x922: {  	v60 =	vperm.xlane v17, v1;
	s28 =	simm.s32 $0x10B00;
	v18 =	vadd.s32 v3, v59  }
0x923: {  	[tilespmem:s28], [sflag:$0x8] =	stream.indirect_vreg.gather [hbm4b:s6+s2], $0x80, v19, vm0, $0xb8;
	[tilespmem:$0x19900] =	vst v63  }
0x924: {  	v61 =	vperm.xlane v17, v9;
	s12 =	simm.s32 $0x10B80;
	v19 =	vadd.s32 v3, v60  }
0x925: {  	[tilespmem:s12], [sflag:$0x8] =	stream.indirect_vreg.gather [hbm4b:s6+s2], $0x80, v58, vm0, $0xb8;
	[tilespmem:$0x19900] =	vst v63  }
0x926: {  	v63 =	vperm.xlane v17, v10;
	v62 =	vadd.s32 v3, v61;
	s28 =	simm.s32 $0x10C00  }
0x927: {  	[tilespmem:s28], [sflag:$0x8] =	stream.indirect_vreg.gather [hbm4b:s6+s2], $0x80, v18, vm0, $0xb8;
	[tilespmem:$0x19900] =	vst v63  }
0x928: {  	v24 =	vperm.xlane v17, v11;
	s12 =	simm.s32 $0x10C80;
	v18 =	vadd.s32 v3, v63  }
0x929: {  	[tilespmem:s12], [sflag:$0x8] =	stream.indirect_vreg.gather [hbm4b:s6+s2], $0x80, v19, vm0, $0xb8;
	[tilespmem:$0x19900] =	vst v63  }
0x92a: {  	v25 =	vperm.xlane v17, v12;
	s28 =	simm.s32 $0x10D00;
	v19 =	vadd.s32 v3, v24  }
0x92b: {  	[tilespmem:s28], [sflag:$0x8] =	stream.indirect_vreg.gather [hbm4b:s6+s2], $0x80, v62, vm0, $0xb8;
	[tilespmem:$0x19900] =	vst v63  }
0x92c: {  	v27 =	vperm.xlane v17, v13;
	v26 =	vadd.s32 v3, v25;
	s12 =	simm.s32 $0x10D80  }
0x92d: {  	[tilespmem:s12], [sflag:$0x8] =	stream.indirect_vreg.gather [hbm4b:s6+s2], $0x80, v18, vm0, $0xb8;
	[tilespmem:$0x19900] =	vst v63  }
0x92e: {  	v28 =	vperm.xlane v17, v14;
	s28 =	simm.s32 $0x10E00;
	v18 =	vadd.s32 v3, v27  }
0x92f: {  	[tilespmem:s28], [sflag:$0x8] =	stream.indirect_vreg.gather [hbm4b:s6+s2], $0x80, v19, vm0, $0xb8;
	[tilespmem:$0x19900] =	vst v63  }
0x930: {  	v29 =	vperm.xlane v17, v15;
	s12 =	simm.s32 $0x10E80;
	v19 =	vadd.s32 v3, v28  }
0x931: {  	[tilespmem:s12], [sflag:$0x8] =	stream.indirect_vreg.gather [hbm4b:s6+s2], $0x80, v26, vm0, $0xb8;
	[tilespmem:$0x19900] =	vst v63  }
0x932: {  	v17 =	vperm.xlane v17, v16;
	v30 =	vadd.s32 v3, v29;
	s28 =	simm.s32 $0x10F00  }
0x933: {  	[tilespmem:s28], [sflag:$0x8] =	stream.indirect_vreg.gather [hbm4b:s6+s2], $0x80, v18, vm0, $0xb8;
	[tilespmem:$0x19900] =	vst v63  }
0x934: {  	v17 =	vadd.s32 v3, v17;
	s12 =	simm.s32 $0x10F80  }
0x935: {  	[tilespmem:s12], [sflag:$0x8] =	stream.indirect_vreg.gather [hbm4b:s6+s2], $0x80, v19, vm0, $0xb8;
	[tilespmem:$0x19900] =	vst v63  }
0x936: {  	s28 =	simm.s32 $0x11000  }
0x937: {  	[tilespmem:s28], [sflag:$0x8] =	stream.indirect_vreg.gather [hbm4b:s6+s2], $0x80, v30, vm0, $0xb8;
	[tilespmem:$0x19900] =	vst v63  }
0x938: {  	s12 =	simm.s32 $0x11080  }
0x939: {  	[tilespmem:s12], [sflag:$0x8] =	stream.indirect_vreg.gather [hbm4b:s6+s2], $0x80, v17, vm0, $0xb8;
	[tilespmem:$0x19900] =	vst v63  }
0x93a: {  	v17 =	vld [tilespmem:s16+$0xB0];
	_ =	sdelay $0x4  }
0x93b: {  	v18 =	vshrl.u32 v17, $0x3  }
0x93c: {  	v18 =	vmul.u32 $0x18, v18  }
0x93d: {  	v17 =	vand.u32 $0x7, v17  }
0x93e: {  	v17 =	vor.u32 v17, v18  }
0x93f: {  	v18 =	vperm.xlane v17, v2;
	_ =	sdelay $0x1  }
0x940: {  	v19 =	vperm.xlane v17, v4;
	v18 =	vadd.s32 v3, v18;
	_ =	sdelay $0x1  }
0x941: {  	v31 =	vperm.xlane v17, v5;
	v19 =	vadd.s32 v3, v19;
	_ =	sdelay $0x1  }
0x942: {  	s28 =	simm.s32 $0x11100;
	v32 =	vperm.xlane v17, v0;
	v20 =	vadd.s32 v3, v31  }
0x943: {  	[tilespmem:s28], [sflag:$0x8] =	stream.indirect_vreg.gather [hbm4b:s6+s2], $0x80, v18, vm0, $0xb8;
	[tilespmem:$0x19900] =	vst v63  }
0x944: {  	s12 =	simm.s32 $0x11180;
	v33 =	vperm.xlane v17, v6;
	v18 =	vadd.s32 v3, v32  }
0x945: {  	[tilespmem:s12], [sflag:$0x8] =	stream.indirect_vreg.gather [hbm4b:s6+s2], $0x80, v19, vm0, $0xb8;
	[tilespmem:$0x19900] =	vst v63  }
0x946: {  	v34 =	vperm.xlane v17, v7;
	s28 =	simm.s32 $0x11200;
	v19 =	vadd.s32 v3, v33  }
0x947: {  	[tilespmem:s28], [sflag:$0x8] =	stream.indirect_vreg.gather [hbm4b:s6+s2], $0x80, v20, vm0, $0xb8;
	[tilespmem:$0x19900] =	vst v63  }
0x948: {  	v36 =	vperm.xlane v17, v8;
	v35 =	vadd.s32 v3, v34;
	s12 =	simm.s32 $0x11280  }
0x949: {  	[tilespmem:s12], [sflag:$0x8] =	stream.indirect_vreg.gather [hbm4b:s6+s2], $0x80, v18, vm0, $0xb8;
	[tilespmem:$0x19900] =	vst v63  }
0x94a: {  	v37 =	vperm.xlane v17, v1;
	s28 =	simm.s32 $0x11300;
	v18 =	vadd.s32 v3, v36  }
0x94b: {  	[tilespmem:s28], [sflag:$0x8] =	stream.indirect_vreg.gather [hbm4b:s6+s2], $0x80, v19, vm0, $0xb8;
	[tilespmem:$0x19900] =	vst v63  }
0x94c: {  	v38 =	vperm.xlane v17, v9;
	s12 =	simm.s32 $0x11380;
	v19 =	vadd.s32 v3, v37  }
0x94d: {  	[tilespmem:s12], [sflag:$0x8] =	stream.indirect_vreg.gather [hbm4b:s6+s2], $0x80, v35, vm0, $0xb8;
	[tilespmem:$0x19900] =	vst v63  }
0x94e: {  	v40 =	vperm.xlane v17, v10;
	v39 =	vadd.s32 v3, v38;
	s28 =	simm.s32 $0x11400  }
0x94f: {  	[tilespmem:s28], [sflag:$0x8] =	stream.indirect_vreg.gather [hbm4b:s6+s2], $0x80, v18, vm0, $0xb8;
	[tilespmem:$0x19900] =	vst v63  }
0x950: {  	v41 =	vperm.xlane v17, v11;
	s12 =	simm.s32 $0x11480;
	v18 =	vadd.s32 v3, v40  }
0x951: {  	[tilespmem:s12], [sflag:$0x8] =	stream.indirect_vreg.gather [hbm4b:s6+s2], $0x80, v19, vm0, $0xb8;
	[tilespmem:$0x19900] =	vst v63  }
0x952: {  	v42 =	vperm.xlane v17, v12;
	s28 =	simm.s32 $0x11500;
	v19 =	vadd.s32 v3, v41  }
0x953: {  	[tilespmem:s28], [sflag:$0x8] =	stream.indirect_vreg.gather [hbm4b:s6+s2], $0x80, v39, vm0, $0xb8;
	[tilespmem:$0x19900] =	vst v63  }
0x954: {  	v44 =	vperm.xlane v17, v13;
	v43 =	vadd.s32 v3, v42;
	s12 =	simm.s32 $0x11580  }
0x955: {  	[tilespmem:s12], [sflag:$0x8] =	stream.indirect_vreg.gather [hbm4b:s6+s2], $0x80, v18, vm0, $0xb8;
	[tilespmem:$0x19900] =	vst v63  }
0x956: {  	v45 =	vperm.xlane v17, v14;
	s28 =	simm.s32 $0x11600;
	v18 =	vadd.s32 v3, v44  }
0x957: {  	[tilespmem:s28], [sflag:$0x8] =	stream.indirect_vreg.gather [hbm4b:s6+s2], $0x80, v19, vm0, $0xb8;
	[tilespmem:$0x19900] =	vst v63  }
0x958: {  	v46 =	vperm.xlane v17, v15;
	s12 =	simm.s32 $0x11680;
	v19 =	vadd.s32 v3, v45  }
0x959: {  	[tilespmem:s12], [sflag:$0x8] =	stream.indirect_vreg.gather [hbm4b:s6+s2], $0x80, v43, vm0, $0xb8;
	[tilespmem:$0x19900] =	vst v63  }
0x95a: {  	v17 =	vperm.xlane v17, v16;
	v47 =	vadd.s32 v3, v46;
	s28 =	simm.s32 $0x11700  }
0x95b: {  	[tilespmem:s28], [sflag:$0x8] =	stream.indirect_vreg.gather [hbm4b:s6+s2], $0x80, v18, vm0, $0xb8;
	[tilespmem:$0x19900] =	vst v63  }
0x95c: {  	v17 =	vadd.s32 v3, v17;
	s12 =	simm.s32 $0x11780  }
0x95d: {  	[tilespmem:s12], [sflag:$0x8] =	stream.indirect_vreg.gather [hbm4b:s6+s2], $0x80, v19, vm0, $0xb8;
	[tilespmem:$0x19900] =	vst v63  }
0x95e: {  	s28 =	simm.s32 $0x11800  }
0x95f: {  	[tilespmem:s28], [sflag:$0x8] =	stream.indirect_vreg.gather [hbm4b:s6+s2], $0x80, v47, vm0, $0xb8;
	[tilespmem:$0x19900] =	vst v63  }
0x960: {  	s25 =	simm.s32 $0x15;
	s12 =	simm.s32 $0x11880  }
0x961: {  	[tilespmem:s12], [sflag:$0x8] =	stream.indirect_vreg.gather [hbm4b:s6+s2], $0x80, v17, vm0, $0xb8;
	[tilespmem:$0x19900] =	vst v63  }
0x962: {  	_ =	swait.ge [sflag:s25], $0x2000  }
0x963: {  	[sflag:s25] =	ssyncset.done $0x0  }
0x964: {  	s28 =	sadd.s32 $0x80, s16;
	[sflag:s25] =	ssyncadd.s32 $0xFFFFE000  }
0x965: {  	[tilespmem:s11], [sflag:$0x9] =	stream.indirect.gather [hbm4b:s4+s7], $0x80, s28, s7, $0xb8;
	[tilespmem:$0x19900] =	vst v63  }
0x966: {  	s28 =	simm.s32 $0x16  }
0x967: {  	_ =	swait.ge [sflag:s28], $0x2000  }
0x968: {  	[sflag:s28] =	ssyncset.done $0x0  }
0x969: {  	[sflag:s28] =	ssyncadd.s32 $0xFFFFE000  }
0x96a: {  	v17 =	vld [tilespmem:s16+$0xC0];
	_ =	sdelay $0x4  }
0x96b: {  	v18 =	vshrl.u32 v17, $0x3  }
0x96c: {  	v18 =	vmul.u32 $0x18, v18  }
0x96d: {  	v17 =	vand.u32 $0x7, v17  }
0x96e: {  	v17 =	vor.u32 v17, v18  }
0x96f: {  	v18 =	vperm.xlane v17, v2;
	_ =	sdelay $0x1  }
0x970: {  	v19 =	vperm.xlane v17, v4;
	v18 =	vadd.s32 v3, v18;
	_ =	sdelay $0x1  }
0x971: {  	v48 =	vperm.xlane v17, v5;
	v19 =	vadd.s32 v3, v19;
	_ =	sdelay $0x1  }
0x972: {  	v49 =	vperm.xlane v17, v0;
	v20 =	vadd.s32 v3, v48  }
0x973: {  	[tilespmem:s5], [sflag:$0xA] =	stream.indirect_vreg.gather [hbm4b:s3+s2], $0x80, v18, vm0, $0xb8;
	[tilespmem:$0x19900] =	vst v63  }
0x974: {  	s12 =	simm.s32 $0x13980;
	v50 =	vperm.xlane v17, v6;
	v18 =	vadd.s32 v3, v49  }
0x975: {  	[tilespmem:s12], [sflag:$0xA] =	stream.indirect_vreg.gather [hbm4b:s3+s2], $0x80, v19, vm0, $0xb8;
	[tilespmem:$0x19900] =	vst v63  }
0x976: {  	s28 =	simm.s32 $0x13A00;
	v51 =	vperm.xlane v17, v7;
	v19 =	vadd.s32 v3, v50  }
0x977: {  	[tilespmem:s28], [sflag:$0xA] =	stream.indirect_vreg.gather [hbm4b:s3+s2], $0x80, v20, vm0, $0xb8;
	[tilespmem:$0x19900] =	vst v63  }
0x978: {  	v53 =	vperm.xlane v17, v8;
	v52 =	vadd.s32 v3, v51;
	s12 =	simm.s32 $0x13A80  }
0x979: {  	[tilespmem:s12], [sflag:$0xA] =	stream.indirect_vreg.gather [hbm4b:s3+s2], $0x80, v18, vm0, $0xb8;
	[tilespmem:$0x19900] =	vst v63  }
0x97a: {  	v54 =	vperm.xlane v17, v1;
	s28 =	simm.s32 $0x13B00;
	v18 =	vadd.s32 v3, v53  }
0x97b: {  	[tilespmem:s28], [sflag:$0xA] =	stream.indirect_vreg.gather [hbm4b:s3+s2], $0x80, v19, vm0, $0xb8;
	[tilespmem:$0x19900] =	vst v63  }
0x97c: {  	v55 =	vperm.xlane v17, v9;
	s12 =	simm.s32 $0x13B80;
	v19 =	vadd.s32 v3, v54  }
0x97d: {  	[tilespmem:s12], [sflag:$0xA] =	stream.indirect_vreg.gather [hbm4b:s3+s2], $0x80, v52, vm0, $0xb8;
	[tilespmem:$0x19900] =	vst v63  }
0x97e: {  	v57 =	vperm.xlane v17, v10;
	v56 =	vadd.s32 v3, v55;
	s28 =	simm.s32 $0x13C00  }
0x97f: {  	[tilespmem:s28], [sflag:$0xA] =	stream.indirect_vreg.gather [hbm4b:s3+s2], $0x80, v18, vm0, $0xb8;
	[tilespmem:$0x19900] =	vst v63  }
0x980: {  	v58 =	vperm.xlane v17, v11;
	s12 =	simm.s32 $0x13C80;
	v18 =	vadd.s32 v3, v57  }
0x981: {  	[tilespmem:s12], [sflag:$0xA] =	stream.indirect_vreg.gather [hbm4b:s3+s2], $0x80, v19, vm0, $0xb8;
	[tilespmem:$0x19900] =	vst v63  }
0x982: {  	v59 =	vperm.xlane v17, v12;
	s28 =	simm.s32 $0x13D00;
	v19 =	vadd.s32 v3, v58  }
0x983: {  	[tilespmem:s28], [sflag:$0xA] =	stream.indirect_vreg.gather [hbm4b:s3+s2], $0x80, v56, vm0, $0xb8;
	[tilespmem:$0x19900] =	vst v63  }
0x984: {  	v61 =	vperm.xlane v17, v13;
	v60 =	vadd.s32 v3, v59;
	s12 =	simm.s32 $0x13D80  }
0x985: {  	[tilespmem:s12], [sflag:$0xA] =	stream.indirect_vreg.gather [hbm4b:s3+s2], $0x80, v18, vm0, $0xb8;
	[tilespmem:$0x19900] =	vst v63  }
0x986: {  	v62 =	vperm.xlane v17, v14;
	s28 =	simm.s32 $0x13E00;
	v18 =	vadd.s32 v3, v61  }
0x987: {  	[tilespmem:s28], [sflag:$0xA] =	stream.indirect_vreg.gather [hbm4b:s3+s2], $0x80, v19, vm0, $0xb8;
	[tilespmem:$0x19900] =	vst v63  }
0x988: {  	v63 =	vperm.xlane v17, v15;
	s12 =	simm.s32 $0x13E80;
	v19 =	vadd.s32 v3, v62  }
0x989: {  	[tilespmem:s12], [sflag:$0xA] =	stream.indirect_vreg.gather [hbm4b:s3+s2], $0x80, v60, vm0, $0xb8;
	[tilespmem:$0x19900] =	vst v63  }
0x98a: {  	v17 =	vperm.xlane v17, v16;
	v24 =	vadd.s32 v3, v63;
	s28 =	simm.s32 $0x13F00  }
0x98b: {  	[tilespmem:s28], [sflag:$0xA] =	stream.indirect_vreg.gather [hbm4b:s3+s2], $0x80, v18, vm0, $0xb8;
	[tilespmem:$0x19900] =	vst v63  }
0x98c: {  	v17 =	vadd.s32 v3, v17;
	s12 =	simm.s32 $0x13F80  }
0x98d: {  	[tilespmem:s12], [sflag:$0xA] =	stream.indirect_vreg.gather [hbm4b:s3+s2], $0x80, v19, vm0, $0xb8;
	[tilespmem:$0x19900] =	vst v63  }
0x98e: {  	s28 =	simm.s32 $0x14000  }
0x98f: {  	[tilespmem:s28], [sflag:$0xA] =	stream.indirect_vreg.gather [hbm4b:s3+s2], $0x80, v24, vm0, $0xb8;
	[tilespmem:$0x19900] =	vst v63  }
0x990: {  	s12 =	simm.s32 $0x14080  }
0x991: {  	[tilespmem:s12], [sflag:$0xA] =	stream.indirect_vreg.gather [hbm4b:s3+s2], $0x80, v17, vm0, $0xb8;
	[tilespmem:$0x19900] =	vst v63  }
0x992: {  	v17 =	vld [tilespmem:s16+$0xD0];
	_ =	sdelay $0x4  }
0x993: {  	v18 =	vshrl.u32 v17, $0x3  }
0x994: {  	v18 =	vmul.u32 $0x18, v18  }
0x995: {  	v17 =	vand.u32 $0x7, v17  }
0x996: {  	v17 =	vor.u32 v17, v18  }
0x997: {  	v18 =	vperm.xlane v17, v2;
	_ =	sdelay $0x1  }
0x998: {  	v19 =	vperm.xlane v17, v4;
	v18 =	vadd.s32 v3, v18;
	_ =	sdelay $0x1  }
0x999: {  	v25 =	vperm.xlane v17, v5;
	v19 =	vadd.s32 v3, v19;
	_ =	sdelay $0x1  }
0x99a: {  	s28 =	simm.s32 $0x14100;
	v26 =	vperm.xlane v17, v0;
	v20 =	vadd.s32 v3, v25  }
0x99b: {  	[tilespmem:s28], [sflag:$0xA] =	stream.indirect_vreg.gather [hbm4b:s3+s2], $0x80, v18, vm0, $0xb8;
	[tilespmem:$0x19900] =	vst v63  }
0x99c: {  	s12 =	simm.s32 $0x14180;
	v27 =	vperm.xlane v17, v6;
	v18 =	vadd.s32 v3, v26  }
0x99d: {  	[tilespmem:s12], [sflag:$0xA] =	stream.indirect_vreg.gather [hbm4b:s3+s2], $0x80, v19, vm0, $0xb8;
	[tilespmem:$0x19900] =	vst v63  }
0x99e: {  	v28 =	vperm.xlane v17, v7;
	s28 =	simm.s32 $0x14200;
	v19 =	vadd.s32 v3, v27  }
0x99f: {  	[tilespmem:s28], [sflag:$0xA] =	stream.indirect_vreg.gather [hbm4b:s3+s2], $0x80, v20, vm0, $0xb8;
	[tilespmem:$0x19900] =	vst v63  }
0x9a0: {  	v30 =	vperm.xlane v17, v8;
	v29 =	vadd.s32 v3, v28;
	s12 =	simm.s32 $0x14280  }
0x9a1: {  	[tilespmem:s12], [sflag:$0xA] =	stream.indirect_vreg.gather [hbm4b:s3+s2], $0x80, v18, vm0, $0xb8;
	[tilespmem:$0x19900] =	vst v63  }
0x9a2: {  	v31 =	vperm.xlane v17, v1;
	s28 =	simm.s32 $0x14300;
	v18 =	vadd.s32 v3, v30  }
0x9a3: {  	[tilespmem:s28], [sflag:$0xA] =	stream.indirect_vreg.gather [hbm4b:s3+s2], $0x80, v19, vm0, $0xb8;
	[tilespmem:$0x19900] =	vst v63  }
0x9a4: {  	v32 =	vperm.xlane v17, v9;
	s12 =	simm.s32 $0x14380;
	v19 =	vadd.s32 v3, v31  }
0x9a5: {  	[tilespmem:s12], [sflag:$0xA] =	stream.indirect_vreg.gather [hbm4b:s3+s2], $0x80, v29, vm0, $0xb8;
	[tilespmem:$0x19900] =	vst v63  }
0x9a6: {  	v34 =	vperm.xlane v17, v10;
	v33 =	vadd.s32 v3, v32;
	s28 =	simm.s32 $0x14400  }
0x9a7: {  	[tilespmem:s28], [sflag:$0xA] =	stream.indirect_vreg.gather [hbm4b:s3+s2], $0x80, v18, vm0, $0xb8;
	[tilespmem:$0x19900] =	vst v63  }
0x9a8: {  	v35 =	vperm.xlane v17, v11;
	s12 =	simm.s32 $0x14480;
	v18 =	vadd.s32 v3, v34  }
0x9a9: {  	[tilespmem:s12], [sflag:$0xA] =	stream.indirect_vreg.gather [hbm4b:s3+s2], $0x80, v19, vm0, $0xb8;
	[tilespmem:$0x19900] =	vst v63  }
0x9aa: {  	v36 =	vperm.xlane v17, v12;
	s28 =	simm.s32 $0x14500;
	v19 =	vadd.s32 v3, v35  }
0x9ab: {  	[tilespmem:s28], [sflag:$0xA] =	stream.indirect_vreg.gather [hbm4b:s3+s2], $0x80, v33, vm0, $0xb8;
	[tilespmem:$0x19900] =	vst v63  }
0x9ac: {  	v38 =	vperm.xlane v17, v13;
	v37 =	vadd.s32 v3, v36;
	s12 =	simm.s32 $0x14580  }
0x9ad: {  	[tilespmem:s12], [sflag:$0xA] =	stream.indirect_vreg.gather [hbm4b:s3+s2], $0x80, v18, vm0, $0xb8;
	[tilespmem:$0x19900] =	vst v63  }
0x9ae: {  	v39 =	vperm.xlane v17, v14;
	s28 =	simm.s32 $0x14600;
	v18 =	vadd.s32 v3, v38  }
0x9af: {  	[tilespmem:s28], [sflag:$0xA] =	stream.indirect_vreg.gather [hbm4b:s3+s2], $0x80, v19, vm0, $0xb8;
	[tilespmem:$0x19900] =	vst v63  }
0x9b0: {  	v40 =	vperm.xlane v17, v15;
	s12 =	simm.s32 $0x14680;
	v19 =	vadd.s32 v3, v39  }
0x9b1: {  	[tilespmem:s12], [sflag:$0xA] =	stream.indirect_vreg.gather [hbm4b:s3+s2], $0x80, v37, vm0, $0xb8;
	[tilespmem:$0x19900] =	vst v63  }
0x9b2: {  	v17 =	vperm.xlane v17, v16;
	v41 =	vadd.s32 v3, v40;
	s28 =	simm.s32 $0x14700  }
0x9b3: {  	[tilespmem:s28], [sflag:$0xA] =	stream.indirect_vreg.gather [hbm4b:s3+s2], $0x80, v18, vm0, $0xb8;
	[tilespmem:$0x19900] =	vst v63  }
0x9b4: {  	v17 =	vadd.s32 v3, v17;
	s12 =	simm.s32 $0x14780  }
0x9b5: {  	[tilespmem:s12], [sflag:$0xA] =	stream.indirect_vreg.gather [hbm4b:s3+s2], $0x80, v19, vm0, $0xb8;
	[tilespmem:$0x19900] =	vst v63  }
0x9b6: {  	s28 =	simm.s32 $0x14800  }
0x9b7: {  	[tilespmem:s28], [sflag:$0xA] =	stream.indirect_vreg.gather [hbm4b:s3+s2], $0x80, v41, vm0, $0xb8;
	[tilespmem:$0x19900] =	vst v63  }
0x9b8: {  	s12 =	simm.s32 $0x14880  }
0x9b9: {  	[tilespmem:s12], [sflag:$0xA] =	stream.indirect_vreg.gather [hbm4b:s3+s2], $0x80, v17, vm0, $0xb8;
	[tilespmem:$0x19900] =	vst v63  }
0x9ba: {  	v17 =	vld [tilespmem:s16+$0xE0];
	_ =	sdelay $0x4  }
0x9bb: {  	v18 =	vshrl.u32 v17, $0x3  }
0x9bc: {  	v18 =	vmul.u32 $0x18, v18  }
0x9bd: {  	v17 =	vand.u32 $0x7, v17  }
0x9be: {  	v17 =	vor.u32 v17, v18  }
0x9bf: {  	v18 =	vperm.xlane v17, v2;
	_ =	sdelay $0x1  }
0x9c0: {  	v19 =	vperm.xlane v17, v4;
	v18 =	vadd.s32 v3, v18;
	_ =	sdelay $0x1  }
0x9c1: {  	v42 =	vperm.xlane v17, v5;
	v19 =	vadd.s32 v3, v19;
	_ =	sdelay $0x1  }
0x9c2: {  	s28 =	simm.s32 $0x14900;
	v43 =	vperm.xlane v17, v0;
	v20 =	vadd.s32 v3, v42  }
0x9c3: {  	[tilespmem:s28], [sflag:$0xA] =	stream.indirect_vreg.gather [hbm4b:s3+s2], $0x80, v18, vm0, $0xb8;
	[tilespmem:$0x19900] =	vst v63  }
0x9c4: {  	s12 =	simm.s32 $0x14980;
	v44 =	vperm.xlane v17, v6;
	v18 =	vadd.s32 v3, v43  }
0x9c5: {  	[tilespmem:s12], [sflag:$0xA] =	stream.indirect_vreg.gather [hbm4b:s3+s2], $0x80, v19, vm0, $0xb8;
	[tilespmem:$0x19900] =	vst v63  }
0x9c6: {  	v45 =	vperm.xlane v17, v7;
	s28 =	simm.s32 $0x14A00;
	v19 =	vadd.s32 v3, v44  }
0x9c7: {  	[tilespmem:s28], [sflag:$0xA] =	stream.indirect_vreg.gather [hbm4b:s3+s2], $0x80, v20, vm0, $0xb8;
	[tilespmem:$0x19900] =	vst v63  }
0x9c8: {  	v47 =	vperm.xlane v17, v8;
	v46 =	vadd.s32 v3, v45;
	s12 =	simm.s32 $0x14A80  }
0x9c9: {  	[tilespmem:s12], [sflag:$0xA] =	stream.indirect_vreg.gather [hbm4b:s3+s2], $0x80, v18, vm0, $0xb8;
	[tilespmem:$0x19900] =	vst v63  }
0x9ca: {  	v48 =	vperm.xlane v17, v1;
	s28 =	simm.s32 $0x14B00;
	v18 =	vadd.s32 v3, v47  }
0x9cb: {  	[tilespmem:s28], [sflag:$0xA] =	stream.indirect_vreg.gather [hbm4b:s3+s2], $0x80, v19, vm0, $0xb8;
	[tilespmem:$0x19900] =	vst v63  }
0x9cc: {  	v49 =	vperm.xlane v17, v9;
	s12 =	simm.s32 $0x14B80;
	v19 =	vadd.s32 v3, v48  }
0x9cd: {  	[tilespmem:s12], [sflag:$0xA] =	stream.indirect_vreg.gather [hbm4b:s3+s2], $0x80, v46, vm0, $0xb8;
	[tilespmem:$0x19900] =	vst v63  }
0x9ce: {  	v51 =	vperm.xlane v17, v10;
	v50 =	vadd.s32 v3, v49;
	s28 =	simm.s32 $0x14C00  }
0x9cf: {  	[tilespmem:s28], [sflag:$0xA] =	stream.indirect_vreg.gather [hbm4b:s3+s2], $0x80, v18, vm0, $0xb8;
	[tilespmem:$0x19900] =	vst v63  }
0x9d0: {  	v52 =	vperm.xlane v17, v11;
	s12 =	simm.s32 $0x14C80;
	v18 =	vadd.s32 v3, v51  }
0x9d1: {  	[tilespmem:s12], [sflag:$0xA] =	stream.indirect_vreg.gather [hbm4b:s3+s2], $0x80, v19, vm0, $0xb8;
	[tilespmem:$0x19900] =	vst v63  }
0x9d2: {  	v53 =	vperm.xlane v17, v12;
	s28 =	simm.s32 $0x14D00;
	v19 =	vadd.s32 v3, v52  }
0x9d3: {  	[tilespmem:s28], [sflag:$0xA] =	stream.indirect_vreg.gather [hbm4b:s3+s2], $0x80, v50, vm0, $0xb8;
	[tilespmem:$0x19900] =	vst v63  }
0x9d4: {  	v55 =	vperm.xlane v17, v13;
	v54 =	vadd.s32 v3, v53;
	s12 =	simm.s32 $0x14D80  }
0x9d5: {  	[tilespmem:s12], [sflag:$0xA] =	stream.indirect_vreg.gather [hbm4b:s3+s2], $0x80, v18, vm0, $0xb8;
	[tilespmem:$0x19900] =	vst v63  }
0x9d6: {  	v56 =	vperm.xlane v17, v14;
	s28 =	simm.s32 $0x14E00;
	v18 =	vadd.s32 v3, v55  }
0x9d7: {  	[tilespmem:s28], [sflag:$0xA] =	stream.indirect_vreg.gather [hbm4b:s3+s2], $0x80, v19, vm0, $0xb8;
	[tilespmem:$0x19900] =	vst v63  }
0x9d8: {  	v57 =	vperm.xlane v17, v15;
	s12 =	simm.s32 $0x14E80;
	v19 =	vadd.s32 v3, v56  }
0x9d9: {  	[tilespmem:s12], [sflag:$0xA] =	stream.indirect_vreg.gather [hbm4b:s3+s2], $0x80, v54, vm0, $0xb8;
	[tilespmem:$0x19900] =	vst v63  }
0x9da: {  	v17 =	vperm.xlane v17, v16;
	v58 =	vadd.s32 v3, v57;
	s28 =	simm.s32 $0x14F00  }
0x9db: {  	[tilespmem:s28], [sflag:$0xA] =	stream.indirect_vreg.gather [hbm4b:s3+s2], $0x80, v18, vm0, $0xb8;
	[tilespmem:$0x19900] =	vst v63  }
0x9dc: {  	v17 =	vadd.s32 v3, v17;
	s12 =	simm.s32 $0x14F80  }
0x9dd: {  	[tilespmem:s12], [sflag:$0xA] =	stream.indirect_vreg.gather [hbm4b:s3+s2], $0x80, v19, vm0, $0xb8;
	[tilespmem:$0x19900] =	vst v63  }
0x9de: {  	s28 =	simm.s32 $0x15000  }
0x9df: {  	[tilespmem:s28], [sflag:$0xA] =	stream.indirect_vreg.gather [hbm4b:s3+s2], $0x80, v58, vm0, $0xb8;
	[tilespmem:$0x19900] =	vst v63  }
0x9e0: {  	s12 =	simm.s32 $0x15080  }
0x9e1: {  	[tilespmem:s12], [sflag:$0xA] =	stream.indirect_vreg.gather [hbm4b:s3+s2], $0x80, v17, vm0, $0xb8;
	[tilespmem:$0x19900] =	vst v63  }
0x9e2: {  	v17 =	vld [tilespmem:s16+$0xF0];
	_ =	sdelay $0x4  }
0x9e3: {  	v18 =	vshrl.u32 v17, $0x3  }
0x9e4: {  	v18 =	vmul.u32 $0x18, v18  }
0x9e5: {  	v17 =	vand.u32 $0x7, v17  }
0x9e6: {  	v17 =	vor.u32 v17, v18  }
0x9e7: {  	v18 =	vperm.xlane v17, v2;
	_ =	sdelay $0x1  }
0x9e8: {  	v19 =	vperm.xlane v17, v4;
	v18 =	vadd.s32 v3, v18;
	_ =	sdelay $0x1  }
0x9e9: {  	v59 =	vperm.xlane v17, v5;
	v19 =	vadd.s32 v3, v19;
	_ =	sdelay $0x1  }
0x9ea: {  	s28 =	simm.s32 $0x15100;
	v60 =	vperm.xlane v17, v0;
	v20 =	vadd.s32 v3, v59  }
0x9eb: {  	[tilespmem:s28], [sflag:$0xA] =	stream.indirect_vreg.gather [hbm4b:s3+s2], $0x80, v18, vm0, $0xb8;
	[tilespmem:$0x19900] =	vst v63  }
0x9ec: {  	s12 =	simm.s32 $0x15180;
	v61 =	vperm.xlane v17, v6;
	v18 =	vadd.s32 v3, v60  }
0x9ed: {  	[tilespmem:s12], [sflag:$0xA] =	stream.indirect_vreg.gather [hbm4b:s3+s2], $0x80, v19, vm0, $0xb8;
	[tilespmem:$0x19900] =	vst v63  }
0x9ee: {  	v62 =	vperm.xlane v17, v7;
	s28 =	simm.s32 $0x15200;
	v19 =	vadd.s32 v3, v61  }
0x9ef: {  	[tilespmem:s28], [sflag:$0xA] =	stream.indirect_vreg.gather [hbm4b:s3+s2], $0x80, v20, vm0, $0xb8;
	[tilespmem:$0x19900] =	vst v63  }
0x9f0: {  	v24 =	vperm.xlane v17, v8;
	v63 =	vadd.s32 v3, v62;
	s12 =	simm.s32 $0x15280  }
0x9f1: {  	[tilespmem:s12], [sflag:$0xA] =	stream.indirect_vreg.gather [hbm4b:s3+s2], $0x80, v18, vm0, $0xb8;
	[tilespmem:$0x19900] =	vst v63  }
0x9f2: {  	v25 =	vperm.xlane v17, v1;
	s28 =	simm.s32 $0x15300;
	v18 =	vadd.s32 v3, v24  }
0x9f3: {  	[tilespmem:s28], [sflag:$0xA] =	stream.indirect_vreg.gather [hbm4b:s3+s2], $0x80, v19, vm0, $0xb8;
	[tilespmem:$0x19900] =	vst v63  }
0x9f4: {  	v26 =	vperm.xlane v17, v9;
	s12 =	simm.s32 $0x15380;
	v19 =	vadd.s32 v3, v25  }
0x9f5: {  	[tilespmem:s12], [sflag:$0xA] =	stream.indirect_vreg.gather [hbm4b:s3+s2], $0x80, v63, vm0, $0xb8;
	[tilespmem:$0x19900] =	vst v63  }
0x9f6: {  	v28 =	vperm.xlane v17, v10;
	v27 =	vadd.s32 v3, v26;
	s28 =	simm.s32 $0x15400  }
0x9f7: {  	[tilespmem:s28], [sflag:$0xA] =	stream.indirect_vreg.gather [hbm4b:s3+s2], $0x80, v18, vm0, $0xb8;
	[tilespmem:$0x19900] =	vst v63  }
0x9f8: {  	v29 =	vperm.xlane v17, v11;
	s12 =	simm.s32 $0x15480;
	v18 =	vadd.s32 v3, v28  }
0x9f9: {  	[tilespmem:s12], [sflag:$0xA] =	stream.indirect_vreg.gather [hbm4b:s3+s2], $0x80, v19, vm0, $0xb8;
	[tilespmem:$0x19900] =	vst v63  }
0x9fa: {  	v30 =	vperm.xlane v17, v12;
	s28 =	simm.s32 $0x15500;
	v19 =	vadd.s32 v3, v29  }
0x9fb: {  	[tilespmem:s28], [sflag:$0xA] =	stream.indirect_vreg.gather [hbm4b:s3+s2], $0x80, v27, vm0, $0xb8;
	[tilespmem:$0x19900] =	vst v63  }
0x9fc: {  	v32 =	vperm.xlane v17, v13;
	v31 =	vadd.s32 v3, v30;
	s12 =	simm.s32 $0x15580  }
0x9fd: {  	[tilespmem:s12], [sflag:$0xA] =	stream.indirect_vreg.gather [hbm4b:s3+s2], $0x80, v18, vm0, $0xb8;
	[tilespmem:$0x19900] =	vst v63  }
0x9fe: {  	v33 =	vperm.xlane v17, v14;
	s28 =	simm.s32 $0x15600;
	v18 =	vadd.s32 v3, v32  }
0x9ff: {  	[tilespmem:s28], [sflag:$0xA] =	stream.indirect_vreg.gather [hbm4b:s3+s2], $0x80, v19, vm0, $0xb8;
	[tilespmem:$0x19900] =	vst v63  }
0xa00: {  	v34 =	vperm.xlane v17, v15;
	s12 =	simm.s32 $0x15680;
	v19 =	vadd.s32 v3, v33  }
0xa01: {  	[tilespmem:s12], [sflag:$0xA] =	stream.indirect_vreg.gather [hbm4b:s3+s2], $0x80, v31, vm0, $0xb8;
	[tilespmem:$0x19900] =	vst v63  }
0xa02: {  	v17 =	vperm.xlane v17, v16;
	v35 =	vadd.s32 v3, v34;
	s28 =	simm.s32 $0x15700  }
0xa03: {  	[tilespmem:s28], [sflag:$0xA] =	stream.indirect_vreg.gather [hbm4b:s3+s2], $0x80, v18, vm0, $0xb8;
	[tilespmem:$0x19900] =	vst v63  }
0xa04: {  	v17 =	vadd.s32 v3, v17;
	s12 =	simm.s32 $0x15780  }
0xa05: {  	[tilespmem:s12], [sflag:$0xA] =	stream.indirect_vreg.gather [hbm4b:s3+s2], $0x80, v19, vm0, $0xb8;
	[tilespmem:$0x19900] =	vst v63  }
0xa06: {  	s28 =	simm.s32 $0x15800  }
0xa07: {  	[tilespmem:s28], [sflag:$0xA] =	stream.indirect_vreg.gather [hbm4b:s3+s2], $0x80, v35, vm0, $0xb8;
	[tilespmem:$0x19900] =	vst v63  }
0xa08: {  	s12 =	simm.s32 $0x15880  }
0xa09: {  	[tilespmem:s12], [sflag:$0xA] =	stream.indirect_vreg.gather [hbm4b:s3+s2], $0x80, v17, vm0, $0xb8;
	[tilespmem:$0x19900] =	vst v63  }
0xa0a: {  	_ =	swait.ge [sflag:s20], $0x2000  }
0xa0b: {  	[sflag:s20] =	ssyncset.done $0x0  }
0xa0c: {  	[sflag:s20] =	ssyncadd.s32 $0xFFFFE000  }
0xa0d: {  	v17 =	vld [tilespmem:s16+$0xC0];
	_ =	sdelay $0x4  }
0xa0e: {  	v18 =	vshrl.u32 v17, $0x3  }
0xa0f: {  	v18 =	vmul.u32 $0x18, v18  }
0xa10: {  	v17 =	vand.u32 $0x7, v17  }
0xa11: {  	v17 =	vor.u32 v17, v18  }
0xa12: {  	v18 =	vperm.xlane v17, v2;
	_ =	sdelay $0x1  }
0xa13: {  	v19 =	vperm.xlane v17, v4;
	v18 =	vadd.s32 v3, v18;
	_ =	sdelay $0x1  }
0xa14: {  	v36 =	vperm.xlane v17, v5;
	v19 =	vadd.s32 v3, v19;
	_ =	sdelay $0x1  }
0xa15: {  	v37 =	vperm.xlane v17, v0;
	v20 =	vadd.s32 v3, v36  }
0xa16: {  	[tilespmem:s26], [sflag:$0xB] =	stream.indirect_vreg.gather [hbm4b:s6+s2], $0x80, v18, vm0, $0xb8;
	[tilespmem:$0x19900] =	vst v63  }
0xa17: {  	s28 =	simm.s32 $0x15980;
	v38 =	vperm.xlane v17, v6;
	v18 =	vadd.s32 v3, v37  }
0xa18: {  	[tilespmem:s28], [sflag:$0xB] =	stream.indirect_vreg.gather [hbm4b:s6+s2], $0x80, v19, vm0, $0xb8;
	[tilespmem:$0x19900] =	vst v63  }
0xa19: {  	s25 =	simm.s32 $0x15A00;
	v39 =	vperm.xlane v17, v7;
	v19 =	vadd.s32 v3, v38  }
0xa1a: {  	[tilespmem:s25], [sflag:$0xB] =	stream.indirect_vreg.gather [hbm4b:s6+s2], $0x80, v20, vm0, $0xb8;
	[tilespmem:$0x19900] =	vst v63  }
0xa1b: {  	v41 =	vperm.xlane v17, v8;
	v40 =	vadd.s32 v3, v39;
	s26 =	simm.s32 $0x15A80  }
0xa1c: {  	[tilespmem:s26], [sflag:$0xB] =	stream.indirect_vreg.gather [hbm4b:s6+s2], $0x80, v18, vm0, $0xb8;
	[tilespmem:$0x19900] =	vst v63  }
0xa1d: {  	v42 =	vperm.xlane v17, v1;
	s28 =	simm.s32 $0x15B00;
	v18 =	vadd.s32 v3, v41  }
0xa1e: {  	[tilespmem:s28], [sflag:$0xB] =	stream.indirect_vreg.gather [hbm4b:s6+s2], $0x80, v19, vm0, $0xb8;
	[tilespmem:$0x19900] =	vst v63  }
0xa1f: {  	v43 =	vperm.xlane v17, v9;
	s25 =	simm.s32 $0x15B80;
	v19 =	vadd.s32 v3, v42  }
0xa20: {  	[tilespmem:s25], [sflag:$0xB] =	stream.indirect_vreg.gather [hbm4b:s6+s2], $0x80, v40, vm0, $0xb8;
	[tilespmem:$0x19900] =	vst v63  }
0xa21: {  	v45 =	vperm.xlane v17, v10;
	v44 =	vadd.s32 v3, v43;
	s26 =	simm.s32 $0x15C00  }
0xa22: {  	[tilespmem:s26], [sflag:$0xB] =	stream.indirect_vreg.gather [hbm4b:s6+s2], $0x80, v18, vm0, $0xb8;
	[tilespmem:$0x19900] =	vst v63  }
0xa23: {  	v46 =	vperm.xlane v17, v11;
	s28 =	simm.s32 $0x15C80;
	v18 =	vadd.s32 v3, v45  }
0xa24: {  	[tilespmem:s28], [sflag:$0xB] =	stream.indirect_vreg.gather [hbm4b:s6+s2], $0x80, v19, vm0, $0xb8;
	[tilespmem:$0x19900] =	vst v63  }
0xa25: {  	v47 =	vperm.xlane v17, v12;
	s25 =	simm.s32 $0x15D00;
	v19 =	vadd.s32 v3, v46  }
0xa26: {  	[tilespmem:s25], [sflag:$0xB] =	stream.indirect_vreg.gather [hbm4b:s6+s2], $0x80, v44, vm0, $0xb8;
	[tilespmem:$0x19900] =	vst v63  }
0xa27: {  	v49 =	vperm.xlane v17, v13;
	v48 =	vadd.s32 v3, v47;
	s26 =	simm.s32 $0x15D80  }
0xa28: {  	[tilespmem:s26], [sflag:$0xB] =	stream.indirect_vreg.gather [hbm4b:s6+s2], $0x80, v18, vm0, $0xb8;
	[tilespmem:$0x19900] =	vst v63  }
0xa29: {  	v50 =	vperm.xlane v17, v14;
	s28 =	simm.s32 $0x15E00;
	v18 =	vadd.s32 v3, v49  }
0xa2a: {  	[tilespmem:s28], [sflag:$0xB] =	stream.indirect_vreg.gather [hbm4b:s6+s2], $0x80, v19, vm0, $0xb8;
	[tilespmem:$0x19900] =	vst v63  }
0xa2b: {  	v51 =	vperm.xlane v17, v15;
	s25 =	simm.s32 $0x15E80;
	v19 =	vadd.s32 v3, v50  }
0xa2c: {  	[tilespmem:s25], [sflag:$0xB] =	stream.indirect_vreg.gather [hbm4b:s6+s2], $0x80, v48, vm0, $0xb8;
	[tilespmem:$0x19900] =	vst v63  }
0xa2d: {  	v17 =	vperm.xlane v17, v16;
	v52 =	vadd.s32 v3, v51;
	s26 =	simm.s32 $0x15F00  }
0xa2e: {  	[tilespmem:s26], [sflag:$0xB] =	stream.indirect_vreg.gather [hbm4b:s6+s2], $0x80, v18, vm0, $0xb8;
	[tilespmem:$0x19900] =	vst v63  }
0xa2f: {  	v17 =	vadd.s32 v3, v17;
	s28 =	simm.s32 $0x15F80  }
0xa30: {  	[tilespmem:s28], [sflag:$0xB] =	stream.indirect_vreg.gather [hbm4b:s6+s2], $0x80, v19, vm0, $0xb8;
	[tilespmem:$0x19900] =	vst v63  }
0xa31: {  	s25 =	simm.s32 $0x16000  }
0xa32: {  	[tilespmem:s25], [sflag:$0xB] =	stream.indirect_vreg.gather [hbm4b:s6+s2], $0x80, v52, vm0, $0xb8;
	[tilespmem:$0x19900] =	vst v63  }
0xa33: {  	s26 =	simm.s32 $0x16080  }
0xa34: {  	[tilespmem:s26], [sflag:$0xB] =	stream.indirect_vreg.gather [hbm4b:s6+s2], $0x80, v17, vm0, $0xb8;
	[tilespmem:$0x19900] =	vst v63  }
0xa35: {  	v17 =	vld [tilespmem:s16+$0xD0];
	_ =	sdelay $0x4  }
0xa36: {  	v18 =	vshrl.u32 v17, $0x3  }
0xa37: {  	v18 =	vmul.u32 $0x18, v18  }
0xa38: {  	v17 =	vand.u32 $0x7, v17  }
0xa39: {  	v17 =	vor.u32 v17, v18  }
0xa3a: {  	v18 =	vperm.xlane v17, v2;
	_ =	sdelay $0x1  }
0xa3b: {  	v19 =	vperm.xlane v17, v4;
	v18 =	vadd.s32 v3, v18;
	_ =	sdelay $0x1  }
0xa3c: {  	v53 =	vperm.xlane v17, v5;
	v19 =	vadd.s32 v3, v19;
	_ =	sdelay $0x1  }
0xa3d: {  	s28 =	simm.s32 $0x16100;
	v54 =	vperm.xlane v17, v0;
	v20 =	vadd.s32 v3, v53  }
0xa3e: {  	[tilespmem:s28], [sflag:$0xB] =	stream.indirect_vreg.gather [hbm4b:s6+s2], $0x80, v18, vm0, $0xb8;
	[tilespmem:$0x19900] =	vst v63  }
0xa3f: {  	s25 =	simm.s32 $0x16180;
	v55 =	vperm.xlane v17, v6;
	v18 =	vadd.s32 v3, v54  }
0xa40: {  	[tilespmem:s25], [sflag:$0xB] =	stream.indirect_vreg.gather [hbm4b:s6+s2], $0x80, v19, vm0, $0xb8;
	[tilespmem:$0x19900] =	vst v63  }
0xa41: {  	s26 =	simm.s32 $0x16200;
	v56 =	vperm.xlane v17, v7;
	v19 =	vadd.s32 v3, v55  }
0xa42: {  	[tilespmem:s26], [sflag:$0xB] =	stream.indirect_vreg.gather [hbm4b:s6+s2], $0x80, v20, vm0, $0xb8;
	[tilespmem:$0x19900] =	vst v63  }
0xa43: {  	v58 =	vperm.xlane v17, v8;
	v57 =	vadd.s32 v3, v56;
	s28 =	simm.s32 $0x16280  }
0xa44: {  	[tilespmem:s28], [sflag:$0xB] =	stream.indirect_vreg.gather [hbm4b:s6+s2], $0x80, v18, vm0, $0xb8;
	[tilespmem:$0x19900] =	vst v63  }
0xa45: {  	v59 =	vperm.xlane v17, v1;
	s25 =	simm.s32 $0x16300;
	v18 =	vadd.s32 v3, v58  }
0xa46: {  	[tilespmem:s25], [sflag:$0xB] =	stream.indirect_vreg.gather [hbm4b:s6+s2], $0x80, v19, vm0, $0xb8;
	[tilespmem:$0x19900] =	vst v63  }
0xa47: {  	v60 =	vperm.xlane v17, v9;
	s26 =	simm.s32 $0x16380;
	v19 =	vadd.s32 v3, v59  }
0xa48: {  	[tilespmem:s26], [sflag:$0xB] =	stream.indirect_vreg.gather [hbm4b:s6+s2], $0x80, v57, vm0, $0xb8;
	[tilespmem:$0x19900] =	vst v63  }
0xa49: {  	v62 =	vperm.xlane v17, v10;
	v61 =	vadd.s32 v3, v60;
	s28 =	simm.s32 $0x16400  }
0xa4a: {  	[tilespmem:s28], [sflag:$0xB] =	stream.indirect_vreg.gather [hbm4b:s6+s2], $0x80, v18, vm0, $0xb8;
	[tilespmem:$0x19900] =	vst v63  }
0xa4b: {  	v63 =	vperm.xlane v17, v11;
	s25 =	simm.s32 $0x16480;
	v18 =	vadd.s32 v3, v62  }
0xa4c: {  	[tilespmem:s25], [sflag:$0xB] =	stream.indirect_vreg.gather [hbm4b:s6+s2], $0x80, v19, vm0, $0xb8;
	[tilespmem:$0x19900] =	vst v63  }
0xa4d: {  	v24 =	vperm.xlane v17, v12;
	s26 =	simm.s32 $0x16500;
	v19 =	vadd.s32 v3, v63  }
0xa4e: {  	[tilespmem:s26], [sflag:$0xB] =	stream.indirect_vreg.gather [hbm4b:s6+s2], $0x80, v61, vm0, $0xb8;
	[tilespmem:$0x19900] =	vst v63  }
0xa4f: {  	v26 =	vperm.xlane v17, v13;
	v25 =	vadd.s32 v3, v24;
	s28 =	simm.s32 $0x16580  }
0xa50: {  	[tilespmem:s28], [sflag:$0xB] =	stream.indirect_vreg.gather [hbm4b:s6+s2], $0x80, v18, vm0, $0xb8;
	[tilespmem:$0x19900] =	vst v63  }
0xa51: {  	v27 =	vperm.xlane v17, v14;
	s25 =	simm.s32 $0x16600;
	v18 =	vadd.s32 v3, v26  }
0xa52: {  	[tilespmem:s25], [sflag:$0xB] =	stream.indirect_vreg.gather [hbm4b:s6+s2], $0x80, v19, vm0, $0xb8;
	[tilespmem:$0x19900] =	vst v63  }
0xa53: {  	v28 =	vperm.xlane v17, v15;
	s26 =	simm.s32 $0x16680;
	v19 =	vadd.s32 v3, v27  }
0xa54: {  	[tilespmem:s26], [sflag:$0xB] =	stream.indirect_vreg.gather [hbm4b:s6+s2], $0x80, v25, vm0, $0xb8;
	[tilespmem:$0x19900] =	vst v63  }
0xa55: {  	v17 =	vperm.xlane v17, v16;
	v29 =	vadd.s32 v3, v28;
	s28 =	simm.s32 $0x16700  }
0xa56: {  	[tilespmem:s28], [sflag:$0xB] =	stream.indirect_vreg.gather [hbm4b:s6+s2], $0x80, v18, vm0, $0xb8;
	[tilespmem:$0x19900] =	vst v63  }
0xa57: {  	v17 =	vadd.s32 v3, v17;
	s25 =	simm.s32 $0x16780  }
0xa58: {  	[tilespmem:s25], [sflag:$0xB] =	stream.indirect_vreg.gather [hbm4b:s6+s2], $0x80, v19, vm0, $0xb8;
	[tilespmem:$0x19900] =	vst v63  }
0xa59: {  	s26 =	simm.s32 $0x16800  }
0xa5a: {  	[tilespmem:s26], [sflag:$0xB] =	stream.indirect_vreg.gather [hbm4b:s6+s2], $0x80, v29, vm0, $0xb8;
	[tilespmem:$0x19900] =	vst v63  }
0xa5b: {  	s28 =	simm.s32 $0x16880  }
0xa5c: {  	[tilespmem:s28], [sflag:$0xB] =	stream.indirect_vreg.gather [hbm4b:s6+s2], $0x80, v17, vm0, $0xb8;
	[tilespmem:$0x19900] =	vst v63  }
0xa5d: {  	v17 =	vld [tilespmem:s16+$0xE0];
	_ =	sdelay $0x4  }
0xa5e: {  	v18 =	vshrl.u32 v17, $0x3  }
0xa5f: {  	v18 =	vmul.u32 $0x18, v18  }
0xa60: {  	v17 =	vand.u32 $0x7, v17  }
0xa61: {  	v17 =	vor.u32 v17, v18  }
0xa62: {  	v18 =	vperm.xlane v17, v2;
	_ =	sdelay $0x1  }
0xa63: {  	v19 =	vperm.xlane v17, v4;
	v18 =	vadd.s32 v3, v18;
	_ =	sdelay $0x1  }
0xa64: {  	v30 =	vperm.xlane v17, v5;
	v19 =	vadd.s32 v3, v19;
	_ =	sdelay $0x1  }
0xa65: {  	s25 =	simm.s32 $0x16900;
	v31 =	vperm.xlane v17, v0;
	v20 =	vadd.s32 v3, v30  }
0xa66: {  	[tilespmem:s25], [sflag:$0xB] =	stream.indirect_vreg.gather [hbm4b:s6+s2], $0x80, v18, vm0, $0xb8;
	[tilespmem:$0x19900] =	vst v63  }
0xa67: {  	s26 =	simm.s32 $0x16980;
	v32 =	vperm.xlane v17, v6;
	v18 =	vadd.s32 v3, v31  }
0xa68: {  	[tilespmem:s26], [sflag:$0xB] =	stream.indirect_vreg.gather [hbm4b:s6+s2], $0x80, v19, vm0, $0xb8;
	[tilespmem:$0x19900] =	vst v63  }
0xa69: {  	s28 =	simm.s32 $0x16A00;
	v33 =	vperm.xlane v17, v7;
	v19 =	vadd.s32 v3, v32  }
0xa6a: {  	[tilespmem:s28], [sflag:$0xB] =	stream.indirect_vreg.gather [hbm4b:s6+s2], $0x80, v20, vm0, $0xb8;
	[tilespmem:$0x19900] =	vst v63  }
0xa6b: {  	v35 =	vperm.xlane v17, v8;
	v34 =	vadd.s32 v3, v33;
	s25 =	simm.s32 $0x16A80  }
0xa6c: {  	[tilespmem:s25], [sflag:$0xB] =	stream.indirect_vreg.gather [hbm4b:s6+s2], $0x80, v18, vm0, $0xb8;
	[tilespmem:$0x19900] =	vst v63  }
0xa6d: {  	v36 =	vperm.xlane v17, v1;
	s26 =	simm.s32 $0x16B00;
	v18 =	vadd.s32 v3, v35  }
0xa6e: {  	[tilespmem:s26], [sflag:$0xB] =	stream.indirect_vreg.gather [hbm4b:s6+s2], $0x80, v19, vm0, $0xb8;
	[tilespmem:$0x19900] =	vst v63  }
0xa6f: {  	v37 =	vperm.xlane v17, v9;
	s28 =	simm.s32 $0x16B80;
	v19 =	vadd.s32 v3, v36  }
0xa70: {  	[tilespmem:s28], [sflag:$0xB] =	stream.indirect_vreg.gather [hbm4b:s6+s2], $0x80, v34, vm0, $0xb8;
	[tilespmem:$0x19900] =	vst v63  }
0xa71: {  	v39 =	vperm.xlane v17, v10;
	v38 =	vadd.s32 v3, v37;
	s25 =	simm.s32 $0x16C00  }
0xa72: {  	[tilespmem:s25], [sflag:$0xB] =	stream.indirect_vreg.gather [hbm4b:s6+s2], $0x80, v18, vm0, $0xb8;
	[tilespmem:$0x19900] =	vst v63  }
0xa73: {  	v40 =	vperm.xlane v17, v11;
	s26 =	simm.s32 $0x16C80;
	v18 =	vadd.s32 v3, v39  }
0xa74: {  	[tilespmem:s26], [sflag:$0xB] =	stream.indirect_vreg.gather [hbm4b:s6+s2], $0x80, v19, vm0, $0xb8;
	[tilespmem:$0x19900] =	vst v63  }
0xa75: {  	v41 =	vperm.xlane v17, v12;
	s28 =	simm.s32 $0x16D00;
	v19 =	vadd.s32 v3, v40  }
0xa76: {  	[tilespmem:s28], [sflag:$0xB] =	stream.indirect_vreg.gather [hbm4b:s6+s2], $0x80, v38, vm0, $0xb8;
	[tilespmem:$0x19900] =	vst v63  }
0xa77: {  	v43 =	vperm.xlane v17, v13;
	v42 =	vadd.s32 v3, v41;
	s25 =	simm.s32 $0x16D80  }
0xa78: {  	[tilespmem:s25], [sflag:$0xB] =	stream.indirect_vreg.gather [hbm4b:s6+s2], $0x80, v18, vm0, $0xb8;
	[tilespmem:$0x19900] =	vst v63  }
0xa79: {  	v44 =	vperm.xlane v17, v14;
	s26 =	simm.s32 $0x16E00;
	v18 =	vadd.s32 v3, v43  }
0xa7a: {  	[tilespmem:s26], [sflag:$0xB] =	stream.indirect_vreg.gather [hbm4b:s6+s2], $0x80, v19, vm0, $0xb8;
	[tilespmem:$0x19900] =	vst v63  }
0xa7b: {  	v45 =	vperm.xlane v17, v15;
	s28 =	simm.s32 $0x16E80;
	v19 =	vadd.s32 v3, v44  }
0xa7c: {  	[tilespmem:s28], [sflag:$0xB] =	stream.indirect_vreg.gather [hbm4b:s6+s2], $0x80, v42, vm0, $0xb8;
	[tilespmem:$0x19900] =	vst v63  }
0xa7d: {  	v17 =	vperm.xlane v17, v16;
	v46 =	vadd.s32 v3, v45;
	s25 =	simm.s32 $0x16F00  }
0xa7e: {  	[tilespmem:s25], [sflag:$0xB] =	stream.indirect_vreg.gather [hbm4b:s6+s2], $0x80, v18, vm0, $0xb8;
	[tilespmem:$0x19900] =	vst v63  }
0xa7f: {  	v17 =	vadd.s32 v3, v17;
	s26 =	simm.s32 $0x16F80  }
0xa80: {  	[tilespmem:s26], [sflag:$0xB] =	stream.indirect_vreg.gather [hbm4b:s6+s2], $0x80, v19, vm0, $0xb8;
	[tilespmem:$0x19900] =	vst v63  }
0xa81: {  	s28 =	simm.s32 $0x17000  }
0xa82: {  	[tilespmem:s28], [sflag:$0xB] =	stream.indirect_vreg.gather [hbm4b:s6+s2], $0x80, v46, vm0, $0xb8;
	[tilespmem:$0x19900] =	vst v63  }
0xa83: {  	s25 =	simm.s32 $0x17080  }
0xa84: {  	[tilespmem:s25], [sflag:$0xB] =	stream.indirect_vreg.gather [hbm4b:s6+s2], $0x80, v17, vm0, $0xb8;
	[tilespmem:$0x19900] =	vst v63  }
0xa85: {  	v17 =	vld [tilespmem:s16+$0xF0];
	_ =	sdelay $0x4  }
0xa86: {  	v18 =	vshrl.u32 v17, $0x3  }
0xa87: {  	v18 =	vmul.u32 $0x18, v18  }
0xa88: {  	v17 =	vand.u32 $0x7, v17  }
0xa89: {  	v17 =	vor.u32 v17, v18  }
0xa8a: {  	v18 =	vperm.xlane v17, v2;
	_ =	sdelay $0x1  }
0xa8b: {  	v19 =	vperm.xlane v17, v4;
	v18 =	vadd.s32 v3, v18;
	_ =	sdelay $0x1  }
0xa8c: {  	v47 =	vperm.xlane v17, v5;
	v19 =	vadd.s32 v3, v19;
	_ =	sdelay $0x1  }
0xa8d: {  	s26 =	simm.s32 $0x17100;
	v48 =	vperm.xlane v17, v0;
	v20 =	vadd.s32 v3, v47  }
0xa8e: {  	[tilespmem:s26], [sflag:$0xB] =	stream.indirect_vreg.gather [hbm4b:s6+s2], $0x80, v18, vm0, $0xb8;
	[tilespmem:$0x19900] =	vst v63  }
0xa8f: {  	s28 =	simm.s32 $0x17180;
	v49 =	vperm.xlane v17, v6;
	v18 =	vadd.s32 v3, v48  }
0xa90: {  	[tilespmem:s28], [sflag:$0xB] =	stream.indirect_vreg.gather [hbm4b:s6+s2], $0x80, v19, vm0, $0xb8;
	[tilespmem:$0x19900] =	vst v63  }
0xa91: {  	s25 =	simm.s32 $0x17200;
	v50 =	vperm.xlane v17, v7;
	v19 =	vadd.s32 v3, v49  }
0xa92: {  	[tilespmem:s25], [sflag:$0xB] =	stream.indirect_vreg.gather [hbm4b:s6+s2], $0x80, v20, vm0, $0xb8;
	[tilespmem:$0x19900] =	vst v63  }
0xa93: {  	v52 =	vperm.xlane v17, v8;
	v51 =	vadd.s32 v3, v50;
	s26 =	simm.s32 $0x17280  }
0xa94: {  	[tilespmem:s26], [sflag:$0xB] =	stream.indirect_vreg.gather [hbm4b:s6+s2], $0x80, v18, vm0, $0xb8;
	[tilespmem:$0x19900] =	vst v63  }
0xa95: {  	v53 =	vperm.xlane v17, v1;
	s28 =	simm.s32 $0x17300;
	v18 =	vadd.s32 v3, v52  }
0xa96: {  	[tilespmem:s28], [sflag:$0xB] =	stream.indirect_vreg.gather [hbm4b:s6+s2], $0x80, v19, vm0, $0xb8;
	[tilespmem:$0x19900] =	vst v63  }
0xa97: {  	v54 =	vperm.xlane v17, v9;
	s25 =	simm.s32 $0x17380;
	v19 =	vadd.s32 v3, v53  }
0xa98: {  	[tilespmem:s25], [sflag:$0xB] =	stream.indirect_vreg.gather [hbm4b:s6+s2], $0x80, v51, vm0, $0xb8;
	[tilespmem:$0x19900] =	vst v63  }
0xa99: {  	v56 =	vperm.xlane v17, v10;
	v55 =	vadd.s32 v3, v54;
	s26 =	simm.s32 $0x17400  }
0xa9a: {  	[tilespmem:s26], [sflag:$0xB] =	stream.indirect_vreg.gather [hbm4b:s6+s2], $0x80, v18, vm0, $0xb8;
	[tilespmem:$0x19900] =	vst v63  }
0xa9b: {  	v57 =	vperm.xlane v17, v11;
	s28 =	simm.s32 $0x17480;
	v18 =	vadd.s32 v3, v56  }
0xa9c: {  	[tilespmem:s28], [sflag:$0xB] =	stream.indirect_vreg.gather [hbm4b:s6+s2], $0x80, v19, vm0, $0xb8;
	[tilespmem:$0x19900] =	vst v63  }
0xa9d: {  	v58 =	vperm.xlane v17, v12;
	s25 =	simm.s32 $0x17500;
	v19 =	vadd.s32 v3, v57  }
0xa9e: {  	[tilespmem:s25], [sflag:$0xB] =	stream.indirect_vreg.gather [hbm4b:s6+s2], $0x80, v55, vm0, $0xb8;
	[tilespmem:$0x19900] =	vst v63  }
0xa9f: {  	v60 =	vperm.xlane v17, v13;
	v59 =	vadd.s32 v3, v58;
	s26 =	simm.s32 $0x17580  }
0xaa0: {  	[tilespmem:s26], [sflag:$0xB] =	stream.indirect_vreg.gather [hbm4b:s6+s2], $0x80, v18, vm0, $0xb8;
	[tilespmem:$0x19900] =	vst v63  }
0xaa1: {  	v61 =	vperm.xlane v17, v14;
	s28 =	simm.s32 $0x17600;
	v18 =	vadd.s32 v3, v60  }
0xaa2: {  	[tilespmem:s28], [sflag:$0xB] =	stream.indirect_vreg.gather [hbm4b:s6+s2], $0x80, v19, vm0, $0xb8;
	[tilespmem:$0x19900] =	vst v63  }
0xaa3: {  	v62 =	vperm.xlane v17, v15;
	s25 =	simm.s32 $0x17680;
	v19 =	vadd.s32 v3, v61  }
0xaa4: {  	[tilespmem:s25], [sflag:$0xB] =	stream.indirect_vreg.gather [hbm4b:s6+s2], $0x80, v59, vm0, $0xb8;
	[tilespmem:$0x19900] =	vst v63  }
0xaa5: {  	v17 =	vperm.xlane v17, v16;
	v63 =	vadd.s32 v3, v62;
	s26 =	simm.s32 $0x17700  }
0xaa6: {  	[tilespmem:s26], [sflag:$0xB] =	stream.indirect_vreg.gather [hbm4b:s6+s2], $0x80, v18, vm0, $0xb8;
	[tilespmem:$0x19900] =	vst v63  }
0xaa7: {  	v17 =	vadd.s32 v3, v17;
	s28 =	simm.s32 $0x17780  }
0xaa8: {  	[tilespmem:s28], [sflag:$0xB] =	stream.indirect_vreg.gather [hbm4b:s6+s2], $0x80, v19, vm0, $0xb8;
	[tilespmem:$0x19900] =	vst v63  }
0xaa9: {  	s25 =	simm.s32 $0x17800  }
0xaaa: {  	[tilespmem:s25], [sflag:$0xB] =	stream.indirect_vreg.gather [hbm4b:s6+s2], $0x80, v63, vm0, $0xb8;
	[tilespmem:$0x19900] =	vst v63  }
0xaab: {  	s26 =	simm.s32 $0x17880  }
0xaac: {  	[tilespmem:s26], [sflag:$0xB] =	stream.indirect_vreg.gather [hbm4b:s6+s2], $0x80, v17, vm0, $0xb8;
	[tilespmem:$0x19900] =	vst v63  }
.Ltmp3:
0xaad: {  	_ = 	snop;
	(pc) =	sbr.rel .LBB2_2-.Ltmp3, $4  }
0xaae: {  	s23 =	sadd.s32 $0x3000, s23;
	_ =	swait.ge [sflag:s15], $0x2000  }
0xaaf: {  	s12 =	simm.s32 $0x15900;
	s28 =	sadd.s32 $0xC0, s16;
	[sflag:s15] =	ssyncset.done $0x0  }
0xab0: {  	s16 =	sadd.s32 $0x100, s16;
	s26 =	simm.s32 $0x1900;
	[sflag:s15] =	ssyncadd.s32 $0xFFFFE000  }
0xab1: {  	[tilespmem:s14], [sflag:$0xC] =	stream.indirect.gather [hbm4b:s4+s7], $0x80, s28, s7, $0xb8;
	[tilespmem:$0x19900] =	vst v63  }
.LBB2_5:
0xab2: {  	_ =	sfence.sel $0x180000  }
0xab3: {  	[bflag:$0x0] =	sbarrier.arrive $0xFFFF  }
0xab4: {  	_ =	strace $0x90000047  }
0xab5: {  	s0 =	stileid.u32;
	[bflag:$0x2] =	sbarrier.arrive $0xFFFF  }
0xab6: {  	p0 =	sne.s32 s0, $0x0;
	s0 =	rddreg [dreg:$0x1]  }
0xab7: {  	s0 =	sadd.s32 @!p0 $0x100000, s0  }
0xab8: {  	[sflag:s0] =	ssyncadd.tile.s32 @!p0 $0x1;
	_ =	shalt  }
.Lfunc_end2:
_tile_overlayer_lowered:
.L_overlay_start_2:
0xab9: {  	(tag) =	ssettag $0x2  }
0xaba: {  	s0 =	rddreg [dreg:$0x0];
	s2 =	stileid.u32  }
0xabb: {  	s1 =	rddreg [dreg:$0x1];
	p0 =	sne.s32 s2, $0x0  }
0xabc: {  	s3 =	rddreg [dreg:$0x2];
	[bflag:$0x3] =	sbarrier.arrive $0xFFFF;
	s2 =	simm.s32 @!p0 $0x1C19  }
0xabd: {  	[timem:s3], [sflag:s2] =	dma.local @!p0 [hbm:s0], s1  }
0xabe: {  	s0 =	simm.s32 @!p0 $0x19  }
0xabf: {  	_ =	swait.ge @!p0 [sflag:s0], s1  }
0xac0: {  	s1 =	ssub.s32 @!p0 $0x0, s1;
	[sflag:s0] =	ssyncset.done @!p0 $0x0  }
0xac1: {  	[sflag:s0] =	ssyncadd.s32 @!p0 s1  }
0xac2: {  	[bflag:$0x3] =	sbarrier.arrive $0xFFFF  }
0xac3: {  	_ =	shalt  }

// kernel: sparse-core-data-format-call.cloned.1.call-start
scs
called_computation_lowered:
.L_overlay_start_0:
0x0: {  	s2 =	sld [smem:$0x3FD9]  }
0x1: {  	s3 =	sld [smem:$0x3FFE];
	_ =	sdelay $0x1  }
0x2: {  	s1 =	srdreg.scid  }
0x3: {  	s0 =	sand.u32 $0x1, s1  }
0x4: {  	s18 =	sshll.u32 s0, $0xA;
	s2 =	sadd.s32 s3, s2  }
0x5: {  	s2 =	sadd.s32 s2, s18  }
0x6: {  	[smem:$0x3FC6] =	sst s2  }
0x7: {  	_ = 	snop  }
0x8: {  	s2 =	sld [smem:$0x3FD0];
	(tm) =	ssettm $0x1  }
0x9: {  	s19 =	sld [smem:$0x3FFB];
	_ =	sdelay $0x3  }
0xa: {  	_ =	strace s19  }
0xb: {  	s3 =	sld [smem:$0x3FFC];
	_ =	sdelay $0x3  }
0xc: {  	_ =	strace s3  }
0xd: {  	s3 =	sld [smem:$0x3FFD];
	_ =	sdelay $0x3  }
0xe: {  	_ =	strace s3  }
0xf: {  	_ =	strace $0x8FFFFFFF  }
0x10: {  	s20 =	sld [smem:$0x3FDB];
	_ =	sdelay $0x1  }
0x11: {  	s4 =	simm.s32 $_scs_section_size  }
0x12: {  	s5 =	simm.s32 $_size__tile_overlayer_lowered;
	s6 =	simm.s32 $_tile_overlayer_lowered  }
0x13: {  	s23 =	simm.s32 $0x1BFF;
	s22 =	sshll.u32 s6, $0x1;
	s3 =	sadd.s32 s4, s20  }
0x14: {  	s7 =	simm.s32 $0x0;
	s21 =	sshll.u32 s5, $0x1;
	s5 =	sadd.s32 s22, s3  }
0x15: {  	[timem:s7], [sflag:s23] =	dma.local [hbm:s5], s21  }
0x16: {  	_ =	swait.ge [sflag:s23], s21  }
0x17: {  	s4 =	ssub.s32 $0x0, s21;
	[sflag:s23] =	ssyncset.done $0x0  }
0x18: {  	[sflag:s23] =	ssyncadd.s32 s4;
	_ =	sdelay $0x1  }
0x19: {  	s24 =	simm.s32 $0x1B8B  }
0x1a: {  	_ =	swait.ge [sflag:s24], $0x1  }
0x1b: {  	[sflag:s24] =	ssyncset.done $0x0  }
0x1c: {  	s26 =	simm.s32 $0x1B8E;
	s25 =	sld [smem:$0x3FFE];
	[sflag:s24] =	ssyncadd.s32 $0xFFFFFFFF  }
0x1d: {  	s27 =	simm.s32 $execute0_lowered;
	[smem:$0x3FD2] =	sst s26  }
0x1e: {  	s5 =	sshll.u32 s27, $0x1;
	_ =	strace $0x80000049;
	[dreg:$0x1] =	wrdreg $0xFFFFFFFF  }
0x1f: {  	s28 =	simm.s32 $_size_execute0_lowered;
	s3 =	sadd.s32 s3, s5;
	[dreg:$0x0] =	wrdreg $0x0  }
0x20: {  	s5 =	sshll.u32 s28, $0x1;
	[dreg:$0x2] =	wrdreg s3  }
0x21: {  	[dreg:$0x3] =	wrdreg s5  }
0x22: {  	[dreg:$0x4] =	wrdreg $0xC0  }
0x23: {  	_ =	task [dreg:s7], $0x5FFFF  }
0x24: {  	[dreg:$0x1] =	wrdreg $0xFFFFFFFF  }
0x25: {  	[dreg:$0x0] =	wrdreg $0x60  }
0x26: {  	[dreg:$0x2] =	wrdreg s25  }
0x27: {  	[dreg:$0x3] =	wrdreg s2  }
0x28: {  	[dreg:$0x4] =	wrdreg $0x9  }
0x29: {  	_ =	task.clear_ibuf [dreg:s7], $0x5FFFF;
	_ =	strace $0x90000049  }
0x2a: {  	s29 =	simm.s32 $0x9;
	_ =	strace $0x8000004B  }
0x2b: {  	_ =	swait.ge [sflag:s29], $0x1  }
0x2c: {  	[sflag:s29] =	ssyncadd.s32 $0xFFFFFFFF  }
0x2d: {  	_ =	strace $0x9000004B  }
0x2e: {  	_ =	sfence  }
0x2f: {  	s30 =	sld [smem:$0x0];
	_ =	sdelay $0x2  }
0x30: {  	s31 =	sshll.u32 s1, $0xD;
	s1 =	sshrl.u32 s1, $0x2  }
0x31: {  	s3 =	sand.u32 $0x4000, s31;
	s1 =	sadd.s32 s1, s30  }
0x32: {  	s0 =	sor.u32 s3, s0;
	s1 =	sshll.u32 s1, $0x11  }
0x33: {  	s0 =	sor.u32 s1, s0  }
0x34: {  	s0 =	sadd.s32 $0x8F2B, s0  }
0x35: {  	[sflag:s0] =	ssyncadd.remote.s32 $0x1  }
0x36: {  	_ =	sfence.sel $0xFFFF  }
0x37: {  	[dreg:$0x0] =	wrdreg $0xFFFFFFFF;
	(pc) =	sbr.abs _section_cstart, $3  }
0x38: {  	[dreg:$0x1] =	wrdreg $0xFFFFFFFF  }
0x39: {  	_ =	task.clear_ibuf [dreg:s7], $0x2FFFF;
	_ =	strace $0x9FFFFFFF  }
0x3a: {  	(tm) =	ssettm $0x7FFFFFFF  }
0x3b: {  	_ =	shalt  }
tec
execute0_lowered:
.L_overlay_start_1:
0x0: {  	(tag) =	ssettag $0x1  }
0x1: {  	s4 =	rddreg [dreg:$0x0]  }
0x2: {  	s0 =	stileid.u32;
	s2 =	rddreg [dreg:$0x1]  }
0x3: {  	s7 =	srdreg.scid;
	s8 =	simm.s32 $0x2;
	s17 =	simm.s32 $0x0  }
0x4: {  	s9 =	simm.s32 $0x32000;
	s19 =	simm.s32 $0x0;
	s18 =	simm.s32 $0x0  }
0x5: {  	s10 =	simm.s32 $0x0;
	s11 =	simm.s32 $0x0;
	s1 =	sshll.u32 s0, $0x7  }
0x6: {  	s12 =	simm.s32 $0x0;
	s13 =	simm.s32 $0x0;
	s3 =	sand.u32 $0x380, s1  }
0x7: {  	s16 =	simm.s32 $0x0;
	s7 =	sshll.u32 s7, $0x4;
	s5 =	ssub.s32 $0x400, s3  }
0x8: {  	s4 =	sadd.s32 $0x1256800, s4;
	s1 =	rddreg [dreg:$0x2];
	s6 =	sand.u32 $0x380, s5  }
0x9: {  	s7 =	sand.u32 $0x10, s7;
	p0 =	sne.s32 s6, $0x0;
	s6 =	simm.s32 $0x1  }
.Ltmp0:
0xa: {  	s5 =	sshrl.u32 s5, $0xA;
	s6 =	simm.s32 @!p0 $0x0;
	(pc) =	sbr.rel .LBB1_1-.Ltmp0, $4  }
0xb: {  	_ =	strace $0x8000004A;
	s7 =	sor.u32 s0, s7;
	s6 =	sadd.s32 s6, s5  }
0xc: {  	s7 =	sshrl.u32 s7, $0x3;
	s5 =	simm.s32 $0x1;
	s6 =	smul.u32 $0x96, s6  }
0xd: {  	s15 =	smov.u32 s3;
	s14 =	smov.u32 s7;
	[sflag:s5] =	ssyncpa.u1 $0x0  }
0xe: {  	p0 =	por $0x0, $0x0;
	[sflag:s8] =	ssyncpa.u1 $0x0;
	s8 =	sor.u32 $0x1, s6  }
.LBB1_4:
0xf: {  	s25 =	sshll.u32 s11, $0xA;
	s26 =	sshll.u32 s12, $0x3;
	s24 =	sshra.s32 s24, $0x2  }
0x10: {  	p1 =	sgt.s32 s10, $0xAC;
	s27 =	sshra.s32 s11, $0x1F;
	s28 =	sshra.s32 s10, $0x1F  }
0x11: {  	s29 =	sshra.s32 s12, $0x1F;
	s25 =	sand.u32 $0xFFFFE000, s25;
	s26 =	sand.u32 $0xFFFFFC00, s26  }
0x12: {  	s23 =	sadd.s32 s24, s23;
	s27 =	sand.u32 s27, s11;
	s25 =	sadd.s32 s26, s25  }
0x13: {  	s28 =	sand.u32 s28, s10;
	s24 =	sshrl.u32 s25, $0xA;
	s25 =	smov.u32 s10  }
0x14: {  	s26 =	smov.u32 s11;
	s25 =	simm.s32 @!p1 $0xAC;
	p1 =	sgt.s32 s11, $0xC7  }
0x15: {  	[tilespmem:s22+$0x2040 ss:$0x81] =	vst.msk $0xffff, v4;
	s29 =	sand.u32 s29, s12;
	s30 =	smulhi.u32 $0x147AE15, s24;
	s26 =	simm.s32 @!p1 $0xC7  }
0x16: {  	v5 =	vld [tilespmem:s21+$0xFFFFFFD0];
	[tilespmem:s22+$0x2850 ss:$0x81] =	vst.msk $0xffff, v3;
	p1 =	sgt.s32 s12, $0x380;
	s25 =	ssub.s32 s25, s28;
	s26 =	ssub.s32 s26, s27  }
0x17: {  	v58 =	vld [tilespmem:s21+$0xFFFFFFE0];
	[tilespmem:s22+$0x3060 ss:$0x81] =	vst.msk $0xffff, v2;
	s27 =	smov.u32 s12;
	s28 =	sadd.s32 $0xFFFFFF54, s25;
	s25 =	ssub.s32 $0x12C, s25  }
0x18: {  	v59 =	vld [tilespmem:s21+$0xFFFFFFF0];
	[tilespmem:s22+$0x0 ss:$0x81] =	vst.msk $0xffff, v1;
	s27 =	simm.s32 @!p1 $0x380;
	s31 =	sadd.s32 $0xFFFFFF39, s26;
	s22 =	ssub.s32 $0xC8, s26  }
0x19: {  	v60 =	vld [tilespmem:s21+$0x0];
	s27 =	ssub.s32 s27, s29;
	p1 =	sgt.s32 s31, $0x0;
	s29 =	smul.u32 $0xC8, s30  }
0x1a: {  	v61 =	vld [tilespmem:s21+$0x10];
	[tilespmem:s23+$0x3870 ss:$0x81] =	vst.msk $0xffff, v0;
	s30 =	sshll.u32 s11, $0x7;
	s31 =	sadd.s32 $0xFFFFFC80, s27;
	s26 =	ssub.s32 $0x400, s27  }
0x1b: {  	v62 =	vld [tilespmem:s21+$0x20];
	[tilespmem:s23+$0x810 ss:$0x81] =	vst.msk $0xffff, v5;
	s22 =	simm.s32 @p1 $0x0;
	p1 =	sgt.s32 s28, $0x7F;
	p2 =	sgt.s32 s31, $0x7F  }
0x1c: {  	v63 =	vld [tilespmem:s21+$0xFFFFFFC0];
	[tilespmem:s23+$0x1020 ss:$0x81] =	vst.msk $0xffff, v58;
	s27 =	sand.u32 $0x78, s12;
	s31 =	smul.u32 $0x6400, s10;
	s26 =	simm.s32 @p2 $0x0  }
0x1d: {  	[tilespmem:s23+$0x1830 ss:$0x81] =	vst.msk $0xffff, v59;
	s21 =	sand.u32 $0x380, s30;
	s25 =	simm.s32 @p1 $0x0;
	s22 =	smul.u32 s26, s22  }
0x1e: {  	[tilespmem:s23+$0x2040 ss:$0x81] =	vst.msk $0xffff, v60;
	s21 =	sor.u32 s27, s21;
	s24 =	ssub.s32 s24, s29;
	s29 =	sand.u32 $0x7, s12  }
0x1f: {  	[tilespmem:s23+$0x2850 ss:$0x81] =	vst.msk $0xffff, v61;
	s21 =	sshrl.u32 s21, $0x3;
	s28 =	sadd.s32 s2, s31;
	s22 =	smul.u32 s25, s22  }
0x20: {  	[tilespmem:s23+$0x3060 ss:$0x81] =	vst.msk $0xffff, v62;
	s24 =	sshll.u32 s24, $0x7;
	s30 =	sshll.u32 s29, $0x12;
	s21 =	sadd.s32 s21, s28  }
0x21: {  	[tilespmem:s23+$0x0 ss:$0x81] =	vst.msk $0xffff, v63;
	s31 =	sor.u32 $0x80, s30;
	s21 =	sadd.s32 s24, s21;
	s22 =	sand.u32 $0x3FFFFFFF, s22  }
0x22: {  	[hbm4b:s21+s31] =	stream.strided.scatter [tilespmem:s20], [sflag:$0x2], s22, s9, s31, $0x20;
	[tilespmem:$0x10100] =	vst v63  }
.LBB1_5:
0x23: {  	p1 =	slt.u32 s16, $0x2;
	s21 =	smov.u32 s19  }
0x24: {  	p2 =	sgt.s32 @!p1 s17, $0xAC;
	s20 =	sshra.s32 @!p1 s17, $0x1F;
	p3 =	sgt.s32 @!p1 s19, $0xC7  }
0x25: {  	s22 =	sshra.s32 @!p1 s19, $0x1F;
	p2 =	por !p2, p1;
	s20 =	sand.u32 @!p1 s20, s17  }
0x26: {  	p3 =	por !p3, p1;
	s19 =	sand.u32 @!p1 s22, s19;
	s22 =	sshra.s32 @!p1 s18, $0x1F  }
0x27: {  	s21 =	simm.s32 @p3 $0xC7;
	p3 =	sgt.s32 @!p1 s18, $0x380;
	s17 =	simm.s32 @p2 $0xAC  }
0x28: {  	s19 =	ssub.s32 @!p1 s21, s19;
	p3 =	por !p3, p1;
	s21 =	smov.u32 s18  }
0x29: {  	s18 =	sand.u32 @!p1 s22, s18;
	s17 =	ssub.s32 @!p1 s17, s20;
	s21 =	simm.s32 @p3 $0x380  }
0x2a: {  	s20 =	sadd.s32 @!p1 $0xFFFFFF39, s19;
	s19 =	ssub.s32 @!p1 $0xC8, s19;
	s18 =	ssub.s32 @!p1 s21, s18  }
0x2b: {  	s21 =	sadd.s32 @!p1 $0xFFFFFF54, s17;
	p2 =	sgt.s32 @!p1 s20, $0x0;
	s20 =	sadd.s32 @!p1 $0xFFFFFC80, s18  }
0x2c: {  	s17 =	ssub.s32 @!p1 $0x12C, s17;
	p2 =	por !p2, p1;
	p3 =	sgt.s32 @!p1 s20, $0x7F  }
0x2d: {  	s18 =	ssub.s32 @!p1 $0x400, s18;
	s19 =	simm.s32 @!p2 $0x0;
	p2 =	por !p3, p1  }
0x2e: {  	s20 =	sadd.s32 $0x80, s13;
	p3 =	sgt.s32 @!p1 s21, $0x7F;
	s18 =	simm.s32 @!p2 $0x0  }
0x2f: {  	s21 =	smov.u32 s14;
	p2 =	por !p3, p1;
	s18 =	smul.u32 @!p1 s18, s19  }
0x30: {  	s17 =	simm.s32 @!p2 $0x0;
	p2 =	sgt.s32 s20, $0x12B;
	s19 =	sadd.s32 $0x4, s14  }
0x31: {  	s22 =	smov.u32 s15;
	s21 =	smov.u32 @p2 s19  }
0x32: {  	s17 =	smul.u32 @!p1 s17, s18;
	p3 =	sgt.s32 s21, $0xC7;
	s18 =	sadd.s32 $0x400, s15  }
0x33: {  	p0 =	por !p0, !p0;
	s23 =	simm.s32 @!p1 $0x2;
	s22 =	smov.u32 @p3 s18  }
0x34: {  	s20 =	simm.s32 @p2 $0x0;
	s19 =	smov.u32 s11;
	p2 =	sgt.s32 s22, $0x3FF  }
0x35: {  	s11 =	smov.u32 s14;
	s22 =	smov.u32 @p2 s3;
	p2 =	sne.s32 s16, s8  }
.Ltmp1:
0x36: {  	s21 =	smov.u32 @p3 s7;
	s18 =	smov.u32 s12;
	(pc) =	sbr.rel @!p2 .LBB1_6-.Ltmp1, $4  }
0x37: {  	s12 =	smov.u32 s15;
	s17 =	sand.u32 @!p1 $0x3FFFFFFF, s17;
	s14 =	smov.u32 s21  }
0x38: {  	_ =	swait.ge @!p1 [sflag:s23], s17;
	s24 =	ssub.s32 @!p1 $0x0, s17;
	s17 =	smov.u32 s10  }
0x39: {  	s16 =	sadd.s32 $0x1, s16;
	s10 =	smov.u32 s13;
	[sflag:s23] =	ssyncset.done @!p1 $0x0  }
0x3a: {  	s13 =	smov.u32 s20;
	s15 =	smov.u32 s22;
	[sflag:s23] =	ssyncadd.s32 @!p1 s24  }
.LBB1_1:
0x3b: {  	p1 =	sge.u32 s16, s6  }
0x3c: {  	s20 =	sshrl.u32 @!p1 s14, $0x3  }
0x3d: {  	s21 =	sshll.u32 @!p1 s13, $0x3;
	s20 =	smul.u32 @!p1 $0xC00, s20  }
0x3e: {  	s22 =	sshll.u32 @!p1 s14, $0x7;
	s21 =	sand.u32 @!p1 $0xFFFFFC00, s21  }
0x3f: {  	s20 =	sadd.s32 @!p1 s20, s21;
	s21 =	sand.u32 @!p1 $0x380, s22  }
0x40: {  	s20 =	sor.u32 @!p1 s21, s20  }
0x41: {  	s21 =	sand.u32 @!p1 $0x7F, s13;
	s22 =	smulhi.u32 @!p1 $0xAAAAAAAB, s20  }
0x42: {  	s20 =	sor.u32 @!p1 s21, s20  }
0x43: {  	s21 =	smulhi.u32 @!p1 $0xAAAAAAAB, s20;
	s22 =	sshrl.u32 @!p1 s22, $0x8  }
0x44: {  	s23 =	smulhi.u32 @!p1 $0x147AE15, s22;
	_ =	sdelay $0x1  }
0x45: {  	s21 =	sshrl.u32 @!p1 s21, $0x8;
	s23 =	smul.u32 @!p1 $0xC8, s23  }
0x46: {  	s31 =	sadd.s32 $0xFFFFFFFF, s16;
	s21 =	smul.u32 @!p1 $0x180, s21  }
0x47: {  	s24 =	sxor.u32 @!p1 $0xFFFFFFFF, s16;
	s22 =	ssub.s32 @!p1 s22, s23;
	s23 =	smul.u32 @!p1 $0x2580, s15  }
0x48: {  	s24 =	sshll.u32 @!p1 s24, $0xE;
	s20 =	ssub.s32 @!p1 s20, s21;
	s21 =	smul.u32 @!p1 $0x30, s22  }
0x49: {  	s22 =	sand.u32 @!p1 $0x4000, s24;
	s24 =	sand.u32 @!p1 $0x7, s20;
	s23 =	sadd.s32 @!p1 s4, s23  }
0x4a: {  	s20 =	sshrl.u32 @!p1 s20, $0x3;
	s21 =	sadd.s32 @!p1 s21, s23;
	s23 =	sshll.u32 @!p1 s24, $0x12  }
0x4b: {  	s20 =	sadd.s32 @!p1 s20, s21;
	s21 =	sor.u32 @!p1 $0x80, s23;
	s23 =	simm.s32 @!p1 $0x12C00  }
0x4c: {  	[tilespmem:s22], [sflag:$0x1] =	stream.strided.gather @!p1 [hbm4b:s20+s21], $0x4000, s23, s21, $0x38;
	[tilespmem:$0x10100] =	vst v63  }
0x4d: {  	p1 =	sge.u32 s31, s6  }
.Ltmp2:
0x4e: {  	_ = 	snop;
	(pc) =	sbr.rel @p1 .LBB1_5-.Ltmp2, $1  }
0x4f: {  	_ =	sdelay $0x3  }
0x50: {  	s20 =	simm.s32 $0x1  }
0x51: {  	_ =	swait.ge [sflag:s5], $0x4000;
	s20 =	simm.s32 @!p0 $0x0  }
0x52: {  	[sflag:s5] =	ssyncset.done $0x0;
	s21 =	sshll.u32 s20, $0xE  }
0x53: {  	[sflag:s5] =	ssyncadd.s32 $0xFFFFC000;
	s21 =	sor.u32 $0x40, s21  }
0x54: {  	s20 =	smul.u32 $0x10200, s20;
	v0 =	vld [tilespmem:s21+$0x30]  }
0x55: {  	v1 =	vld [tilespmem:s21+$0xFFFFFFD0]  }
0x56: {  	s20 =	sshrl.u32 s20, $0x2;
	v5 =	vld [tilespmem:s21+$0xFFFFFFE0]  }
0x57: {  	v6 =	vld [tilespmem:s21+$0xFFFFFFF0];
	s23 =	sor.u32 $0x8000, s20  }
0x58: {  	s31 =	sand.u32 $0x1, s16;
	v4 =	vld [tilespmem:s21+$0x0];
	s22 =	sadd.s32 $0x0, s23  }
0x59: {  	v3 =	vld [tilespmem:s21+$0x10];
	s20 =	smul.u32 $0x10200, s31;
	[tilespmem:s22+$0x3870 ss:$0x81] =	vst.msk $0xffff, v0  }
0x5a: {  	v2 =	vld [tilespmem:s21+$0x20];
	[tilespmem:s22+$0x810 ss:$0x81] =	vst.msk $0xffff, v1  }
0x5b: {  	s20 =	sshrl.u32 s20, $0x2;
	v1 =	vld [tilespmem:s21+$0xFFFFFFC0];
	[tilespmem:s22+$0x1020 ss:$0x81] =	vst.msk $0xffff, v5;
	s21 =	sadd.s32 $0x80, s21  }
0x5c: {  	s24 =	simm.s32 $0x4;
	s25 =	simm.s32 $0x8;
	s20 =	sor.u32 $0x8000, s20;
	[tilespmem:s22+$0x1830 ss:$0x81] =	vst.msk $0xffff, v6;
	v0 =	vld [tilespmem:s21+$0x30]  }
.LBB1_3:
0x5d: {  	p1 =	sne.s32 s25, $0x1FC;
	v5 =	vld [tilespmem:s21+$0xFFFFFFD0];
	[tilespmem:s22+$0x2040 ss:$0x81] =	vst.msk $0xffff, v4  }
0x5e: {  	v6 =	vld [tilespmem:s21+$0xFFFFFFE0];
	[tilespmem:s22+$0x2850 ss:$0x81] =	vst.msk $0xffff, v3  }
0x5f: {  	s26 =	sshra.s32 s24, $0x2;
	s24 =	smov.u32 s25;
	v7 =	vld [tilespmem:s21+$0xFFFFFFF0];
	[tilespmem:s22+$0x3060 ss:$0x81] =	vst.msk $0xffff, v2  }
.Ltmp3:
0x60: {  	v4 =	vld [tilespmem:s21+$0x0];
	[tilespmem:s22+$0x0 ss:$0x81] =	vst.msk $0xffff, v1;
	s22 =	sadd.s32 s26, s23;
	(pc) =	sbr.rel @p1 .LBB1_3-.Ltmp3, $4  }
0x61: {  	v3 =	vld [tilespmem:s21+$0x10];
	[tilespmem:s22+$0x3870 ss:$0x81] =	vst.msk $0xffff, v0  }
0x62: {  	[tilespmem:s22+$0x810 ss:$0x81] =	vst.msk $0xffff, v5;
	v2 =	vld [tilespmem:s21+$0x20]  }
0x63: {  	v1 =	vld [tilespmem:s21+$0xFFFFFFC0];
	[tilespmem:s22+$0x1020 ss:$0x81] =	vst.msk $0xffff, v6;
	s21 =	sadd.s32 $0x80, s21  }
0x64: {  	s25 =	sadd.s32 $0x4, s25;
	v0 =	vld [tilespmem:s21+$0x30];
	[tilespmem:s22+$0x1830 ss:$0x81] =	vst.msk $0xffff, v7  }
.Ltmp4:
0x65: {  	_ = 	snop;
	(pc) =	sbr.rel .LBB1_4-.Ltmp4, $1  }
0x66: {  	_ =	sdelay $0x3  }
.LBB1_6:
0x67: {  	_ =	sfence.sel $0x180000  }
0x68: {  	s2 =	simm.s32 $0x1;
	[bflag:$0x0] =	sbarrier.arrive $0xFFFF  }
0x69: {  	s31 =	simm.s32 $0x2;
	[sflag:s2] =	ssyncpa.u1 $0x1  }
0x6a: {  	[sflag:s31] =	ssyncpa.u1 $0x1  }
0x6b: {  	p0 =	sne.s32 s0, $0x0;
	_ =	strace $0x9000004A  }
0x6c: {  	s0 =	sadd.s32 @!p0 $0x100000, s1;
	[bflag:$0x2] =	sbarrier.arrive $0xFFFF  }
0x6d: {  	[sflag:s0] =	ssyncadd.tile.s32 @!p0 $0x1;
	_ =	shalt  }
.Lfunc_end1:
_tile_overlayer_lowered:
.L_overlay_start_2:
0x6e: {  	(tag) =	ssettag $0x2  }
0x6f: {  	s0 =	rddreg [dreg:$0x0];
	s2 =	stileid.u32  }
0x70: {  	s1 =	rddreg [dreg:$0x1];
	p0 =	sne.s32 s2, $0x0  }
0x71: {  	s3 =	rddreg [dreg:$0x2];
	[bflag:$0x3] =	sbarrier.arrive $0xFFFF;
	s2 =	simm.s32 @!p0 $0x1C01  }
0x72: {  	[timem:s3], [sflag:s2] =	dma.local @!p0 [hbm:s0], s1  }
0x73: {  	s0 =	simm.s32 @!p0 $0x1  }
0x74: {  	_ =	swait.ge @!p0 [sflag:s0], s1  }
0x75: {  	s1 =	ssub.s32 @!p0 $0x0, s1;
	[sflag:s0] =	ssyncset.done @!p0 $0x0  }
0x76: {  	[sflag:s0] =	ssyncadd.s32 @!p0 s1  }
0x77: {  	[bflag:$0x3] =	sbarrier.arrive $0xFFFF  }
0x78: {  	_ =	shalt  }

</sc_bundles>
